<compile_context>
chip_gen: v7x
topology: tpu7x:2x2x1
jax: 0.10.2.dev20260603
libtpu: 0.0.44.dev20260713+nightly
codegen_flags: <defaults>
</compile_context>

<pallas_src>
import functools

import numpy as np
import jax
import jax.numpy as jnp
from jax import lax
from jax.experimental import pallas as pl
from jax.experimental.pallas import tpu as pltpu
from jax.experimental.pallas import tpu_sc as plsc

NC = 2
NS = 16
L = 16
NW = NC * NS
BINS = 10
NB = BINS + 1
COLS = 1024
CROWS = 16
CHUNK = CROWS * COLS
UNROLL = 4
TCBR = 512
ROWS1_SC = 6144
TCBR2 = 256
ROWS2_SC = 10240
THRESH10 = float(np.float32(10.0) * (np.float32(1.0) + np.float32(1e-6)))


def _wid():
    return lax.axis_index("s") * NC + lax.axis_index("c")


def _mesh():
    return plsc.VectorSubcoreMesh(
        core_axis_name="c", subcore_axis_name="s", num_cores=NC, num_subcores=NS
    )


def _stream_loop(arrays, bufs0, bufs1, sem0, sem1, nchunk, compute, carry):
    row0 = _wid() * (nchunk * CROWS)

    def start(bufs, sem, k):
        r = row0 + k * CROWS
        for a, b in zip(arrays, bufs):
            pltpu.async_copy(a.at[pl.ds(r, CROWS), :], b, sem)

    def wait(bufs, sem, k):
        r = row0 + k * CROWS
        for a, b in zip(arrays, bufs):
            pltpu.make_async_copy(a.at[pl.ds(r, CROWS), :], b, sem).wait()

    start(bufs0, sem0, 0)

    def outer(k, carry):
        start(bufs1, sem1, 2 * k + 1)
        wait(bufs0, sem0, 2 * k)
        carry = compute(bufs0, carry)
        start(bufs0, sem0, 2 * k + 2)
        wait(bufs1, sem1, 2 * k + 1)
        carry = compute(bufs1, carry)
        return carry

    carry = lax.fori_loop(0, nchunk // 2 - 1, outer, carry)
    start(bufs1, sem1, nchunk - 1)
    wait(bufs0, sem0, nchunk - 2)
    carry = compute(bufs0, carry)
    wait(bufs1, sem1, nchunk - 1)
    carry = compute(bufs1, carry)
    return carry


def _group(buf, i):
    return buf[lax.shift_right_logical(i, 10), pl.ds(lax.bitwise_and(i, COLS - 1), L)]


def _pass1_body(nchunk, p_hbm, t_hbm, out_hbm, pb0, tb0, pb1, tb1, accb, sem0, sem1):
    def compute(bufs, acc):
        pb, tb = bufs

        def inner(j, acc):
            acc = list(acc)
            for u in range(UNROLL):
                o = j * (L * UNROLL) + u * L
                p = _group(pb, o)
                t = _group(tb, o)
                a_i, a_p, a_t = acc[u]
                acc[u] = (a_i + p * t, a_p + p, a_t + t)
            return tuple(acc)

        return lax.fori_loop(0, CHUNK // (L * UNROLL), inner, acc)

    z = jnp.zeros((L,), jnp.float32)
    acc = _stream_loop((p_hbm, t_hbm), (pb0, tb0), (pb1, tb1),
                       sem0, sem1, nchunk, compute, ((z, z, z),) * UNROLL)
    for i in range(3):
        v = acc[0][i]
        for u in range(1, UNROLL):
            v = v + acc[u][i]
        accb[i, :] = v
    accb[3, :] = jnp.zeros((L,), jnp.float32)
    pltpu.sync_copy(accb, out_hbm.at[_wid()])


def _tc1_body(p_ref, t_ref, o_ref):
    @pl.when(pl.program_id(0) == 0)
    def _init():
        o_ref[...] = jnp.zeros_like(o_ref)

    p = p_ref[...]
    t = t_ref[...]
    for arr, base in ((p * t, 0), (p, 8), (t, 16)):
        s = arr[0:8, :]
        for i in range(1, TCBR // 8):
            s = s + arr[8 * i:8 * (i + 1), :]
        o_ref[base:base + 8, :] += s


def _tc2_body(c_ref, p_ref, t_ref, w_ref, o_ref):
    @pl.when(pl.program_id(0) == 0)
    def _init():
        o_ref[...] = jnp.zeros_like(o_ref)

    c10 = c_ref[0]
    edges = [float(b) for b in range(BINS)] + [THRESH10]

    p = p_ref[...]
    t = t_ref[...]
    w = w_ref[...]
    g = jnp.abs(c10 * p - 10.0 * t)
    gm = jnp.where(w > 0.0, g, -1.0)
    pt = p * t
    for e_idx, e in enumerate(edges):
        mask = gm >= e
        cnt = mask.astype(jnp.float32)
        ptm = jnp.where(mask, pt, 0.0)
        a_c = cnt[0:8, :]
        a_p = ptm[0:8, :]
        for i in range(1, TCBR2 // 8):
            a_c = a_c + cnt[8 * i:8 * (i + 1), :]
            a_p = a_p + ptm[8 * i:8 * (i + 1), :]
        o_ref[e_idx, :, :] += a_c
        o_ref[NB + e_idx, :, :] += a_p


def _pass2_body(nchunk, p_hbm, t_hbm, w_hbm, c_hbm, out_hbm,
                pb0, tb0, wb0, pb1, tb1, wb1, cb, hist, sem0, sem1):
    pltpu.sync_copy(c_hbm, cb)
    c10 = cb[...]
    for i in range(2 * NB):
        hist[pl.ds(i * L, L)] = jnp.zeros((L,), jnp.float32)
    lane = lax.iota(jnp.int32, L)
    ones = jnp.ones((L,), jnp.float32)

    def compute(bufs, carry):
        pb, tb, wb = bufs

        @plsc.parallel_loop(0, CHUNK, L, unroll=8)
        def body(i):
            p = _group(pb, i)
            t = _group(tb, i)
            w = _group(wb, i)
            g10 = jnp.abs(c10 * p - 10.0 * t)
            b = jnp.where(g10 < THRESH10,
                          jnp.minimum(g10.astype(jnp.int32), BINS - 1), BINS)
            m = w > 0.0
            slot = b * L + lane
            plsc.addupdate_scatter(hist, [slot], ones, mask=m)
            plsc.addupdate_scatter(hist, [slot + NB * L], p * t, mask=m)

        return carry

    _stream_loop((p_hbm, t_hbm, w_hbm), (pb0, tb0, wb0), (pb1, tb1, wb1),
                 sem0, sem1, nchunk, compute, 0)
    pltpu.sync_copy(hist, out_hbm.at[_wid()])


@functools.cache
def _build(nrows):
    assert nrows % (NW * CROWS * 2) == 0, nrows
    nchunk1 = ROWS1_SC // (NW * CROWS)
    nchunk2 = ROWS2_SC // (NW * CROWS)
    assert nchunk1 % 2 == 0 and nchunk2 % 2 == 0
    rows_tc = nrows - ROWS1_SC
    row_off = ROWS1_SC // TCBR
    rows_tc2 = nrows - ROWS2_SC
    row_off2 = ROWS2_SC // TCBR2
    buf = lambda: pltpu.VMEM((CROWS, COLS), jnp.float32)
    params = pltpu.CompilerParams(needs_layout_passes=False)

    pass1 = pl.kernel(
        functools.partial(_pass1_body, nchunk1),
        out_type=jax.ShapeDtypeStruct((NW, 4, L), jnp.float32),
        mesh=_mesh(),
        compiler_params=params,
        scratch_types=[buf() for _ in range(4)]
        + [pltpu.VMEM((4, L), jnp.float32),
           pltpu.SemaphoreType.DMA, pltpu.SemaphoreType.DMA],
    )
    tc1 = pl.pallas_call(
        _tc1_body,
        grid=(rows_tc // TCBR,),
        in_specs=[pl.BlockSpec((TCBR, COLS), lambda k: (row_off + k, 0)),
                  pl.BlockSpec((TCBR, COLS), lambda k: (row_off + k, 0))],
        out_specs=pl.BlockSpec((24, COLS), lambda k: (0, 0)),
        out_shape=jax.ShapeDtypeStruct((24, COLS), jnp.float32),
    )
    tc2 = pl.pallas_call(
        _tc2_body,
        grid=(rows_tc2 // TCBR2,),
        in_specs=[pl.BlockSpec(memory_space=pltpu.SMEM),
                  pl.BlockSpec((TCBR2, COLS), lambda k: (row_off2 + k, 0)),
                  pl.BlockSpec((TCBR2, COLS), lambda k: (row_off2 + k, 0)),
                  pl.BlockSpec((TCBR2, COLS), lambda k: (row_off2 + k, 0))],
        out_specs=pl.BlockSpec((2 * NB, 8, COLS), lambda k: (0, 0, 0)),
        out_shape=jax.ShapeDtypeStruct((2 * NB, 8, COLS), jnp.float32),
    )
    pass2 = pl.kernel(
        functools.partial(_pass2_body, nchunk2),
        out_type=jax.ShapeDtypeStruct((NW, 2 * NB * L), jnp.float32),
        mesh=_mesh(),
        compiler_params=params,
        scratch_types=[buf() for _ in range(6)]
        + [pltpu.VMEM((L,), jnp.float32),
           pltpu.VMEM((2 * NB * L,), jnp.float32),
           pltpu.SemaphoreType.DMA, pltpu.SemaphoreType.DMA],
    )
    return pass1, tc1, pass2, tc2


def kernel(pred, target, label_weight):
    p = pred
    t = target.astype(jnp.float32)
    w = label_weight.astype(jnp.float32)
    pass1, tc1, pass2, tc2 = _build(p.shape[0])

    part1 = pass1(p, t)
    part1_tc = tc1(p, t)
    s = jnp.sum(part1, axis=(0, 2))
    i_sum = s[0] + jnp.sum(part1_tc[0:8])
    big_s = (s[1] + s[2]
             + jnp.sum(part1_tc[8:16]) + jnp.sum(part1_tc[16:24]))
    cvec = jnp.full((L,), 20.0 * i_sum / big_s, jnp.float32)

    part2 = pass2(p, t, w, cvec)
    part2_tc = tc2(cvec[:1], p, t, w)
    h = jnp.sum(part2.reshape(NW, 2 * NB, L), axis=(0, 2))
    cum_c = jnp.sum(part2_tc[:NB], axis=(1, 2))
    cum_p = jnp.sum(part2_tc[NB:], axis=(1, 2))
    zero1 = jnp.zeros((1,), jnp.float32)
    tc_counts = cum_c - jnp.concatenate([cum_c[1:], zero1])
    tc_pt = cum_p - jnp.concatenate([cum_p[1:], zero1])
    counts = h[:BINS] + tc_counts[:BINS]
    tot = jnp.maximum(jnp.sum(h[:NB]) + cum_c[0], 1.0)
    ptb = h[NB:NB + BINS] + tc_pt[:BINS]
    n = jnp.sum((counts > 0).astype(jnp.float32))
    contrib = jnp.where(counts > 0, tot / jnp.maximum(counts, 1.0), 0.0) * ptb
    loss = 1.0 - (2.0 * jnp.sum(contrib) / jnp.maximum(n, 1.0)) / big_s
    return loss

# --- scband reference (transcript-rebuilt; emitter-appended) ---
"""Pipeline reference for scband-ghmdice-55929064129141 (READ-ONLY COPY).

The authoritative reference and input builder live on the scoring server;
editing this copy changes nothing except your own understanding.
"""

import jax, jax.numpy as jnp
import numpy as np

BINS = 10
MOMENTUM = 0.0
LOSS_WEIGHT = 1.0


def setup_inputs(seed: int = 0) -> dict:
    key = jax.random.key(seed)
    k1, k2, k3 = jax.random.split(key, 3)
    pred = jax.random.uniform(k1, (16384, 1024), dtype=jnp.float32)
    target = jax.random.randint(k2, (16384, 1024), 0, 2).astype(jnp.float32)
    label_weight = jax.random.randint(k3, (16384, 1024), 0, 2).astype(jnp.float32)
    return {"pred": pred, "target": target, "label_weight": label_weight}


def _ghm_dice(pred, target, label_weight):
    bins = BINS
    edges = jnp.arange(bins + 1, dtype=jnp.float32) / bins
    edges = edges.at[-1].add(1e-06)

    pred = pred.reshape(-1)
    target = target.reshape(-1).astype(jnp.float32)
    label_weight = label_weight.reshape(-1).astype(jnp.float32)

    I = jnp.sum(pred * target)
    S = jnp.sum(pred) + jnp.sum(target)
    # g uses detached pred (as in torch: pred.detach())
    g = jnp.abs(2.0 * I / S * jax.lax.stop_gradient(pred) - target)

    valid = label_weight > 0
    tot = jnp.maximum(jnp.sum(valid.astype(jnp.float32)), 1.0)

    # per-element bin: i such that edges[i] <= g < edges[i+1]
    bin_idx = jnp.clip(jnp.searchsorted(edges, g, side='right') - 1, 0, bins - 1)
    in_range = (g >= edges[0]) & (g < edges[-1]) & valid

    counts = jax.ops.segment_sum(in_range.astype(jnp.float32), bin_idx, num_segments=bins)
    n = jnp.sum((counts > 0).astype(jnp.float32))

    per_elem_count = counts[bin_idx]
    weights = jnp.where(in_range & (per_elem_count > 0), tot / jnp.maximum(per_elem_count, 1.0), 0.0)
    weights = weights / jnp.maximum(n, 1.0)
    # weights are built from .item() scalars in torch -> constants w.r.t. autograd
    weights = jax.lax.stop_gradient(weights)

    loss = 1.0 - jnp.sum(2.0 * pred * target * weights) / S
    return loss * LOSS_WEIGHT


def reference(pred, target, label_weight):
    return _ghm_dice(pred, target, label_weight)

if __name__ == "__main__":
    import jax
    _d = setup_inputs()
    print(jax.jit(kernel)(*tuple(_d.values())))

</pallas_src>

<mosaic_0001>
#map = affine_map<(d0, d1) -> (0, 0)>
#map1 = affine_map<(d0, d1) -> (0)>
module attributes {stable_mosaic.version = 14 : i64} {
  func.func @_pass2_body(%arg0: i32, %arg1: i32, %arg2: memref<16384x1024xf32, #tpu.memory_space<hbm>>, %arg3: memref<16384x1024xf32, #tpu.memory_space<hbm>>, %arg4: memref<16384x1024xf32, #tpu.memory_space<hbm>>, %arg5: memref<16xf32, #tpu.memory_space<hbm>>, %arg6: memref<32x352xf32, #tpu.memory_space<hbm>>, %arg7: memref<16x1024xf32, #tpu.memory_space<vmem>>, %arg8: memref<16x1024xf32, #tpu.memory_space<vmem>>, %arg9: memref<16x1024xf32, #tpu.memory_space<vmem>>, %arg10: memref<16x1024xf32, #tpu.memory_space<vmem>>, %arg11: memref<16x1024xf32, #tpu.memory_space<vmem>>, %arg12: memref<16x1024xf32, #tpu.memory_space<vmem>>, %arg13: memref<16xf32, #tpu.memory_space<vmem>>, %arg14: memref<352xf32, #tpu.memory_space<vmem>>, %arg15: memref<!tpu.dma_semaphore, #tpu.memory_space<semaphore_mem>>, %arg16: memref<!tpu.dma_semaphore, #tpu.memory_space<semaphore_mem>>) attributes {dimension_semantics = [#tpu.dimension_semantics<core_parallel>, #tpu.dimension_semantics<subcore_parallel>], iteration_bounds = array<i64: 2, 16>, scalar_prefetch = 0 : i64, scratch_operands = 10 : i64, tpu.core_type = #tpu.core_type<sc_vector_subcore>, window_params = [{transform_indices = #map}, {transform_indices = #map}, {transform_indices = #map}, {transform_indices = #map1}, {transform_indices = #map}]} {
    "tpu.region"() ({
      %run_scoped3A = tpu.sem_alloc : memref<!tpu.dma_semaphore, #tpu.memory_space<semaphore_mem>>
      tpu.enqueue_dma source(%arg5 : memref<16xf32, #tpu.memory_space<hbm>>) target(%arg13 : memref<16xf32, #tpu.memory_space<vmem>>) target_semaphore(%run_scoped3A : memref<!tpu.dma_semaphore, #tpu.memory_space<semaphore_mem>>)
      tpu.wait_dma2 semaphore(%run_scoped3A : memref<!tpu.dma_semaphore, #tpu.memory_space<semaphore_mem>>) src(%arg5 : memref<16xf32, #tpu.memory_space<hbm>>) dst(%arg13 : memref<16xf32, #tpu.memory_space<vmem>>)
      tpu.yield
    }) : () -> ()
    %get3A = arith.constant 0 : index
    %get3A_0 = tpu.vector_load %arg13[%get3A] {strides = array<i32>} : memref<16xf32, #tpu.memory_space<vmem>>, vector<16xf32>,
    %broadcast_in_dim3A = arith.constant 0.000000e+00 : f32
    %broadcast_in_dim3A_1 = vector.broadcast %broadcast_in_dim3A : f32 to vector<16xf32>
    %swap3A = arith.constant 0 : index
    %swap3A_2 = tpu.vector_load %arg14[%swap3A] {strides = array<i32>} : memref<352xf32, #tpu.memory_space<vmem>>, vector<16xf32>,
    tpu.vector_store %arg14[%swap3A], %broadcast_in_dim3A_1 {strides = array<i32>} : memref<352xf32, #tpu.memory_space<vmem>>, vector<16xf32>,
    %broadcast_in_dim3A_3 = arith.constant 0.000000e+00 : f32
    %broadcast_in_dim3A_4 = vector.broadcast %broadcast_in_dim3A_3 : f32 to vector<16xf32>
    %swap3A_5 = arith.constant 16 : index
    %swap3A_6 = tpu.vector_load %arg14[%swap3A_5] {strides = array<i32>} : memref<352xf32, #tpu.memory_space<vmem>>, vector<16xf32>,
    tpu.vector_store %arg14[%swap3A_5], %broadcast_in_dim3A_4 {strides = array<i32>} : memref<352xf32, #tpu.memory_space<vmem>>, vector<16xf32>,
    %broadcast_in_dim3A_7 = arith.constant 0.000000e+00 : f32
    %broadcast_in_dim3A_8 = vector.broadcast %broadcast_in_dim3A_7 : f32 to vector<16xf32>
    %swap3A_9 = arith.constant 32 : index
    %swap3A_10 = tpu.vector_load %arg14[%swap3A_9] {strides = array<i32>} : memref<352xf32, #tpu.memory_space<vmem>>, vector<16xf32>,
    tpu.vector_store %arg14[%swap3A_9], %broadcast_in_dim3A_8 {strides = array<i32>} : memref<352xf32, #tpu.memory_space<vmem>>, vector<16xf32>,
    %broadcast_in_dim3A_11 = arith.constant 0.000000e+00 : f32
    %broadcast_in_dim3A_12 = vector.broadcast %broadcast_in_dim3A_11 : f32 to vector<16xf32>
    %swap3A_13 = arith.constant 48 : index
    %swap3A_14 = tpu.vector_load %arg14[%swap3A_13] {strides = array<i32>} : memref<352xf32, #tpu.memory_space<vmem>>, vector<16xf32>,
    tpu.vector_store %arg14[%swap3A_13], %broadcast_in_dim3A_12 {strides = array<i32>} : memref<352xf32, #tpu.memory_space<vmem>>, vector<16xf32>,
    %broadcast_in_dim3A_15 = arith.constant 0.000000e+00 : f32
    %broadcast_in_dim3A_16 = vector.broadcast %broadcast_in_dim3A_15 : f32 to vector<16xf32>
    %swap3A_17 = arith.constant 64 : index
    %swap3A_18 = tpu.vector_load %arg14[%swap3A_17] {strides = array<i32>} : memref<352xf32, #tpu.memory_space<vmem>>, vector<16xf32>,
    tpu.vector_store %arg14[%swap3A_17], %broadcast_in_dim3A_16 {strides = array<i32>} : memref<352xf32, #tpu.memory_space<vmem>>, vector<16xf32>,
    %broadcast_in_dim3A_19 = arith.constant 0.000000e+00 : f32
    %broadcast_in_dim3A_20 = vector.broadcast %broadcast_in_dim3A_19 : f32 to vector<16xf32>
    %swap3A_21 = arith.constant 80 : index
    %swap3A_22 = tpu.vector_load %arg14[%swap3A_21] {strides = array<i32>} : memref<352xf32, #tpu.memory_space<vmem>>, vector<16xf32>,
    tpu.vector_store %arg14[%swap3A_21], %broadcast_in_dim3A_20 {strides = array<i32>} : memref<352xf32, #tpu.memory_space<vmem>>, vector<16xf32>,
    %broadcast_in_dim3A_23 = arith.constant 0.000000e+00 : f32
    %broadcast_in_dim3A_24 = vector.broadcast %broadcast_in_dim3A_23 : f32 to vector<16xf32>
    %swap3A_25 = arith.constant 96 : index
    %swap3A_26 = tpu.vector_load %arg14[%swap3A_25] {strides = array<i32>} : memref<352xf32, #tpu.memory_space<vmem>>, vector<16xf32>,
    tpu.vector_store %arg14[%swap3A_25], %broadcast_in_dim3A_24 {strides = array<i32>} : memref<352xf32, #tpu.memory_space<vmem>>, vector<16xf32>,
    %broadcast_in_dim3A_27 = arith.constant 0.000000e+00 : f32
    %broadcast_in_dim3A_28 = vector.broadcast %broadcast_in_dim3A_27 : f32 to vector<16xf32>
    %swap3A_29 = arith.constant 112 : index
    %swap3A_30 = tpu.vector_load %arg14[%swap3A_29] {strides = array<i32>} : memref<352xf32, #tpu.memory_space<vmem>>, vector<16xf32>,
    tpu.vector_store %arg14[%swap3A_29], %broadcast_in_dim3A_28 {strides = array<i32>} : memref<352xf32, #tpu.memory_space<vmem>>, vector<16xf32>,
    %broadcast_in_dim3A_31 = arith.constant 0.000000e+00 : f32
    %broadcast_in_dim3A_32 = vector.broadcast %broadcast_in_dim3A_31 : f32 to vector<16xf32>
    %swap3A_33 = arith.constant 128 : index
    %swap3A_34 = tpu.vector_load %arg14[%swap3A_33] {strides = array<i32>} : memref<352xf32, #tpu.memory_space<vmem>>, vector<16xf32>,
    tpu.vector_store %arg14[%swap3A_33], %broadcast_in_dim3A_32 {strides = array<i32>} : memref<352xf32, #tpu.memory_space<vmem>>, vector<16xf32>,
    %broadcast_in_dim3A_35 = arith.constant 0.000000e+00 : f32
    %broadcast_in_dim3A_36 = vector.broadcast %broadcast_in_dim3A_35 : f32 to vector<16xf32>
    %swap3A_37 = arith.constant 144 : index
    %swap3A_38 = tpu.vector_load %arg14[%swap3A_37] {strides = array<i32>} : memref<352xf32, #tpu.memory_space<vmem>>, vector<16xf32>,
    tpu.vector_store %arg14[%swap3A_37], %broadcast_in_dim3A_36 {strides = array<i32>} : memref<352xf32, #tpu.memory_space<vmem>>, vector<16xf32>,
    %broadcast_in_dim3A_39 = arith.constant 0.000000e+00 : f32
    %broadcast_in_dim3A_40 = vector.broadcast %broadcast_in_dim3A_39 : f32 to vector<16xf32>
    %swap3A_41 = arith.constant 160 : index
    %swap3A_42 = tpu.vector_load %arg14[%swap3A_41] {strides = array<i32>} : memref<352xf32, #tpu.memory_space<vmem>>, vector<16xf32>,
    tpu.vector_store %arg14[%swap3A_41], %broadcast_in_dim3A_40 {strides = array<i32>} : memref<352xf32, #tpu.memory_space<vmem>>, vector<16xf32>,
    %broadcast_in_dim3A_43 = arith.constant 0.000000e+00 : f32
    %broadcast_in_dim3A_44 = vector.broadcast %broadcast_in_dim3A_43 : f32 to vector<16xf32>
    %swap3A_45 = arith.constant 176 : index
    %swap3A_46 = tpu.vector_load %arg14[%swap3A_45] {strides = array<i32>} : memref<352xf32, #tpu.memory_space<vmem>>, vector<16xf32>,
    tpu.vector_store %arg14[%swap3A_45], %broadcast_in_dim3A_44 {strides = array<i32>} : memref<352xf32, #tpu.memory_space<vmem>>, vector<16xf32>,
    %broadcast_in_dim3A_47 = arith.constant 0.000000e+00 : f32
    %broadcast_in_dim3A_48 = vector.broadcast %broadcast_in_dim3A_47 : f32 to vector<16xf32>
    %swap3A_49 = arith.constant 192 : index
    %swap3A_50 = tpu.vector_load %arg14[%swap3A_49] {strides = array<i32>} : memref<352xf32, #tpu.memory_space<vmem>>, vector<16xf32>,
    tpu.vector_store %arg14[%swap3A_49], %broadcast_in_dim3A_48 {strides = array<i32>} : memref<352xf32, #tpu.memory_space<vmem>>, vector<16xf32>,
    %broadcast_in_dim3A_51 = arith.constant 0.000000e+00 : f32
    %broadcast_in_dim3A_52 = vector.broadcast %broadcast_in_dim3A_51 : f32 to vector<16xf32>
    %swap3A_53 = arith.constant 208 : index
    %swap3A_54 = tpu.vector_load %arg14[%swap3A_53] {strides = array<i32>} : memref<352xf32, #tpu.memory_space<vmem>>, vector<16xf32>,
    tpu.vector_store %arg14[%swap3A_53], %broadcast_in_dim3A_52 {strides = array<i32>} : memref<352xf32, #tpu.memory_space<vmem>>, vector<16xf32>,
    %broadcast_in_dim3A_55 = arith.constant 0.000000e+00 : f32
    %broadcast_in_dim3A_56 = vector.broadcast %broadcast_in_dim3A_55 : f32 to vector<16xf32>
    %swap3A_57 = arith.constant 224 : index
    %swap3A_58 = tpu.vector_load %arg14[%swap3A_57] {strides = array<i32>} : memref<352xf32, #tpu.memory_space<vmem>>, vector<16xf32>,
    tpu.vector_store %arg14[%swap3A_57], %broadcast_in_dim3A_56 {strides = array<i32>} : memref<352xf32, #tpu.memory_space<vmem>>, vector<16xf32>,
    %broadcast_in_dim3A_59 = arith.constant 0.000000e+00 : f32
    %broadcast_in_dim3A_60 = vector.broadcast %broadcast_in_dim3A_59 : f32 to vector<16xf32>
    %swap3A_61 = arith.constant 240 : index
    %swap3A_62 = tpu.vector_load %arg14[%swap3A_61] {strides = array<i32>} : memref<352xf32, #tpu.memory_space<vmem>>, vector<16xf32>,
    tpu.vector_store %arg14[%swap3A_61], %broadcast_in_dim3A_60 {strides = array<i32>} : memref<352xf32, #tpu.memory_space<vmem>>, vector<16xf32>,
    %broadcast_in_dim3A_63 = arith.constant 0.000000e+00 : f32
    %broadcast_in_dim3A_64 = vector.broadcast %broadcast_in_dim3A_63 : f32 to vector<16xf32>
    %swap3A_65 = arith.constant 256 : index
    %swap3A_66 = tpu.vector_load %arg14[%swap3A_65] {strides = array<i32>} : memref<352xf32, #tpu.memory_space<vmem>>, vector<16xf32>,
    tpu.vector_store %arg14[%swap3A_65], %broadcast_in_dim3A_64 {strides = array<i32>} : memref<352xf32, #tpu.memory_space<vmem>>, vector<16xf32>,
    %broadcast_in_dim3A_67 = arith.constant 0.000000e+00 : f32
    %broadcast_in_dim3A_68 = vector.broadcast %broadcast_in_dim3A_67 : f32 to vector<16xf32>
    %swap3A_69 = arith.constant 272 : index
    %swap3A_70 = tpu.vector_load %arg14[%swap3A_69] {strides = array<i32>} : memref<352xf32, #tpu.memory_space<vmem>>, vector<16xf32>,
    tpu.vector_store %arg14[%swap3A_69], %broadcast_in_dim3A_68 {strides = array<i32>} : memref<352xf32, #tpu.memory_space<vmem>>, vector<16xf32>,
    %broadcast_in_dim3A_71 = arith.constant 0.000000e+00 : f32
    %broadcast_in_dim3A_72 = vector.broadcast %broadcast_in_dim3A_71 : f32 to vector<16xf32>
    %swap3A_73 = arith.constant 288 : index
    %swap3A_74 = tpu.vector_load %arg14[%swap3A_73] {strides = array<i32>} : memref<352xf32, #tpu.memory_space<vmem>>, vector<16xf32>,
    tpu.vector_store %arg14[%swap3A_73], %broadcast_in_dim3A_72 {strides = array<i32>} : memref<352xf32, #tpu.memory_space<vmem>>, vector<16xf32>,
    %broadcast_in_dim3A_75 = arith.constant 0.000000e+00 : f32
    %broadcast_in_dim3A_76 = vector.broadcast %broadcast_in_dim3A_75 : f32 to vector<16xf32>
    %swap3A_77 = arith.constant 304 : index
    %swap3A_78 = tpu.vector_load %arg14[%swap3A_77] {strides = array<i32>} : memref<352xf32, #tpu.memory_space<vmem>>, vector<16xf32>,
    tpu.vector_store %arg14[%swap3A_77], %broadcast_in_dim3A_76 {strides = array<i32>} : memref<352xf32, #tpu.memory_space<vmem>>, vector<16xf32>,
    %broadcast_in_dim3A_79 = arith.constant 0.000000e+00 : f32
    %broadcast_in_dim3A_80 = vector.broadcast %broadcast_in_dim3A_79 : f32 to vector<16xf32>
    %swap3A_81 = arith.constant 320 : index
    %swap3A_82 = tpu.vector_load %arg14[%swap3A_81] {strides = array<i32>} : memref<352xf32, #tpu.memory_space<vmem>>, vector<16xf32>,
    tpu.vector_store %arg14[%swap3A_81], %broadcast_in_dim3A_80 {strides = array<i32>} : memref<352xf32, #tpu.memory_space<vmem>>, vector<16xf32>,
    %broadcast_in_dim3A_83 = arith.constant 0.000000e+00 : f32
    %broadcast_in_dim3A_84 = vector.broadcast %broadcast_in_dim3A_83 : f32 to vector<16xf32>
    %swap3A_85 = arith.constant 336 : index
    %swap3A_86 = tpu.vector_load %arg14[%swap3A_85] {strides = array<i32>} : memref<352xf32, #tpu.memory_space<vmem>>, vector<16xf32>,
    tpu.vector_store %arg14[%swap3A_85], %broadcast_in_dim3A_84 {strides = array<i32>} : memref<352xf32, #tpu.memory_space<vmem>>, vector<16xf32>,
    %iota3A = tpu.iota {dimensions = array<i32: 0>} : vector<16xi32>
    %broadcast_in_dim3A_87 = arith.constant 1.000000e+00 : f32
    %broadcast_in_dim3A_88 = vector.broadcast %broadcast_in_dim3A_87 : f32 to vector<16xf32>
    %mul3A = arith.constant 2 : i32
    %mul3A_89 = arith.muli %arg1, %mul3A : i32
    %add3A = arith.addi %mul3A_89, %arg0 : i32
    %mul3A_90 = arith.constant 320 : i32
    %mul3A_91 = arith.muli %add3A, %mul3A_90 : i32
    %add3A_92 = arith.constant 0 : i32
    %add3A_93 = arith.addi %mul3A_91, %add3A_92 : i32
    %dma_start3A = arith.constant 0 : i32
    %dma_start3A_94 = tpu.memref_slice %arg2[%add3A_93, %dma_start3A] : memref<16384x1024xf32, #tpu.memory_space<hbm>> -> memref<16x1024xf32, #tpu.memory_space<hbm>>
    %dma_start3A_95 = arith.constant 0 : i32
    %dma_start3A_96 = tpu.memref_slice %arg2[%add3A_93, %dma_start3A_95] : memref<16384x1024xf32, #tpu.memory_space<hbm>> -> memref<16x1024xf32, #tpu.memory_space<hbm>>
    tpu.enqueue_dma source(%dma_start3A_96 : memref<16x1024xf32, #tpu.memory_space<hbm>>) target(%arg7 : memref<16x1024xf32, #tpu.memory_space<vmem>>) target_semaphore(%arg15 : memref<!tpu.dma_semaphore, #tpu.memory_space<semaphore_mem>>)
    %dma_start3A_97 = arith.constant 0 : i32
    %dma_start3A_98 = tpu.memref_slice %arg3[%add3A_93, %dma_start3A_97] : memref<16384x1024xf32, #tpu.memory_space<hbm>> -> memref<16x1024xf32, #tpu.memory_space<hbm>>
    %dma_start3A_99 = arith.constant 0 : i32
    %dma_start3A_100 = tpu.memref_slice %arg3[%add3A_93, %dma_start3A_99] : memref<16384x1024xf32, #tpu.memory_space<hbm>> -> memref<16x1024xf32, #tpu.memory_space<hbm>>
    tpu.enqueue_dma source(%dma_start3A_100 : memref<16x1024xf32, #tpu.memory_space<hbm>>) target(%arg8 : memref<16x1024xf32, #tpu.memory_space<vmem>>) target_semaphore(%arg15 : memref<!tpu.dma_semaphore, #tpu.memory_space<semaphore_mem>>)
    %dma_start3A_101 = arith.constant 0 : i32
    %dma_start3A_102 = tpu.memref_slice %arg4[%add3A_93, %dma_start3A_101] : memref<16384x1024xf32, #tpu.memory_space<hbm>> -> memref<16x1024xf32, #tpu.memory_space<hbm>>
    %dma_start3A_103 = arith.constant 0 : i32
    %dma_start3A_104 = tpu.memref_slice %arg4[%add3A_93, %dma_start3A_103] : memref<16384x1024xf32, #tpu.memory_space<hbm>> -> memref<16x1024xf32, #tpu.memory_space<hbm>>
    tpu.enqueue_dma source(%dma_start3A_104 : memref<16x1024xf32, #tpu.memory_space<hbm>>) target(%arg9 : memref<16x1024xf32, #tpu.memory_space<vmem>>) target_semaphore(%arg15 : memref<!tpu.dma_semaphore, #tpu.memory_space<semaphore_mem>>)
    %scan3A = arith.constant 0 : i32
    %scan3A_105 = arith.constant 0 : i32
    %scan3A_106 = arith.constant 9 : i32
    %scan3A_107 = arith.addi %scan3A_105, %scan3A_106 : i32
    %scan3A_108 = arith.constant 1 : i32
    scf.for %scan3A_159 = %scan3A_105 to %scan3A_107 step %scan3A_108  : i32 {
      %mul3A_160 = arith.constant 2 : i32
      %mul3A_161 = arith.muli %mul3A_160, %scan3A_159 : i32
      %add3A_162 = arith.constant 1 : i32
      %add3A_163 = arith.addi %mul3A_161, %add3A_162 : i32
      %mul3A_164 = arith.constant 16 : i32
      %mul3A_165 = arith.muli %add3A_163, %mul3A_164 : i32
      %add3A_166 = arith.addi %mul3A_91, %mul3A_165 : i32
      %dma_start3A_167 = arith.constant 0 : i32
      %dma_start3A_168 = tpu.memref_slice %arg2[%add3A_166, %dma_start3A_167] : memref<16384x1024xf32, #tpu.memory_space<hbm>> -> memref<16x1024xf32, #tpu.memory_space<hbm>>
      %dma_start3A_169 = arith.constant 0 : i32
      %dma_start3A_170 = tpu.memref_slice %arg2[%add3A_166, %dma_start3A_169] : memref<16384x1024xf32, #tpu.memory_space<hbm>> -> memref<16x1024xf32, #tpu.memory_space<hbm>>
      tpu.enqueue_dma source(%dma_start3A_170 : memref<16x1024xf32, #tpu.memory_space<hbm>>) target(%arg10 : memref<16x1024xf32, #tpu.memory_space<vmem>>) target_semaphore(%arg16 : memref<!tpu.dma_semaphore, #tpu.memory_space<semaphore_mem>>)
      %dma_start3A_171 = arith.constant 0 : i32
      %dma_start3A_172 = tpu.memref_slice %arg3[%add3A_166, %dma_start3A_171] : memref<16384x1024xf32, #tpu.memory_space<hbm>> -> memref<16x1024xf32, #tpu.memory_space<hbm>>
      %dma_start3A_173 = arith.constant 0 : i32
      %dma_start3A_174 = tpu.memref_slice %arg3[%add3A_166, %dma_start3A_173] : memref<16384x1024xf32, #tpu.memory_space<hbm>> -> memref<16x1024xf32, #tpu.memory_space<hbm>>
      tpu.enqueue_dma source(%dma_start3A_174 : memref<16x1024xf32, #tpu.memory_space<hbm>>) target(%arg11 : memref<16x1024xf32, #tpu.memory_space<vmem>>) target_semaphore(%arg16 : memref<!tpu.dma_semaphore, #tpu.memory_space<semaphore_mem>>)
      %dma_start3A_175 = arith.constant 0 : i32
      %dma_start3A_176 = tpu.memref_slice %arg4[%add3A_166, %dma_start3A_175] : memref<16384x1024xf32, #tpu.memory_space<hbm>> -> memref<16x1024xf32, #tpu.memory_space<hbm>>
      %dma_start3A_177 = arith.constant 0 : i32
      %dma_start3A_178 = tpu.memref_slice %arg4[%add3A_166, %dma_start3A_177] : memref<16384x1024xf32, #tpu.memory_space<hbm>> -> memref<16x1024xf32, #tpu.memory_space<hbm>>
      tpu.enqueue_dma source(%dma_start3A_178 : memref<16x1024xf32, #tpu.memory_space<hbm>>) target(%arg12 : memref<16x1024xf32, #tpu.memory_space<vmem>>) target_semaphore(%arg16 : memref<!tpu.dma_semaphore, #tpu.memory_space<semaphore_mem>>)
      %mul3A_179 = arith.constant 2 : i32
      %mul3A_180 = arith.muli %mul3A_179, %scan3A_159 : i32
      %mul3A_181 = arith.constant 16 : i32
      %mul3A_182 = arith.muli %mul3A_180, %mul3A_181 : i32
      %add3A_183 = arith.addi %mul3A_91, %mul3A_182 : i32
      %dma_wait3A_184 = arith.constant 0 : i32
      %dma_wait3A_185 = tpu.memref_slice %arg2[%add3A_183, %dma_wait3A_184] : memref<16384x1024xf32, #tpu.memory_space<hbm>> -> memref<16x1024xf32, #tpu.memory_space<hbm>>
      %dma_wait3A_186 = arith.constant 0 : i32
      %dma_wait3A_187 = tpu.memref_slice %arg2[%add3A_183, %dma_wait3A_186] : memref<16384x1024xf32, #tpu.memory_space<hbm>> -> memref<16x1024xf32, #tpu.memory_space<hbm>>
      tpu.wait_dma2 semaphore(%arg15 : memref<!tpu.dma_semaphore, #tpu.memory_space<semaphore_mem>>) src(%dma_wait3A_187 : memref<16x1024xf32, #tpu.memory_space<hbm>>) dst(%arg7 : memref<16x1024xf32, #tpu.memory_space<vmem>>)
      %dma_wait3A_188 = arith.constant 0 : i32
      %dma_wait3A_189 = tpu.memref_slice %arg3[%add3A_183, %dma_wait3A_188] : memref<16384x1024xf32, #tpu.memory_space<hbm>> -> memref<16x1024xf32, #tpu.memory_space<hbm>>
      %dma_wait3A_190 = arith.constant 0 : i32
      %dma_wait3A_191 = tpu.memref_slice %arg3[%add3A_183, %dma_wait3A_190] : memref<16384x1024xf32, #tpu.memory_space<hbm>> -> memref<16x1024xf32, #tpu.memory_space<hbm>>
      tpu.wait_dma2 semaphore(%arg15 : memref<!tpu.dma_semaphore, #tpu.memory_space<semaphore_mem>>) src(%dma_wait3A_191 : memref<16x1024xf32, #tpu.memory_space<hbm>>) dst(%arg8 : memref<16x1024xf32, #tpu.memory_space<vmem>>)
      %dma_wait3A_192 = arith.constant 0 : i32
      %dma_wait3A_193 = tpu.memref_slice %arg4[%add3A_183, %dma_wait3A_192] : memref<16384x1024xf32, #tpu.memory_space<hbm>> -> memref<16x1024xf32, #tpu.memory_space<hbm>>
      %dma_wait3A_194 = arith.constant 0 : i32
      %dma_wait3A_195 = tpu.memref_slice %arg4[%add3A_183, %dma_wait3A_194] : memref<16384x1024xf32, #tpu.memory_space<hbm>> -> memref<16x1024xf32, #tpu.memory_space<hbm>>
      tpu.wait_dma2 semaphore(%arg15 : memref<!tpu.dma_semaphore, #tpu.memory_space<semaphore_mem>>) src(%dma_wait3A_195 : memref<16x1024xf32, #tpu.memory_space<hbm>>) dst(%arg9 : memref<16x1024xf32, #tpu.memory_space<vmem>>)
      %parallel_loop3A_196 = arith.constant 0 : i32
      %parallel_loop3A_197 = arith.constant 16384 : i32
      %parallel_loop3A_198 = arith.constant 16 : i32
      scf.for %parallel_loop3A_240 = %parallel_loop3A_196 to %parallel_loop3A_197 step %parallel_loop3A_198  : i32 {
        %parallel_loop3A_241 = arith.constant 10 : i32
        %parallel_loop3A_242 = arith.shrui %parallel_loop3A_240, %parallel_loop3A_241 : i32
        %parallel_loop3A_243 = arith.constant 1023 : i32
        %parallel_loop3A_244 = arith.andi %parallel_loop3A_240, %parallel_loop3A_243 : i32
        %parallel_loop3A_245 = arith.index_cast %parallel_loop3A_242 : i32 to index
        %parallel_loop3A_246 = arith.index_cast %parallel_loop3A_244 : i32 to index
        %parallel_loop3A_247 = tpu.vector_load %arg7[%parallel_loop3A_245, %parallel_loop3A_246] {strides = array<i32>} : memref<16x1024xf32, #tpu.memory_space<vmem>>, vector<16xf32>,
        %parallel_loop3A_248 = arith.constant 10 : i32
        %parallel_loop3A_249 = arith.shrui %parallel_loop3A_240, %parallel_loop3A_248 : i32
        %parallel_loop3A_250 = arith.constant 1023 : i32
        %parallel_loop3A_251 = arith.andi %parallel_loop3A_240, %parallel_loop3A_250 : i32
        %parallel_loop3A_252 = arith.index_cast %parallel_loop3A_249 : i32 to index
        %parallel_loop3A_253 = arith.index_cast %parallel_loop3A_251 : i32 to index
        %parallel_loop3A_254 = tpu.vector_load %arg8[%parallel_loop3A_252, %parallel_loop3A_253] {strides = array<i32>} : memref<16x1024xf32, #tpu.memory_space<vmem>>, vector<16xf32>,
        %parallel_loop3A_255 = arith.constant 10 : i32
        %parallel_loop3A_256 = arith.shrui %parallel_loop3A_240, %parallel_loop3A_255 : i32
        %parallel_loop3A_257 = arith.constant 1023 : i32
        %parallel_loop3A_258 = arith.andi %parallel_loop3A_240, %parallel_loop3A_257 : i32
        %parallel_loop3A_259 = arith.index_cast %parallel_loop3A_256 : i32 to index
        %parallel_loop3A_260 = arith.index_cast %parallel_loop3A_258 : i32 to index
        %parallel_loop3A_261 = tpu.vector_load %arg9[%parallel_loop3A_259, %parallel_loop3A_260] {strides = array<i32>} : memref<16x1024xf32, #tpu.memory_space<vmem>>, vector<16xf32>,
        %parallel_loop3A_262 = arith.mulf %get3A_0, %parallel_loop3A_247 : vector<16xf32>
        %parallel_loop3A_263 = arith.constant 1.000000e+01 : f32
        %parallel_loop3A_264 = vector.broadcast %parallel_loop3A_263 : f32 to vector<16xf32>
        %parallel_loop3A_265 = arith.mulf %parallel_loop3A_264, %parallel_loop3A_254 : vector<16xf32>
        %parallel_loop3A_266 = arith.subf %parallel_loop3A_262, %parallel_loop3A_265 : vector<16xf32>
        %parallel_loop3A_267 = math.absf %parallel_loop3A_266 : vector<16xf32>
        %parallel_loop3A_268 = arith.constant 10.0000095 : f32
        %parallel_loop3A_269 = vector.broadcast %parallel_loop3A_268 : f32 to vector<16xf32>
        %parallel_loop3A_270 = arith.cmpf olt, %parallel_loop3A_267, %parallel_loop3A_269 : vector<16xf32>
        %parallel_loop3A_271 = arith.fptosi %parallel_loop3A_267 : vector<16xf32> to vector<16xi32>
        %parallel_loop3A_272 = arith.constant 9 : i32
        %parallel_loop3A_273 = vector.broadcast %parallel_loop3A_272 : i32 to vector<16xi32>
        %parallel_loop3A_274 = arith.minsi %parallel_loop3A_271, %parallel_loop3A_273 : vector<16xi32>
        %parallel_loop3A_275 = arith.constant 10 : i32
        %parallel_loop3A_276 = vector.broadcast %parallel_loop3A_275 : i32 to vector<16xi32>
        %parallel_loop3A_277 = arith.select %parallel_loop3A_270, %parallel_loop3A_274, %parallel_loop3A_276 : vector<16xi1>, vector<16xi32>
        %parallel_loop3A_278 = arith.constant 0.000000e+00 : f32
        %parallel_loop3A_279 = vector.broadcast %parallel_loop3A_278 : f32 to vector<16xf32>
        %parallel_loop3A_280 = arith.cmpf ogt, %parallel_loop3A_261, %parallel_loop3A_279 : vector<16xf32>
        %parallel_loop3A_281 = arith.constant 16 : i32
        %parallel_loop3A_282 = vector.broadcast %parallel_loop3A_281 : i32 to vector<16xi32>
        %parallel_loop3A_283 = arith.muli %parallel_loop3A_277, %parallel_loop3A_282 : vector<16xi32>
        %parallel_loop3A_284 = arith.addi %parallel_loop3A_283, %iota3A : vector<16xi32>
        tpu.vector_store_idx %arg14[%parallel_loop3A_284], %broadcast_in_dim3A_88 masked %parallel_loop3A_280 {add = true} : memref<352xf32, #tpu.memory_space<vmem>>[vector<16xi32>], vector<16xf32>, vector<16xi1>
        %parallel_loop3A_285 = arith.constant 176 : i32
        %parallel_loop3A_286 = vector.broadcast %parallel_loop3A_285 : i32 to vector<16xi32>
        %parallel_loop3A_287 = arith.addi %parallel_loop3A_284, %parallel_loop3A_286 : vector<16xi32>
        %parallel_loop3A_288 = arith.mulf %parallel_loop3A_247, %parallel_loop3A_254 : vector<16xf32>
        tpu.vector_store_idx %arg14[%parallel_loop3A_287], %parallel_loop3A_288 masked %parallel_loop3A_280 {add = true} : memref<352xf32, #tpu.memory_space<vmem>>[vector<16xi32>], vector<16xf32>, vector<16xi1>
      } {sc.loop_unroll_factor = 8 : i64, sc.parallel_access}
      %mul3A_199 = arith.constant 2 : i32
      %mul3A_200 = arith.muli %mul3A_199, %scan3A_159 : i32
      %add3A_201 = arith.constant 2 : i32
      %add3A_202 = arith.addi %mul3A_200, %add3A_201 : i32
      %mul3A_203 = arith.constant 16 : i32
      %mul3A_204 = arith.muli %add3A_202, %mul3A_203 : i32
      %add3A_205 = arith.addi %mul3A_91, %mul3A_204 : i32
      %dma_start3A_206 = arith.constant 0 : i32
      %dma_start3A_207 = tpu.memref_slice %arg2[%add3A_205, %dma_start3A_206] : memref<16384x1024xf32, #tpu.memory_space<hbm>> -> memref<16x1024xf32, #tpu.memory_space<hbm>>
      %dma_start3A_208 = arith.constant 0 : i32
      %dma_start3A_209 = tpu.memref_slice %arg2[%add3A_205, %dma_start3A_208] : memref<16384x1024xf32, #tpu.memory_space<hbm>> -> memref<16x1024xf32, #tpu.memory_space<hbm>>
      tpu.enqueue_dma source(%dma_start3A_209 : memref<16x1024xf32, #tpu.memory_space<hbm>>) target(%arg7 : memref<16x1024xf32, #tpu.memory_space<vmem>>) target_semaphore(%arg15 : memref<!tpu.dma_semaphore, #tpu.memory_space<semaphore_mem>>)
      %dma_start3A_210 = arith.constant 0 : i32
      %dma_start3A_211 = tpu.memref_slice %arg3[%add3A_205, %dma_start3A_210] : memref<16384x1024xf32, #tpu.memory_space<hbm>> -> memref<16x1024xf32, #tpu.memory_space<hbm>>
      %dma_start3A_212 = arith.constant 0 : i32
      %dma_start3A_213 = tpu.memref_slice %arg3[%add3A_205, %dma_start3A_212] : memref<16384x1024xf32, #tpu.memory_space<hbm>> -> memref<16x1024xf32, #tpu.memory_space<hbm>>
      tpu.enqueue_dma source(%dma_start3A_213 : memref<16x1024xf32, #tpu.memory_space<hbm>>) target(%arg8 : memref<16x1024xf32, #tpu.memory_space<vmem>>) target_semaphore(%arg15 : memref<!tpu.dma_semaphore, #tpu.memory_space<semaphore_mem>>)
      %dma_start3A_214 = arith.constant 0 : i32
      %dma_start3A_215 = tpu.memref_slice %arg4[%add3A_205, %dma_start3A_214] : memref<16384x1024xf32, #tpu.memory_space<hbm>> -> memref<16x1024xf32, #tpu.memory_space<hbm>>
      %dma_start3A_216 = arith.constant 0 : i32
      %dma_start3A_217 = tpu.memref_slice %arg4[%add3A_205, %dma_start3A_216] : memref<16384x1024xf32, #tpu.memory_space<hbm>> -> memref<16x1024xf32, #tpu.memory_space<hbm>>
      tpu.enqueue_dma source(%dma_start3A_217 : memref<16x1024xf32, #tpu.memory_space<hbm>>) target(%arg9 : memref<16x1024xf32, #tpu.memory_space<vmem>>) target_semaphore(%arg15 : memref<!tpu.dma_semaphore, #tpu.memory_space<semaphore_mem>>)
      %mul3A_218 = arith.constant 2 : i32
      %mul3A_219 = arith.muli %mul3A_218, %scan3A_159 : i32
      %add3A_220 = arith.constant 1 : i32
      %add3A_221 = arith.addi %mul3A_219, %add3A_220 : i32
      %mul3A_222 = arith.constant 16 : i32
      %mul3A_223 = arith.muli %add3A_221, %mul3A_222 : i32
      %add3A_224 = arith.addi %mul3A_91, %mul3A_223 : i32
      %dma_wait3A_225 = arith.constant 0 : i32
      %dma_wait3A_226 = tpu.memref_slice %arg2[%add3A_224, %dma_wait3A_225] : memref<16384x1024xf32, #tpu.memory_space<hbm>> -> memref<16x1024xf32, #tpu.memory_space<hbm>>
      %dma_wait3A_227 = arith.constant 0 : i32
      %dma_wait3A_228 = tpu.memref_slice %arg2[%add3A_224, %dma_wait3A_227] : memref<16384x1024xf32, #tpu.memory_space<hbm>> -> memref<16x1024xf32, #tpu.memory_space<hbm>>
      tpu.wait_dma2 semaphore(%arg16 : memref<!tpu.dma_semaphore, #tpu.memory_space<semaphore_mem>>) src(%dma_wait3A_228 : memref<16x1024xf32, #tpu.memory_space<hbm>>) dst(%arg10 : memref<16x1024xf32, #tpu.memory_space<vmem>>)
      %dma_wait3A_229 = arith.constant 0 : i32
      %dma_wait3A_230 = tpu.memref_slice %arg3[%add3A_224, %dma_wait3A_229] : memref<16384x1024xf32, #tpu.memory_space<hbm>> -> memref<16x1024xf32, #tpu.memory_space<hbm>>
      %dma_wait3A_231 = arith.constant 0 : i32
      %dma_wait3A_232 = tpu.memref_slice %arg3[%add3A_224, %dma_wait3A_231] : memref<16384x1024xf32, #tpu.memory_space<hbm>> -> memref<16x1024xf32, #tpu.memory_space<hbm>>
      tpu.wait_dma2 semaphore(%arg16 : memref<!tpu.dma_semaphore, #tpu.memory_space<semaphore_mem>>) src(%dma_wait3A_232 : memref<16x1024xf32, #tpu.memory_space<hbm>>) dst(%arg11 : memref<16x1024xf32, #tpu.memory_space<vmem>>)
      %dma_wait3A_233 = arith.constant 0 : i32
      %dma_wait3A_234 = tpu.memref_slice %arg4[%add3A_224, %dma_wait3A_233] : memref<16384x1024xf32, #tpu.memory_space<hbm>> -> memref<16x1024xf32, #tpu.memory_space<hbm>>
      %dma_wait3A_235 = arith.constant 0 : i32
      %dma_wait3A_236 = tpu.memref_slice %arg4[%add3A_224, %dma_wait3A_235] : memref<16384x1024xf32, #tpu.memory_space<hbm>> -> memref<16x1024xf32, #tpu.memory_space<hbm>>
      tpu.wait_dma2 semaphore(%arg16 : memref<!tpu.dma_semaphore, #tpu.memory_space<semaphore_mem>>) src(%dma_wait3A_236 : memref<16x1024xf32, #tpu.memory_space<hbm>>) dst(%arg12 : memref<16x1024xf32, #tpu.memory_space<vmem>>)
      %parallel_loop3A_237 = arith.constant 0 : i32
      %parallel_loop3A_238 = arith.constant 16384 : i32
      %parallel_loop3A_239 = arith.constant 16 : i32
      scf.for %parallel_loop3A_240 = %parallel_loop3A_237 to %parallel_loop3A_238 step %parallel_loop3A_239  : i32 {
        %parallel_loop3A_241 = arith.constant 10 : i32
        %parallel_loop3A_242 = arith.shrui %parallel_loop3A_240, %parallel_loop3A_241 : i32
        %parallel_loop3A_243 = arith.constant 1023 : i32
        %parallel_loop3A_244 = arith.andi %parallel_loop3A_240, %parallel_loop3A_243 : i32
        %parallel_loop3A_245 = arith.index_cast %parallel_loop3A_242 : i32 to index
        %parallel_loop3A_246 = arith.index_cast %parallel_loop3A_244 : i32 to index
        %parallel_loop3A_247 = tpu.vector_load %arg10[%parallel_loop3A_245, %parallel_loop3A_246] {strides = array<i32>} : memref<16x1024xf32, #tpu.memory_space<vmem>>, vector<16xf32>,
        %parallel_loop3A_248 = arith.constant 10 : i32
        %parallel_loop3A_249 = arith.shrui %parallel_loop3A_240, %parallel_loop3A_248 : i32
        %parallel_loop3A_250 = arith.constant 1023 : i32
        %parallel_loop3A_251 = arith.andi %parallel_loop3A_240, %parallel_loop3A_250 : i32
        %parallel_loop3A_252 = arith.index_cast %parallel_loop3A_249 : i32 to index
        %parallel_loop3A_253 = arith.index_cast %parallel_loop3A_251 : i32 to index
        %parallel_loop3A_254 = tpu.vector_load %arg11[%parallel_loop3A_252, %parallel_loop3A_253] {strides = array<i32>} : memref<16x1024xf32, #tpu.memory_space<vmem>>, vector<16xf32>,
        %parallel_loop3A_255 = arith.constant 10 : i32
        %parallel_loop3A_256 = arith.shrui %parallel_loop3A_240, %parallel_loop3A_255 : i32
        %parallel_loop3A_257 = arith.constant 1023 : i32
        %parallel_loop3A_258 = arith.andi %parallel_loop3A_240, %parallel_loop3A_257 : i32
        %parallel_loop3A_259 = arith.index_cast %parallel_loop3A_256 : i32 to index
        %parallel_loop3A_260 = arith.index_cast %parallel_loop3A_258 : i32 to index
        %parallel_loop3A_261 = tpu.vector_load %arg12[%parallel_loop3A_259, %parallel_loop3A_260] {strides = array<i32>} : memref<16x1024xf32, #tpu.memory_space<vmem>>, vector<16xf32>,
        %parallel_loop3A_262 = arith.mulf %get3A_0, %parallel_loop3A_247 : vector<16xf32>
        %parallel_loop3A_263 = arith.constant 1.000000e+01 : f32
        %parallel_loop3A_264 = vector.broadcast %parallel_loop3A_263 : f32 to vector<16xf32>
        %parallel_loop3A_265 = arith.mulf %parallel_loop3A_264, %parallel_loop3A_254 : vector<16xf32>
        %parallel_loop3A_266 = arith.subf %parallel_loop3A_262, %parallel_loop3A_265 : vector<16xf32>
        %parallel_loop3A_267 = math.absf %parallel_loop3A_266 : vector<16xf32>
        %parallel_loop3A_268 = arith.constant 10.0000095 : f32
        %parallel_loop3A_269 = vector.broadcast %parallel_loop3A_268 : f32 to vector<16xf32>
        %parallel_loop3A_270 = arith.cmpf olt, %parallel_loop3A_267, %parallel_loop3A_269 : vector<16xf32>
        %parallel_loop3A_271 = arith.fptosi %parallel_loop3A_267 : vector<16xf32> to vector<16xi32>
        %parallel_loop3A_272 = arith.constant 9 : i32
        %parallel_loop3A_273 = vector.broadcast %parallel_loop3A_272 : i32 to vector<16xi32>
        %parallel_loop3A_274 = arith.minsi %parallel_loop3A_271, %parallel_loop3A_273 : vector<16xi32>
        %parallel_loop3A_275 = arith.constant 10 : i32
        %parallel_loop3A_276 = vector.broadcast %parallel_loop3A_275 : i32 to vector<16xi32>
        %parallel_loop3A_277 = arith.select %parallel_loop3A_270, %parallel_loop3A_274, %parallel_loop3A_276 : vector<16xi1>, vector<16xi32>
        %parallel_loop3A_278 = arith.constant 0.000000e+00 : f32
        %parallel_loop3A_279 = vector.broadcast %parallel_loop3A_278 : f32 to vector<16xf32>
        %parallel_loop3A_280 = arith.cmpf ogt, %parallel_loop3A_261, %parallel_loop3A_279 : vector<16xf32>
        %parallel_loop3A_281 = arith.constant 16 : i32
        %parallel_loop3A_282 = vector.broadcast %parallel_loop3A_281 : i32 to vector<16xi32>
        %parallel_loop3A_283 = arith.muli %parallel_loop3A_277, %parallel_loop3A_282 : vector<16xi32>
        %parallel_loop3A_284 = arith.addi %parallel_loop3A_283, %iota3A : vector<16xi32>
        tpu.vector_store_idx %arg14[%parallel_loop3A_284], %broadcast_in_dim3A_88 masked %parallel_loop3A_280 {add = true} : memref<352xf32, #tpu.memory_space<vmem>>[vector<16xi32>], vector<16xf32>, vector<16xi1>
        %parallel_loop3A_285 = arith.constant 176 : i32
        %parallel_loop3A_286 = vector.broadcast %parallel_loop3A_285 : i32 to vector<16xi32>
        %parallel_loop3A_287 = arith.addi %parallel_loop3A_284, %parallel_loop3A_286 : vector<16xi32>
        %parallel_loop3A_288 = arith.mulf %parallel_loop3A_247, %parallel_loop3A_254 : vector<16xf32>
        tpu.vector_store_idx %arg14[%parallel_loop3A_287], %parallel_loop3A_288 masked %parallel_loop3A_280 {add = true} : memref<352xf32, #tpu.memory_space<vmem>>[vector<16xi32>], vector<16xf32>, vector<16xi1>
      } {sc.loop_unroll_factor = 8 : i64, sc.parallel_access}
    }
    %scan3A_109 = arith.constant 9 : i32
    %add3A_110 = arith.constant 304 : i32
    %add3A_111 = arith.addi %mul3A_91, %add3A_110 : i32
    %dma_start3A_112 = arith.constant 0 : i32
    %dma_start3A_113 = tpu.memref_slice %arg2[%add3A_111, %dma_start3A_112] : memref<16384x1024xf32, #tpu.memory_space<hbm>> -> memref<16x1024xf32, #tpu.memory_space<hbm>>
    %dma_start3A_114 = arith.constant 0 : i32
    %dma_start3A_115 = tpu.memref_slice %arg2[%add3A_111, %dma_start3A_114] : memref<16384x1024xf32, #tpu.memory_space<hbm>> -> memref<16x1024xf32, #tpu.memory_space<hbm>>
    tpu.enqueue_dma source(%dma_start3A_115 : memref<16x1024xf32, #tpu.memory_space<hbm>>) target(%arg10 : memref<16x1024xf32, #tpu.memory_space<vmem>>) target_semaphore(%arg16 : memref<!tpu.dma_semaphore, #tpu.memory_space<semaphore_mem>>)
    %dma_start3A_116 = arith.constant 0 : i32
    %dma_start3A_117 = tpu.memref_slice %arg3[%add3A_111, %dma_start3A_116] : memref<16384x1024xf32, #tpu.memory_space<hbm>> -> memref<16x1024xf32, #tpu.memory_space<hbm>>
    %dma_start3A_118 = arith.constant 0 : i32
    %dma_start3A_119 = tpu.memref_slice %arg3[%add3A_111, %dma_start3A_118] : memref<16384x1024xf32, #tpu.memory_space<hbm>> -> memref<16x1024xf32, #tpu.memory_space<hbm>>
    tpu.enqueue_dma source(%dma_start3A_119 : memref<16x1024xf32, #tpu.memory_space<hbm>>) target(%arg11 : memref<16x1024xf32, #tpu.memory_space<vmem>>) target_semaphore(%arg16 : memref<!tpu.dma_semaphore, #tpu.memory_space<semaphore_mem>>)
    %dma_start3A_120 = arith.constant 0 : i32
    %dma_start3A_121 = tpu.memref_slice %arg4[%add3A_111, %dma_start3A_120] : memref<16384x1024xf32, #tpu.memory_space<hbm>> -> memref<16x1024xf32, #tpu.memory_space<hbm>>
    %dma_start3A_122 = arith.constant 0 : i32
    %dma_start3A_123 = tpu.memref_slice %arg4[%add3A_111, %dma_start3A_122] : memref<16384x1024xf32, #tpu.memory_space<hbm>> -> memref<16x1024xf32, #tpu.memory_space<hbm>>
    tpu.enqueue_dma source(%dma_start3A_123 : memref<16x1024xf32, #tpu.memory_space<hbm>>) target(%arg12 : memref<16x1024xf32, #tpu.memory_space<vmem>>) target_semaphore(%arg16 : memref<!tpu.dma_semaphore, #tpu.memory_space<semaphore_mem>>)
    %add3A_124 = arith.constant 288 : i32
    %add3A_125 = arith.addi %mul3A_91, %add3A_124 : i32
    %dma_wait3A = arith.constant 0 : i32
    %dma_wait3A_126 = tpu.memref_slice %arg2[%add3A_125, %dma_wait3A] : memref<16384x1024xf32, #tpu.memory_space<hbm>> -> memref<16x1024xf32, #tpu.memory_space<hbm>>
    %dma_wait3A_127 = arith.constant 0 : i32
    %dma_wait3A_128 = tpu.memref_slice %arg2[%add3A_125, %dma_wait3A_127] : memref<16384x1024xf32, #tpu.memory_space<hbm>> -> memref<16x1024xf32, #tpu.memory_space<hbm>>
    tpu.wait_dma2 semaphore(%arg15 : memref<!tpu.dma_semaphore, #tpu.memory_space<semaphore_mem>>) src(%dma_wait3A_128 : memref<16x1024xf32, #tpu.memory_space<hbm>>) dst(%arg7 : memref<16x1024xf32, #tpu.memory_space<vmem>>)
    %dma_wait3A_129 = arith.constant 0 : i32
    %dma_wait3A_130 = tpu.memref_slice %arg3[%add3A_125, %dma_wait3A_129] : memref<16384x1024xf32, #tpu.memory_space<hbm>> -> memref<16x1024xf32, #tpu.memory_space<hbm>>
    %dma_wait3A_131 = arith.constant 0 : i32
    %dma_wait3A_132 = tpu.memref_slice %arg3[%add3A_125, %dma_wait3A_131] : memref<16384x1024xf32, #tpu.memory_space<hbm>> -> memref<16x1024xf32, #tpu.memory_space<hbm>>
    tpu.wait_dma2 semaphore(%arg15 : memref<!tpu.dma_semaphore, #tpu.memory_space<semaphore_mem>>) src(%dma_wait3A_132 : memref<16x1024xf32, #tpu.memory_space<hbm>>) dst(%arg8 : memref<16x1024xf32, #tpu.memory_space<vmem>>)
    %dma_wait3A_133 = arith.constant 0 : i32
    %dma_wait3A_134 = tpu.memref_slice %arg4[%add3A_125, %dma_wait3A_133] : memref<16384x1024xf32, #tpu.memory_space<hbm>> -> memref<16x1024xf32, #tpu.memory_space<hbm>>
    %dma_wait3A_135 = arith.constant 0 : i32
    %dma_wait3A_136 = tpu.memref_slice %arg4[%add3A_125, %dma_wait3A_135] : memref<16384x1024xf32, #tpu.memory_space<hbm>> -> memref<16x1024xf32, #tpu.memory_space<hbm>>
    tpu.wait_dma2 semaphore(%arg15 : memref<!tpu.dma_semaphore, #tpu.memory_space<semaphore_mem>>) src(%dma_wait3A_136 : memref<16x1024xf32, #tpu.memory_space<hbm>>) dst(%arg9 : memref<16x1024xf32, #tpu.memory_space<vmem>>)
    %parallel_loop3A = arith.constant 0 : i32
    %parallel_loop3A_137 = arith.constant 16384 : i32
    %parallel_loop3A_138 = arith.constant 16 : i32
    scf.for %parallel_loop3A_159 = %parallel_loop3A to %parallel_loop3A_137 step %parallel_loop3A_138  : i32 {
      %parallel_loop3A_160 = arith.constant 10 : i32
      %parallel_loop3A_161 = arith.shrui %parallel_loop3A_159, %parallel_loop3A_160 : i32
      %parallel_loop3A_162 = arith.constant 1023 : i32
      %parallel_loop3A_163 = arith.andi %parallel_loop3A_159, %parallel_loop3A_162 : i32
      %parallel_loop3A_164 = arith.index_cast %parallel_loop3A_161 : i32 to index
      %parallel_loop3A_165 = arith.index_cast %parallel_loop3A_163 : i32 to index
      %parallel_loop3A_166 = tpu.vector_load %arg7[%parallel_loop3A_164, %parallel_loop3A_165] {strides = array<i32>} : memref<16x1024xf32, #tpu.memory_space<vmem>>, vector<16xf32>,
      %parallel_loop3A_167 = arith.constant 10 : i32
      %parallel_loop3A_168 = arith.shrui %parallel_loop3A_159, %parallel_loop3A_167 : i32
      %parallel_loop3A_169 = arith.constant 1023 : i32
      %parallel_loop3A_170 = arith.andi %parallel_loop3A_159, %parallel_loop3A_169 : i32
      %parallel_loop3A_171 = arith.index_cast %parallel_loop3A_168 : i32 to index
      %parallel_loop3A_172 = arith.index_cast %parallel_loop3A_170 : i32 to index
      %parallel_loop3A_173 = tpu.vector_load %arg8[%parallel_loop3A_171, %parallel_loop3A_172] {strides = array<i32>} : memref<16x1024xf32, #tpu.memory_space<vmem>>, vector<16xf32>,
      %parallel_loop3A_174 = arith.constant 10 : i32
      %parallel_loop3A_175 = arith.shrui %parallel_loop3A_159, %parallel_loop3A_174 : i32
      %parallel_loop3A_176 = arith.constant 1023 : i32
      %parallel_loop3A_177 = arith.andi %parallel_loop3A_159, %parallel_loop3A_176 : i32
      %parallel_loop3A_178 = arith.index_cast %parallel_loop3A_175 : i32 to index
      %parallel_loop3A_179 = arith.index_cast %parallel_loop3A_177 : i32 to index
      %parallel_loop3A_180 = tpu.vector_load %arg9[%parallel_loop3A_178, %parallel_loop3A_179] {strides = array<i32>} : memref<16x1024xf32, #tpu.memory_space<vmem>>, vector<16xf32>,
      %parallel_loop3A_181 = arith.mulf %get3A_0, %parallel_loop3A_166 : vector<16xf32>
      %parallel_loop3A_182 = arith.constant 1.000000e+01 : f32
      %parallel_loop3A_183 = vector.broadcast %parallel_loop3A_182 : f32 to vector<16xf32>
      %parallel_loop3A_184 = arith.mulf %parallel_loop3A_183, %parallel_loop3A_173 : vector<16xf32>
      %parallel_loop3A_185 = arith.subf %parallel_loop3A_181, %parallel_loop3A_184 : vector<16xf32>
      %parallel_loop3A_186 = math.absf %parallel_loop3A_185 : vector<16xf32>
      %parallel_loop3A_187 = arith.constant 10.0000095 : f32
      %parallel_loop3A_188 = vector.broadcast %parallel_loop3A_187 : f32 to vector<16xf32>
      %parallel_loop3A_189 = arith.cmpf olt, %parallel_loop3A_186, %parallel_loop3A_188 : vector<16xf32>
      %parallel_loop3A_190 = arith.fptosi %parallel_loop3A_186 : vector<16xf32> to vector<16xi32>
      %parallel_loop3A_191 = arith.constant 9 : i32
      %parallel_loop3A_192 = vector.broadcast %parallel_loop3A_191 : i32 to vector<16xi32>
      %parallel_loop3A_193 = arith.minsi %parallel_loop3A_190, %parallel_loop3A_192 : vector<16xi32>
      %parallel_loop3A_194 = arith.constant 10 : i32
      %parallel_loop3A_195 = vector.broadcast %parallel_loop3A_194 : i32 to vector<16xi32>
      %parallel_loop3A_196 = arith.select %parallel_loop3A_189, %parallel_loop3A_193, %parallel_loop3A_195 : vector<16xi1>, vector<16xi32>
      %parallel_loop3A_197 = arith.constant 0.000000e+00 : f32
      %parallel_loop3A_198 = vector.broadcast %parallel_loop3A_197 : f32 to vector<16xf32>
      %parallel_loop3A_199 = arith.cmpf ogt, %parallel_loop3A_180, %parallel_loop3A_198 : vector<16xf32>
      %parallel_loop3A_200 = arith.constant 16 : i32
      %parallel_loop3A_201 = vector.broadcast %parallel_loop3A_200 : i32 to vector<16xi32>
      %parallel_loop3A_202 = arith.muli %parallel_loop3A_196, %parallel_loop3A_201 : vector<16xi32>
      %parallel_loop3A_203 = arith.addi %parallel_loop3A_202, %iota3A : vector<16xi32>
      tpu.vector_store_idx %arg14[%parallel_loop3A_203], %broadcast_in_dim3A_88 masked %parallel_loop3A_199 {add = true} : memref<352xf32, #tpu.memory_space<vmem>>[vector<16xi32>], vector<16xf32>, vector<16xi1>
      %parallel_loop3A_204 = arith.constant 176 : i32
      %parallel_loop3A_205 = vector.broadcast %parallel_loop3A_204 : i32 to vector<16xi32>
      %parallel_loop3A_206 = arith.addi %parallel_loop3A_203, %parallel_loop3A_205 : vector<16xi32>
      %parallel_loop3A_207 = arith.mulf %parallel_loop3A_166, %parallel_loop3A_173 : vector<16xf32>
      tpu.vector_store_idx %arg14[%parallel_loop3A_206], %parallel_loop3A_207 masked %parallel_loop3A_199 {add = true} : memref<352xf32, #tpu.memory_space<vmem>>[vector<16xi32>], vector<16xf32>, vector<16xi1>
    } {sc.loop_unroll_factor = 8 : i64, sc.parallel_access}
    %add3A_139 = arith.constant 304 : i32
    %add3A_140 = arith.addi %mul3A_91, %add3A_139 : i32
    %dma_wait3A_141 = arith.constant 0 : i32
    %dma_wait3A_142 = tpu.memref_slice %arg2[%add3A_140, %dma_wait3A_141] : memref<16384x1024xf32, #tpu.memory_space<hbm>> -> memref<16x1024xf32, #tpu.memory_space<hbm>>
    %dma_wait3A_143 = arith.constant 0 : i32
    %dma_wait3A_144 = tpu.memref_slice %arg2[%add3A_140, %dma_wait3A_143] : memref<16384x1024xf32, #tpu.memory_space<hbm>> -> memref<16x1024xf32, #tpu.memory_space<hbm>>
    tpu.wait_dma2 semaphore(%arg16 : memref<!tpu.dma_semaphore, #tpu.memory_space<semaphore_mem>>) src(%dma_wait3A_144 : memref<16x1024xf32, #tpu.memory_space<hbm>>) dst(%arg10 : memref<16x1024xf32, #tpu.memory_space<vmem>>)
    %dma_wait3A_145 = arith.constant 0 : i32
    %dma_wait3A_146 = tpu.memref_slice %arg3[%add3A_140, %dma_wait3A_145] : memref<16384x1024xf32, #tpu.memory_space<hbm>> -> memref<16x1024xf32, #tpu.memory_space<hbm>>
    %dma_wait3A_147 = arith.constant 0 : i32
    %dma_wait3A_148 = tpu.memref_slice %arg3[%add3A_140, %dma_wait3A_147] : memref<16384x1024xf32, #tpu.memory_space<hbm>> -> memref<16x1024xf32, #tpu.memory_space<hbm>>
    tpu.wait_dma2 semaphore(%arg16 : memref<!tpu.dma_semaphore, #tpu.memory_space<semaphore_mem>>) src(%dma_wait3A_148 : memref<16x1024xf32, #tpu.memory_space<hbm>>) dst(%arg11 : memref<16x1024xf32, #tpu.memory_space<vmem>>)
    %dma_wait3A_149 = arith.constant 0 : i32
    %dma_wait3A_150 = tpu.memref_slice %arg4[%add3A_140, %dma_wait3A_149] : memref<16384x1024xf32, #tpu.memory_space<hbm>> -> memref<16x1024xf32, #tpu.memory_space<hbm>>
    %dma_wait3A_151 = arith.constant 0 : i32
    %dma_wait3A_152 = tpu.memref_slice %arg4[%add3A_140, %dma_wait3A_151] : memref<16384x1024xf32, #tpu.memory_space<hbm>> -> memref<16x1024xf32, #tpu.memory_space<hbm>>
    tpu.wait_dma2 semaphore(%arg16 : memref<!tpu.dma_semaphore, #tpu.memory_space<semaphore_mem>>) src(%dma_wait3A_152 : memref<16x1024xf32, #tpu.memory_space<hbm>>) dst(%arg12 : memref<16x1024xf32, #tpu.memory_space<vmem>>)
    %parallel_loop3A_153 = arith.constant 0 : i32
    %parallel_loop3A_154 = arith.constant 16384 : i32
    %parallel_loop3A_155 = arith.constant 16 : i32
    scf.for %parallel_loop3A_159 = %parallel_loop3A_153 to %parallel_loop3A_154 step %parallel_loop3A_155  : i32 {
      %parallel_loop3A_160 = arith.constant 10 : i32
      %parallel_loop3A_161 = arith.shrui %parallel_loop3A_159, %parallel_loop3A_160 : i32
      %parallel_loop3A_162 = arith.constant 1023 : i32
      %parallel_loop3A_163 = arith.andi %parallel_loop3A_159, %parallel_loop3A_162 : i32
      %parallel_loop3A_164 = arith.index_cast %parallel_loop3A_161 : i32 to index
      %parallel_loop3A_165 = arith.index_cast %parallel_loop3A_163 : i32 to index
      %parallel_loop3A_166 = tpu.vector_load %arg10[%parallel_loop3A_164, %parallel_loop3A_165] {strides = array<i32>} : memref<16x1024xf32, #tpu.memory_space<vmem>>, vector<16xf32>,
      %parallel_loop3A_167 = arith.constant 10 : i32
      %parallel_loop3A_168 = arith.shrui %parallel_loop3A_159, %parallel_loop3A_167 : i32
      %parallel_loop3A_169 = arith.constant 1023 : i32
      %parallel_loop3A_170 = arith.andi %parallel_loop3A_159, %parallel_loop3A_169 : i32
      %parallel_loop3A_171 = arith.index_cast %parallel_loop3A_168 : i32 to index
      %parallel_loop3A_172 = arith.index_cast %parallel_loop3A_170 : i32 to index
      %parallel_loop3A_173 = tpu.vector_load %arg11[%parallel_loop3A_171, %parallel_loop3A_172] {strides = array<i32>} : memref<16x1024xf32, #tpu.memory_space<vmem>>, vector<16xf32>,
      %parallel_loop3A_174 = arith.constant 10 : i32
      %parallel_loop3A_175 = arith.shrui %parallel_loop3A_159, %parallel_loop3A_174 : i32
      %parallel_loop3A_176 = arith.constant 1023 : i32
      %parallel_loop3A_177 = arith.andi %parallel_loop3A_159, %parallel_loop3A_176 : i32
      %parallel_loop3A_178 = arith.index_cast %parallel_loop3A_175 : i32 to index
      %parallel_loop3A_179 = arith.index_cast %parallel_loop3A_177 : i32 to index
      %parallel_loop3A_180 = tpu.vector_load %arg12[%parallel_loop3A_178, %parallel_loop3A_179] {strides = array<i32>} : memref<16x1024xf32, #tpu.memory_space<vmem>>, vector<16xf32>,
      %parallel_loop3A_181 = arith.mulf %get3A_0, %parallel_loop3A_166 : vector<16xf32>
      %parallel_loop3A_182 = arith.constant 1.000000e+01 : f32
      %parallel_loop3A_183 = vector.broadcast %parallel_loop3A_182 : f32 to vector<16xf32>
      %parallel_loop3A_184 = arith.mulf %parallel_loop3A_183, %parallel_loop3A_173 : vector<16xf32>
      %parallel_loop3A_185 = arith.subf %parallel_loop3A_181, %parallel_loop3A_184 : vector<16xf32>
      %parallel_loop3A_186 = math.absf %parallel_loop3A_185 : vector<16xf32>
      %parallel_loop3A_187 = arith.constant 10.0000095 : f32
      %parallel_loop3A_188 = vector.broadcast %parallel_loop3A_187 : f32 to vector<16xf32>
      %parallel_loop3A_189 = arith.cmpf olt, %parallel_loop3A_186, %parallel_loop3A_188 : vector<16xf32>
      %parallel_loop3A_190 = arith.fptosi %parallel_loop3A_186 : vector<16xf32> to vector<16xi32>
      %parallel_loop3A_191 = arith.constant 9 : i32
      %parallel_loop3A_192 = vector.broadcast %parallel_loop3A_191 : i32 to vector<16xi32>
      %parallel_loop3A_193 = arith.minsi %parallel_loop3A_190, %parallel_loop3A_192 : vector<16xi32>
      %parallel_loop3A_194 = arith.constant 10 : i32
      %parallel_loop3A_195 = vector.broadcast %parallel_loop3A_194 : i32 to vector<16xi32>
      %parallel_loop3A_196 = arith.select %parallel_loop3A_189, %parallel_loop3A_193, %parallel_loop3A_195 : vector<16xi1>, vector<16xi32>
      %parallel_loop3A_197 = arith.constant 0.000000e+00 : f32
      %parallel_loop3A_198 = vector.broadcast %parallel_loop3A_197 : f32 to vector<16xf32>
      %parallel_loop3A_199 = arith.cmpf ogt, %parallel_loop3A_180, %parallel_loop3A_198 : vector<16xf32>
      %parallel_loop3A_200 = arith.constant 16 : i32
      %parallel_loop3A_201 = vector.broadcast %parallel_loop3A_200 : i32 to vector<16xi32>
      %parallel_loop3A_202 = arith.muli %parallel_loop3A_196, %parallel_loop3A_201 : vector<16xi32>
      %parallel_loop3A_203 = arith.addi %parallel_loop3A_202, %iota3A : vector<16xi32>
      tpu.vector_store_idx %arg14[%parallel_loop3A_203], %broadcast_in_dim3A_88 masked %parallel_loop3A_199 {add = true} : memref<352xf32, #tpu.memory_space<vmem>>[vector<16xi32>], vector<16xf32>, vector<16xi1>
      %parallel_loop3A_204 = arith.constant 176 : i32
      %parallel_loop3A_205 = vector.broadcast %parallel_loop3A_204 : i32 to vector<16xi32>
      %parallel_loop3A_206 = arith.addi %parallel_loop3A_203, %parallel_loop3A_205 : vector<16xi32>
      %parallel_loop3A_207 = arith.mulf %parallel_loop3A_166, %parallel_loop3A_173 : vector<16xf32>
      tpu.vector_store_idx %arg14[%parallel_loop3A_206], %parallel_loop3A_207 masked %parallel_loop3A_199 {add = true} : memref<352xf32, #tpu.memory_space<vmem>>[vector<16xi32>], vector<16xf32>, vector<16xi1>
    } {sc.loop_unroll_factor = 8 : i64, sc.parallel_access}
    %mul3A_156 = arith.constant 2 : i32
    %mul3A_157 = arith.muli %arg1, %mul3A_156 : i32
    %add3A_158 = arith.addi %mul3A_157, %arg0 : i32
    "tpu.region"() ({
      %run_scoped3A = tpu.sem_alloc : memref<!tpu.dma_semaphore, #tpu.memory_space<semaphore_mem>>
      %dma_start3A_159 = arith.constant 0 : i32
      %dma_start3A_160 = tpu.memref_slice %arg6[%add3A_158, %dma_start3A_159] : memref<32x352xf32, #tpu.memory_space<hbm>> -> memref<1x352xf32, #tpu.memory_space<hbm>>
      %dma_start3A_161 = tpu.memref_squeeze %dma_start3A_160 : memref<1x352xf32, #tpu.memory_space<hbm>> -> memref<352xf32, #tpu.memory_space<hbm>>
      %dma_start3A_162 = arith.constant 0 : i32
      %dma_start3A_163 = tpu.memref_slice %arg6[%add3A_158, %dma_start3A_162] : memref<32x352xf32, #tpu.memory_space<hbm>> -> memref<1x352xf32, #tpu.memory_space<hbm>>
      %dma_start3A_164 = tpu.memref_squeeze %dma_start3A_163 : memref<1x352xf32, #tpu.memory_space<hbm>> -> memref<352xf32, #tpu.memory_space<hbm>>
      tpu.enqueue_dma source(%arg14 : memref<352xf32, #tpu.memory_space<vmem>>) target(%dma_start3A_164 : memref<352xf32, #tpu.memory_space<hbm>>) target_semaphore(%run_scoped3A : memref<!tpu.dma_semaphore, #tpu.memory_space<semaphore_mem>>)
      %dma_wait3A_165 = arith.constant 0 : i32
      %dma_wait3A_166 = tpu.memref_slice %arg6[%add3A_158, %dma_wait3A_165] : memref<32x352xf32, #tpu.memory_space<hbm>> -> memref<1x352xf32, #tpu.memory_space<hbm>>
      %dma_wait3A_167 = tpu.memref_squeeze %dma_wait3A_166 : memref<1x352xf32, #tpu.memory_space<hbm>> -> memref<352xf32, #tpu.memory_space<hbm>>
      %dma_wait3A_168 = arith.constant 0 : i32
      %dma_wait3A_169 = tpu.memref_slice %arg6[%add3A_158, %dma_wait3A_168] : memref<32x352xf32, #tpu.memory_space<hbm>> -> memref<1x352xf32, #tpu.memory_space<hbm>>
      %dma_wait3A_170 = tpu.memref_squeeze %dma_wait3A_169 : memref<1x352xf32, #tpu.memory_space<hbm>> -> memref<352xf32, #tpu.memory_space<hbm>>
      tpu.wait_dma2 semaphore(%run_scoped3A : memref<!tpu.dma_semaphore, #tpu.memory_space<semaphore_mem>>) src(%arg14 : memref<352xf32, #tpu.memory_space<vmem>>) dst(%dma_wait3A_170 : memref<352xf32, #tpu.memory_space<hbm>>)
      tpu.yield
    }) : () -> ()
    return
  }
}

#map = affine_map<(d0, d1) -> (0, 0)>
#map1 = affine_map<(d0, d1) -> (0, 0, 0)>
module attributes {stable_mosaic.version = 14 : i64} {
  func.func @_pass1_body(%arg0: i32, %arg1: i32, %arg2: memref<16384x1024xf32, #tpu.memory_space<hbm>>, %arg3: memref<16384x1024xf32, #tpu.memory_space<hbm>>, %arg4: memref<32x4x16xf32, #tpu.memory_space<hbm>>, %arg5: memref<16x1024xf32, #tpu.memory_space<vmem>>, %arg6: memref<16x1024xf32, #tpu.memory_space<vmem>>, %arg7: memref<16x1024xf32, #tpu.memory_space<vmem>>, %arg8: memref<16x1024xf32, #tpu.memory_space<vmem>>, %arg9: memref<4x16xf32, #tpu.memory_space<vmem>>, %arg10: memref<!tpu.dma_semaphore, #tpu.memory_space<semaphore_mem>>, %arg11: memref<!tpu.dma_semaphore, #tpu.memory_space<semaphore_mem>>) attributes {dimension_semantics = [#tpu.dimension_semantics<core_parallel>, #tpu.dimension_semantics<subcore_parallel>], iteration_bounds = array<i64: 2, 16>, scalar_prefetch = 0 : i64, scratch_operands = 7 : i64, tpu.core_type = #tpu.core_type<sc_vector_subcore>, window_params = [{transform_indices = #map}, {transform_indices = #map}, {transform_indices = #map1}]} {
    %broadcast_in_dim3A = arith.constant 0.000000e+00 : f32
    %broadcast_in_dim3A_0 = vector.broadcast %broadcast_in_dim3A : f32 to vector<16xf32>
    %mul3A = arith.constant 2 : i32
    %mul3A_1 = arith.muli %arg1, %mul3A : i32
    %add3A = arith.addi %mul3A_1, %arg0 : i32
    %mul3A_2 = arith.constant 192 : i32
    %mul3A_3 = arith.muli %add3A, %mul3A_2 : i32
    %add3A_4 = arith.constant 0 : i32
    %add3A_5 = arith.addi %mul3A_3, %add3A_4 : i32
    %dma_start3A = arith.constant 0 : i32
    %dma_start3A_6 = tpu.memref_slice %arg2[%add3A_5, %dma_start3A] : memref<16384x1024xf32, #tpu.memory_space<hbm>> -> memref<16x1024xf32, #tpu.memory_space<hbm>>
    %dma_start3A_7 = arith.constant 0 : i32
    %dma_start3A_8 = tpu.memref_slice %arg2[%add3A_5, %dma_start3A_7] : memref<16384x1024xf32, #tpu.memory_space<hbm>> -> memref<16x1024xf32, #tpu.memory_space<hbm>>
    tpu.enqueue_dma source(%dma_start3A_8 : memref<16x1024xf32, #tpu.memory_space<hbm>>) target(%arg5 : memref<16x1024xf32, #tpu.memory_space<vmem>>) target_semaphore(%arg10 : memref<!tpu.dma_semaphore, #tpu.memory_space<semaphore_mem>>)
    %dma_start3A_9 = arith.constant 0 : i32
    %dma_start3A_10 = tpu.memref_slice %arg3[%add3A_5, %dma_start3A_9] : memref<16384x1024xf32, #tpu.memory_space<hbm>> -> memref<16x1024xf32, #tpu.memory_space<hbm>>
    %dma_start3A_11 = arith.constant 0 : i32
    %dma_start3A_12 = tpu.memref_slice %arg3[%add3A_5, %dma_start3A_11] : memref<16384x1024xf32, #tpu.memory_space<hbm>> -> memref<16x1024xf32, #tpu.memory_space<hbm>>
    tpu.enqueue_dma source(%dma_start3A_12 : memref<16x1024xf32, #tpu.memory_space<hbm>>) target(%arg6 : memref<16x1024xf32, #tpu.memory_space<vmem>>) target_semaphore(%arg10 : memref<!tpu.dma_semaphore, #tpu.memory_space<semaphore_mem>>)
    %scan3A = arith.constant 0 : i32
    %scan3A_13 = arith.constant 5 : i32
    %scan3A_14 = arith.addi %scan3A, %scan3A_13 : i32
    %scan3A_15 = arith.constant 1 : i32
    %scan3A_16:12 = scf.for %scan3A_88 = %scan3A to %scan3A_14 step %scan3A_15 iter_args(%scan3A_89 = %broadcast_in_dim3A_0, %scan3A_90 = %broadcast_in_dim3A_0, %scan3A_91 = %broadcast_in_dim3A_0, %scan3A_92 = %broadcast_in_dim3A_0, %scan3A_93 = %broadcast_in_dim3A_0, %scan3A_94 = %broadcast_in_dim3A_0, %scan3A_95 = %broadcast_in_dim3A_0, %scan3A_96 = %broadcast_in_dim3A_0, %scan3A_97 = %broadcast_in_dim3A_0, %scan3A_98 = %broadcast_in_dim3A_0, %scan3A_99 = %broadcast_in_dim3A_0, %scan3A_100 = %broadcast_in_dim3A_0) -> (vector<16xf32>, vector<16xf32>, vector<16xf32>, vector<16xf32>, vector<16xf32>, vector<16xf32>, vector<16xf32>, vector<16xf32>, vector<16xf32>, vector<16xf32>, vector<16xf32>, vector<16xf32>)  : i32 {
      %mul3A_101 = arith.constant 2 : i32
      %mul3A_102 = arith.muli %mul3A_101, %scan3A_88 : i32
      %add3A_103 = arith.constant 1 : i32
      %add3A_104 = arith.addi %mul3A_102, %add3A_103 : i32
      %mul3A_105 = arith.constant 16 : i32
      %mul3A_106 = arith.muli %add3A_104, %mul3A_105 : i32
      %add3A_107 = arith.addi %mul3A_3, %mul3A_106 : i32
      %dma_start3A_108 = arith.constant 0 : i32
      %dma_start3A_109 = tpu.memref_slice %arg2[%add3A_107, %dma_start3A_108] : memref<16384x1024xf32, #tpu.memory_space<hbm>> -> memref<16x1024xf32, #tpu.memory_space<hbm>>
      %dma_start3A_110 = arith.constant 0 : i32
      %dma_start3A_111 = tpu.memref_slice %arg2[%add3A_107, %dma_start3A_110] : memref<16384x1024xf32, #tpu.memory_space<hbm>> -> memref<16x1024xf32, #tpu.memory_space<hbm>>
      tpu.enqueue_dma source(%dma_start3A_111 : memref<16x1024xf32, #tpu.memory_space<hbm>>) target(%arg7 : memref<16x1024xf32, #tpu.memory_space<vmem>>) target_semaphore(%arg11 : memref<!tpu.dma_semaphore, #tpu.memory_space<semaphore_mem>>)
      %dma_start3A_112 = arith.constant 0 : i32
      %dma_start3A_113 = tpu.memref_slice %arg3[%add3A_107, %dma_start3A_112] : memref<16384x1024xf32, #tpu.memory_space<hbm>> -> memref<16x1024xf32, #tpu.memory_space<hbm>>
      %dma_start3A_114 = arith.constant 0 : i32
      %dma_start3A_115 = tpu.memref_slice %arg3[%add3A_107, %dma_start3A_114] : memref<16384x1024xf32, #tpu.memory_space<hbm>> -> memref<16x1024xf32, #tpu.memory_space<hbm>>
      tpu.enqueue_dma source(%dma_start3A_115 : memref<16x1024xf32, #tpu.memory_space<hbm>>) target(%arg8 : memref<16x1024xf32, #tpu.memory_space<vmem>>) target_semaphore(%arg11 : memref<!tpu.dma_semaphore, #tpu.memory_space<semaphore_mem>>)
      %mul3A_116 = arith.constant 2 : i32
      %mul3A_117 = arith.muli %mul3A_116, %scan3A_88 : i32
      %mul3A_118 = arith.constant 16 : i32
      %mul3A_119 = arith.muli %mul3A_117, %mul3A_118 : i32
      %add3A_120 = arith.addi %mul3A_3, %mul3A_119 : i32
      %dma_wait3A_121 = arith.constant 0 : i32
      %dma_wait3A_122 = tpu.memref_slice %arg2[%add3A_120, %dma_wait3A_121] : memref<16384x1024xf32, #tpu.memory_space<hbm>> -> memref<16x1024xf32, #tpu.memory_space<hbm>>
      %dma_wait3A_123 = arith.constant 0 : i32
      %dma_wait3A_124 = tpu.memref_slice %arg2[%add3A_120, %dma_wait3A_123] : memref<16384x1024xf32, #tpu.memory_space<hbm>> -> memref<16x1024xf32, #tpu.memory_space<hbm>>
      tpu.wait_dma2 semaphore(%arg10 : memref<!tpu.dma_semaphore, #tpu.memory_space<semaphore_mem>>) src(%dma_wait3A_124 : memref<16x1024xf32, #tpu.memory_space<hbm>>) dst(%arg5 : memref<16x1024xf32, #tpu.memory_space<vmem>>)
      %dma_wait3A_125 = arith.constant 0 : i32
      %dma_wait3A_126 = tpu.memref_slice %arg3[%add3A_120, %dma_wait3A_125] : memref<16384x1024xf32, #tpu.memory_space<hbm>> -> memref<16x1024xf32, #tpu.memory_space<hbm>>
      %dma_wait3A_127 = arith.constant 0 : i32
      %dma_wait3A_128 = tpu.memref_slice %arg3[%add3A_120, %dma_wait3A_127] : memref<16384x1024xf32, #tpu.memory_space<hbm>> -> memref<16x1024xf32, #tpu.memory_space<hbm>>
      tpu.wait_dma2 semaphore(%arg10 : memref<!tpu.dma_semaphore, #tpu.memory_space<semaphore_mem>>) src(%dma_wait3A_128 : memref<16x1024xf32, #tpu.memory_space<hbm>>) dst(%arg6 : memref<16x1024xf32, #tpu.memory_space<vmem>>)
      %scan3A_129 = arith.constant 0 : i32
      %scan3A_130 = arith.constant 256 : i32
      %scan3A_131 = arith.addi %scan3A_129, %scan3A_130 : i32
      %scan3A_132 = arith.constant 1 : i32
      %scan3A_133:12 = scf.for %scan3A_171 = %scan3A_129 to %scan3A_131 step %scan3A_132 iter_args(%scan3A_172 = %scan3A_89, %scan3A_173 = %scan3A_90, %scan3A_174 = %scan3A_91, %scan3A_175 = %scan3A_92, %scan3A_176 = %scan3A_93, %scan3A_177 = %scan3A_94, %scan3A_178 = %scan3A_95, %scan3A_179 = %scan3A_96, %scan3A_180 = %scan3A_97, %scan3A_181 = %scan3A_98, %scan3A_182 = %scan3A_99, %scan3A_183 = %scan3A_100) -> (vector<16xf32>, vector<16xf32>, vector<16xf32>, vector<16xf32>, vector<16xf32>, vector<16xf32>, vector<16xf32>, vector<16xf32>, vector<16xf32>, vector<16xf32>, vector<16xf32>, vector<16xf32>)  : i32 {
        %mul3A_184 = arith.constant 64 : i32
        %mul3A_185 = arith.muli %scan3A_171, %mul3A_184 : i32
        %add3A_186 = arith.constant 0 : i32
        %add3A_187 = arith.addi %mul3A_185, %add3A_186 : i32
        %shift_right_logical3A = arith.constant 10 : i32
        %shift_right_logical3A_188 = arith.shrui %add3A_187, %shift_right_logical3A : i32
        %and3A = arith.constant 1023 : i32
        %and3A_189 = arith.andi %add3A_187, %and3A : i32
        %get3A = arith.index_cast %shift_right_logical3A_188 : i32 to index
        %get3A_190 = arith.index_cast %and3A_189 : i32 to index
        %get3A_191 = tpu.vector_load %arg5[%get3A, %get3A_190] {strides = array<i32>} : memref<16x1024xf32, #tpu.memory_space<vmem>>, vector<16xf32>,
        %shift_right_logical3A_192 = arith.constant 10 : i32
        %shift_right_logical3A_193 = arith.shrui %add3A_187, %shift_right_logical3A_192 : i32
        %and3A_194 = arith.constant 1023 : i32
        %and3A_195 = arith.andi %add3A_187, %and3A_194 : i32
        %get3A_196 = arith.index_cast %shift_right_logical3A_193 : i32 to index
        %get3A_197 = arith.index_cast %and3A_195 : i32 to index
        %get3A_198 = tpu.vector_load %arg6[%get3A_196, %get3A_197] {strides = array<i32>} : memref<16x1024xf32, #tpu.memory_space<vmem>>, vector<16xf32>,
        %mul3A_199 = arith.mulf %get3A_191, %get3A_198 : vector<16xf32>
        %add3A_200 = arith.addf %scan3A_172, %mul3A_199 : vector<16xf32>
        %add3A_201 = arith.addf %scan3A_173, %get3A_191 : vector<16xf32>
        %add3A_202 = arith.addf %scan3A_174, %get3A_198 : vector<16xf32>
        %mul3A_203 = arith.constant 64 : i32
        %mul3A_204 = arith.muli %scan3A_171, %mul3A_203 : i32
        %add3A_205 = arith.constant 16 : i32
        %add3A_206 = arith.addi %mul3A_204, %add3A_205 : i32
        %shift_right_logical3A_207 = arith.constant 10 : i32
        %shift_right_logical3A_208 = arith.shrui %add3A_206, %shift_right_logical3A_207 : i32
        %and3A_209 = arith.constant 1023 : i32
        %and3A_210 = arith.andi %add3A_206, %and3A_209 : i32
        %get3A_211 = arith.index_cast %shift_right_logical3A_208 : i32 to index
        %get3A_212 = arith.index_cast %and3A_210 : i32 to index
        %get3A_213 = tpu.vector_load %arg5[%get3A_211, %get3A_212] {strides = array<i32>} : memref<16x1024xf32, #tpu.memory_space<vmem>>, vector<16xf32>,
        %shift_right_logical3A_214 = arith.constant 10 : i32
        %shift_right_logical3A_215 = arith.shrui %add3A_206, %shift_right_logical3A_214 : i32
        %and3A_216 = arith.constant 1023 : i32
        %and3A_217 = arith.andi %add3A_206, %and3A_216 : i32
        %get3A_218 = arith.index_cast %shift_right_logical3A_215 : i32 to index
        %get3A_219 = arith.index_cast %and3A_217 : i32 to index
        %get3A_220 = tpu.vector_load %arg6[%get3A_218, %get3A_219] {strides = array<i32>} : memref<16x1024xf32, #tpu.memory_space<vmem>>, vector<16xf32>,
        %mul3A_221 = arith.mulf %get3A_213, %get3A_220 : vector<16xf32>
        %add3A_222 = arith.addf %scan3A_175, %mul3A_221 : vector<16xf32>
        %add3A_223 = arith.addf %scan3A_176, %get3A_213 : vector<16xf32>
        %add3A_224 = arith.addf %scan3A_177, %get3A_220 : vector<16xf32>
        %mul3A_225 = arith.constant 64 : i32
        %mul3A_226 = arith.muli %scan3A_171, %mul3A_225 : i32
        %add3A_227 = arith.constant 32 : i32
        %add3A_228 = arith.addi %mul3A_226, %add3A_227 : i32
        %shift_right_logical3A_229 = arith.constant 10 : i32
        %shift_right_logical3A_230 = arith.shrui %add3A_228, %shift_right_logical3A_229 : i32
        %and3A_231 = arith.constant 1023 : i32
        %and3A_232 = arith.andi %add3A_228, %and3A_231 : i32
        %get3A_233 = arith.index_cast %shift_right_logical3A_230 : i32 to index
        %get3A_234 = arith.index_cast %and3A_232 : i32 to index
        %get3A_235 = tpu.vector_load %arg5[%get3A_233, %get3A_234] {strides = array<i32>} : memref<16x1024xf32, #tpu.memory_space<vmem>>, vector<16xf32>,
        %shift_right_logical3A_236 = arith.constant 10 : i32
        %shift_right_logical3A_237 = arith.shrui %add3A_228, %shift_right_logical3A_236 : i32
        %and3A_238 = arith.constant 1023 : i32
        %and3A_239 = arith.andi %add3A_228, %and3A_238 : i32
        %get3A_240 = arith.index_cast %shift_right_logical3A_237 : i32 to index
        %get3A_241 = arith.index_cast %and3A_239 : i32 to index
        %get3A_242 = tpu.vector_load %arg6[%get3A_240, %get3A_241] {strides = array<i32>} : memref<16x1024xf32, #tpu.memory_space<vmem>>, vector<16xf32>,
        %mul3A_243 = arith.mulf %get3A_235, %get3A_242 : vector<16xf32>
        %add3A_244 = arith.addf %scan3A_178, %mul3A_243 : vector<16xf32>
        %add3A_245 = arith.addf %scan3A_179, %get3A_235 : vector<16xf32>
        %add3A_246 = arith.addf %scan3A_180, %get3A_242 : vector<16xf32>
        %mul3A_247 = arith.constant 64 : i32
        %mul3A_248 = arith.muli %scan3A_171, %mul3A_247 : i32
        %add3A_249 = arith.constant 48 : i32
        %add3A_250 = arith.addi %mul3A_248, %add3A_249 : i32
        %shift_right_logical3A_251 = arith.constant 10 : i32
        %shift_right_logical3A_252 = arith.shrui %add3A_250, %shift_right_logical3A_251 : i32
        %and3A_253 = arith.constant 1023 : i32
        %and3A_254 = arith.andi %add3A_250, %and3A_253 : i32
        %get3A_255 = arith.index_cast %shift_right_logical3A_252 : i32 to index
        %get3A_256 = arith.index_cast %and3A_254 : i32 to index
        %get3A_257 = tpu.vector_load %arg5[%get3A_255, %get3A_256] {strides = array<i32>} : memref<16x1024xf32, #tpu.memory_space<vmem>>, vector<16xf32>,
        %shift_right_logical3A_258 = arith.constant 10 : i32
        %shift_right_logical3A_259 = arith.shrui %add3A_250, %shift_right_logical3A_258 : i32
        %and3A_260 = arith.constant 1023 : i32
        %and3A_261 = arith.andi %add3A_250, %and3A_260 : i32
        %get3A_262 = arith.index_cast %shift_right_logical3A_259 : i32 to index
        %get3A_263 = arith.index_cast %and3A_261 : i32 to index
        %get3A_264 = tpu.vector_load %arg6[%get3A_262, %get3A_263] {strides = array<i32>} : memref<16x1024xf32, #tpu.memory_space<vmem>>, vector<16xf32>,
        %mul3A_265 = arith.mulf %get3A_257, %get3A_264 : vector<16xf32>
        %add3A_266 = arith.addf %scan3A_181, %mul3A_265 : vector<16xf32>
        %add3A_267 = arith.addf %scan3A_182, %get3A_257 : vector<16xf32>
        %add3A_268 = arith.addf %scan3A_183, %get3A_264 : vector<16xf32>
        scf.yield %add3A_200, %add3A_201, %add3A_202, %add3A_222, %add3A_223, %add3A_224, %add3A_244, %add3A_245, %add3A_246, %add3A_266, %add3A_267, %add3A_268 : vector<16xf32>, vector<16xf32>, vector<16xf32>, vector<16xf32>, vector<16xf32>, vector<16xf32>, vector<16xf32>, vector<16xf32>, vector<16xf32>, vector<16xf32>, vector<16xf32>, vector<16xf32>
      }
      %scan3A_134 = arith.constant 256 : i32
      %mul3A_135 = arith.constant 2 : i32
      %mul3A_136 = arith.muli %mul3A_135, %scan3A_88 : i32
      %add3A_137 = arith.constant 2 : i32
      %add3A_138 = arith.addi %mul3A_136, %add3A_137 : i32
      %mul3A_139 = arith.constant 16 : i32
      %mul3A_140 = arith.muli %add3A_138, %mul3A_139 : i32
      %add3A_141 = arith.addi %mul3A_3, %mul3A_140 : i32
      %dma_start3A_142 = arith.constant 0 : i32
      %dma_start3A_143 = tpu.memref_slice %arg2[%add3A_141, %dma_start3A_142] : memref<16384x1024xf32, #tpu.memory_space<hbm>> -> memref<16x1024xf32, #tpu.memory_space<hbm>>
      %dma_start3A_144 = arith.constant 0 : i32
      %dma_start3A_145 = tpu.memref_slice %arg2[%add3A_141, %dma_start3A_144] : memref<16384x1024xf32, #tpu.memory_space<hbm>> -> memref<16x1024xf32, #tpu.memory_space<hbm>>
      tpu.enqueue_dma source(%dma_start3A_145 : memref<16x1024xf32, #tpu.memory_space<hbm>>) target(%arg5 : memref<16x1024xf32, #tpu.memory_space<vmem>>) target_semaphore(%arg10 : memref<!tpu.dma_semaphore, #tpu.memory_space<semaphore_mem>>)
      %dma_start3A_146 = arith.constant 0 : i32
      %dma_start3A_147 = tpu.memref_slice %arg3[%add3A_141, %dma_start3A_146] : memref<16384x1024xf32, #tpu.memory_space<hbm>> -> memref<16x1024xf32, #tpu.memory_space<hbm>>
      %dma_start3A_148 = arith.constant 0 : i32
      %dma_start3A_149 = tpu.memref_slice %arg3[%add3A_141, %dma_start3A_148] : memref<16384x1024xf32, #tpu.memory_space<hbm>> -> memref<16x1024xf32, #tpu.memory_space<hbm>>
      tpu.enqueue_dma source(%dma_start3A_149 : memref<16x1024xf32, #tpu.memory_space<hbm>>) target(%arg6 : memref<16x1024xf32, #tpu.memory_space<vmem>>) target_semaphore(%arg10 : memref<!tpu.dma_semaphore, #tpu.memory_space<semaphore_mem>>)
      %mul3A_150 = arith.constant 2 : i32
      %mul3A_151 = arith.muli %mul3A_150, %scan3A_88 : i32
      %add3A_152 = arith.constant 1 : i32
      %add3A_153 = arith.addi %mul3A_151, %add3A_152 : i32
      %mul3A_154 = arith.constant 16 : i32
      %mul3A_155 = arith.muli %add3A_153, %mul3A_154 : i32
      %add3A_156 = arith.addi %mul3A_3, %mul3A_155 : i32
      %dma_wait3A_157 = arith.constant 0 : i32
      %dma_wait3A_158 = tpu.memref_slice %arg2[%add3A_156, %dma_wait3A_157] : memref<16384x1024xf32, #tpu.memory_space<hbm>> -> memref<16x1024xf32, #tpu.memory_space<hbm>>
      %dma_wait3A_159 = arith.constant 0 : i32
      %dma_wait3A_160 = tpu.memref_slice %arg2[%add3A_156, %dma_wait3A_159] : memref<16384x1024xf32, #tpu.memory_space<hbm>> -> memref<16x1024xf32, #tpu.memory_space<hbm>>
      tpu.wait_dma2 semaphore(%arg11 : memref<!tpu.dma_semaphore, #tpu.memory_space<semaphore_mem>>) src(%dma_wait3A_160 : memref<16x1024xf32, #tpu.memory_space<hbm>>) dst(%arg7 : memref<16x1024xf32, #tpu.memory_space<vmem>>)
      %dma_wait3A_161 = arith.constant 0 : i32
      %dma_wait3A_162 = tpu.memref_slice %arg3[%add3A_156, %dma_wait3A_161] : memref<16384x1024xf32, #tpu.memory_space<hbm>> -> memref<16x1024xf32, #tpu.memory_space<hbm>>
      %dma_wait3A_163 = arith.constant 0 : i32
      %dma_wait3A_164 = tpu.memref_slice %arg3[%add3A_156, %dma_wait3A_163] : memref<16384x1024xf32, #tpu.memory_space<hbm>> -> memref<16x1024xf32, #tpu.memory_space<hbm>>
      tpu.wait_dma2 semaphore(%arg11 : memref<!tpu.dma_semaphore, #tpu.memory_space<semaphore_mem>>) src(%dma_wait3A_164 : memref<16x1024xf32, #tpu.memory_space<hbm>>) dst(%arg8 : memref<16x1024xf32, #tpu.memory_space<vmem>>)
      %scan3A_165 = arith.constant 0 : i32
      %scan3A_166 = arith.constant 256 : i32
      %scan3A_167 = arith.addi %scan3A_165, %scan3A_166 : i32
      %scan3A_168 = arith.constant 1 : i32
      %scan3A_169:12 = scf.for %scan3A_171 = %scan3A_165 to %scan3A_167 step %scan3A_168 iter_args(%scan3A_172 = %scan3A_133#0, %scan3A_173 = %scan3A_133#1, %scan3A_174 = %scan3A_133#2, %scan3A_175 = %scan3A_133#3, %scan3A_176 = %scan3A_133#4, %scan3A_177 = %scan3A_133#5, %scan3A_178 = %scan3A_133#6, %scan3A_179 = %scan3A_133#7, %scan3A_180 = %scan3A_133#8, %scan3A_181 = %scan3A_133#9, %scan3A_182 = %scan3A_133#10, %scan3A_183 = %scan3A_133#11) -> (vector<16xf32>, vector<16xf32>, vector<16xf32>, vector<16xf32>, vector<16xf32>, vector<16xf32>, vector<16xf32>, vector<16xf32>, vector<16xf32>, vector<16xf32>, vector<16xf32>, vector<16xf32>)  : i32 {
        %mul3A_184 = arith.constant 64 : i32
        %mul3A_185 = arith.muli %scan3A_171, %mul3A_184 : i32
        %add3A_186 = arith.constant 0 : i32
        %add3A_187 = arith.addi %mul3A_185, %add3A_186 : i32
        %shift_right_logical3A = arith.constant 10 : i32
        %shift_right_logical3A_188 = arith.shrui %add3A_187, %shift_right_logical3A : i32
        %and3A = arith.constant 1023 : i32
        %and3A_189 = arith.andi %add3A_187, %and3A : i32
        %get3A = arith.index_cast %shift_right_logical3A_188 : i32 to index
        %get3A_190 = arith.index_cast %and3A_189 : i32 to index
        %get3A_191 = tpu.vector_load %arg7[%get3A, %get3A_190] {strides = array<i32>} : memref<16x1024xf32, #tpu.memory_space<vmem>>, vector<16xf32>,
        %shift_right_logical3A_192 = arith.constant 10 : i32
        %shift_right_logical3A_193 = arith.shrui %add3A_187, %shift_right_logical3A_192 : i32
        %and3A_194 = arith.constant 1023 : i32
        %and3A_195 = arith.andi %add3A_187, %and3A_194 : i32
        %get3A_196 = arith.index_cast %shift_right_logical3A_193 : i32 to index
        %get3A_197 = arith.index_cast %and3A_195 : i32 to index
        %get3A_198 = tpu.vector_load %arg8[%get3A_196, %get3A_197] {strides = array<i32>} : memref<16x1024xf32, #tpu.memory_space<vmem>>, vector<16xf32>,
        %mul3A_199 = arith.mulf %get3A_191, %get3A_198 : vector<16xf32>
        %add3A_200 = arith.addf %scan3A_172, %mul3A_199 : vector<16xf32>
        %add3A_201 = arith.addf %scan3A_173, %get3A_191 : vector<16xf32>
        %add3A_202 = arith.addf %scan3A_174, %get3A_198 : vector<16xf32>
        %mul3A_203 = arith.constant 64 : i32
        %mul3A_204 = arith.muli %scan3A_171, %mul3A_203 : i32
        %add3A_205 = arith.constant 16 : i32
        %add3A_206 = arith.addi %mul3A_204, %add3A_205 : i32
        %shift_right_logical3A_207 = arith.constant 10 : i32
        %shift_right_logical3A_208 = arith.shrui %add3A_206, %shift_right_logical3A_207 : i32
        %and3A_209 = arith.constant 1023 : i32
        %and3A_210 = arith.andi %add3A_206, %and3A_209 : i32
        %get3A_211 = arith.index_cast %shift_right_logical3A_208 : i32 to index
        %get3A_212 = arith.index_cast %and3A_210 : i32 to index
        %get3A_213 = tpu.vector_load %arg7[%get3A_211, %get3A_212] {strides = array<i32>} : memref<16x1024xf32, #tpu.memory_space<vmem>>, vector<16xf32>,
        %shift_right_logical3A_214 = arith.constant 10 : i32
        %shift_right_logical3A_215 = arith.shrui %add3A_206, %shift_right_logical3A_214 : i32
        %and3A_216 = arith.constant 1023 : i32
        %and3A_217 = arith.andi %add3A_206, %and3A_216 : i32
        %get3A_218 = arith.index_cast %shift_right_logical3A_215 : i32 to index
        %get3A_219 = arith.index_cast %and3A_217 : i32 to index
        %get3A_220 = tpu.vector_load %arg8[%get3A_218, %get3A_219] {strides = array<i32>} : memref<16x1024xf32, #tpu.memory_space<vmem>>, vector<16xf32>,
        %mul3A_221 = arith.mulf %get3A_213, %get3A_220 : vector<16xf32>
        %add3A_222 = arith.addf %scan3A_175, %mul3A_221 : vector<16xf32>
        %add3A_223 = arith.addf %scan3A_176, %get3A_213 : vector<16xf32>
        %add3A_224 = arith.addf %scan3A_177, %get3A_220 : vector<16xf32>
        %mul3A_225 = arith.constant 64 : i32
        %mul3A_226 = arith.muli %scan3A_171, %mul3A_225 : i32
        %add3A_227 = arith.constant 32 : i32
        %add3A_228 = arith.addi %mul3A_226, %add3A_227 : i32
        %shift_right_logical3A_229 = arith.constant 10 : i32
        %shift_right_logical3A_230 = arith.shrui %add3A_228, %shift_right_logical3A_229 : i32
        %and3A_231 = arith.constant 1023 : i32
        %and3A_232 = arith.andi %add3A_228, %and3A_231 : i32
        %get3A_233 = arith.index_cast %shift_right_logical3A_230 : i32 to index
        %get3A_234 = arith.index_cast %and3A_232 : i32 to index
        %get3A_235 = tpu.vector_load %arg7[%get3A_233, %get3A_234] {strides = array<i32>} : memref<16x1024xf32, #tpu.memory_space<vmem>>, vector<16xf32>,
        %shift_right_logical3A_236 = arith.constant 10 : i32
        %shift_right_logical3A_237 = arith.shrui %add3A_228, %shift_right_logical3A_236 : i32
        %and3A_238 = arith.constant 1023 : i32
        %and3A_239 = arith.andi %add3A_228, %and3A_238 : i32
        %get3A_240 = arith.index_cast %shift_right_logical3A_237 : i32 to index
        %get3A_241 = arith.index_cast %and3A_239 : i32 to index
        %get3A_242 = tpu.vector_load %arg8[%get3A_240, %get3A_241] {strides = array<i32>} : memref<16x1024xf32, #tpu.memory_space<vmem>>, vector<16xf32>,
        %mul3A_243 = arith.mulf %get3A_235, %get3A_242 : vector<16xf32>
        %add3A_244 = arith.addf %scan3A_178, %mul3A_243 : vector<16xf32>
        %add3A_245 = arith.addf %scan3A_179, %get3A_235 : vector<16xf32>
        %add3A_246 = arith.addf %scan3A_180, %get3A_242 : vector<16xf32>
        %mul3A_247 = arith.constant 64 : i32
        %mul3A_248 = arith.muli %scan3A_171, %mul3A_247 : i32
        %add3A_249 = arith.constant 48 : i32
        %add3A_250 = arith.addi %mul3A_248, %add3A_249 : i32
        %shift_right_logical3A_251 = arith.constant 10 : i32
        %shift_right_logical3A_252 = arith.shrui %add3A_250, %shift_right_logical3A_251 : i32
        %and3A_253 = arith.constant 1023 : i32
        %and3A_254 = arith.andi %add3A_250, %and3A_253 : i32
        %get3A_255 = arith.index_cast %shift_right_logical3A_252 : i32 to index
        %get3A_256 = arith.index_cast %and3A_254 : i32 to index
        %get3A_257 = tpu.vector_load %arg7[%get3A_255, %get3A_256] {strides = array<i32>} : memref<16x1024xf32, #tpu.memory_space<vmem>>, vector<16xf32>,
        %shift_right_logical3A_258 = arith.constant 10 : i32
        %shift_right_logical3A_259 = arith.shrui %add3A_250, %shift_right_logical3A_258 : i32
        %and3A_260 = arith.constant 1023 : i32
        %and3A_261 = arith.andi %add3A_250, %and3A_260 : i32
        %get3A_262 = arith.index_cast %shift_right_logical3A_259 : i32 to index
        %get3A_263 = arith.index_cast %and3A_261 : i32 to index
        %get3A_264 = tpu.vector_load %arg8[%get3A_262, %get3A_263] {strides = array<i32>} : memref<16x1024xf32, #tpu.memory_space<vmem>>, vector<16xf32>,
        %mul3A_265 = arith.mulf %get3A_257, %get3A_264 : vector<16xf32>
        %add3A_266 = arith.addf %scan3A_181, %mul3A_265 : vector<16xf32>
        %add3A_267 = arith.addf %scan3A_182, %get3A_257 : vector<16xf32>
        %add3A_268 = arith.addf %scan3A_183, %get3A_264 : vector<16xf32>
        scf.yield %add3A_200, %add3A_201, %add3A_202, %add3A_222, %add3A_223, %add3A_224, %add3A_244, %add3A_245, %add3A_246, %add3A_266, %add3A_267, %add3A_268 : vector<16xf32>, vector<16xf32>, vector<16xf32>, vector<16xf32>, vector<16xf32>, vector<16xf32>, vector<16xf32>, vector<16xf32>, vector<16xf32>, vector<16xf32>, vector<16xf32>, vector<16xf32>
      }
      %scan3A_170 = arith.constant 256 : i32
      scf.yield %scan3A_169#0, %scan3A_169#1, %scan3A_169#2, %scan3A_169#3, %scan3A_169#4, %scan3A_169#5, %scan3A_169#6, %scan3A_169#7, %scan3A_169#8, %scan3A_169#9, %scan3A_169#10, %scan3A_169#11 : vector<16xf32>, vector<16xf32>, vector<16xf32>, vector<16xf32>, vector<16xf32>, vector<16xf32>, vector<16xf32>, vector<16xf32>, vector<16xf32>, vector<16xf32>, vector<16xf32>, vector<16xf32>
    }
    %scan3A_17 = arith.constant 5 : i32
    %add3A_18 = arith.constant 176 : i32
    %add3A_19 = arith.addi %mul3A_3, %add3A_18 : i32
    %dma_start3A_20 = arith.constant 0 : i32
    %dma_start3A_21 = tpu.memref_slice %arg2[%add3A_19, %dma_start3A_20] : memref<16384x1024xf32, #tpu.memory_space<hbm>> -> memref<16x1024xf32, #tpu.memory_space<hbm>>
    %dma_start3A_22 = arith.constant 0 : i32
    %dma_start3A_23 = tpu.memref_slice %arg2[%add3A_19, %dma_start3A_22] : memref<16384x1024xf32, #tpu.memory_space<hbm>> -> memref<16x1024xf32, #tpu.memory_space<hbm>>
    tpu.enqueue_dma source(%dma_start3A_23 : memref<16x1024xf32, #tpu.memory_space<hbm>>) target(%arg7 : memref<16x1024xf32, #tpu.memory_space<vmem>>) target_semaphore(%arg11 : memref<!tpu.dma_semaphore, #tpu.memory_space<semaphore_mem>>)
    %dma_start3A_24 = arith.constant 0 : i32
    %dma_start3A_25 = tpu.memref_slice %arg3[%add3A_19, %dma_start3A_24] : memref<16384x1024xf32, #tpu.memory_space<hbm>> -> memref<16x1024xf32, #tpu.memory_space<hbm>>
    %dma_start3A_26 = arith.constant 0 : i32
    %dma_start3A_27 = tpu.memref_slice %arg3[%add3A_19, %dma_start3A_26] : memref<16384x1024xf32, #tpu.memory_space<hbm>> -> memref<16x1024xf32, #tpu.memory_space<hbm>>
    tpu.enqueue_dma source(%dma_start3A_27 : memref<16x1024xf32, #tpu.memory_space<hbm>>) target(%arg8 : memref<16x1024xf32, #tpu.memory_space<vmem>>) target_semaphore(%arg11 : memref<!tpu.dma_semaphore, #tpu.memory_space<semaphore_mem>>)
    %add3A_28 = arith.constant 160 : i32
    %add3A_29 = arith.addi %mul3A_3, %add3A_28 : i32
    %dma_wait3A = arith.constant 0 : i32
    %dma_wait3A_30 = tpu.memref_slice %arg2[%add3A_29, %dma_wait3A] : memref<16384x1024xf32, #tpu.memory_space<hbm>> -> memref<16x1024xf32, #tpu.memory_space<hbm>>
    %dma_wait3A_31 = arith.constant 0 : i32
    %dma_wait3A_32 = tpu.memref_slice %arg2[%add3A_29, %dma_wait3A_31] : memref<16384x1024xf32, #tpu.memory_space<hbm>> -> memref<16x1024xf32, #tpu.memory_space<hbm>>
    tpu.wait_dma2 semaphore(%arg10 : memref<!tpu.dma_semaphore, #tpu.memory_space<semaphore_mem>>) src(%dma_wait3A_32 : memref<16x1024xf32, #tpu.memory_space<hbm>>) dst(%arg5 : memref<16x1024xf32, #tpu.memory_space<vmem>>)
    %dma_wait3A_33 = arith.constant 0 : i32
    %dma_wait3A_34 = tpu.memref_slice %arg3[%add3A_29, %dma_wait3A_33] : memref<16384x1024xf32, #tpu.memory_space<hbm>> -> memref<16x1024xf32, #tpu.memory_space<hbm>>
    %dma_wait3A_35 = arith.constant 0 : i32
    %dma_wait3A_36 = tpu.memref_slice %arg3[%add3A_29, %dma_wait3A_35] : memref<16384x1024xf32, #tpu.memory_space<hbm>> -> memref<16x1024xf32, #tpu.memory_space<hbm>>
    tpu.wait_dma2 semaphore(%arg10 : memref<!tpu.dma_semaphore, #tpu.memory_space<semaphore_mem>>) src(%dma_wait3A_36 : memref<16x1024xf32, #tpu.memory_space<hbm>>) dst(%arg6 : memref<16x1024xf32, #tpu.memory_space<vmem>>)
    %scan3A_37 = arith.constant 0 : i32
    %scan3A_38 = arith.constant 256 : i32
    %scan3A_39 = arith.addi %scan3A_37, %scan3A_38 : i32
    %scan3A_40 = arith.constant 1 : i32
    %scan3A_41:12 = scf.for %scan3A_88 = %scan3A_37 to %scan3A_39 step %scan3A_40 iter_args(%scan3A_89 = %scan3A_16#0, %scan3A_90 = %scan3A_16#1, %scan3A_91 = %scan3A_16#2, %scan3A_92 = %scan3A_16#3, %scan3A_93 = %scan3A_16#4, %scan3A_94 = %scan3A_16#5, %scan3A_95 = %scan3A_16#6, %scan3A_96 = %scan3A_16#7, %scan3A_97 = %scan3A_16#8, %scan3A_98 = %scan3A_16#9, %scan3A_99 = %scan3A_16#10, %scan3A_100 = %scan3A_16#11) -> (vector<16xf32>, vector<16xf32>, vector<16xf32>, vector<16xf32>, vector<16xf32>, vector<16xf32>, vector<16xf32>, vector<16xf32>, vector<16xf32>, vector<16xf32>, vector<16xf32>, vector<16xf32>)  : i32 {
      %mul3A_101 = arith.constant 64 : i32
      %mul3A_102 = arith.muli %scan3A_88, %mul3A_101 : i32
      %add3A_103 = arith.constant 0 : i32
      %add3A_104 = arith.addi %mul3A_102, %add3A_103 : i32
      %shift_right_logical3A = arith.constant 10 : i32
      %shift_right_logical3A_105 = arith.shrui %add3A_104, %shift_right_logical3A : i32
      %and3A = arith.constant 1023 : i32
      %and3A_106 = arith.andi %add3A_104, %and3A : i32
      %get3A = arith.index_cast %shift_right_logical3A_105 : i32 to index
      %get3A_107 = arith.index_cast %and3A_106 : i32 to index
      %get3A_108 = tpu.vector_load %arg5[%get3A, %get3A_107] {strides = array<i32>} : memref<16x1024xf32, #tpu.memory_space<vmem>>, vector<16xf32>,
      %shift_right_logical3A_109 = arith.constant 10 : i32
      %shift_right_logical3A_110 = arith.shrui %add3A_104, %shift_right_logical3A_109 : i32
      %and3A_111 = arith.constant 1023 : i32
      %and3A_112 = arith.andi %add3A_104, %and3A_111 : i32
      %get3A_113 = arith.index_cast %shift_right_logical3A_110 : i32 to index
      %get3A_114 = arith.index_cast %and3A_112 : i32 to index
      %get3A_115 = tpu.vector_load %arg6[%get3A_113, %get3A_114] {strides = array<i32>} : memref<16x1024xf32, #tpu.memory_space<vmem>>, vector<16xf32>,
      %mul3A_116 = arith.mulf %get3A_108, %get3A_115 : vector<16xf32>
      %add3A_117 = arith.addf %scan3A_89, %mul3A_116 : vector<16xf32>
      %add3A_118 = arith.addf %scan3A_90, %get3A_108 : vector<16xf32>
      %add3A_119 = arith.addf %scan3A_91, %get3A_115 : vector<16xf32>
      %mul3A_120 = arith.constant 64 : i32
      %mul3A_121 = arith.muli %scan3A_88, %mul3A_120 : i32
      %add3A_122 = arith.constant 16 : i32
      %add3A_123 = arith.addi %mul3A_121, %add3A_122 : i32
      %shift_right_logical3A_124 = arith.constant 10 : i32
      %shift_right_logical3A_125 = arith.shrui %add3A_123, %shift_right_logical3A_124 : i32
      %and3A_126 = arith.constant 1023 : i32
      %and3A_127 = arith.andi %add3A_123, %and3A_126 : i32
      %get3A_128 = arith.index_cast %shift_right_logical3A_125 : i32 to index
      %get3A_129 = arith.index_cast %and3A_127 : i32 to index
      %get3A_130 = tpu.vector_load %arg5[%get3A_128, %get3A_129] {strides = array<i32>} : memref<16x1024xf32, #tpu.memory_space<vmem>>, vector<16xf32>,
      %shift_right_logical3A_131 = arith.constant 10 : i32
      %shift_right_logical3A_132 = arith.shrui %add3A_123, %shift_right_logical3A_131 : i32
      %and3A_133 = arith.constant 1023 : i32
      %and3A_134 = arith.andi %add3A_123, %and3A_133 : i32
      %get3A_135 = arith.index_cast %shift_right_logical3A_132 : i32 to index
      %get3A_136 = arith.index_cast %and3A_134 : i32 to index
      %get3A_137 = tpu.vector_load %arg6[%get3A_135, %get3A_136] {strides = array<i32>} : memref<16x1024xf32, #tpu.memory_space<vmem>>, vector<16xf32>,
      %mul3A_138 = arith.mulf %get3A_130, %get3A_137 : vector<16xf32>
      %add3A_139 = arith.addf %scan3A_92, %mul3A_138 : vector<16xf32>
      %add3A_140 = arith.addf %scan3A_93, %get3A_130 : vector<16xf32>
      %add3A_141 = arith.addf %scan3A_94, %get3A_137 : vector<16xf32>
      %mul3A_142 = arith.constant 64 : i32
      %mul3A_143 = arith.muli %scan3A_88, %mul3A_142 : i32
      %add3A_144 = arith.constant 32 : i32
      %add3A_145 = arith.addi %mul3A_143, %add3A_144 : i32
      %shift_right_logical3A_146 = arith.constant 10 : i32
      %shift_right_logical3A_147 = arith.shrui %add3A_145, %shift_right_logical3A_146 : i32
      %and3A_148 = arith.constant 1023 : i32
      %and3A_149 = arith.andi %add3A_145, %and3A_148 : i32
      %get3A_150 = arith.index_cast %shift_right_logical3A_147 : i32 to index
      %get3A_151 = arith.index_cast %and3A_149 : i32 to index
      %get3A_152 = tpu.vector_load %arg5[%get3A_150, %get3A_151] {strides = array<i32>} : memref<16x1024xf32, #tpu.memory_space<vmem>>, vector<16xf32>,
      %shift_right_logical3A_153 = arith.constant 10 : i32
      %shift_right_logical3A_154 = arith.shrui %add3A_145, %shift_right_logical3A_153 : i32
      %and3A_155 = arith.constant 1023 : i32
      %and3A_156 = arith.andi %add3A_145, %and3A_155 : i32
      %get3A_157 = arith.index_cast %shift_right_logical3A_154 : i32 to index
      %get3A_158 = arith.index_cast %and3A_156 : i32 to index
      %get3A_159 = tpu.vector_load %arg6[%get3A_157, %get3A_158] {strides = array<i32>} : memref<16x1024xf32, #tpu.memory_space<vmem>>, vector<16xf32>,
      %mul3A_160 = arith.mulf %get3A_152, %get3A_159 : vector<16xf32>
      %add3A_161 = arith.addf %scan3A_95, %mul3A_160 : vector<16xf32>
      %add3A_162 = arith.addf %scan3A_96, %get3A_152 : vector<16xf32>
      %add3A_163 = arith.addf %scan3A_97, %get3A_159 : vector<16xf32>
      %mul3A_164 = arith.constant 64 : i32
      %mul3A_165 = arith.muli %scan3A_88, %mul3A_164 : i32
      %add3A_166 = arith.constant 48 : i32
      %add3A_167 = arith.addi %mul3A_165, %add3A_166 : i32
      %shift_right_logical3A_168 = arith.constant 10 : i32
      %shift_right_logical3A_169 = arith.shrui %add3A_167, %shift_right_logical3A_168 : i32
      %and3A_170 = arith.constant 1023 : i32
      %and3A_171 = arith.andi %add3A_167, %and3A_170 : i32
      %get3A_172 = arith.index_cast %shift_right_logical3A_169 : i32 to index
      %get3A_173 = arith.index_cast %and3A_171 : i32 to index
      %get3A_174 = tpu.vector_load %arg5[%get3A_172, %get3A_173] {strides = array<i32>} : memref<16x1024xf32, #tpu.memory_space<vmem>>, vector<16xf32>,
      %shift_right_logical3A_175 = arith.constant 10 : i32
      %shift_right_logical3A_176 = arith.shrui %add3A_167, %shift_right_logical3A_175 : i32
      %and3A_177 = arith.constant 1023 : i32
      %and3A_178 = arith.andi %add3A_167, %and3A_177 : i32
      %get3A_179 = arith.index_cast %shift_right_logical3A_176 : i32 to index
      %get3A_180 = arith.index_cast %and3A_178 : i32 to index
      %get3A_181 = tpu.vector_load %arg6[%get3A_179, %get3A_180] {strides = array<i32>} : memref<16x1024xf32, #tpu.memory_space<vmem>>, vector<16xf32>,
      %mul3A_182 = arith.mulf %get3A_174, %get3A_181 : vector<16xf32>
      %add3A_183 = arith.addf %scan3A_98, %mul3A_182 : vector<16xf32>
      %add3A_184 = arith.addf %scan3A_99, %get3A_174 : vector<16xf32>
      %add3A_185 = arith.addf %scan3A_100, %get3A_181 : vector<16xf32>
      scf.yield %add3A_117, %add3A_118, %add3A_119, %add3A_139, %add3A_140, %add3A_141, %add3A_161, %add3A_162, %add3A_163, %add3A_183, %add3A_184, %add3A_185 : vector<16xf32>, vector<16xf32>, vector<16xf32>, vector<16xf32>, vector<16xf32>, vector<16xf32>, vector<16xf32>, vector<16xf32>, vector<16xf32>, vector<16xf32>, vector<16xf32>, vector<16xf32>
    }
    %scan3A_42 = arith.constant 256 : i32
    %add3A_43 = arith.constant 176 : i32
    %add3A_44 = arith.addi %mul3A_3, %add3A_43 : i32
    %dma_wait3A_45 = arith.constant 0 : i32
    %dma_wait3A_46 = tpu.memref_slice %arg2[%add3A_44, %dma_wait3A_45] : memref<16384x1024xf32, #tpu.memory_space<hbm>> -> memref<16x1024xf32, #tpu.memory_space<hbm>>
    %dma_wait3A_47 = arith.constant 0 : i32
    %dma_wait3A_48 = tpu.memref_slice %arg2[%add3A_44, %dma_wait3A_47] : memref<16384x1024xf32, #tpu.memory_space<hbm>> -> memref<16x1024xf32, #tpu.memory_space<hbm>>
    tpu.wait_dma2 semaphore(%arg11 : memref<!tpu.dma_semaphore, #tpu.memory_space<semaphore_mem>>) src(%dma_wait3A_48 : memref<16x1024xf32, #tpu.memory_space<hbm>>) dst(%arg7 : memref<16x1024xf32, #tpu.memory_space<vmem>>)
    %dma_wait3A_49 = arith.constant 0 : i32
    %dma_wait3A_50 = tpu.memref_slice %arg3[%add3A_44, %dma_wait3A_49] : memref<16384x1024xf32, #tpu.memory_space<hbm>> -> memref<16x1024xf32, #tpu.memory_space<hbm>>
    %dma_wait3A_51 = arith.constant 0 : i32
    %dma_wait3A_52 = tpu.memref_slice %arg3[%add3A_44, %dma_wait3A_51] : memref<16384x1024xf32, #tpu.memory_space<hbm>> -> memref<16x1024xf32, #tpu.memory_space<hbm>>
    tpu.wait_dma2 semaphore(%arg11 : memref<!tpu.dma_semaphore, #tpu.memory_space<semaphore_mem>>) src(%dma_wait3A_52 : memref<16x1024xf32, #tpu.memory_space<hbm>>) dst(%arg8 : memref<16x1024xf32, #tpu.memory_space<vmem>>)
    %scan3A_53 = arith.constant 0 : i32
    %scan3A_54 = arith.constant 256 : i32
    %scan3A_55 = arith.addi %scan3A_53, %scan3A_54 : i32
    %scan3A_56 = arith.constant 1 : i32
    %scan3A_57:12 = scf.for %scan3A_88 = %scan3A_53 to %scan3A_55 step %scan3A_56 iter_args(%scan3A_89 = %scan3A_41#0, %scan3A_90 = %scan3A_41#1, %scan3A_91 = %scan3A_41#2, %scan3A_92 = %scan3A_41#3, %scan3A_93 = %scan3A_41#4, %scan3A_94 = %scan3A_41#5, %scan3A_95 = %scan3A_41#6, %scan3A_96 = %scan3A_41#7, %scan3A_97 = %scan3A_41#8, %scan3A_98 = %scan3A_41#9, %scan3A_99 = %scan3A_41#10, %scan3A_100 = %scan3A_41#11) -> (vector<16xf32>, vector<16xf32>, vector<16xf32>, vector<16xf32>, vector<16xf32>, vector<16xf32>, vector<16xf32>, vector<16xf32>, vector<16xf32>, vector<16xf32>, vector<16xf32>, vector<16xf32>)  : i32 {
      %mul3A_101 = arith.constant 64 : i32
      %mul3A_102 = arith.muli %scan3A_88, %mul3A_101 : i32
      %add3A_103 = arith.constant 0 : i32
      %add3A_104 = arith.addi %mul3A_102, %add3A_103 : i32
      %shift_right_logical3A = arith.constant 10 : i32
      %shift_right_logical3A_105 = arith.shrui %add3A_104, %shift_right_logical3A : i32
      %and3A = arith.constant 1023 : i32
      %and3A_106 = arith.andi %add3A_104, %and3A : i32
      %get3A = arith.index_cast %shift_right_logical3A_105 : i32 to index
      %get3A_107 = arith.index_cast %and3A_106 : i32 to index
      %get3A_108 = tpu.vector_load %arg7[%get3A, %get3A_107] {strides = array<i32>} : memref<16x1024xf32, #tpu.memory_space<vmem>>, vector<16xf32>,
      %shift_right_logical3A_109 = arith.constant 10 : i32
      %shift_right_logical3A_110 = arith.shrui %add3A_104, %shift_right_logical3A_109 : i32
      %and3A_111 = arith.constant 1023 : i32
      %and3A_112 = arith.andi %add3A_104, %and3A_111 : i32
      %get3A_113 = arith.index_cast %shift_right_logical3A_110 : i32 to index
      %get3A_114 = arith.index_cast %and3A_112 : i32 to index
      %get3A_115 = tpu.vector_load %arg8[%get3A_113, %get3A_114] {strides = array<i32>} : memref<16x1024xf32, #tpu.memory_space<vmem>>, vector<16xf32>,
      %mul3A_116 = arith.mulf %get3A_108, %get3A_115 : vector<16xf32>
      %add3A_117 = arith.addf %scan3A_89, %mul3A_116 : vector<16xf32>
      %add3A_118 = arith.addf %scan3A_90, %get3A_108 : vector<16xf32>
      %add3A_119 = arith.addf %scan3A_91, %get3A_115 : vector<16xf32>
      %mul3A_120 = arith.constant 64 : i32
      %mul3A_121 = arith.muli %scan3A_88, %mul3A_120 : i32
      %add3A_122 = arith.constant 16 : i32
      %add3A_123 = arith.addi %mul3A_121, %add3A_122 : i32
      %shift_right_logical3A_124 = arith.constant 10 : i32
      %shift_right_logical3A_125 = arith.shrui %add3A_123, %shift_right_logical3A_124 : i32
      %and3A_126 = arith.constant 1023 : i32
      %and3A_127 = arith.andi %add3A_123, %and3A_126 : i32
      %get3A_128 = arith.index_cast %shift_right_logical3A_125 : i32 to index
      %get3A_129 = arith.index_cast %and3A_127 : i32 to index
      %get3A_130 = tpu.vector_load %arg7[%get3A_128, %get3A_129] {strides = array<i32>} : memref<16x1024xf32, #tpu.memory_space<vmem>>, vector<16xf32>,
      %shift_right_logical3A_131 = arith.constant 10 : i32
      %shift_right_logical3A_132 = arith.shrui %add3A_123, %shift_right_logical3A_131 : i32
      %and3A_133 = arith.constant 1023 : i32
      %and3A_134 = arith.andi %add3A_123, %and3A_133 : i32
      %get3A_135 = arith.index_cast %shift_right_logical3A_132 : i32 to index
      %get3A_136 = arith.index_cast %and3A_134 : i32 to index
      %get3A_137 = tpu.vector_load %arg8[%get3A_135, %get3A_136] {strides = array<i32>} : memref<16x1024xf32, #tpu.memory_space<vmem>>, vector<16xf32>,
      %mul3A_138 = arith.mulf %get3A_130, %get3A_137 : vector<16xf32>
      %add3A_139 = arith.addf %scan3A_92, %mul3A_138 : vector<16xf32>
      %add3A_140 = arith.addf %scan3A_93, %get3A_130 : vector<16xf32>
      %add3A_141 = arith.addf %scan3A_94, %get3A_137 : vector<16xf32>
      %mul3A_142 = arith.constant 64 : i32
      %mul3A_143 = arith.muli %scan3A_88, %mul3A_142 : i32
      %add3A_144 = arith.constant 32 : i32
      %add3A_145 = arith.addi %mul3A_143, %add3A_144 : i32
      %shift_right_logical3A_146 = arith.constant 10 : i32
      %shift_right_logical3A_147 = arith.shrui %add3A_145, %shift_right_logical3A_146 : i32
      %and3A_148 = arith.constant 1023 : i32
      %and3A_149 = arith.andi %add3A_145, %and3A_148 : i32
      %get3A_150 = arith.index_cast %shift_right_logical3A_147 : i32 to index
      %get3A_151 = arith.index_cast %and3A_149 : i32 to index
      %get3A_152 = tpu.vector_load %arg7[%get3A_150, %get3A_151] {strides = array<i32>} : memref<16x1024xf32, #tpu.memory_space<vmem>>, vector<16xf32>,
      %shift_right_logical3A_153 = arith.constant 10 : i32
      %shift_right_logical3A_154 = arith.shrui %add3A_145, %shift_right_logical3A_153 : i32
      %and3A_155 = arith.constant 1023 : i32
      %and3A_156 = arith.andi %add3A_145, %and3A_155 : i32
      %get3A_157 = arith.index_cast %shift_right_logical3A_154 : i32 to index
      %get3A_158 = arith.index_cast %and3A_156 : i32 to index
      %get3A_159 = tpu.vector_load %arg8[%get3A_157, %get3A_158] {strides = array<i32>} : memref<16x1024xf32, #tpu.memory_space<vmem>>, vector<16xf32>,
      %mul3A_160 = arith.mulf %get3A_152, %get3A_159 : vector<16xf32>
      %add3A_161 = arith.addf %scan3A_95, %mul3A_160 : vector<16xf32>
      %add3A_162 = arith.addf %scan3A_96, %get3A_152 : vector<16xf32>
      %add3A_163 = arith.addf %scan3A_97, %get3A_159 : vector<16xf32>
      %mul3A_164 = arith.constant 64 : i32
      %mul3A_165 = arith.muli %scan3A_88, %mul3A_164 : i32
      %add3A_166 = arith.constant 48 : i32
      %add3A_167 = arith.addi %mul3A_165, %add3A_166 : i32
      %shift_right_logical3A_168 = arith.constant 10 : i32
      %shift_right_logical3A_169 = arith.shrui %add3A_167, %shift_right_logical3A_168 : i32
      %and3A_170 = arith.constant 1023 : i32
      %and3A_171 = arith.andi %add3A_167, %and3A_170 : i32
      %get3A_172 = arith.index_cast %shift_right_logical3A_169 : i32 to index
      %get3A_173 = arith.index_cast %and3A_171 : i32 to index
      %get3A_174 = tpu.vector_load %arg7[%get3A_172, %get3A_173] {strides = array<i32>} : memref<16x1024xf32, #tpu.memory_space<vmem>>, vector<16xf32>,
      %shift_right_logical3A_175 = arith.constant 10 : i32
      %shift_right_logical3A_176 = arith.shrui %add3A_167, %shift_right_logical3A_175 : i32
      %and3A_177 = arith.constant 1023 : i32
      %and3A_178 = arith.andi %add3A_167, %and3A_177 : i32
      %get3A_179 = arith.index_cast %shift_right_logical3A_176 : i32 to index
      %get3A_180 = arith.index_cast %and3A_178 : i32 to index
      %get3A_181 = tpu.vector_load %arg8[%get3A_179, %get3A_180] {strides = array<i32>} : memref<16x1024xf32, #tpu.memory_space<vmem>>, vector<16xf32>,
      %mul3A_182 = arith.mulf %get3A_174, %get3A_181 : vector<16xf32>
      %add3A_183 = arith.addf %scan3A_98, %mul3A_182 : vector<16xf32>
      %add3A_184 = arith.addf %scan3A_99, %get3A_174 : vector<16xf32>
      %add3A_185 = arith.addf %scan3A_100, %get3A_181 : vector<16xf32>
      scf.yield %add3A_117, %add3A_118, %add3A_119, %add3A_139, %add3A_140, %add3A_141, %add3A_161, %add3A_162, %add3A_163, %add3A_183, %add3A_184, %add3A_185 : vector<16xf32>, vector<16xf32>, vector<16xf32>, vector<16xf32>, vector<16xf32>, vector<16xf32>, vector<16xf32>, vector<16xf32>, vector<16xf32>, vector<16xf32>, vector<16xf32>, vector<16xf32>
    }
    %scan3A_58 = arith.constant 256 : i32
    %add3A_59 = arith.addf %scan3A_57#0, %scan3A_57#3 : vector<16xf32>
    %add3A_60 = arith.addf %add3A_59, %scan3A_57#6 : vector<16xf32>
    %add3A_61 = arith.addf %add3A_60, %scan3A_57#9 : vector<16xf32>
    %swap3A = arith.constant 0 : i32
    %swap3A_62 = arith.index_cast %swap3A : i32 to index
    %swap3A_63 = arith.constant 0 : index
    %swap3A_64 = tpu.vector_load %arg9[%swap3A_62, %swap3A_63] {strides = array<i32>} : memref<4x16xf32, #tpu.memory_space<vmem>>, vector<16xf32>,
    tpu.vector_store %arg9[%swap3A_62, %swap3A_63], %add3A_61 {strides = array<i32>} : memref<4x16xf32, #tpu.memory_space<vmem>>, vector<16xf32>,
    %add3A_65 = arith.addf %scan3A_57#1, %scan3A_57#4 : vector<16xf32>
    %add3A_66 = arith.addf %add3A_65, %scan3A_57#7 : vector<16xf32>
    %add3A_67 = arith.addf %add3A_66, %scan3A_57#10 : vector<16xf32>
    %swap3A_68 = arith.constant 1 : i32
    %swap3A_69 = arith.index_cast %swap3A_68 : i32 to index
    %swap3A_70 = arith.constant 0 : index
    %swap3A_71 = tpu.vector_load %arg9[%swap3A_69, %swap3A_70] {strides = array<i32>} : memref<4x16xf32, #tpu.memory_space<vmem>>, vector<16xf32>,
    tpu.vector_store %arg9[%swap3A_69, %swap3A_70], %add3A_67 {strides = array<i32>} : memref<4x16xf32, #tpu.memory_space<vmem>>, vector<16xf32>,
    %add3A_72 = arith.addf %scan3A_57#2, %scan3A_57#5 : vector<16xf32>
    %add3A_73 = arith.addf %add3A_72, %scan3A_57#8 : vector<16xf32>
    %add3A_74 = arith.addf %add3A_73, %scan3A_57#11 : vector<16xf32>
    %swap3A_75 = arith.constant 2 : i32
    %swap3A_76 = arith.index_cast %swap3A_75 : i32 to index
    %swap3A_77 = arith.constant 0 : index
    %swap3A_78 = tpu.vector_load %arg9[%swap3A_76, %swap3A_77] {strides = array<i32>} : memref<4x16xf32, #tpu.memory_space<vmem>>, vector<16xf32>,
    tpu.vector_store %arg9[%swap3A_76, %swap3A_77], %add3A_74 {strides = array<i32>} : memref<4x16xf32, #tpu.memory_space<vmem>>, vector<16xf32>,
    %broadcast_in_dim3A_79 = arith.constant 0.000000e+00 : f32
    %broadcast_in_dim3A_80 = vector.broadcast %broadcast_in_dim3A_79 : f32 to vector<16xf32>
    %swap3A_81 = arith.constant 3 : i32
    %swap3A_82 = arith.index_cast %swap3A_81 : i32 to index
    %swap3A_83 = arith.constant 0 : index
    %swap3A_84 = tpu.vector_load %arg9[%swap3A_82, %swap3A_83] {strides = array<i32>} : memref<4x16xf32, #tpu.memory_space<vmem>>, vector<16xf32>,
    tpu.vector_store %arg9[%swap3A_82, %swap3A_83], %broadcast_in_dim3A_80 {strides = array<i32>} : memref<4x16xf32, #tpu.memory_space<vmem>>, vector<16xf32>,
    %mul3A_85 = arith.constant 2 : i32
    %mul3A_86 = arith.muli %arg1, %mul3A_85 : i32
    %add3A_87 = arith.addi %mul3A_86, %arg0 : i32
    "tpu.region"() ({
      %run_scoped3A = tpu.sem_alloc : memref<!tpu.dma_semaphore, #tpu.memory_space<semaphore_mem>>
      %dma_start3A_88 = arith.constant 0 : i32
      %dma_start3A_89 = arith.constant 0 : i32
      %dma_start3A_90 = tpu.memref_slice %arg4[%add3A_87, %dma_start3A_88, %dma_start3A_89] : memref<32x4x16xf32, #tpu.memory_space<hbm>> -> memref<1x4x16xf32, #tpu.memory_space<hbm>>
      %dma_start3A_91 = tpu.memref_squeeze %dma_start3A_90 : memref<1x4x16xf32, #tpu.memory_space<hbm>> -> memref<4x16xf32, #tpu.memory_space<hbm>>
      %dma_start3A_92 = arith.constant 0 : i32
      %dma_start3A_93 = arith.constant 0 : i32
      %dma_start3A_94 = tpu.memref_slice %arg4[%add3A_87, %dma_start3A_92, %dma_start3A_93] : memref<32x4x16xf32, #tpu.memory_space<hbm>> -> memref<1x4x16xf32, #tpu.memory_space<hbm>>
      %dma_start3A_95 = tpu.memref_squeeze %dma_start3A_94 : memref<1x4x16xf32, #tpu.memory_space<hbm>> -> memref<4x16xf32, #tpu.memory_space<hbm>>
      tpu.enqueue_dma source(%arg9 : memref<4x16xf32, #tpu.memory_space<vmem>>) target(%dma_start3A_95 : memref<4x16xf32, #tpu.memory_space<hbm>>) target_semaphore(%run_scoped3A : memref<!tpu.dma_semaphore, #tpu.memory_space<semaphore_mem>>)
      %dma_wait3A_96 = arith.constant 0 : i32
      %dma_wait3A_97 = arith.constant 0 : i32
      %dma_wait3A_98 = tpu.memref_slice %arg4[%add3A_87, %dma_wait3A_96, %dma_wait3A_97] : memref<32x4x16xf32, #tpu.memory_space<hbm>> -> memref<1x4x16xf32, #tpu.memory_space<hbm>>
      %dma_wait3A_99 = tpu.memref_squeeze %dma_wait3A_98 : memref<1x4x16xf32, #tpu.memory_space<hbm>> -> memref<4x16xf32, #tpu.memory_space<hbm>>
      %dma_wait3A_100 = arith.constant 0 : i32
      %dma_wait3A_101 = arith.constant 0 : i32
      %dma_wait3A_102 = tpu.memref_slice %arg4[%add3A_87, %dma_wait3A_100, %dma_wait3A_101] : memref<32x4x16xf32, #tpu.memory_space<hbm>> -> memref<1x4x16xf32, #tpu.memory_space<hbm>>
      %dma_wait3A_103 = tpu.memref_squeeze %dma_wait3A_102 : memref<1x4x16xf32, #tpu.memory_space<hbm>> -> memref<4x16xf32, #tpu.memory_space<hbm>>
      tpu.wait_dma2 semaphore(%run_scoped3A : memref<!tpu.dma_semaphore, #tpu.memory_space<semaphore_mem>>) src(%arg9 : memref<4x16xf32, #tpu.memory_space<vmem>>) dst(%dma_wait3A_103 : memref<4x16xf32, #tpu.memory_space<hbm>>)
      tpu.yield
    }) : () -> ()
    return
  }
}

module attributes {stable_mosaic.version = 14 : i64} {
  func.func @_tc1_body(%arg0: i32, %arg1: memref<512x1024xf32, #tpu.memory_space<vmem>>, %arg2: memref<512x1024xf32, #tpu.memory_space<vmem>>, %arg3: memref<24x1024xf32, #tpu.memory_space<vmem>>) attributes {dimension_semantics = [#tpu.dimension_semantics<arbitrary>], iteration_bounds = array<i64: 20>, scalar_prefetch = 0 : i64, scratch_operands = 0 : i64, tpu.core_type = #tpu.core_type<tc>, window_params = [{transform_indices = @transform_0, window_bounds = array<i64: 512, 1024>}, {transform_indices = @transform_1, window_bounds = array<i64: 512, 1024>}, {pipeline_mode = #tpu.pipeline_mode<synchronous>, transform_indices = @transform_2, window_bounds = array<i64: 24, 1024>}]} {
    %eq3A = arith.constant 0 : i32
    %eq3A_0 = arith.cmpi eq, %arg0, %eq3A : i32
    %convert_element_type3A = arith.extui %eq3A_0 : i1 to i32
    %cond3A = arith.constant 0 : i32
    %cond3A_1 = arith.cmpi ne, %convert_element_type3A, %cond3A : i32
    scf.if %cond3A_1 {
      %broadcast_in_dim3A = arith.constant 0.000000e+00 : f32
      %broadcast_in_dim3A_406 = vector.broadcast %broadcast_in_dim3A : f32 to vector<24x1024xf32>
      %swap3A_407 = arith.constant 0 : index
      %swap3A_408 = arith.constant 0 : index
      %swap3A_409 = vector.load %arg3[%swap3A_407, %swap3A_408] : memref<24x1024xf32, #tpu.memory_space<vmem>>, vector<24x1024xf32>
      tpu.vector_store %arg3[%swap3A_407, %swap3A_408], %broadcast_in_dim3A_406 {strides = array<i32>} : memref<24x1024xf32, #tpu.memory_space<vmem>>, vector<24x1024xf32>,
    } else {
    }
    %get3A = arith.constant 0 : index
    %get3A_2 = arith.constant 0 : index
    %get3A_3 = vector.load %arg1[%get3A, %get3A_2] : memref<512x1024xf32, #tpu.memory_space<vmem>>, vector<512x1024xf32>
    %get3A_4 = arith.constant 0 : index
    %get3A_5 = arith.constant 0 : index
    %get3A_6 = vector.load %arg2[%get3A_4, %get3A_5] : memref<512x1024xf32, #tpu.memory_space<vmem>>, vector<512x1024xf32>
    %mul3A = arith.mulf %get3A_3, %get3A_6 : vector<512x1024xf32>
    %slice3A = vector.extract_strided_slice %mul3A {offsets = [0, 0], sizes = [8, 1024], strides = [1, 1]} : vector<512x1024xf32> to vector<8x1024xf32>
    %slice3A_7 = vector.extract_strided_slice %mul3A {offsets = [8, 0], sizes = [8, 1024], strides = [1, 1]} : vector<512x1024xf32> to vector<8x1024xf32>
    %add3A = arith.addf %slice3A, %slice3A_7 : vector<8x1024xf32>
    %slice3A_8 = vector.extract_strided_slice %mul3A {offsets = [16, 0], sizes = [8, 1024], strides = [1, 1]} : vector<512x1024xf32> to vector<8x1024xf32>
    %add3A_9 = arith.addf %add3A, %slice3A_8 : vector<8x1024xf32>
    %slice3A_10 = vector.extract_strided_slice %mul3A {offsets = [24, 0], sizes = [8, 1024], strides = [1, 1]} : vector<512x1024xf32> to vector<8x1024xf32>
    %add3A_11 = arith.addf %add3A_9, %slice3A_10 : vector<8x1024xf32>
    %slice3A_12 = vector.extract_strided_slice %mul3A {offsets = [32, 0], sizes = [8, 1024], strides = [1, 1]} : vector<512x1024xf32> to vector<8x1024xf32>
    %add3A_13 = arith.addf %add3A_11, %slice3A_12 : vector<8x1024xf32>
    %slice3A_14 = vector.extract_strided_slice %mul3A {offsets = [40, 0], sizes = [8, 1024], strides = [1, 1]} : vector<512x1024xf32> to vector<8x1024xf32>
    %add3A_15 = arith.addf %add3A_13, %slice3A_14 : vector<8x1024xf32>
    %slice3A_16 = vector.extract_strided_slice %mul3A {offsets = [48, 0], sizes = [8, 1024], strides = [1, 1]} : vector<512x1024xf32> to vector<8x1024xf32>
    %add3A_17 = arith.addf %add3A_15, %slice3A_16 : vector<8x1024xf32>
    %slice3A_18 = vector.extract_strided_slice %mul3A {offsets = [56, 0], sizes = [8, 1024], strides = [1, 1]} : vector<512x1024xf32> to vector<8x1024xf32>
    %add3A_19 = arith.addf %add3A_17, %slice3A_18 : vector<8x1024xf32>
    %slice3A_20 = vector.extract_strided_slice %mul3A {offsets = [64, 0], sizes = [8, 1024], strides = [1, 1]} : vector<512x1024xf32> to vector<8x1024xf32>
    %add3A_21 = arith.addf %add3A_19, %slice3A_20 : vector<8x1024xf32>
    %slice3A_22 = vector.extract_strided_slice %mul3A {offsets = [72, 0], sizes = [8, 1024], strides = [1, 1]} : vector<512x1024xf32> to vector<8x1024xf32>
    %add3A_23 = arith.addf %add3A_21, %slice3A_22 : vector<8x1024xf32>
    %slice3A_24 = vector.extract_strided_slice %mul3A {offsets = [80, 0], sizes = [8, 1024], strides = [1, 1]} : vector<512x1024xf32> to vector<8x1024xf32>
    %add3A_25 = arith.addf %add3A_23, %slice3A_24 : vector<8x1024xf32>
    %slice3A_26 = vector.extract_strided_slice %mul3A {offsets = [88, 0], sizes = [8, 1024], strides = [1, 1]} : vector<512x1024xf32> to vector<8x1024xf32>
    %add3A_27 = arith.addf %add3A_25, %slice3A_26 : vector<8x1024xf32>
    %slice3A_28 = vector.extract_strided_slice %mul3A {offsets = [96, 0], sizes = [8, 1024], strides = [1, 1]} : vector<512x1024xf32> to vector<8x1024xf32>
    %add3A_29 = arith.addf %add3A_27, %slice3A_28 : vector<8x1024xf32>
    %slice3A_30 = vector.extract_strided_slice %mul3A {offsets = [104, 0], sizes = [8, 1024], strides = [1, 1]} : vector<512x1024xf32> to vector<8x1024xf32>
    %add3A_31 = arith.addf %add3A_29, %slice3A_30 : vector<8x1024xf32>
    %slice3A_32 = vector.extract_strided_slice %mul3A {offsets = [112, 0], sizes = [8, 1024], strides = [1, 1]} : vector<512x1024xf32> to vector<8x1024xf32>
    %add3A_33 = arith.addf %add3A_31, %slice3A_32 : vector<8x1024xf32>
    %slice3A_34 = vector.extract_strided_slice %mul3A {offsets = [120, 0], sizes = [8, 1024], strides = [1, 1]} : vector<512x1024xf32> to vector<8x1024xf32>
    %add3A_35 = arith.addf %add3A_33, %slice3A_34 : vector<8x1024xf32>
    %slice3A_36 = vector.extract_strided_slice %mul3A {offsets = [128, 0], sizes = [8, 1024], strides = [1, 1]} : vector<512x1024xf32> to vector<8x1024xf32>
    %add3A_37 = arith.addf %add3A_35, %slice3A_36 : vector<8x1024xf32>
    %slice3A_38 = vector.extract_strided_slice %mul3A {offsets = [136, 0], sizes = [8, 1024], strides = [1, 1]} : vector<512x1024xf32> to vector<8x1024xf32>
    %add3A_39 = arith.addf %add3A_37, %slice3A_38 : vector<8x1024xf32>
    %slice3A_40 = vector.extract_strided_slice %mul3A {offsets = [144, 0], sizes = [8, 1024], strides = [1, 1]} : vector<512x1024xf32> to vector<8x1024xf32>
    %add3A_41 = arith.addf %add3A_39, %slice3A_40 : vector<8x1024xf32>
    %slice3A_42 = vector.extract_strided_slice %mul3A {offsets = [152, 0], sizes = [8, 1024], strides = [1, 1]} : vector<512x1024xf32> to vector<8x1024xf32>
    %add3A_43 = arith.addf %add3A_41, %slice3A_42 : vector<8x1024xf32>
    %slice3A_44 = vector.extract_strided_slice %mul3A {offsets = [160, 0], sizes = [8, 1024], strides = [1, 1]} : vector<512x1024xf32> to vector<8x1024xf32>
    %add3A_45 = arith.addf %add3A_43, %slice3A_44 : vector<8x1024xf32>
    %slice3A_46 = vector.extract_strided_slice %mul3A {offsets = [168, 0], sizes = [8, 1024], strides = [1, 1]} : vector<512x1024xf32> to vector<8x1024xf32>
    %add3A_47 = arith.addf %add3A_45, %slice3A_46 : vector<8x1024xf32>
    %slice3A_48 = vector.extract_strided_slice %mul3A {offsets = [176, 0], sizes = [8, 1024], strides = [1, 1]} : vector<512x1024xf32> to vector<8x1024xf32>
    %add3A_49 = arith.addf %add3A_47, %slice3A_48 : vector<8x1024xf32>
    %slice3A_50 = vector.extract_strided_slice %mul3A {offsets = [184, 0], sizes = [8, 1024], strides = [1, 1]} : vector<512x1024xf32> to vector<8x1024xf32>
    %add3A_51 = arith.addf %add3A_49, %slice3A_50 : vector<8x1024xf32>
    %slice3A_52 = vector.extract_strided_slice %mul3A {offsets = [192, 0], sizes = [8, 1024], strides = [1, 1]} : vector<512x1024xf32> to vector<8x1024xf32>
    %add3A_53 = arith.addf %add3A_51, %slice3A_52 : vector<8x1024xf32>
    %slice3A_54 = vector.extract_strided_slice %mul3A {offsets = [200, 0], sizes = [8, 1024], strides = [1, 1]} : vector<512x1024xf32> to vector<8x1024xf32>
    %add3A_55 = arith.addf %add3A_53, %slice3A_54 : vector<8x1024xf32>
    %slice3A_56 = vector.extract_strided_slice %mul3A {offsets = [208, 0], sizes = [8, 1024], strides = [1, 1]} : vector<512x1024xf32> to vector<8x1024xf32>
    %add3A_57 = arith.addf %add3A_55, %slice3A_56 : vector<8x1024xf32>
    %slice3A_58 = vector.extract_strided_slice %mul3A {offsets = [216, 0], sizes = [8, 1024], strides = [1, 1]} : vector<512x1024xf32> to vector<8x1024xf32>
    %add3A_59 = arith.addf %add3A_57, %slice3A_58 : vector<8x1024xf32>
    %slice3A_60 = vector.extract_strided_slice %mul3A {offsets = [224, 0], sizes = [8, 1024], strides = [1, 1]} : vector<512x1024xf32> to vector<8x1024xf32>
    %add3A_61 = arith.addf %add3A_59, %slice3A_60 : vector<8x1024xf32>
    %slice3A_62 = vector.extract_strided_slice %mul3A {offsets = [232, 0], sizes = [8, 1024], strides = [1, 1]} : vector<512x1024xf32> to vector<8x1024xf32>
    %add3A_63 = arith.addf %add3A_61, %slice3A_62 : vector<8x1024xf32>
    %slice3A_64 = vector.extract_strided_slice %mul3A {offsets = [240, 0], sizes = [8, 1024], strides = [1, 1]} : vector<512x1024xf32> to vector<8x1024xf32>
    %add3A_65 = arith.addf %add3A_63, %slice3A_64 : vector<8x1024xf32>
    %slice3A_66 = vector.extract_strided_slice %mul3A {offsets = [248, 0], sizes = [8, 1024], strides = [1, 1]} : vector<512x1024xf32> to vector<8x1024xf32>
    %add3A_67 = arith.addf %add3A_65, %slice3A_66 : vector<8x1024xf32>
    %slice3A_68 = vector.extract_strided_slice %mul3A {offsets = [256, 0], sizes = [8, 1024], strides = [1, 1]} : vector<512x1024xf32> to vector<8x1024xf32>
    %add3A_69 = arith.addf %add3A_67, %slice3A_68 : vector<8x1024xf32>
    %slice3A_70 = vector.extract_strided_slice %mul3A {offsets = [264, 0], sizes = [8, 1024], strides = [1, 1]} : vector<512x1024xf32> to vector<8x1024xf32>
    %add3A_71 = arith.addf %add3A_69, %slice3A_70 : vector<8x1024xf32>
    %slice3A_72 = vector.extract_strided_slice %mul3A {offsets = [272, 0], sizes = [8, 1024], strides = [1, 1]} : vector<512x1024xf32> to vector<8x1024xf32>
    %add3A_73 = arith.addf %add3A_71, %slice3A_72 : vector<8x1024xf32>
    %slice3A_74 = vector.extract_strided_slice %mul3A {offsets = [280, 0], sizes = [8, 1024], strides = [1, 1]} : vector<512x1024xf32> to vector<8x1024xf32>
    %add3A_75 = arith.addf %add3A_73, %slice3A_74 : vector<8x1024xf32>
    %slice3A_76 = vector.extract_strided_slice %mul3A {offsets = [288, 0], sizes = [8, 1024], strides = [1, 1]} : vector<512x1024xf32> to vector<8x1024xf32>
    %add3A_77 = arith.addf %add3A_75, %slice3A_76 : vector<8x1024xf32>
    %slice3A_78 = vector.extract_strided_slice %mul3A {offsets = [296, 0], sizes = [8, 1024], strides = [1, 1]} : vector<512x1024xf32> to vector<8x1024xf32>
    %add3A_79 = arith.addf %add3A_77, %slice3A_78 : vector<8x1024xf32>
    %slice3A_80 = vector.extract_strided_slice %mul3A {offsets = [304, 0], sizes = [8, 1024], strides = [1, 1]} : vector<512x1024xf32> to vector<8x1024xf32>
    %add3A_81 = arith.addf %add3A_79, %slice3A_80 : vector<8x1024xf32>
    %slice3A_82 = vector.extract_strided_slice %mul3A {offsets = [312, 0], sizes = [8, 1024], strides = [1, 1]} : vector<512x1024xf32> to vector<8x1024xf32>
    %add3A_83 = arith.addf %add3A_81, %slice3A_82 : vector<8x1024xf32>
    %slice3A_84 = vector.extract_strided_slice %mul3A {offsets = [320, 0], sizes = [8, 1024], strides = [1, 1]} : vector<512x1024xf32> to vector<8x1024xf32>
    %add3A_85 = arith.addf %add3A_83, %slice3A_84 : vector<8x1024xf32>
    %slice3A_86 = vector.extract_strided_slice %mul3A {offsets = [328, 0], sizes = [8, 1024], strides = [1, 1]} : vector<512x1024xf32> to vector<8x1024xf32>
    %add3A_87 = arith.addf %add3A_85, %slice3A_86 : vector<8x1024xf32>
    %slice3A_88 = vector.extract_strided_slice %mul3A {offsets = [336, 0], sizes = [8, 1024], strides = [1, 1]} : vector<512x1024xf32> to vector<8x1024xf32>
    %add3A_89 = arith.addf %add3A_87, %slice3A_88 : vector<8x1024xf32>
    %slice3A_90 = vector.extract_strided_slice %mul3A {offsets = [344, 0], sizes = [8, 1024], strides = [1, 1]} : vector<512x1024xf32> to vector<8x1024xf32>
    %add3A_91 = arith.addf %add3A_89, %slice3A_90 : vector<8x1024xf32>
    %slice3A_92 = vector.extract_strided_slice %mul3A {offsets = [352, 0], sizes = [8, 1024], strides = [1, 1]} : vector<512x1024xf32> to vector<8x1024xf32>
    %add3A_93 = arith.addf %add3A_91, %slice3A_92 : vector<8x1024xf32>
    %slice3A_94 = vector.extract_strided_slice %mul3A {offsets = [360, 0], sizes = [8, 1024], strides = [1, 1]} : vector<512x1024xf32> to vector<8x1024xf32>
    %add3A_95 = arith.addf %add3A_93, %slice3A_94 : vector<8x1024xf32>
    %slice3A_96 = vector.extract_strided_slice %mul3A {offsets = [368, 0], sizes = [8, 1024], strides = [1, 1]} : vector<512x1024xf32> to vector<8x1024xf32>
    %add3A_97 = arith.addf %add3A_95, %slice3A_96 : vector<8x1024xf32>
    %slice3A_98 = vector.extract_strided_slice %mul3A {offsets = [376, 0], sizes = [8, 1024], strides = [1, 1]} : vector<512x1024xf32> to vector<8x1024xf32>
    %add3A_99 = arith.addf %add3A_97, %slice3A_98 : vector<8x1024xf32>
    %slice3A_100 = vector.extract_strided_slice %mul3A {offsets = [384, 0], sizes = [8, 1024], strides = [1, 1]} : vector<512x1024xf32> to vector<8x1024xf32>
    %add3A_101 = arith.addf %add3A_99, %slice3A_100 : vector<8x1024xf32>
    %slice3A_102 = vector.extract_strided_slice %mul3A {offsets = [392, 0], sizes = [8, 1024], strides = [1, 1]} : vector<512x1024xf32> to vector<8x1024xf32>
    %add3A_103 = arith.addf %add3A_101, %slice3A_102 : vector<8x1024xf32>
    %slice3A_104 = vector.extract_strided_slice %mul3A {offsets = [400, 0], sizes = [8, 1024], strides = [1, 1]} : vector<512x1024xf32> to vector<8x1024xf32>
    %add3A_105 = arith.addf %add3A_103, %slice3A_104 : vector<8x1024xf32>
    %slice3A_106 = vector.extract_strided_slice %mul3A {offsets = [408, 0], sizes = [8, 1024], strides = [1, 1]} : vector<512x1024xf32> to vector<8x1024xf32>
    %add3A_107 = arith.addf %add3A_105, %slice3A_106 : vector<8x1024xf32>
    %slice3A_108 = vector.extract_strided_slice %mul3A {offsets = [416, 0], sizes = [8, 1024], strides = [1, 1]} : vector<512x1024xf32> to vector<8x1024xf32>
    %add3A_109 = arith.addf %add3A_107, %slice3A_108 : vector<8x1024xf32>
    %slice3A_110 = vector.extract_strided_slice %mul3A {offsets = [424, 0], sizes = [8, 1024], strides = [1, 1]} : vector<512x1024xf32> to vector<8x1024xf32>
    %add3A_111 = arith.addf %add3A_109, %slice3A_110 : vector<8x1024xf32>
    %slice3A_112 = vector.extract_strided_slice %mul3A {offsets = [432, 0], sizes = [8, 1024], strides = [1, 1]} : vector<512x1024xf32> to vector<8x1024xf32>
    %add3A_113 = arith.addf %add3A_111, %slice3A_112 : vector<8x1024xf32>
    %slice3A_114 = vector.extract_strided_slice %mul3A {offsets = [440, 0], sizes = [8, 1024], strides = [1, 1]} : vector<512x1024xf32> to vector<8x1024xf32>
    %add3A_115 = arith.addf %add3A_113, %slice3A_114 : vector<8x1024xf32>
    %slice3A_116 = vector.extract_strided_slice %mul3A {offsets = [448, 0], sizes = [8, 1024], strides = [1, 1]} : vector<512x1024xf32> to vector<8x1024xf32>
    %add3A_117 = arith.addf %add3A_115, %slice3A_116 : vector<8x1024xf32>
    %slice3A_118 = vector.extract_strided_slice %mul3A {offsets = [456, 0], sizes = [8, 1024], strides = [1, 1]} : vector<512x1024xf32> to vector<8x1024xf32>
    %add3A_119 = arith.addf %add3A_117, %slice3A_118 : vector<8x1024xf32>
    %slice3A_120 = vector.extract_strided_slice %mul3A {offsets = [464, 0], sizes = [8, 1024], strides = [1, 1]} : vector<512x1024xf32> to vector<8x1024xf32>
    %add3A_121 = arith.addf %add3A_119, %slice3A_120 : vector<8x1024xf32>
    %slice3A_122 = vector.extract_strided_slice %mul3A {offsets = [472, 0], sizes = [8, 1024], strides = [1, 1]} : vector<512x1024xf32> to vector<8x1024xf32>
    %add3A_123 = arith.addf %add3A_121, %slice3A_122 : vector<8x1024xf32>
    %slice3A_124 = vector.extract_strided_slice %mul3A {offsets = [480, 0], sizes = [8, 1024], strides = [1, 1]} : vector<512x1024xf32> to vector<8x1024xf32>
    %add3A_125 = arith.addf %add3A_123, %slice3A_124 : vector<8x1024xf32>
    %slice3A_126 = vector.extract_strided_slice %mul3A {offsets = [488, 0], sizes = [8, 1024], strides = [1, 1]} : vector<512x1024xf32> to vector<8x1024xf32>
    %add3A_127 = arith.addf %add3A_125, %slice3A_126 : vector<8x1024xf32>
    %slice3A_128 = vector.extract_strided_slice %mul3A {offsets = [496, 0], sizes = [8, 1024], strides = [1, 1]} : vector<512x1024xf32> to vector<8x1024xf32>
    %add3A_129 = arith.addf %add3A_127, %slice3A_128 : vector<8x1024xf32>
    %slice3A_130 = vector.extract_strided_slice %mul3A {offsets = [504, 0], sizes = [8, 1024], strides = [1, 1]} : vector<512x1024xf32> to vector<8x1024xf32>
    %add3A_131 = arith.addf %add3A_129, %slice3A_130 : vector<8x1024xf32>
    %get3A_132 = arith.constant 0 : index
    %get3A_133 = arith.constant 0 : index
    %get3A_134 = vector.load %arg3[%get3A_132, %get3A_133] : memref<24x1024xf32, #tpu.memory_space<vmem>>, vector<8x1024xf32>
    %add3A_135 = arith.addf %get3A_134, %add3A_131 : vector<8x1024xf32>
    %swap3A = arith.constant 0 : index
    %swap3A_136 = arith.constant 0 : index
    %swap3A_137 = vector.load %arg3[%swap3A, %swap3A_136] : memref<24x1024xf32, #tpu.memory_space<vmem>>, vector<8x1024xf32>
    tpu.vector_store %arg3[%swap3A, %swap3A_136], %add3A_135 {strides = array<i32>} : memref<24x1024xf32, #tpu.memory_space<vmem>>, vector<8x1024xf32>,
    %slice3A_138 = vector.extract_strided_slice %get3A_3 {offsets = [0, 0], sizes = [8, 1024], strides = [1, 1]} : vector<512x1024xf32> to vector<8x1024xf32>
    %slice3A_139 = vector.extract_strided_slice %get3A_3 {offsets = [8, 0], sizes = [8, 1024], strides = [1, 1]} : vector<512x1024xf32> to vector<8x1024xf32>
    %add3A_140 = arith.addf %slice3A_138, %slice3A_139 : vector<8x1024xf32>
    %slice3A_141 = vector.extract_strided_slice %get3A_3 {offsets = [16, 0], sizes = [8, 1024], strides = [1, 1]} : vector<512x1024xf32> to vector<8x1024xf32>
    %add3A_142 = arith.addf %add3A_140, %slice3A_141 : vector<8x1024xf32>
    %slice3A_143 = vector.extract_strided_slice %get3A_3 {offsets = [24, 0], sizes = [8, 1024], strides = [1, 1]} : vector<512x1024xf32> to vector<8x1024xf32>
    %add3A_144 = arith.addf %add3A_142, %slice3A_143 : vector<8x1024xf32>
    %slice3A_145 = vector.extract_strided_slice %get3A_3 {offsets = [32, 0], sizes = [8, 1024], strides = [1, 1]} : vector<512x1024xf32> to vector<8x1024xf32>
    %add3A_146 = arith.addf %add3A_144, %slice3A_145 : vector<8x1024xf32>
    %slice3A_147 = vector.extract_strided_slice %get3A_3 {offsets = [40, 0], sizes = [8, 1024], strides = [1, 1]} : vector<512x1024xf32> to vector<8x1024xf32>
    %add3A_148 = arith.addf %add3A_146, %slice3A_147 : vector<8x1024xf32>
    %slice3A_149 = vector.extract_strided_slice %get3A_3 {offsets = [48, 0], sizes = [8, 1024], strides = [1, 1]} : vector<512x1024xf32> to vector<8x1024xf32>
    %add3A_150 = arith.addf %add3A_148, %slice3A_149 : vector<8x1024xf32>
    %slice3A_151 = vector.extract_strided_slice %get3A_3 {offsets = [56, 0], sizes = [8, 1024], strides = [1, 1]} : vector<512x1024xf32> to vector<8x1024xf32>
    %add3A_152 = arith.addf %add3A_150, %slice3A_151 : vector<8x1024xf32>
    %slice3A_153 = vector.extract_strided_slice %get3A_3 {offsets = [64, 0], sizes = [8, 1024], strides = [1, 1]} : vector<512x1024xf32> to vector<8x1024xf32>
    %add3A_154 = arith.addf %add3A_152, %slice3A_153 : vector<8x1024xf32>
    %slice3A_155 = vector.extract_strided_slice %get3A_3 {offsets = [72, 0], sizes = [8, 1024], strides = [1, 1]} : vector<512x1024xf32> to vector<8x1024xf32>
    %add3A_156 = arith.addf %add3A_154, %slice3A_155 : vector<8x1024xf32>
    %slice3A_157 = vector.extract_strided_slice %get3A_3 {offsets = [80, 0], sizes = [8, 1024], strides = [1, 1]} : vector<512x1024xf32> to vector<8x1024xf32>
    %add3A_158 = arith.addf %add3A_156, %slice3A_157 : vector<8x1024xf32>
    %slice3A_159 = vector.extract_strided_slice %get3A_3 {offsets = [88, 0], sizes = [8, 1024], strides = [1, 1]} : vector<512x1024xf32> to vector<8x1024xf32>
    %add3A_160 = arith.addf %add3A_158, %slice3A_159 : vector<8x1024xf32>
    %slice3A_161 = vector.extract_strided_slice %get3A_3 {offsets = [96, 0], sizes = [8, 1024], strides = [1, 1]} : vector<512x1024xf32> to vector<8x1024xf32>
    %add3A_162 = arith.addf %add3A_160, %slice3A_161 : vector<8x1024xf32>
    %slice3A_163 = vector.extract_strided_slice %get3A_3 {offsets = [104, 0], sizes = [8, 1024], strides = [1, 1]} : vector<512x1024xf32> to vector<8x1024xf32>
    %add3A_164 = arith.addf %add3A_162, %slice3A_163 : vector<8x1024xf32>
    %slice3A_165 = vector.extract_strided_slice %get3A_3 {offsets = [112, 0], sizes = [8, 1024], strides = [1, 1]} : vector<512x1024xf32> to vector<8x1024xf32>
    %add3A_166 = arith.addf %add3A_164, %slice3A_165 : vector<8x1024xf32>
    %slice3A_167 = vector.extract_strided_slice %get3A_3 {offsets = [120, 0], sizes = [8, 1024], strides = [1, 1]} : vector<512x1024xf32> to vector<8x1024xf32>
    %add3A_168 = arith.addf %add3A_166, %slice3A_167 : vector<8x1024xf32>
    %slice3A_169 = vector.extract_strided_slice %get3A_3 {offsets = [128, 0], sizes = [8, 1024], strides = [1, 1]} : vector<512x1024xf32> to vector<8x1024xf32>
    %add3A_170 = arith.addf %add3A_168, %slice3A_169 : vector<8x1024xf32>
    %slice3A_171 = vector.extract_strided_slice %get3A_3 {offsets = [136, 0], sizes = [8, 1024], strides = [1, 1]} : vector<512x1024xf32> to vector<8x1024xf32>
    %add3A_172 = arith.addf %add3A_170, %slice3A_171 : vector<8x1024xf32>
    %slice3A_173 = vector.extract_strided_slice %get3A_3 {offsets = [144, 0], sizes = [8, 1024], strides = [1, 1]} : vector<512x1024xf32> to vector<8x1024xf32>
    %add3A_174 = arith.addf %add3A_172, %slice3A_173 : vector<8x1024xf32>
    %slice3A_175 = vector.extract_strided_slice %get3A_3 {offsets = [152, 0], sizes = [8, 1024], strides = [1, 1]} : vector<512x1024xf32> to vector<8x1024xf32>
    %add3A_176 = arith.addf %add3A_174, %slice3A_175 : vector<8x1024xf32>
    %slice3A_177 = vector.extract_strided_slice %get3A_3 {offsets = [160, 0], sizes = [8, 1024], strides = [1, 1]} : vector<512x1024xf32> to vector<8x1024xf32>
    %add3A_178 = arith.addf %add3A_176, %slice3A_177 : vector<8x1024xf32>
    %slice3A_179 = vector.extract_strided_slice %get3A_3 {offsets = [168, 0], sizes = [8, 1024], strides = [1, 1]} : vector<512x1024xf32> to vector<8x1024xf32>
    %add3A_180 = arith.addf %add3A_178, %slice3A_179 : vector<8x1024xf32>
    %slice3A_181 = vector.extract_strided_slice %get3A_3 {offsets = [176, 0], sizes = [8, 1024], strides = [1, 1]} : vector<512x1024xf32> to vector<8x1024xf32>
    %add3A_182 = arith.addf %add3A_180, %slice3A_181 : vector<8x1024xf32>
    %slice3A_183 = vector.extract_strided_slice %get3A_3 {offsets = [184, 0], sizes = [8, 1024], strides = [1, 1]} : vector<512x1024xf32> to vector<8x1024xf32>
    %add3A_184 = arith.addf %add3A_182, %slice3A_183 : vector<8x1024xf32>
    %slice3A_185 = vector.extract_strided_slice %get3A_3 {offsets = [192, 0], sizes = [8, 1024], strides = [1, 1]} : vector<512x1024xf32> to vector<8x1024xf32>
    %add3A_186 = arith.addf %add3A_184, %slice3A_185 : vector<8x1024xf32>
    %slice3A_187 = vector.extract_strided_slice %get3A_3 {offsets = [200, 0], sizes = [8, 1024], strides = [1, 1]} : vector<512x1024xf32> to vector<8x1024xf32>
    %add3A_188 = arith.addf %add3A_186, %slice3A_187 : vector<8x1024xf32>
    %slice3A_189 = vector.extract_strided_slice %get3A_3 {offsets = [208, 0], sizes = [8, 1024], strides = [1, 1]} : vector<512x1024xf32> to vector<8x1024xf32>
    %add3A_190 = arith.addf %add3A_188, %slice3A_189 : vector<8x1024xf32>
    %slice3A_191 = vector.extract_strided_slice %get3A_3 {offsets = [216, 0], sizes = [8, 1024], strides = [1, 1]} : vector<512x1024xf32> to vector<8x1024xf32>
    %add3A_192 = arith.addf %add3A_190, %slice3A_191 : vector<8x1024xf32>
    %slice3A_193 = vector.extract_strided_slice %get3A_3 {offsets = [224, 0], sizes = [8, 1024], strides = [1, 1]} : vector<512x1024xf32> to vector<8x1024xf32>
    %add3A_194 = arith.addf %add3A_192, %slice3A_193 : vector<8x1024xf32>
    %slice3A_195 = vector.extract_strided_slice %get3A_3 {offsets = [232, 0], sizes = [8, 1024], strides = [1, 1]} : vector<512x1024xf32> to vector<8x1024xf32>
    %add3A_196 = arith.addf %add3A_194, %slice3A_195 : vector<8x1024xf32>
    %slice3A_197 = vector.extract_strided_slice %get3A_3 {offsets = [240, 0], sizes = [8, 1024], strides = [1, 1]} : vector<512x1024xf32> to vector<8x1024xf32>
    %add3A_198 = arith.addf %add3A_196, %slice3A_197 : vector<8x1024xf32>
    %slice3A_199 = vector.extract_strided_slice %get3A_3 {offsets = [248, 0], sizes = [8, 1024], strides = [1, 1]} : vector<512x1024xf32> to vector<8x1024xf32>
    %add3A_200 = arith.addf %add3A_198, %slice3A_199 : vector<8x1024xf32>
    %slice3A_201 = vector.extract_strided_slice %get3A_3 {offsets = [256, 0], sizes = [8, 1024], strides = [1, 1]} : vector<512x1024xf32> to vector<8x1024xf32>
    %add3A_202 = arith.addf %add3A_200, %slice3A_201 : vector<8x1024xf32>
    %slice3A_203 = vector.extract_strided_slice %get3A_3 {offsets = [264, 0], sizes = [8, 1024], strides = [1, 1]} : vector<512x1024xf32> to vector<8x1024xf32>
    %add3A_204 = arith.addf %add3A_202, %slice3A_203 : vector<8x1024xf32>
    %slice3A_205 = vector.extract_strided_slice %get3A_3 {offsets = [272, 0], sizes = [8, 1024], strides = [1, 1]} : vector<512x1024xf32> to vector<8x1024xf32>
    %add3A_206 = arith.addf %add3A_204, %slice3A_205 : vector<8x1024xf32>
    %slice3A_207 = vector.extract_strided_slice %get3A_3 {offsets = [280, 0], sizes = [8, 1024], strides = [1, 1]} : vector<512x1024xf32> to vector<8x1024xf32>
    %add3A_208 = arith.addf %add3A_206, %slice3A_207 : vector<8x1024xf32>
    %slice3A_209 = vector.extract_strided_slice %get3A_3 {offsets = [288, 0], sizes = [8, 1024], strides = [1, 1]} : vector<512x1024xf32> to vector<8x1024xf32>
    %add3A_210 = arith.addf %add3A_208, %slice3A_209 : vector<8x1024xf32>
    %slice3A_211 = vector.extract_strided_slice %get3A_3 {offsets = [296, 0], sizes = [8, 1024], strides = [1, 1]} : vector<512x1024xf32> to vector<8x1024xf32>
    %add3A_212 = arith.addf %add3A_210, %slice3A_211 : vector<8x1024xf32>
    %slice3A_213 = vector.extract_strided_slice %get3A_3 {offsets = [304, 0], sizes = [8, 1024], strides = [1, 1]} : vector<512x1024xf32> to vector<8x1024xf32>
    %add3A_214 = arith.addf %add3A_212, %slice3A_213 : vector<8x1024xf32>
    %slice3A_215 = vector.extract_strided_slice %get3A_3 {offsets = [312, 0], sizes = [8, 1024], strides = [1, 1]} : vector<512x1024xf32> to vector<8x1024xf32>
    %add3A_216 = arith.addf %add3A_214, %slice3A_215 : vector<8x1024xf32>
    %slice3A_217 = vector.extract_strided_slice %get3A_3 {offsets = [320, 0], sizes = [8, 1024], strides = [1, 1]} : vector<512x1024xf32> to vector<8x1024xf32>
    %add3A_218 = arith.addf %add3A_216, %slice3A_217 : vector<8x1024xf32>
    %slice3A_219 = vector.extract_strided_slice %get3A_3 {offsets = [328, 0], sizes = [8, 1024], strides = [1, 1]} : vector<512x1024xf32> to vector<8x1024xf32>
    %add3A_220 = arith.addf %add3A_218, %slice3A_219 : vector<8x1024xf32>
    %slice3A_221 = vector.extract_strided_slice %get3A_3 {offsets = [336, 0], sizes = [8, 1024], strides = [1, 1]} : vector<512x1024xf32> to vector<8x1024xf32>
    %add3A_222 = arith.addf %add3A_220, %slice3A_221 : vector<8x1024xf32>
    %slice3A_223 = vector.extract_strided_slice %get3A_3 {offsets = [344, 0], sizes = [8, 1024], strides = [1, 1]} : vector<512x1024xf32> to vector<8x1024xf32>
    %add3A_224 = arith.addf %add3A_222, %slice3A_223 : vector<8x1024xf32>
    %slice3A_225 = vector.extract_strided_slice %get3A_3 {offsets = [352, 0], sizes = [8, 1024], strides = [1, 1]} : vector<512x1024xf32> to vector<8x1024xf32>
    %add3A_226 = arith.addf %add3A_224, %slice3A_225 : vector<8x1024xf32>
    %slice3A_227 = vector.extract_strided_slice %get3A_3 {offsets = [360, 0], sizes = [8, 1024], strides = [1, 1]} : vector<512x1024xf32> to vector<8x1024xf32>
    %add3A_228 = arith.addf %add3A_226, %slice3A_227 : vector<8x1024xf32>
    %slice3A_229 = vector.extract_strided_slice %get3A_3 {offsets = [368, 0], sizes = [8, 1024], strides = [1, 1]} : vector<512x1024xf32> to vector<8x1024xf32>
    %add3A_230 = arith.addf %add3A_228, %slice3A_229 : vector<8x1024xf32>
    %slice3A_231 = vector.extract_strided_slice %get3A_3 {offsets = [376, 0], sizes = [8, 1024], strides = [1, 1]} : vector<512x1024xf32> to vector<8x1024xf32>
    %add3A_232 = arith.addf %add3A_230, %slice3A_231 : vector<8x1024xf32>
    %slice3A_233 = vector.extract_strided_slice %get3A_3 {offsets = [384, 0], sizes = [8, 1024], strides = [1, 1]} : vector<512x1024xf32> to vector<8x1024xf32>
    %add3A_234 = arith.addf %add3A_232, %slice3A_233 : vector<8x1024xf32>
    %slice3A_235 = vector.extract_strided_slice %get3A_3 {offsets = [392, 0], sizes = [8, 1024], strides = [1, 1]} : vector<512x1024xf32> to vector<8x1024xf32>
    %add3A_236 = arith.addf %add3A_234, %slice3A_235 : vector<8x1024xf32>
    %slice3A_237 = vector.extract_strided_slice %get3A_3 {offsets = [400, 0], sizes = [8, 1024], strides = [1, 1]} : vector<512x1024xf32> to vector<8x1024xf32>
    %add3A_238 = arith.addf %add3A_236, %slice3A_237 : vector<8x1024xf32>
    %slice3A_239 = vector.extract_strided_slice %get3A_3 {offsets = [408, 0], sizes = [8, 1024], strides = [1, 1]} : vector<512x1024xf32> to vector<8x1024xf32>
    %add3A_240 = arith.addf %add3A_238, %slice3A_239 : vector<8x1024xf32>
    %slice3A_241 = vector.extract_strided_slice %get3A_3 {offsets = [416, 0], sizes = [8, 1024], strides = [1, 1]} : vector<512x1024xf32> to vector<8x1024xf32>
    %add3A_242 = arith.addf %add3A_240, %slice3A_241 : vector<8x1024xf32>
    %slice3A_243 = vector.extract_strided_slice %get3A_3 {offsets = [424, 0], sizes = [8, 1024], strides = [1, 1]} : vector<512x1024xf32> to vector<8x1024xf32>
    %add3A_244 = arith.addf %add3A_242, %slice3A_243 : vector<8x1024xf32>
    %slice3A_245 = vector.extract_strided_slice %get3A_3 {offsets = [432, 0], sizes = [8, 1024], strides = [1, 1]} : vector<512x1024xf32> to vector<8x1024xf32>
    %add3A_246 = arith.addf %add3A_244, %slice3A_245 : vector<8x1024xf32>
    %slice3A_247 = vector.extract_strided_slice %get3A_3 {offsets = [440, 0], sizes = [8, 1024], strides = [1, 1]} : vector<512x1024xf32> to vector<8x1024xf32>
    %add3A_248 = arith.addf %add3A_246, %slice3A_247 : vector<8x1024xf32>
    %slice3A_249 = vector.extract_strided_slice %get3A_3 {offsets = [448, 0], sizes = [8, 1024], strides = [1, 1]} : vector<512x1024xf32> to vector<8x1024xf32>
    %add3A_250 = arith.addf %add3A_248, %slice3A_249 : vector<8x1024xf32>
    %slice3A_251 = vector.extract_strided_slice %get3A_3 {offsets = [456, 0], sizes = [8, 1024], strides = [1, 1]} : vector<512x1024xf32> to vector<8x1024xf32>
    %add3A_252 = arith.addf %add3A_250, %slice3A_251 : vector<8x1024xf32>
    %slice3A_253 = vector.extract_strided_slice %get3A_3 {offsets = [464, 0], sizes = [8, 1024], strides = [1, 1]} : vector<512x1024xf32> to vector<8x1024xf32>
    %add3A_254 = arith.addf %add3A_252, %slice3A_253 : vector<8x1024xf32>
    %slice3A_255 = vector.extract_strided_slice %get3A_3 {offsets = [472, 0], sizes = [8, 1024], strides = [1, 1]} : vector<512x1024xf32> to vector<8x1024xf32>
    %add3A_256 = arith.addf %add3A_254, %slice3A_255 : vector<8x1024xf32>
    %slice3A_257 = vector.extract_strided_slice %get3A_3 {offsets = [480, 0], sizes = [8, 1024], strides = [1, 1]} : vector<512x1024xf32> to vector<8x1024xf32>
    %add3A_258 = arith.addf %add3A_256, %slice3A_257 : vector<8x1024xf32>
    %slice3A_259 = vector.extract_strided_slice %get3A_3 {offsets = [488, 0], sizes = [8, 1024], strides = [1, 1]} : vector<512x1024xf32> to vector<8x1024xf32>
    %add3A_260 = arith.addf %add3A_258, %slice3A_259 : vector<8x1024xf32>
    %slice3A_261 = vector.extract_strided_slice %get3A_3 {offsets = [496, 0], sizes = [8, 1024], strides = [1, 1]} : vector<512x1024xf32> to vector<8x1024xf32>
    %add3A_262 = arith.addf %add3A_260, %slice3A_261 : vector<8x1024xf32>
    %slice3A_263 = vector.extract_strided_slice %get3A_3 {offsets = [504, 0], sizes = [8, 1024], strides = [1, 1]} : vector<512x1024xf32> to vector<8x1024xf32>
    %add3A_264 = arith.addf %add3A_262, %slice3A_263 : vector<8x1024xf32>
    %get3A_265 = arith.constant 8 : index
    %get3A_266 = arith.constant 0 : index
    %get3A_267 = vector.load %arg3[%get3A_265, %get3A_266] : memref<24x1024xf32, #tpu.memory_space<vmem>>, vector<8x1024xf32>
    %add3A_268 = arith.addf %get3A_267, %add3A_264 : vector<8x1024xf32>
    %swap3A_269 = arith.constant 8 : index
    %swap3A_270 = arith.constant 0 : index
    %swap3A_271 = vector.load %arg3[%swap3A_269, %swap3A_270] : memref<24x1024xf32, #tpu.memory_space<vmem>>, vector<8x1024xf32>
    tpu.vector_store %arg3[%swap3A_269, %swap3A_270], %add3A_268 {strides = array<i32>} : memref<24x1024xf32, #tpu.memory_space<vmem>>, vector<8x1024xf32>,
    %slice3A_272 = vector.extract_strided_slice %get3A_6 {offsets = [0, 0], sizes = [8, 1024], strides = [1, 1]} : vector<512x1024xf32> to vector<8x1024xf32>
    %slice3A_273 = vector.extract_strided_slice %get3A_6 {offsets = [8, 0], sizes = [8, 1024], strides = [1, 1]} : vector<512x1024xf32> to vector<8x1024xf32>
    %add3A_274 = arith.addf %slice3A_272, %slice3A_273 : vector<8x1024xf32>
    %slice3A_275 = vector.extract_strided_slice %get3A_6 {offsets = [16, 0], sizes = [8, 1024], strides = [1, 1]} : vector<512x1024xf32> to vector<8x1024xf32>
    %add3A_276 = arith.addf %add3A_274, %slice3A_275 : vector<8x1024xf32>
    %slice3A_277 = vector.extract_strided_slice %get3A_6 {offsets = [24, 0], sizes = [8, 1024], strides = [1, 1]} : vector<512x1024xf32> to vector<8x1024xf32>
    %add3A_278 = arith.addf %add3A_276, %slice3A_277 : vector<8x1024xf32>
    %slice3A_279 = vector.extract_strided_slice %get3A_6 {offsets = [32, 0], sizes = [8, 1024], strides = [1, 1]} : vector<512x1024xf32> to vector<8x1024xf32>
    %add3A_280 = arith.addf %add3A_278, %slice3A_279 : vector<8x1024xf32>
    %slice3A_281 = vector.extract_strided_slice %get3A_6 {offsets = [40, 0], sizes = [8, 1024], strides = [1, 1]} : vector<512x1024xf32> to vector<8x1024xf32>
    %add3A_282 = arith.addf %add3A_280, %slice3A_281 : vector<8x1024xf32>
    %slice3A_283 = vector.extract_strided_slice %get3A_6 {offsets = [48, 0], sizes = [8, 1024], strides = [1, 1]} : vector<512x1024xf32> to vector<8x1024xf32>
    %add3A_284 = arith.addf %add3A_282, %slice3A_283 : vector<8x1024xf32>
    %slice3A_285 = vector.extract_strided_slice %get3A_6 {offsets = [56, 0], sizes = [8, 1024], strides = [1, 1]} : vector<512x1024xf32> to vector<8x1024xf32>
    %add3A_286 = arith.addf %add3A_284, %slice3A_285 : vector<8x1024xf32>
    %slice3A_287 = vector.extract_strided_slice %get3A_6 {offsets = [64, 0], sizes = [8, 1024], strides = [1, 1]} : vector<512x1024xf32> to vector<8x1024xf32>
    %add3A_288 = arith.addf %add3A_286, %slice3A_287 : vector<8x1024xf32>
    %slice3A_289 = vector.extract_strided_slice %get3A_6 {offsets = [72, 0], sizes = [8, 1024], strides = [1, 1]} : vector<512x1024xf32> to vector<8x1024xf32>
    %add3A_290 = arith.addf %add3A_288, %slice3A_289 : vector<8x1024xf32>
    %slice3A_291 = vector.extract_strided_slice %get3A_6 {offsets = [80, 0], sizes = [8, 1024], strides = [1, 1]} : vector<512x1024xf32> to vector<8x1024xf32>
    %add3A_292 = arith.addf %add3A_290, %slice3A_291 : vector<8x1024xf32>
    %slice3A_293 = vector.extract_strided_slice %get3A_6 {offsets = [88, 0], sizes = [8, 1024], strides = [1, 1]} : vector<512x1024xf32> to vector<8x1024xf32>
    %add3A_294 = arith.addf %add3A_292, %slice3A_293 : vector<8x1024xf32>
    %slice3A_295 = vector.extract_strided_slice %get3A_6 {offsets = [96, 0], sizes = [8, 1024], strides = [1, 1]} : vector<512x1024xf32> to vector<8x1024xf32>
    %add3A_296 = arith.addf %add3A_294, %slice3A_295 : vector<8x1024xf32>
    %slice3A_297 = vector.extract_strided_slice %get3A_6 {offsets = [104, 0], sizes = [8, 1024], strides = [1, 1]} : vector<512x1024xf32> to vector<8x1024xf32>
    %add3A_298 = arith.addf %add3A_296, %slice3A_297 : vector<8x1024xf32>
    %slice3A_299 = vector.extract_strided_slice %get3A_6 {offsets = [112, 0], sizes = [8, 1024], strides = [1, 1]} : vector<512x1024xf32> to vector<8x1024xf32>
    %add3A_300 = arith.addf %add3A_298, %slice3A_299 : vector<8x1024xf32>
    %slice3A_301 = vector.extract_strided_slice %get3A_6 {offsets = [120, 0], sizes = [8, 1024], strides = [1, 1]} : vector<512x1024xf32> to vector<8x1024xf32>
    %add3A_302 = arith.addf %add3A_300, %slice3A_301 : vector<8x1024xf32>
    %slice3A_303 = vector.extract_strided_slice %get3A_6 {offsets = [128, 0], sizes = [8, 1024], strides = [1, 1]} : vector<512x1024xf32> to vector<8x1024xf32>
    %add3A_304 = arith.addf %add3A_302, %slice3A_303 : vector<8x1024xf32>
    %slice3A_305 = vector.extract_strided_slice %get3A_6 {offsets = [136, 0], sizes = [8, 1024], strides = [1, 1]} : vector<512x1024xf32> to vector<8x1024xf32>
    %add3A_306 = arith.addf %add3A_304, %slice3A_305 : vector<8x1024xf32>
    %slice3A_307 = vector.extract_strided_slice %get3A_6 {offsets = [144, 0], sizes = [8, 1024], strides = [1, 1]} : vector<512x1024xf32> to vector<8x1024xf32>
    %add3A_308 = arith.addf %add3A_306, %slice3A_307 : vector<8x1024xf32>
    %slice3A_309 = vector.extract_strided_slice %get3A_6 {offsets = [152, 0], sizes = [8, 1024], strides = [1, 1]} : vector<512x1024xf32> to vector<8x1024xf32>
    %add3A_310 = arith.addf %add3A_308, %slice3A_309 : vector<8x1024xf32>
    %slice3A_311 = vector.extract_strided_slice %get3A_6 {offsets = [160, 0], sizes = [8, 1024], strides = [1, 1]} : vector<512x1024xf32> to vector<8x1024xf32>
    %add3A_312 = arith.addf %add3A_310, %slice3A_311 : vector<8x1024xf32>
    %slice3A_313 = vector.extract_strided_slice %get3A_6 {offsets = [168, 0], sizes = [8, 1024], strides = [1, 1]} : vector<512x1024xf32> to vector<8x1024xf32>
    %add3A_314 = arith.addf %add3A_312, %slice3A_313 : vector<8x1024xf32>
    %slice3A_315 = vector.extract_strided_slice %get3A_6 {offsets = [176, 0], sizes = [8, 1024], strides = [1, 1]} : vector<512x1024xf32> to vector<8x1024xf32>
    %add3A_316 = arith.addf %add3A_314, %slice3A_315 : vector<8x1024xf32>
    %slice3A_317 = vector.extract_strided_slice %get3A_6 {offsets = [184, 0], sizes = [8, 1024], strides = [1, 1]} : vector<512x1024xf32> to vector<8x1024xf32>
    %add3A_318 = arith.addf %add3A_316, %slice3A_317 : vector<8x1024xf32>
    %slice3A_319 = vector.extract_strided_slice %get3A_6 {offsets = [192, 0], sizes = [8, 1024], strides = [1, 1]} : vector<512x1024xf32> to vector<8x1024xf32>
    %add3A_320 = arith.addf %add3A_318, %slice3A_319 : vector<8x1024xf32>
    %slice3A_321 = vector.extract_strided_slice %get3A_6 {offsets = [200, 0], sizes = [8, 1024], strides = [1, 1]} : vector<512x1024xf32> to vector<8x1024xf32>
    %add3A_322 = arith.addf %add3A_320, %slice3A_321 : vector<8x1024xf32>
    %slice3A_323 = vector.extract_strided_slice %get3A_6 {offsets = [208, 0], sizes = [8, 1024], strides = [1, 1]} : vector<512x1024xf32> to vector<8x1024xf32>
    %add3A_324 = arith.addf %add3A_322, %slice3A_323 : vector<8x1024xf32>
    %slice3A_325 = vector.extract_strided_slice %get3A_6 {offsets = [216, 0], sizes = [8, 1024], strides = [1, 1]} : vector<512x1024xf32> to vector<8x1024xf32>
    %add3A_326 = arith.addf %add3A_324, %slice3A_325 : vector<8x1024xf32>
    %slice3A_327 = vector.extract_strided_slice %get3A_6 {offsets = [224, 0], sizes = [8, 1024], strides = [1, 1]} : vector<512x1024xf32> to vector<8x1024xf32>
    %add3A_328 = arith.addf %add3A_326, %slice3A_327 : vector<8x1024xf32>
    %slice3A_329 = vector.extract_strided_slice %get3A_6 {offsets = [232, 0], sizes = [8, 1024], strides = [1, 1]} : vector<512x1024xf32> to vector<8x1024xf32>
    %add3A_330 = arith.addf %add3A_328, %slice3A_329 : vector<8x1024xf32>
    %slice3A_331 = vector.extract_strided_slice %get3A_6 {offsets = [240, 0], sizes = [8, 1024], strides = [1, 1]} : vector<512x1024xf32> to vector<8x1024xf32>
    %add3A_332 = arith.addf %add3A_330, %slice3A_331 : vector<8x1024xf32>
    %slice3A_333 = vector.extract_strided_slice %get3A_6 {offsets = [248, 0], sizes = [8, 1024], strides = [1, 1]} : vector<512x1024xf32> to vector<8x1024xf32>
    %add3A_334 = arith.addf %add3A_332, %slice3A_333 : vector<8x1024xf32>
    %slice3A_335 = vector.extract_strided_slice %get3A_6 {offsets = [256, 0], sizes = [8, 1024], strides = [1, 1]} : vector<512x1024xf32> to vector<8x1024xf32>
    %add3A_336 = arith.addf %add3A_334, %slice3A_335 : vector<8x1024xf32>
    %slice3A_337 = vector.extract_strided_slice %get3A_6 {offsets = [264, 0], sizes = [8, 1024], strides = [1, 1]} : vector<512x1024xf32> to vector<8x1024xf32>
    %add3A_338 = arith.addf %add3A_336, %slice3A_337 : vector<8x1024xf32>
    %slice3A_339 = vector.extract_strided_slice %get3A_6 {offsets = [272, 0], sizes = [8, 1024], strides = [1, 1]} : vector<512x1024xf32> to vector<8x1024xf32>
    %add3A_340 = arith.addf %add3A_338, %slice3A_339 : vector<8x1024xf32>
    %slice3A_341 = vector.extract_strided_slice %get3A_6 {offsets = [280, 0], sizes = [8, 1024], strides = [1, 1]} : vector<512x1024xf32> to vector<8x1024xf32>
    %add3A_342 = arith.addf %add3A_340, %slice3A_341 : vector<8x1024xf32>
    %slice3A_343 = vector.extract_strided_slice %get3A_6 {offsets = [288, 0], sizes = [8, 1024], strides = [1, 1]} : vector<512x1024xf32> to vector<8x1024xf32>
    %add3A_344 = arith.addf %add3A_342, %slice3A_343 : vector<8x1024xf32>
    %slice3A_345 = vector.extract_strided_slice %get3A_6 {offsets = [296, 0], sizes = [8, 1024], strides = [1, 1]} : vector<512x1024xf32> to vector<8x1024xf32>
    %add3A_346 = arith.addf %add3A_344, %slice3A_345 : vector<8x1024xf32>
    %slice3A_347 = vector.extract_strided_slice %get3A_6 {offsets = [304, 0], sizes = [8, 1024], strides = [1, 1]} : vector<512x1024xf32> to vector<8x1024xf32>
    %add3A_348 = arith.addf %add3A_346, %slice3A_347 : vector<8x1024xf32>
    %slice3A_349 = vector.extract_strided_slice %get3A_6 {offsets = [312, 0], sizes = [8, 1024], strides = [1, 1]} : vector<512x1024xf32> to vector<8x1024xf32>
    %add3A_350 = arith.addf %add3A_348, %slice3A_349 : vector<8x1024xf32>
    %slice3A_351 = vector.extract_strided_slice %get3A_6 {offsets = [320, 0], sizes = [8, 1024], strides = [1, 1]} : vector<512x1024xf32> to vector<8x1024xf32>
    %add3A_352 = arith.addf %add3A_350, %slice3A_351 : vector<8x1024xf32>
    %slice3A_353 = vector.extract_strided_slice %get3A_6 {offsets = [328, 0], sizes = [8, 1024], strides = [1, 1]} : vector<512x1024xf32> to vector<8x1024xf32>
    %add3A_354 = arith.addf %add3A_352, %slice3A_353 : vector<8x1024xf32>
    %slice3A_355 = vector.extract_strided_slice %get3A_6 {offsets = [336, 0], sizes = [8, 1024], strides = [1, 1]} : vector<512x1024xf32> to vector<8x1024xf32>
    %add3A_356 = arith.addf %add3A_354, %slice3A_355 : vector<8x1024xf32>
    %slice3A_357 = vector.extract_strided_slice %get3A_6 {offsets = [344, 0], sizes = [8, 1024], strides = [1, 1]} : vector<512x1024xf32> to vector<8x1024xf32>
    %add3A_358 = arith.addf %add3A_356, %slice3A_357 : vector<8x1024xf32>
    %slice3A_359 = vector.extract_strided_slice %get3A_6 {offsets = [352, 0], sizes = [8, 1024], strides = [1, 1]} : vector<512x1024xf32> to vector<8x1024xf32>
    %add3A_360 = arith.addf %add3A_358, %slice3A_359 : vector<8x1024xf32>
    %slice3A_361 = vector.extract_strided_slice %get3A_6 {offsets = [360, 0], sizes = [8, 1024], strides = [1, 1]} : vector<512x1024xf32> to vector<8x1024xf32>
    %add3A_362 = arith.addf %add3A_360, %slice3A_361 : vector<8x1024xf32>
    %slice3A_363 = vector.extract_strided_slice %get3A_6 {offsets = [368, 0], sizes = [8, 1024], strides = [1, 1]} : vector<512x1024xf32> to vector<8x1024xf32>
    %add3A_364 = arith.addf %add3A_362, %slice3A_363 : vector<8x1024xf32>
    %slice3A_365 = vector.extract_strided_slice %get3A_6 {offsets = [376, 0], sizes = [8, 1024], strides = [1, 1]} : vector<512x1024xf32> to vector<8x1024xf32>
    %add3A_366 = arith.addf %add3A_364, %slice3A_365 : vector<8x1024xf32>
    %slice3A_367 = vector.extract_strided_slice %get3A_6 {offsets = [384, 0], sizes = [8, 1024], strides = [1, 1]} : vector<512x1024xf32> to vector<8x1024xf32>
    %add3A_368 = arith.addf %add3A_366, %slice3A_367 : vector<8x1024xf32>
    %slice3A_369 = vector.extract_strided_slice %get3A_6 {offsets = [392, 0], sizes = [8, 1024], strides = [1, 1]} : vector<512x1024xf32> to vector<8x1024xf32>
    %add3A_370 = arith.addf %add3A_368, %slice3A_369 : vector<8x1024xf32>
    %slice3A_371 = vector.extract_strided_slice %get3A_6 {offsets = [400, 0], sizes = [8, 1024], strides = [1, 1]} : vector<512x1024xf32> to vector<8x1024xf32>
    %add3A_372 = arith.addf %add3A_370, %slice3A_371 : vector<8x1024xf32>
    %slice3A_373 = vector.extract_strided_slice %get3A_6 {offsets = [408, 0], sizes = [8, 1024], strides = [1, 1]} : vector<512x1024xf32> to vector<8x1024xf32>
    %add3A_374 = arith.addf %add3A_372, %slice3A_373 : vector<8x1024xf32>
    %slice3A_375 = vector.extract_strided_slice %get3A_6 {offsets = [416, 0], sizes = [8, 1024], strides = [1, 1]} : vector<512x1024xf32> to vector<8x1024xf32>
    %add3A_376 = arith.addf %add3A_374, %slice3A_375 : vector<8x1024xf32>
    %slice3A_377 = vector.extract_strided_slice %get3A_6 {offsets = [424, 0], sizes = [8, 1024], strides = [1, 1]} : vector<512x1024xf32> to vector<8x1024xf32>
    %add3A_378 = arith.addf %add3A_376, %slice3A_377 : vector<8x1024xf32>
    %slice3A_379 = vector.extract_strided_slice %get3A_6 {offsets = [432, 0], sizes = [8, 1024], strides = [1, 1]} : vector<512x1024xf32> to vector<8x1024xf32>
    %add3A_380 = arith.addf %add3A_378, %slice3A_379 : vector<8x1024xf32>
    %slice3A_381 = vector.extract_strided_slice %get3A_6 {offsets = [440, 0], sizes = [8, 1024], strides = [1, 1]} : vector<512x1024xf32> to vector<8x1024xf32>
    %add3A_382 = arith.addf %add3A_380, %slice3A_381 : vector<8x1024xf32>
    %slice3A_383 = vector.extract_strided_slice %get3A_6 {offsets = [448, 0], sizes = [8, 1024], strides = [1, 1]} : vector<512x1024xf32> to vector<8x1024xf32>
    %add3A_384 = arith.addf %add3A_382, %slice3A_383 : vector<8x1024xf32>
    %slice3A_385 = vector.extract_strided_slice %get3A_6 {offsets = [456, 0], sizes = [8, 1024], strides = [1, 1]} : vector<512x1024xf32> to vector<8x1024xf32>
    %add3A_386 = arith.addf %add3A_384, %slice3A_385 : vector<8x1024xf32>
    %slice3A_387 = vector.extract_strided_slice %get3A_6 {offsets = [464, 0], sizes = [8, 1024], strides = [1, 1]} : vector<512x1024xf32> to vector<8x1024xf32>
    %add3A_388 = arith.addf %add3A_386, %slice3A_387 : vector<8x1024xf32>
    %slice3A_389 = vector.extract_strided_slice %get3A_6 {offsets = [472, 0], sizes = [8, 1024], strides = [1, 1]} : vector<512x1024xf32> to vector<8x1024xf32>
    %add3A_390 = arith.addf %add3A_388, %slice3A_389 : vector<8x1024xf32>
    %slice3A_391 = vector.extract_strided_slice %get3A_6 {offsets = [480, 0], sizes = [8, 1024], strides = [1, 1]} : vector<512x1024xf32> to vector<8x1024xf32>
    %add3A_392 = arith.addf %add3A_390, %slice3A_391 : vector<8x1024xf32>
    %slice3A_393 = vector.extract_strided_slice %get3A_6 {offsets = [488, 0], sizes = [8, 1024], strides = [1, 1]} : vector<512x1024xf32> to vector<8x1024xf32>
    %add3A_394 = arith.addf %add3A_392, %slice3A_393 : vector<8x1024xf32>
    %slice3A_395 = vector.extract_strided_slice %get3A_6 {offsets = [496, 0], sizes = [8, 1024], strides = [1, 1]} : vector<512x1024xf32> to vector<8x1024xf32>
    %add3A_396 = arith.addf %add3A_394, %slice3A_395 : vector<8x1024xf32>
    %slice3A_397 = vector.extract_strided_slice %get3A_6 {offsets = [504, 0], sizes = [8, 1024], strides = [1, 1]} : vector<512x1024xf32> to vector<8x1024xf32>
    %add3A_398 = arith.addf %add3A_396, %slice3A_397 : vector<8x1024xf32>
    %get3A_399 = arith.constant 16 : index
    %get3A_400 = arith.constant 0 : index
    %get3A_401 = vector.load %arg3[%get3A_399, %get3A_400] : memref<24x1024xf32, #tpu.memory_space<vmem>>, vector<8x1024xf32>
    %add3A_402 = arith.addf %get3A_401, %add3A_398 : vector<8x1024xf32>
    %swap3A_403 = arith.constant 16 : index
    %swap3A_404 = arith.constant 0 : index
    %swap3A_405 = vector.load %arg3[%swap3A_403, %swap3A_404] : memref<24x1024xf32, #tpu.memory_space<vmem>>, vector<8x1024xf32>
    tpu.vector_store %arg3[%swap3A_403, %swap3A_404], %add3A_402 {strides = array<i32>} : memref<24x1024xf32, #tpu.memory_space<vmem>>, vector<8x1024xf32>,
    return
  }
  func.func @transform_0(%arg0: i32) -> (i32, i32) {
    %add3A = arith.constant 12 : i32
    %add3A_0 = arith.addi %add3A, %arg0 : i32
    %c0_i32 = arith.constant 0 : i32
    %c0_i32_1 = arith.constant 0 : i32
    return %add3A_0, %c0_i32 : i32, i32
  }
  func.func @transform_1(%arg0: i32) -> (i32, i32) {
    %add3A = arith.constant 12 : i32
    %add3A_0 = arith.addi %add3A, %arg0 : i32
    %c0_i32 = arith.constant 0 : i32
    %c0_i32_1 = arith.constant 0 : i32
    return %add3A_0, %c0_i32 : i32, i32
  }
  func.func @transform_2(%arg0: i32) -> (i32, i32) {
    %c0_i32 = arith.constant 0 : i32
    %c0_i32_0 = arith.constant 0 : i32
    %c0_i32_1 = arith.constant 0 : i32
    return %c0_i32, %c0_i32_0 : i32, i32
  }
}

module attributes {stable_mosaic.version = 14 : i64} {
  func.func @_tc2_body(%arg0: i32, %arg1: memref<1xf32, #tpu.memory_space<smem>>, %arg2: memref<256x1024xf32, #tpu.memory_space<vmem>>, %arg3: memref<256x1024xf32, #tpu.memory_space<vmem>>, %arg4: memref<256x1024xf32, #tpu.memory_space<vmem>>, %arg5: memref<22x8x1024xf32, #tpu.memory_space<vmem>>) attributes {dimension_semantics = [#tpu.dimension_semantics<arbitrary>], iteration_bounds = array<i64: 24>, scalar_prefetch = 0 : i64, scratch_operands = 0 : i64, tpu.core_type = #tpu.core_type<tc>, window_params = [{transform_indices = @transform_0, window_bounds = array<i64: 1>}, {transform_indices = @transform_1, window_bounds = array<i64: 256, 1024>}, {transform_indices = @transform_2, window_bounds = array<i64: 256, 1024>}, {transform_indices = @transform_3, window_bounds = array<i64: 256, 1024>}, {pipeline_mode = #tpu.pipeline_mode<synchronous>, transform_indices = @transform_4, window_bounds = array<i64: 22, 8, 1024>}]} {
    %eq3A = arith.constant 0 : i32
    %eq3A_0 = arith.cmpi eq, %arg0, %eq3A : i32
    %convert_element_type3A = arith.extui %eq3A_0 : i1 to i32
    %cond3A = arith.constant 0 : i32
    %cond3A_1 = arith.cmpi ne, %convert_element_type3A, %cond3A : i32
    scf.if %cond3A_1 {
      %broadcast_in_dim3A_1753 = arith.constant 0.000000e+00 : f32
      %broadcast_in_dim3A_1754 = vector.broadcast %broadcast_in_dim3A_1753 : f32 to vector<22x8x1024xf32>
      %swap3A_1755 = arith.constant 0 : index
      %swap3A_1756 = arith.constant 0 : index
      %swap3A_1757 = arith.constant 0 : index
      %swap3A_1758 = vector.load %arg5[%swap3A_1755, %swap3A_1756, %swap3A_1757] : memref<22x8x1024xf32, #tpu.memory_space<vmem>>, vector<22x8x1024xf32>
      tpu.vector_store %arg5[%swap3A_1755, %swap3A_1756, %swap3A_1757], %broadcast_in_dim3A_1754 {strides = array<i32>} : memref<22x8x1024xf32, #tpu.memory_space<vmem>>, vector<22x8x1024xf32>,
    } else {
    }
    %get3A = arith.constant 0 : index
    %get3A_2 = memref.load %arg1[%get3A] : memref<1xf32, #tpu.memory_space<smem>>
    %get3A_3 = arith.constant 0 : index
    %get3A_4 = arith.constant 0 : index
    %get3A_5 = vector.load %arg2[%get3A_3, %get3A_4] : memref<256x1024xf32, #tpu.memory_space<vmem>>, vector<256x1024xf32>
    %get3A_6 = arith.constant 0 : index
    %get3A_7 = arith.constant 0 : index
    %get3A_8 = vector.load %arg3[%get3A_6, %get3A_7] : memref<256x1024xf32, #tpu.memory_space<vmem>>, vector<256x1024xf32>
    %get3A_9 = arith.constant 0 : index
    %get3A_10 = arith.constant 0 : index
    %get3A_11 = vector.load %arg4[%get3A_9, %get3A_10] : memref<256x1024xf32, #tpu.memory_space<vmem>>, vector<256x1024xf32>
    %mul3A = vector.broadcast %get3A_2 : f32 to vector<256x1024xf32>
    %mul3A_12 = arith.mulf %mul3A, %get3A_5 : vector<256x1024xf32>
    %mul3A_13 = arith.constant 1.000000e+01 : f32
    %mul3A_14 = vector.broadcast %mul3A_13 : f32 to vector<256x1024xf32>
    %mul3A_15 = arith.mulf %mul3A_14, %get3A_8 : vector<256x1024xf32>
    %sub3A = arith.subf %mul3A_12, %mul3A_15 : vector<256x1024xf32>
    %abs3A = math.absf %sub3A : vector<256x1024xf32>
    %gt3A = arith.constant 0.000000e+00 : f32
    %gt3A_16 = vector.broadcast %gt3A : f32 to vector<256x1024xf32>
    %gt3A_17 = arith.cmpf ogt, %get3A_11, %gt3A_16 : vector<256x1024xf32>
    %jit3A = arith.constant -1.000000e+00 : f32
    %broadcast_in_dim3A = vector.broadcast %jit3A : f32 to vector<256x1024xf32>
    %select_n3A = arith.select %gt3A_17, %abs3A, %broadcast_in_dim3A : vector<256x1024xi1>, vector<256x1024xf32>
    %mul3A_18 = arith.mulf %get3A_5, %get3A_8 : vector<256x1024xf32>
    %ge3A = arith.constant 0.000000e+00 : f32
    %ge3A_19 = vector.broadcast %ge3A : f32 to vector<256x1024xf32>
    %ge3A_20 = arith.cmpf oge, %select_n3A, %ge3A_19 : vector<256x1024xf32>
    %convert_element_type3A_21 = arith.extui %ge3A_20 : vector<256x1024xi1> to vector<256x1024xi32>
    %convert_element_type3A_22 = arith.sitofp %convert_element_type3A_21 : vector<256x1024xi32> to vector<256x1024xf32>
    %jit3A_23 = arith.constant 0.000000e+00 : f32
    %broadcast_in_dim3A_24 = vector.broadcast %jit3A_23 : f32 to vector<256x1024xf32>
    %select_n3A_25 = arith.select %ge3A_20, %mul3A_18, %broadcast_in_dim3A_24 : vector<256x1024xi1>, vector<256x1024xf32>
    %slice3A = vector.extract_strided_slice %convert_element_type3A_22 {offsets = [0, 0], sizes = [8, 1024], strides = [1, 1]} : vector<256x1024xf32> to vector<8x1024xf32>
    %slice3A_26 = vector.extract_strided_slice %select_n3A_25 {offsets = [0, 0], sizes = [8, 1024], strides = [1, 1]} : vector<256x1024xf32> to vector<8x1024xf32>
    %slice3A_27 = vector.extract_strided_slice %convert_element_type3A_22 {offsets = [8, 0], sizes = [8, 1024], strides = [1, 1]} : vector<256x1024xf32> to vector<8x1024xf32>
    %add3A = arith.addf %slice3A, %slice3A_27 : vector<8x1024xf32>
    %slice3A_28 = vector.extract_strided_slice %select_n3A_25 {offsets = [8, 0], sizes = [8, 1024], strides = [1, 1]} : vector<256x1024xf32> to vector<8x1024xf32>
    %add3A_29 = arith.addf %slice3A_26, %slice3A_28 : vector<8x1024xf32>
    %slice3A_30 = vector.extract_strided_slice %convert_element_type3A_22 {offsets = [16, 0], sizes = [8, 1024], strides = [1, 1]} : vector<256x1024xf32> to vector<8x1024xf32>
    %add3A_31 = arith.addf %add3A, %slice3A_30 : vector<8x1024xf32>
    %slice3A_32 = vector.extract_strided_slice %select_n3A_25 {offsets = [16, 0], sizes = [8, 1024], strides = [1, 1]} : vector<256x1024xf32> to vector<8x1024xf32>
    %add3A_33 = arith.addf %add3A_29, %slice3A_32 : vector<8x1024xf32>
    %slice3A_34 = vector.extract_strided_slice %convert_element_type3A_22 {offsets = [24, 0], sizes = [8, 1024], strides = [1, 1]} : vector<256x1024xf32> to vector<8x1024xf32>
    %add3A_35 = arith.addf %add3A_31, %slice3A_34 : vector<8x1024xf32>
    %slice3A_36 = vector.extract_strided_slice %select_n3A_25 {offsets = [24, 0], sizes = [8, 1024], strides = [1, 1]} : vector<256x1024xf32> to vector<8x1024xf32>
    %add3A_37 = arith.addf %add3A_33, %slice3A_36 : vector<8x1024xf32>
    %slice3A_38 = vector.extract_strided_slice %convert_element_type3A_22 {offsets = [32, 0], sizes = [8, 1024], strides = [1, 1]} : vector<256x1024xf32> to vector<8x1024xf32>
    %add3A_39 = arith.addf %add3A_35, %slice3A_38 : vector<8x1024xf32>
    %slice3A_40 = vector.extract_strided_slice %select_n3A_25 {offsets = [32, 0], sizes = [8, 1024], strides = [1, 1]} : vector<256x1024xf32> to vector<8x1024xf32>
    %add3A_41 = arith.addf %add3A_37, %slice3A_40 : vector<8x1024xf32>
    %slice3A_42 = vector.extract_strided_slice %convert_element_type3A_22 {offsets = [40, 0], sizes = [8, 1024], strides = [1, 1]} : vector<256x1024xf32> to vector<8x1024xf32>
    %add3A_43 = arith.addf %add3A_39, %slice3A_42 : vector<8x1024xf32>
    %slice3A_44 = vector.extract_strided_slice %select_n3A_25 {offsets = [40, 0], sizes = [8, 1024], strides = [1, 1]} : vector<256x1024xf32> to vector<8x1024xf32>
    %add3A_45 = arith.addf %add3A_41, %slice3A_44 : vector<8x1024xf32>
    %slice3A_46 = vector.extract_strided_slice %convert_element_type3A_22 {offsets = [48, 0], sizes = [8, 1024], strides = [1, 1]} : vector<256x1024xf32> to vector<8x1024xf32>
    %add3A_47 = arith.addf %add3A_43, %slice3A_46 : vector<8x1024xf32>
    %slice3A_48 = vector.extract_strided_slice %select_n3A_25 {offsets = [48, 0], sizes = [8, 1024], strides = [1, 1]} : vector<256x1024xf32> to vector<8x1024xf32>
    %add3A_49 = arith.addf %add3A_45, %slice3A_48 : vector<8x1024xf32>
    %slice3A_50 = vector.extract_strided_slice %convert_element_type3A_22 {offsets = [56, 0], sizes = [8, 1024], strides = [1, 1]} : vector<256x1024xf32> to vector<8x1024xf32>
    %add3A_51 = arith.addf %add3A_47, %slice3A_50 : vector<8x1024xf32>
    %slice3A_52 = vector.extract_strided_slice %select_n3A_25 {offsets = [56, 0], sizes = [8, 1024], strides = [1, 1]} : vector<256x1024xf32> to vector<8x1024xf32>
    %add3A_53 = arith.addf %add3A_49, %slice3A_52 : vector<8x1024xf32>
    %slice3A_54 = vector.extract_strided_slice %convert_element_type3A_22 {offsets = [64, 0], sizes = [8, 1024], strides = [1, 1]} : vector<256x1024xf32> to vector<8x1024xf32>
    %add3A_55 = arith.addf %add3A_51, %slice3A_54 : vector<8x1024xf32>
    %slice3A_56 = vector.extract_strided_slice %select_n3A_25 {offsets = [64, 0], sizes = [8, 1024], strides = [1, 1]} : vector<256x1024xf32> to vector<8x1024xf32>
    %add3A_57 = arith.addf %add3A_53, %slice3A_56 : vector<8x1024xf32>
    %slice3A_58 = vector.extract_strided_slice %convert_element_type3A_22 {offsets = [72, 0], sizes = [8, 1024], strides = [1, 1]} : vector<256x1024xf32> to vector<8x1024xf32>
    %add3A_59 = arith.addf %add3A_55, %slice3A_58 : vector<8x1024xf32>
    %slice3A_60 = vector.extract_strided_slice %select_n3A_25 {offsets = [72, 0], sizes = [8, 1024], strides = [1, 1]} : vector<256x1024xf32> to vector<8x1024xf32>
    %add3A_61 = arith.addf %add3A_57, %slice3A_60 : vector<8x1024xf32>
    %slice3A_62 = vector.extract_strided_slice %convert_element_type3A_22 {offsets = [80, 0], sizes = [8, 1024], strides = [1, 1]} : vector<256x1024xf32> to vector<8x1024xf32>
    %add3A_63 = arith.addf %add3A_59, %slice3A_62 : vector<8x1024xf32>
    %slice3A_64 = vector.extract_strided_slice %select_n3A_25 {offsets = [80, 0], sizes = [8, 1024], strides = [1, 1]} : vector<256x1024xf32> to vector<8x1024xf32>
    %add3A_65 = arith.addf %add3A_61, %slice3A_64 : vector<8x1024xf32>
    %slice3A_66 = vector.extract_strided_slice %convert_element_type3A_22 {offsets = [88, 0], sizes = [8, 1024], strides = [1, 1]} : vector<256x1024xf32> to vector<8x1024xf32>
    %add3A_67 = arith.addf %add3A_63, %slice3A_66 : vector<8x1024xf32>
    %slice3A_68 = vector.extract_strided_slice %select_n3A_25 {offsets = [88, 0], sizes = [8, 1024], strides = [1, 1]} : vector<256x1024xf32> to vector<8x1024xf32>
    %add3A_69 = arith.addf %add3A_65, %slice3A_68 : vector<8x1024xf32>
    %slice3A_70 = vector.extract_strided_slice %convert_element_type3A_22 {offsets = [96, 0], sizes = [8, 1024], strides = [1, 1]} : vector<256x1024xf32> to vector<8x1024xf32>
    %add3A_71 = arith.addf %add3A_67, %slice3A_70 : vector<8x1024xf32>
    %slice3A_72 = vector.extract_strided_slice %select_n3A_25 {offsets = [96, 0], sizes = [8, 1024], strides = [1, 1]} : vector<256x1024xf32> to vector<8x1024xf32>
    %add3A_73 = arith.addf %add3A_69, %slice3A_72 : vector<8x1024xf32>
    %slice3A_74 = vector.extract_strided_slice %convert_element_type3A_22 {offsets = [104, 0], sizes = [8, 1024], strides = [1, 1]} : vector<256x1024xf32> to vector<8x1024xf32>
    %add3A_75 = arith.addf %add3A_71, %slice3A_74 : vector<8x1024xf32>
    %slice3A_76 = vector.extract_strided_slice %select_n3A_25 {offsets = [104, 0], sizes = [8, 1024], strides = [1, 1]} : vector<256x1024xf32> to vector<8x1024xf32>
    %add3A_77 = arith.addf %add3A_73, %slice3A_76 : vector<8x1024xf32>
    %slice3A_78 = vector.extract_strided_slice %convert_element_type3A_22 {offsets = [112, 0], sizes = [8, 1024], strides = [1, 1]} : vector<256x1024xf32> to vector<8x1024xf32>
    %add3A_79 = arith.addf %add3A_75, %slice3A_78 : vector<8x1024xf32>
    %slice3A_80 = vector.extract_strided_slice %select_n3A_25 {offsets = [112, 0], sizes = [8, 1024], strides = [1, 1]} : vector<256x1024xf32> to vector<8x1024xf32>
    %add3A_81 = arith.addf %add3A_77, %slice3A_80 : vector<8x1024xf32>
    %slice3A_82 = vector.extract_strided_slice %convert_element_type3A_22 {offsets = [120, 0], sizes = [8, 1024], strides = [1, 1]} : vector<256x1024xf32> to vector<8x1024xf32>
    %add3A_83 = arith.addf %add3A_79, %slice3A_82 : vector<8x1024xf32>
    %slice3A_84 = vector.extract_strided_slice %select_n3A_25 {offsets = [120, 0], sizes = [8, 1024], strides = [1, 1]} : vector<256x1024xf32> to vector<8x1024xf32>
    %add3A_85 = arith.addf %add3A_81, %slice3A_84 : vector<8x1024xf32>
    %slice3A_86 = vector.extract_strided_slice %convert_element_type3A_22 {offsets = [128, 0], sizes = [8, 1024], strides = [1, 1]} : vector<256x1024xf32> to vector<8x1024xf32>
    %add3A_87 = arith.addf %add3A_83, %slice3A_86 : vector<8x1024xf32>
    %slice3A_88 = vector.extract_strided_slice %select_n3A_25 {offsets = [128, 0], sizes = [8, 1024], strides = [1, 1]} : vector<256x1024xf32> to vector<8x1024xf32>
    %add3A_89 = arith.addf %add3A_85, %slice3A_88 : vector<8x1024xf32>
    %slice3A_90 = vector.extract_strided_slice %convert_element_type3A_22 {offsets = [136, 0], sizes = [8, 1024], strides = [1, 1]} : vector<256x1024xf32> to vector<8x1024xf32>
    %add3A_91 = arith.addf %add3A_87, %slice3A_90 : vector<8x1024xf32>
    %slice3A_92 = vector.extract_strided_slice %select_n3A_25 {offsets = [136, 0], sizes = [8, 1024], strides = [1, 1]} : vector<256x1024xf32> to vector<8x1024xf32>
    %add3A_93 = arith.addf %add3A_89, %slice3A_92 : vector<8x1024xf32>
    %slice3A_94 = vector.extract_strided_slice %convert_element_type3A_22 {offsets = [144, 0], sizes = [8, 1024], strides = [1, 1]} : vector<256x1024xf32> to vector<8x1024xf32>
    %add3A_95 = arith.addf %add3A_91, %slice3A_94 : vector<8x1024xf32>
    %slice3A_96 = vector.extract_strided_slice %select_n3A_25 {offsets = [144, 0], sizes = [8, 1024], strides = [1, 1]} : vector<256x1024xf32> to vector<8x1024xf32>
    %add3A_97 = arith.addf %add3A_93, %slice3A_96 : vector<8x1024xf32>
    %slice3A_98 = vector.extract_strided_slice %convert_element_type3A_22 {offsets = [152, 0], sizes = [8, 1024], strides = [1, 1]} : vector<256x1024xf32> to vector<8x1024xf32>
    %add3A_99 = arith.addf %add3A_95, %slice3A_98 : vector<8x1024xf32>
    %slice3A_100 = vector.extract_strided_slice %select_n3A_25 {offsets = [152, 0], sizes = [8, 1024], strides = [1, 1]} : vector<256x1024xf32> to vector<8x1024xf32>
    %add3A_101 = arith.addf %add3A_97, %slice3A_100 : vector<8x1024xf32>
    %slice3A_102 = vector.extract_strided_slice %convert_element_type3A_22 {offsets = [160, 0], sizes = [8, 1024], strides = [1, 1]} : vector<256x1024xf32> to vector<8x1024xf32>
    %add3A_103 = arith.addf %add3A_99, %slice3A_102 : vector<8x1024xf32>
    %slice3A_104 = vector.extract_strided_slice %select_n3A_25 {offsets = [160, 0], sizes = [8, 1024], strides = [1, 1]} : vector<256x1024xf32> to vector<8x1024xf32>
    %add3A_105 = arith.addf %add3A_101, %slice3A_104 : vector<8x1024xf32>
    %slice3A_106 = vector.extract_strided_slice %convert_element_type3A_22 {offsets = [168, 0], sizes = [8, 1024], strides = [1, 1]} : vector<256x1024xf32> to vector<8x1024xf32>
    %add3A_107 = arith.addf %add3A_103, %slice3A_106 : vector<8x1024xf32>
    %slice3A_108 = vector.extract_strided_slice %select_n3A_25 {offsets = [168, 0], sizes = [8, 1024], strides = [1, 1]} : vector<256x1024xf32> to vector<8x1024xf32>
    %add3A_109 = arith.addf %add3A_105, %slice3A_108 : vector<8x1024xf32>
    %slice3A_110 = vector.extract_strided_slice %convert_element_type3A_22 {offsets = [176, 0], sizes = [8, 1024], strides = [1, 1]} : vector<256x1024xf32> to vector<8x1024xf32>
    %add3A_111 = arith.addf %add3A_107, %slice3A_110 : vector<8x1024xf32>
    %slice3A_112 = vector.extract_strided_slice %select_n3A_25 {offsets = [176, 0], sizes = [8, 1024], strides = [1, 1]} : vector<256x1024xf32> to vector<8x1024xf32>
    %add3A_113 = arith.addf %add3A_109, %slice3A_112 : vector<8x1024xf32>
    %slice3A_114 = vector.extract_strided_slice %convert_element_type3A_22 {offsets = [184, 0], sizes = [8, 1024], strides = [1, 1]} : vector<256x1024xf32> to vector<8x1024xf32>
    %add3A_115 = arith.addf %add3A_111, %slice3A_114 : vector<8x1024xf32>
    %slice3A_116 = vector.extract_strided_slice %select_n3A_25 {offsets = [184, 0], sizes = [8, 1024], strides = [1, 1]} : vector<256x1024xf32> to vector<8x1024xf32>
    %add3A_117 = arith.addf %add3A_113, %slice3A_116 : vector<8x1024xf32>
    %slice3A_118 = vector.extract_strided_slice %convert_element_type3A_22 {offsets = [192, 0], sizes = [8, 1024], strides = [1, 1]} : vector<256x1024xf32> to vector<8x1024xf32>
    %add3A_119 = arith.addf %add3A_115, %slice3A_118 : vector<8x1024xf32>
    %slice3A_120 = vector.extract_strided_slice %select_n3A_25 {offsets = [192, 0], sizes = [8, 1024], strides = [1, 1]} : vector<256x1024xf32> to vector<8x1024xf32>
    %add3A_121 = arith.addf %add3A_117, %slice3A_120 : vector<8x1024xf32>
    %slice3A_122 = vector.extract_strided_slice %convert_element_type3A_22 {offsets = [200, 0], sizes = [8, 1024], strides = [1, 1]} : vector<256x1024xf32> to vector<8x1024xf32>
    %add3A_123 = arith.addf %add3A_119, %slice3A_122 : vector<8x1024xf32>
    %slice3A_124 = vector.extract_strided_slice %select_n3A_25 {offsets = [200, 0], sizes = [8, 1024], strides = [1, 1]} : vector<256x1024xf32> to vector<8x1024xf32>
    %add3A_125 = arith.addf %add3A_121, %slice3A_124 : vector<8x1024xf32>
    %slice3A_126 = vector.extract_strided_slice %convert_element_type3A_22 {offsets = [208, 0], sizes = [8, 1024], strides = [1, 1]} : vector<256x1024xf32> to vector<8x1024xf32>
    %add3A_127 = arith.addf %add3A_123, %slice3A_126 : vector<8x1024xf32>
    %slice3A_128 = vector.extract_strided_slice %select_n3A_25 {offsets = [208, 0], sizes = [8, 1024], strides = [1, 1]} : vector<256x1024xf32> to vector<8x1024xf32>
    %add3A_129 = arith.addf %add3A_125, %slice3A_128 : vector<8x1024xf32>
    %slice3A_130 = vector.extract_strided_slice %convert_element_type3A_22 {offsets = [216, 0], sizes = [8, 1024], strides = [1, 1]} : vector<256x1024xf32> to vector<8x1024xf32>
    %add3A_131 = arith.addf %add3A_127, %slice3A_130 : vector<8x1024xf32>
    %slice3A_132 = vector.extract_strided_slice %select_n3A_25 {offsets = [216, 0], sizes = [8, 1024], strides = [1, 1]} : vector<256x1024xf32> to vector<8x1024xf32>
    %add3A_133 = arith.addf %add3A_129, %slice3A_132 : vector<8x1024xf32>
    %slice3A_134 = vector.extract_strided_slice %convert_element_type3A_22 {offsets = [224, 0], sizes = [8, 1024], strides = [1, 1]} : vector<256x1024xf32> to vector<8x1024xf32>
    %add3A_135 = arith.addf %add3A_131, %slice3A_134 : vector<8x1024xf32>
    %slice3A_136 = vector.extract_strided_slice %select_n3A_25 {offsets = [224, 0], sizes = [8, 1024], strides = [1, 1]} : vector<256x1024xf32> to vector<8x1024xf32>
    %add3A_137 = arith.addf %add3A_133, %slice3A_136 : vector<8x1024xf32>
    %slice3A_138 = vector.extract_strided_slice %convert_element_type3A_22 {offsets = [232, 0], sizes = [8, 1024], strides = [1, 1]} : vector<256x1024xf32> to vector<8x1024xf32>
    %add3A_139 = arith.addf %add3A_135, %slice3A_138 : vector<8x1024xf32>
    %slice3A_140 = vector.extract_strided_slice %select_n3A_25 {offsets = [232, 0], sizes = [8, 1024], strides = [1, 1]} : vector<256x1024xf32> to vector<8x1024xf32>
    %add3A_141 = arith.addf %add3A_137, %slice3A_140 : vector<8x1024xf32>
    %slice3A_142 = vector.extract_strided_slice %convert_element_type3A_22 {offsets = [240, 0], sizes = [8, 1024], strides = [1, 1]} : vector<256x1024xf32> to vector<8x1024xf32>
    %add3A_143 = arith.addf %add3A_139, %slice3A_142 : vector<8x1024xf32>
    %slice3A_144 = vector.extract_strided_slice %select_n3A_25 {offsets = [240, 0], sizes = [8, 1024], strides = [1, 1]} : vector<256x1024xf32> to vector<8x1024xf32>
    %add3A_145 = arith.addf %add3A_141, %slice3A_144 : vector<8x1024xf32>
    %slice3A_146 = vector.extract_strided_slice %convert_element_type3A_22 {offsets = [248, 0], sizes = [8, 1024], strides = [1, 1]} : vector<256x1024xf32> to vector<8x1024xf32>
    %add3A_147 = arith.addf %add3A_143, %slice3A_146 : vector<8x1024xf32>
    %slice3A_148 = vector.extract_strided_slice %select_n3A_25 {offsets = [248, 0], sizes = [8, 1024], strides = [1, 1]} : vector<256x1024xf32> to vector<8x1024xf32>
    %add3A_149 = arith.addf %add3A_145, %slice3A_148 : vector<8x1024xf32>
    %get3A_150 = arith.constant 0 : index
    %get3A_151 = arith.constant 0 : index
    %get3A_152 = arith.constant 0 : index
    %get3A_153 = vector.load %arg5[%get3A_150, %get3A_151, %get3A_152] : memref<22x8x1024xf32, #tpu.memory_space<vmem>>, vector<1x8x1024xf32>
    %get3A_154 = vector.shape_cast %get3A_153 : vector<1x8x1024xf32> to vector<8x1024xf32>
    %add3A_155 = arith.addf %get3A_154, %add3A_147 : vector<8x1024xf32>
    %swap3A = arith.constant 0 : index
    %swap3A_156 = arith.constant 0 : index
    %swap3A_157 = arith.constant 0 : index
    %swap3A_158 = vector.load %arg5[%swap3A, %swap3A_156, %swap3A_157] : memref<22x8x1024xf32, #tpu.memory_space<vmem>>, vector<1x8x1024xf32>
    %swap3A_159 = vector.shape_cast %swap3A_158 : vector<1x8x1024xf32> to vector<8x1024xf32>
    %swap3A_160 = vector.shape_cast %add3A_155 : vector<8x1024xf32> to vector<1x8x1024xf32>
    tpu.vector_store %arg5[%swap3A, %swap3A_156, %swap3A_157], %swap3A_160 {strides = array<i32>} : memref<22x8x1024xf32, #tpu.memory_space<vmem>>, vector<1x8x1024xf32>,
    %get3A_161 = arith.constant 11 : index
    %get3A_162 = arith.constant 0 : index
    %get3A_163 = arith.constant 0 : index
    %get3A_164 = vector.load %arg5[%get3A_161, %get3A_162, %get3A_163] : memref<22x8x1024xf32, #tpu.memory_space<vmem>>, vector<1x8x1024xf32>
    %get3A_165 = vector.shape_cast %get3A_164 : vector<1x8x1024xf32> to vector<8x1024xf32>
    %add3A_166 = arith.addf %get3A_165, %add3A_149 : vector<8x1024xf32>
    %swap3A_167 = arith.constant 11 : index
    %swap3A_168 = arith.constant 0 : index
    %swap3A_169 = arith.constant 0 : index
    %swap3A_170 = vector.load %arg5[%swap3A_167, %swap3A_168, %swap3A_169] : memref<22x8x1024xf32, #tpu.memory_space<vmem>>, vector<1x8x1024xf32>
    %swap3A_171 = vector.shape_cast %swap3A_170 : vector<1x8x1024xf32> to vector<8x1024xf32>
    %swap3A_172 = vector.shape_cast %add3A_166 : vector<8x1024xf32> to vector<1x8x1024xf32>
    tpu.vector_store %arg5[%swap3A_167, %swap3A_168, %swap3A_169], %swap3A_172 {strides = array<i32>} : memref<22x8x1024xf32, #tpu.memory_space<vmem>>, vector<1x8x1024xf32>,
    %ge3A_173 = arith.constant 1.000000e+00 : f32
    %ge3A_174 = vector.broadcast %ge3A_173 : f32 to vector<256x1024xf32>
    %ge3A_175 = arith.cmpf oge, %select_n3A, %ge3A_174 : vector<256x1024xf32>
    %convert_element_type3A_176 = arith.extui %ge3A_175 : vector<256x1024xi1> to vector<256x1024xi32>
    %convert_element_type3A_177 = arith.sitofp %convert_element_type3A_176 : vector<256x1024xi32> to vector<256x1024xf32>
    %jit3A_178 = arith.constant 0.000000e+00 : f32
    %broadcast_in_dim3A_179 = vector.broadcast %jit3A_178 : f32 to vector<256x1024xf32>
    %select_n3A_180 = arith.select %ge3A_175, %mul3A_18, %broadcast_in_dim3A_179 : vector<256x1024xi1>, vector<256x1024xf32>
    %slice3A_181 = vector.extract_strided_slice %convert_element_type3A_177 {offsets = [0, 0], sizes = [8, 1024], strides = [1, 1]} : vector<256x1024xf32> to vector<8x1024xf32>
    %slice3A_182 = vector.extract_strided_slice %select_n3A_180 {offsets = [0, 0], sizes = [8, 1024], strides = [1, 1]} : vector<256x1024xf32> to vector<8x1024xf32>
    %slice3A_183 = vector.extract_strided_slice %convert_element_type3A_177 {offsets = [8, 0], sizes = [8, 1024], strides = [1, 1]} : vector<256x1024xf32> to vector<8x1024xf32>
    %add3A_184 = arith.addf %slice3A_181, %slice3A_183 : vector<8x1024xf32>
    %slice3A_185 = vector.extract_strided_slice %select_n3A_180 {offsets = [8, 0], sizes = [8, 1024], strides = [1, 1]} : vector<256x1024xf32> to vector<8x1024xf32>
    %add3A_186 = arith.addf %slice3A_182, %slice3A_185 : vector<8x1024xf32>
    %slice3A_187 = vector.extract_strided_slice %convert_element_type3A_177 {offsets = [16, 0], sizes = [8, 1024], strides = [1, 1]} : vector<256x1024xf32> to vector<8x1024xf32>
    %add3A_188 = arith.addf %add3A_184, %slice3A_187 : vector<8x1024xf32>
    %slice3A_189 = vector.extract_strided_slice %select_n3A_180 {offsets = [16, 0], sizes = [8, 1024], strides = [1, 1]} : vector<256x1024xf32> to vector<8x1024xf32>
    %add3A_190 = arith.addf %add3A_186, %slice3A_189 : vector<8x1024xf32>
    %slice3A_191 = vector.extract_strided_slice %convert_element_type3A_177 {offsets = [24, 0], sizes = [8, 1024], strides = [1, 1]} : vector<256x1024xf32> to vector<8x1024xf32>
    %add3A_192 = arith.addf %add3A_188, %slice3A_191 : vector<8x1024xf32>
    %slice3A_193 = vector.extract_strided_slice %select_n3A_180 {offsets = [24, 0], sizes = [8, 1024], strides = [1, 1]} : vector<256x1024xf32> to vector<8x1024xf32>
    %add3A_194 = arith.addf %add3A_190, %slice3A_193 : vector<8x1024xf32>
    %slice3A_195 = vector.extract_strided_slice %convert_element_type3A_177 {offsets = [32, 0], sizes = [8, 1024], strides = [1, 1]} : vector<256x1024xf32> to vector<8x1024xf32>
    %add3A_196 = arith.addf %add3A_192, %slice3A_195 : vector<8x1024xf32>
    %slice3A_197 = vector.extract_strided_slice %select_n3A_180 {offsets = [32, 0], sizes = [8, 1024], strides = [1, 1]} : vector<256x1024xf32> to vector<8x1024xf32>
    %add3A_198 = arith.addf %add3A_194, %slice3A_197 : vector<8x1024xf32>
    %slice3A_199 = vector.extract_strided_slice %convert_element_type3A_177 {offsets = [40, 0], sizes = [8, 1024], strides = [1, 1]} : vector<256x1024xf32> to vector<8x1024xf32>
    %add3A_200 = arith.addf %add3A_196, %slice3A_199 : vector<8x1024xf32>
    %slice3A_201 = vector.extract_strided_slice %select_n3A_180 {offsets = [40, 0], sizes = [8, 1024], strides = [1, 1]} : vector<256x1024xf32> to vector<8x1024xf32>
    %add3A_202 = arith.addf %add3A_198, %slice3A_201 : vector<8x1024xf32>
    %slice3A_203 = vector.extract_strided_slice %convert_element_type3A_177 {offsets = [48, 0], sizes = [8, 1024], strides = [1, 1]} : vector<256x1024xf32> to vector<8x1024xf32>
    %add3A_204 = arith.addf %add3A_200, %slice3A_203 : vector<8x1024xf32>
    %slice3A_205 = vector.extract_strided_slice %select_n3A_180 {offsets = [48, 0], sizes = [8, 1024], strides = [1, 1]} : vector<256x1024xf32> to vector<8x1024xf32>
    %add3A_206 = arith.addf %add3A_202, %slice3A_205 : vector<8x1024xf32>
    %slice3A_207 = vector.extract_strided_slice %convert_element_type3A_177 {offsets = [56, 0], sizes = [8, 1024], strides = [1, 1]} : vector<256x1024xf32> to vector<8x1024xf32>
    %add3A_208 = arith.addf %add3A_204, %slice3A_207 : vector<8x1024xf32>
    %slice3A_209 = vector.extract_strided_slice %select_n3A_180 {offsets = [56, 0], sizes = [8, 1024], strides = [1, 1]} : vector<256x1024xf32> to vector<8x1024xf32>
    %add3A_210 = arith.addf %add3A_206, %slice3A_209 : vector<8x1024xf32>
    %slice3A_211 = vector.extract_strided_slice %convert_element_type3A_177 {offsets = [64, 0], sizes = [8, 1024], strides = [1, 1]} : vector<256x1024xf32> to vector<8x1024xf32>
    %add3A_212 = arith.addf %add3A_208, %slice3A_211 : vector<8x1024xf32>
    %slice3A_213 = vector.extract_strided_slice %select_n3A_180 {offsets = [64, 0], sizes = [8, 1024], strides = [1, 1]} : vector<256x1024xf32> to vector<8x1024xf32>
    %add3A_214 = arith.addf %add3A_210, %slice3A_213 : vector<8x1024xf32>
    %slice3A_215 = vector.extract_strided_slice %convert_element_type3A_177 {offsets = [72, 0], sizes = [8, 1024], strides = [1, 1]} : vector<256x1024xf32> to vector<8x1024xf32>
    %add3A_216 = arith.addf %add3A_212, %slice3A_215 : vector<8x1024xf32>
    %slice3A_217 = vector.extract_strided_slice %select_n3A_180 {offsets = [72, 0], sizes = [8, 1024], strides = [1, 1]} : vector<256x1024xf32> to vector<8x1024xf32>
    %add3A_218 = arith.addf %add3A_214, %slice3A_217 : vector<8x1024xf32>
    %slice3A_219 = vector.extract_strided_slice %convert_element_type3A_177 {offsets = [80, 0], sizes = [8, 1024], strides = [1, 1]} : vector<256x1024xf32> to vector<8x1024xf32>
    %add3A_220 = arith.addf %add3A_216, %slice3A_219 : vector<8x1024xf32>
    %slice3A_221 = vector.extract_strided_slice %select_n3A_180 {offsets = [80, 0], sizes = [8, 1024], strides = [1, 1]} : vector<256x1024xf32> to vector<8x1024xf32>
    %add3A_222 = arith.addf %add3A_218, %slice3A_221 : vector<8x1024xf32>
    %slice3A_223 = vector.extract_strided_slice %convert_element_type3A_177 {offsets = [88, 0], sizes = [8, 1024], strides = [1, 1]} : vector<256x1024xf32> to vector<8x1024xf32>
    %add3A_224 = arith.addf %add3A_220, %slice3A_223 : vector<8x1024xf32>
    %slice3A_225 = vector.extract_strided_slice %select_n3A_180 {offsets = [88, 0], sizes = [8, 1024], strides = [1, 1]} : vector<256x1024xf32> to vector<8x1024xf32>
    %add3A_226 = arith.addf %add3A_222, %slice3A_225 : vector<8x1024xf32>
    %slice3A_227 = vector.extract_strided_slice %convert_element_type3A_177 {offsets = [96, 0], sizes = [8, 1024], strides = [1, 1]} : vector<256x1024xf32> to vector<8x1024xf32>
    %add3A_228 = arith.addf %add3A_224, %slice3A_227 : vector<8x1024xf32>
    %slice3A_229 = vector.extract_strided_slice %select_n3A_180 {offsets = [96, 0], sizes = [8, 1024], strides = [1, 1]} : vector<256x1024xf32> to vector<8x1024xf32>
    %add3A_230 = arith.addf %add3A_226, %slice3A_229 : vector<8x1024xf32>
    %slice3A_231 = vector.extract_strided_slice %convert_element_type3A_177 {offsets = [104, 0], sizes = [8, 1024], strides = [1, 1]} : vector<256x1024xf32> to vector<8x1024xf32>
    %add3A_232 = arith.addf %add3A_228, %slice3A_231 : vector<8x1024xf32>
    %slice3A_233 = vector.extract_strided_slice %select_n3A_180 {offsets = [104, 0], sizes = [8, 1024], strides = [1, 1]} : vector<256x1024xf32> to vector<8x1024xf32>
    %add3A_234 = arith.addf %add3A_230, %slice3A_233 : vector<8x1024xf32>
    %slice3A_235 = vector.extract_strided_slice %convert_element_type3A_177 {offsets = [112, 0], sizes = [8, 1024], strides = [1, 1]} : vector<256x1024xf32> to vector<8x1024xf32>
    %add3A_236 = arith.addf %add3A_232, %slice3A_235 : vector<8x1024xf32>
    %slice3A_237 = vector.extract_strided_slice %select_n3A_180 {offsets = [112, 0], sizes = [8, 1024], strides = [1, 1]} : vector<256x1024xf32> to vector<8x1024xf32>
    %add3A_238 = arith.addf %add3A_234, %slice3A_237 : vector<8x1024xf32>
    %slice3A_239 = vector.extract_strided_slice %convert_element_type3A_177 {offsets = [120, 0], sizes = [8, 1024], strides = [1, 1]} : vector<256x1024xf32> to vector<8x1024xf32>
    %add3A_240 = arith.addf %add3A_236, %slice3A_239 : vector<8x1024xf32>
    %slice3A_241 = vector.extract_strided_slice %select_n3A_180 {offsets = [120, 0], sizes = [8, 1024], strides = [1, 1]} : vector<256x1024xf32> to vector<8x1024xf32>
    %add3A_242 = arith.addf %add3A_238, %slice3A_241 : vector<8x1024xf32>
    %slice3A_243 = vector.extract_strided_slice %convert_element_type3A_177 {offsets = [128, 0], sizes = [8, 1024], strides = [1, 1]} : vector<256x1024xf32> to vector<8x1024xf32>
    %add3A_244 = arith.addf %add3A_240, %slice3A_243 : vector<8x1024xf32>
    %slice3A_245 = vector.extract_strided_slice %select_n3A_180 {offsets = [128, 0], sizes = [8, 1024], strides = [1, 1]} : vector<256x1024xf32> to vector<8x1024xf32>
    %add3A_246 = arith.addf %add3A_242, %slice3A_245 : vector<8x1024xf32>
    %slice3A_247 = vector.extract_strided_slice %convert_element_type3A_177 {offsets = [136, 0], sizes = [8, 1024], strides = [1, 1]} : vector<256x1024xf32> to vector<8x1024xf32>
    %add3A_248 = arith.addf %add3A_244, %slice3A_247 : vector<8x1024xf32>
    %slice3A_249 = vector.extract_strided_slice %select_n3A_180 {offsets = [136, 0], sizes = [8, 1024], strides = [1, 1]} : vector<256x1024xf32> to vector<8x1024xf32>
    %add3A_250 = arith.addf %add3A_246, %slice3A_249 : vector<8x1024xf32>
    %slice3A_251 = vector.extract_strided_slice %convert_element_type3A_177 {offsets = [144, 0], sizes = [8, 1024], strides = [1, 1]} : vector<256x1024xf32> to vector<8x1024xf32>
    %add3A_252 = arith.addf %add3A_248, %slice3A_251 : vector<8x1024xf32>
    %slice3A_253 = vector.extract_strided_slice %select_n3A_180 {offsets = [144, 0], sizes = [8, 1024], strides = [1, 1]} : vector<256x1024xf32> to vector<8x1024xf32>
    %add3A_254 = arith.addf %add3A_250, %slice3A_253 : vector<8x1024xf32>
    %slice3A_255 = vector.extract_strided_slice %convert_element_type3A_177 {offsets = [152, 0], sizes = [8, 1024], strides = [1, 1]} : vector<256x1024xf32> to vector<8x1024xf32>
    %add3A_256 = arith.addf %add3A_252, %slice3A_255 : vector<8x1024xf32>
    %slice3A_257 = vector.extract_strided_slice %select_n3A_180 {offsets = [152, 0], sizes = [8, 1024], strides = [1, 1]} : vector<256x1024xf32> to vector<8x1024xf32>
    %add3A_258 = arith.addf %add3A_254, %slice3A_257 : vector<8x1024xf32>
    %slice3A_259 = vector.extract_strided_slice %convert_element_type3A_177 {offsets = [160, 0], sizes = [8, 1024], strides = [1, 1]} : vector<256x1024xf32> to vector<8x1024xf32>
    %add3A_260 = arith.addf %add3A_256, %slice3A_259 : vector<8x1024xf32>
    %slice3A_261 = vector.extract_strided_slice %select_n3A_180 {offsets = [160, 0], sizes = [8, 1024], strides = [1, 1]} : vector<256x1024xf32> to vector<8x1024xf32>
    %add3A_262 = arith.addf %add3A_258, %slice3A_261 : vector<8x1024xf32>
    %slice3A_263 = vector.extract_strided_slice %convert_element_type3A_177 {offsets = [168, 0], sizes = [8, 1024], strides = [1, 1]} : vector<256x1024xf32> to vector<8x1024xf32>
    %add3A_264 = arith.addf %add3A_260, %slice3A_263 : vector<8x1024xf32>
    %slice3A_265 = vector.extract_strided_slice %select_n3A_180 {offsets = [168, 0], sizes = [8, 1024], strides = [1, 1]} : vector<256x1024xf32> to vector<8x1024xf32>
    %add3A_266 = arith.addf %add3A_262, %slice3A_265 : vector<8x1024xf32>
    %slice3A_267 = vector.extract_strided_slice %convert_element_type3A_177 {offsets = [176, 0], sizes = [8, 1024], strides = [1, 1]} : vector<256x1024xf32> to vector<8x1024xf32>
    %add3A_268 = arith.addf %add3A_264, %slice3A_267 : vector<8x1024xf32>
    %slice3A_269 = vector.extract_strided_slice %select_n3A_180 {offsets = [176, 0], sizes = [8, 1024], strides = [1, 1]} : vector<256x1024xf32> to vector<8x1024xf32>
    %add3A_270 = arith.addf %add3A_266, %slice3A_269 : vector<8x1024xf32>
    %slice3A_271 = vector.extract_strided_slice %convert_element_type3A_177 {offsets = [184, 0], sizes = [8, 1024], strides = [1, 1]} : vector<256x1024xf32> to vector<8x1024xf32>
    %add3A_272 = arith.addf %add3A_268, %slice3A_271 : vector<8x1024xf32>
    %slice3A_273 = vector.extract_strided_slice %select_n3A_180 {offsets = [184, 0], sizes = [8, 1024], strides = [1, 1]} : vector<256x1024xf32> to vector<8x1024xf32>
    %add3A_274 = arith.addf %add3A_270, %slice3A_273 : vector<8x1024xf32>
    %slice3A_275 = vector.extract_strided_slice %convert_element_type3A_177 {offsets = [192, 0], sizes = [8, 1024], strides = [1, 1]} : vector<256x1024xf32> to vector<8x1024xf32>
    %add3A_276 = arith.addf %add3A_272, %slice3A_275 : vector<8x1024xf32>
    %slice3A_277 = vector.extract_strided_slice %select_n3A_180 {offsets = [192, 0], sizes = [8, 1024], strides = [1, 1]} : vector<256x1024xf32> to vector<8x1024xf32>
    %add3A_278 = arith.addf %add3A_274, %slice3A_277 : vector<8x1024xf32>
    %slice3A_279 = vector.extract_strided_slice %convert_element_type3A_177 {offsets = [200, 0], sizes = [8, 1024], strides = [1, 1]} : vector<256x1024xf32> to vector<8x1024xf32>
    %add3A_280 = arith.addf %add3A_276, %slice3A_279 : vector<8x1024xf32>
    %slice3A_281 = vector.extract_strided_slice %select_n3A_180 {offsets = [200, 0], sizes = [8, 1024], strides = [1, 1]} : vector<256x1024xf32> to vector<8x1024xf32>
    %add3A_282 = arith.addf %add3A_278, %slice3A_281 : vector<8x1024xf32>
    %slice3A_283 = vector.extract_strided_slice %convert_element_type3A_177 {offsets = [208, 0], sizes = [8, 1024], strides = [1, 1]} : vector<256x1024xf32> to vector<8x1024xf32>
    %add3A_284 = arith.addf %add3A_280, %slice3A_283 : vector<8x1024xf32>
    %slice3A_285 = vector.extract_strided_slice %select_n3A_180 {offsets = [208, 0], sizes = [8, 1024], strides = [1, 1]} : vector<256x1024xf32> to vector<8x1024xf32>
    %add3A_286 = arith.addf %add3A_282, %slice3A_285 : vector<8x1024xf32>
    %slice3A_287 = vector.extract_strided_slice %convert_element_type3A_177 {offsets = [216, 0], sizes = [8, 1024], strides = [1, 1]} : vector<256x1024xf32> to vector<8x1024xf32>
    %add3A_288 = arith.addf %add3A_284, %slice3A_287 : vector<8x1024xf32>
    %slice3A_289 = vector.extract_strided_slice %select_n3A_180 {offsets = [216, 0], sizes = [8, 1024], strides = [1, 1]} : vector<256x1024xf32> to vector<8x1024xf32>
    %add3A_290 = arith.addf %add3A_286, %slice3A_289 : vector<8x1024xf32>
    %slice3A_291 = vector.extract_strided_slice %convert_element_type3A_177 {offsets = [224, 0], sizes = [8, 1024], strides = [1, 1]} : vector<256x1024xf32> to vector<8x1024xf32>
    %add3A_292 = arith.addf %add3A_288, %slice3A_291 : vector<8x1024xf32>
    %slice3A_293 = vector.extract_strided_slice %select_n3A_180 {offsets = [224, 0], sizes = [8, 1024], strides = [1, 1]} : vector<256x1024xf32> to vector<8x1024xf32>
    %add3A_294 = arith.addf %add3A_290, %slice3A_293 : vector<8x1024xf32>
    %slice3A_295 = vector.extract_strided_slice %convert_element_type3A_177 {offsets = [232, 0], sizes = [8, 1024], strides = [1, 1]} : vector<256x1024xf32> to vector<8x1024xf32>
    %add3A_296 = arith.addf %add3A_292, %slice3A_295 : vector<8x1024xf32>
    %slice3A_297 = vector.extract_strided_slice %select_n3A_180 {offsets = [232, 0], sizes = [8, 1024], strides = [1, 1]} : vector<256x1024xf32> to vector<8x1024xf32>
    %add3A_298 = arith.addf %add3A_294, %slice3A_297 : vector<8x1024xf32>
    %slice3A_299 = vector.extract_strided_slice %convert_element_type3A_177 {offsets = [240, 0], sizes = [8, 1024], strides = [1, 1]} : vector<256x1024xf32> to vector<8x1024xf32>
    %add3A_300 = arith.addf %add3A_296, %slice3A_299 : vector<8x1024xf32>
    %slice3A_301 = vector.extract_strided_slice %select_n3A_180 {offsets = [240, 0], sizes = [8, 1024], strides = [1, 1]} : vector<256x1024xf32> to vector<8x1024xf32>
    %add3A_302 = arith.addf %add3A_298, %slice3A_301 : vector<8x1024xf32>
    %slice3A_303 = vector.extract_strided_slice %convert_element_type3A_177 {offsets = [248, 0], sizes = [8, 1024], strides = [1, 1]} : vector<256x1024xf32> to vector<8x1024xf32>
    %add3A_304 = arith.addf %add3A_300, %slice3A_303 : vector<8x1024xf32>
    %slice3A_305 = vector.extract_strided_slice %select_n3A_180 {offsets = [248, 0], sizes = [8, 1024], strides = [1, 1]} : vector<256x1024xf32> to vector<8x1024xf32>
    %add3A_306 = arith.addf %add3A_302, %slice3A_305 : vector<8x1024xf32>
    %get3A_307 = arith.constant 1 : index
    %get3A_308 = arith.constant 0 : index
    %get3A_309 = arith.constant 0 : index
    %get3A_310 = vector.load %arg5[%get3A_307, %get3A_308, %get3A_309] : memref<22x8x1024xf32, #tpu.memory_space<vmem>>, vector<1x8x1024xf32>
    %get3A_311 = vector.shape_cast %get3A_310 : vector<1x8x1024xf32> to vector<8x1024xf32>
    %add3A_312 = arith.addf %get3A_311, %add3A_304 : vector<8x1024xf32>
    %swap3A_313 = arith.constant 1 : index
    %swap3A_314 = arith.constant 0 : index
    %swap3A_315 = arith.constant 0 : index
    %swap3A_316 = vector.load %arg5[%swap3A_313, %swap3A_314, %swap3A_315] : memref<22x8x1024xf32, #tpu.memory_space<vmem>>, vector<1x8x1024xf32>
    %swap3A_317 = vector.shape_cast %swap3A_316 : vector<1x8x1024xf32> to vector<8x1024xf32>
    %swap3A_318 = vector.shape_cast %add3A_312 : vector<8x1024xf32> to vector<1x8x1024xf32>
    tpu.vector_store %arg5[%swap3A_313, %swap3A_314, %swap3A_315], %swap3A_318 {strides = array<i32>} : memref<22x8x1024xf32, #tpu.memory_space<vmem>>, vector<1x8x1024xf32>,
    %get3A_319 = arith.constant 12 : index
    %get3A_320 = arith.constant 0 : index
    %get3A_321 = arith.constant 0 : index
    %get3A_322 = vector.load %arg5[%get3A_319, %get3A_320, %get3A_321] : memref<22x8x1024xf32, #tpu.memory_space<vmem>>, vector<1x8x1024xf32>
    %get3A_323 = vector.shape_cast %get3A_322 : vector<1x8x1024xf32> to vector<8x1024xf32>
    %add3A_324 = arith.addf %get3A_323, %add3A_306 : vector<8x1024xf32>
    %swap3A_325 = arith.constant 12 : index
    %swap3A_326 = arith.constant 0 : index
    %swap3A_327 = arith.constant 0 : index
    %swap3A_328 = vector.load %arg5[%swap3A_325, %swap3A_326, %swap3A_327] : memref<22x8x1024xf32, #tpu.memory_space<vmem>>, vector<1x8x1024xf32>
    %swap3A_329 = vector.shape_cast %swap3A_328 : vector<1x8x1024xf32> to vector<8x1024xf32>
    %swap3A_330 = vector.shape_cast %add3A_324 : vector<8x1024xf32> to vector<1x8x1024xf32>
    tpu.vector_store %arg5[%swap3A_325, %swap3A_326, %swap3A_327], %swap3A_330 {strides = array<i32>} : memref<22x8x1024xf32, #tpu.memory_space<vmem>>, vector<1x8x1024xf32>,
    %ge3A_331 = arith.constant 2.000000e+00 : f32
    %ge3A_332 = vector.broadcast %ge3A_331 : f32 to vector<256x1024xf32>
    %ge3A_333 = arith.cmpf oge, %select_n3A, %ge3A_332 : vector<256x1024xf32>
    %convert_element_type3A_334 = arith.extui %ge3A_333 : vector<256x1024xi1> to vector<256x1024xi32>
    %convert_element_type3A_335 = arith.sitofp %convert_element_type3A_334 : vector<256x1024xi32> to vector<256x1024xf32>
    %jit3A_336 = arith.constant 0.000000e+00 : f32
    %broadcast_in_dim3A_337 = vector.broadcast %jit3A_336 : f32 to vector<256x1024xf32>
    %select_n3A_338 = arith.select %ge3A_333, %mul3A_18, %broadcast_in_dim3A_337 : vector<256x1024xi1>, vector<256x1024xf32>
    %slice3A_339 = vector.extract_strided_slice %convert_element_type3A_335 {offsets = [0, 0], sizes = [8, 1024], strides = [1, 1]} : vector<256x1024xf32> to vector<8x1024xf32>
    %slice3A_340 = vector.extract_strided_slice %select_n3A_338 {offsets = [0, 0], sizes = [8, 1024], strides = [1, 1]} : vector<256x1024xf32> to vector<8x1024xf32>
    %slice3A_341 = vector.extract_strided_slice %convert_element_type3A_335 {offsets = [8, 0], sizes = [8, 1024], strides = [1, 1]} : vector<256x1024xf32> to vector<8x1024xf32>
    %add3A_342 = arith.addf %slice3A_339, %slice3A_341 : vector<8x1024xf32>
    %slice3A_343 = vector.extract_strided_slice %select_n3A_338 {offsets = [8, 0], sizes = [8, 1024], strides = [1, 1]} : vector<256x1024xf32> to vector<8x1024xf32>
    %add3A_344 = arith.addf %slice3A_340, %slice3A_343 : vector<8x1024xf32>
    %slice3A_345 = vector.extract_strided_slice %convert_element_type3A_335 {offsets = [16, 0], sizes = [8, 1024], strides = [1, 1]} : vector<256x1024xf32> to vector<8x1024xf32>
    %add3A_346 = arith.addf %add3A_342, %slice3A_345 : vector<8x1024xf32>
    %slice3A_347 = vector.extract_strided_slice %select_n3A_338 {offsets = [16, 0], sizes = [8, 1024], strides = [1, 1]} : vector<256x1024xf32> to vector<8x1024xf32>
    %add3A_348 = arith.addf %add3A_344, %slice3A_347 : vector<8x1024xf32>
    %slice3A_349 = vector.extract_strided_slice %convert_element_type3A_335 {offsets = [24, 0], sizes = [8, 1024], strides = [1, 1]} : vector<256x1024xf32> to vector<8x1024xf32>
    %add3A_350 = arith.addf %add3A_346, %slice3A_349 : vector<8x1024xf32>
    %slice3A_351 = vector.extract_strided_slice %select_n3A_338 {offsets = [24, 0], sizes = [8, 1024], strides = [1, 1]} : vector<256x1024xf32> to vector<8x1024xf32>
    %add3A_352 = arith.addf %add3A_348, %slice3A_351 : vector<8x1024xf32>
    %slice3A_353 = vector.extract_strided_slice %convert_element_type3A_335 {offsets = [32, 0], sizes = [8, 1024], strides = [1, 1]} : vector<256x1024xf32> to vector<8x1024xf32>
    %add3A_354 = arith.addf %add3A_350, %slice3A_353 : vector<8x1024xf32>
    %slice3A_355 = vector.extract_strided_slice %select_n3A_338 {offsets = [32, 0], sizes = [8, 1024], strides = [1, 1]} : vector<256x1024xf32> to vector<8x1024xf32>
    %add3A_356 = arith.addf %add3A_352, %slice3A_355 : vector<8x1024xf32>
    %slice3A_357 = vector.extract_strided_slice %convert_element_type3A_335 {offsets = [40, 0], sizes = [8, 1024], strides = [1, 1]} : vector<256x1024xf32> to vector<8x1024xf32>
    %add3A_358 = arith.addf %add3A_354, %slice3A_357 : vector<8x1024xf32>
    %slice3A_359 = vector.extract_strided_slice %select_n3A_338 {offsets = [40, 0], sizes = [8, 1024], strides = [1, 1]} : vector<256x1024xf32> to vector<8x1024xf32>
    %add3A_360 = arith.addf %add3A_356, %slice3A_359 : vector<8x1024xf32>
    %slice3A_361 = vector.extract_strided_slice %convert_element_type3A_335 {offsets = [48, 0], sizes = [8, 1024], strides = [1, 1]} : vector<256x1024xf32> to vector<8x1024xf32>
    %add3A_362 = arith.addf %add3A_358, %slice3A_361 : vector<8x1024xf32>
    %slice3A_363 = vector.extract_strided_slice %select_n3A_338 {offsets = [48, 0], sizes = [8, 1024], strides = [1, 1]} : vector<256x1024xf32> to vector<8x1024xf32>
    %add3A_364 = arith.addf %add3A_360, %slice3A_363 : vector<8x1024xf32>
    %slice3A_365 = vector.extract_strided_slice %convert_element_type3A_335 {offsets = [56, 0], sizes = [8, 1024], strides = [1, 1]} : vector<256x1024xf32> to vector<8x1024xf32>
    %add3A_366 = arith.addf %add3A_362, %slice3A_365 : vector<8x1024xf32>
    %slice3A_367 = vector.extract_strided_slice %select_n3A_338 {offsets = [56, 0], sizes = [8, 1024], strides = [1, 1]} : vector<256x1024xf32> to vector<8x1024xf32>
    %add3A_368 = arith.addf %add3A_364, %slice3A_367 : vector<8x1024xf32>
    %slice3A_369 = vector.extract_strided_slice %convert_element_type3A_335 {offsets = [64, 0], sizes = [8, 1024], strides = [1, 1]} : vector<256x1024xf32> to vector<8x1024xf32>
    %add3A_370 = arith.addf %add3A_366, %slice3A_369 : vector<8x1024xf32>
    %slice3A_371 = vector.extract_strided_slice %select_n3A_338 {offsets = [64, 0], sizes = [8, 1024], strides = [1, 1]} : vector<256x1024xf32> to vector<8x1024xf32>
    %add3A_372 = arith.addf %add3A_368, %slice3A_371 : vector<8x1024xf32>
    %slice3A_373 = vector.extract_strided_slice %convert_element_type3A_335 {offsets = [72, 0], sizes = [8, 1024], strides = [1, 1]} : vector<256x1024xf32> to vector<8x1024xf32>
    %add3A_374 = arith.addf %add3A_370, %slice3A_373 : vector<8x1024xf32>
    %slice3A_375 = vector.extract_strided_slice %select_n3A_338 {offsets = [72, 0], sizes = [8, 1024], strides = [1, 1]} : vector<256x1024xf32> to vector<8x1024xf32>
    %add3A_376 = arith.addf %add3A_372, %slice3A_375 : vector<8x1024xf32>
    %slice3A_377 = vector.extract_strided_slice %convert_element_type3A_335 {offsets = [80, 0], sizes = [8, 1024], strides = [1, 1]} : vector<256x1024xf32> to vector<8x1024xf32>
    %add3A_378 = arith.addf %add3A_374, %slice3A_377 : vector<8x1024xf32>
    %slice3A_379 = vector.extract_strided_slice %select_n3A_338 {offsets = [80, 0], sizes = [8, 1024], strides = [1, 1]} : vector<256x1024xf32> to vector<8x1024xf32>
    %add3A_380 = arith.addf %add3A_376, %slice3A_379 : vector<8x1024xf32>
    %slice3A_381 = vector.extract_strided_slice %convert_element_type3A_335 {offsets = [88, 0], sizes = [8, 1024], strides = [1, 1]} : vector<256x1024xf32> to vector<8x1024xf32>
    %add3A_382 = arith.addf %add3A_378, %slice3A_381 : vector<8x1024xf32>
    %slice3A_383 = vector.extract_strided_slice %select_n3A_338 {offsets = [88, 0], sizes = [8, 1024], strides = [1, 1]} : vector<256x1024xf32> to vector<8x1024xf32>
    %add3A_384 = arith.addf %add3A_380, %slice3A_383 : vector<8x1024xf32>
    %slice3A_385 = vector.extract_strided_slice %convert_element_type3A_335 {offsets = [96, 0], sizes = [8, 1024], strides = [1, 1]} : vector<256x1024xf32> to vector<8x1024xf32>
    %add3A_386 = arith.addf %add3A_382, %slice3A_385 : vector<8x1024xf32>
    %slice3A_387 = vector.extract_strided_slice %select_n3A_338 {offsets = [96, 0], sizes = [8, 1024], strides = [1, 1]} : vector<256x1024xf32> to vector<8x1024xf32>
    %add3A_388 = arith.addf %add3A_384, %slice3A_387 : vector<8x1024xf32>
    %slice3A_389 = vector.extract_strided_slice %convert_element_type3A_335 {offsets = [104, 0], sizes = [8, 1024], strides = [1, 1]} : vector<256x1024xf32> to vector<8x1024xf32>
    %add3A_390 = arith.addf %add3A_386, %slice3A_389 : vector<8x1024xf32>
    %slice3A_391 = vector.extract_strided_slice %select_n3A_338 {offsets = [104, 0], sizes = [8, 1024], strides = [1, 1]} : vector<256x1024xf32> to vector<8x1024xf32>
    %add3A_392 = arith.addf %add3A_388, %slice3A_391 : vector<8x1024xf32>
    %slice3A_393 = vector.extract_strided_slice %convert_element_type3A_335 {offsets = [112, 0], sizes = [8, 1024], strides = [1, 1]} : vector<256x1024xf32> to vector<8x1024xf32>
    %add3A_394 = arith.addf %add3A_390, %slice3A_393 : vector<8x1024xf32>
    %slice3A_395 = vector.extract_strided_slice %select_n3A_338 {offsets = [112, 0], sizes = [8, 1024], strides = [1, 1]} : vector<256x1024xf32> to vector<8x1024xf32>
    %add3A_396 = arith.addf %add3A_392, %slice3A_395 : vector<8x1024xf32>
    %slice3A_397 = vector.extract_strided_slice %convert_element_type3A_335 {offsets = [120, 0], sizes = [8, 1024], strides = [1, 1]} : vector<256x1024xf32> to vector<8x1024xf32>
    %add3A_398 = arith.addf %add3A_394, %slice3A_397 : vector<8x1024xf32>
    %slice3A_399 = vector.extract_strided_slice %select_n3A_338 {offsets = [120, 0], sizes = [8, 1024], strides = [1, 1]} : vector<256x1024xf32> to vector<8x1024xf32>
    %add3A_400 = arith.addf %add3A_396, %slice3A_399 : vector<8x1024xf32>
    %slice3A_401 = vector.extract_strided_slice %convert_element_type3A_335 {offsets = [128, 0], sizes = [8, 1024], strides = [1, 1]} : vector<256x1024xf32> to vector<8x1024xf32>
    %add3A_402 = arith.addf %add3A_398, %slice3A_401 : vector<8x1024xf32>
    %slice3A_403 = vector.extract_strided_slice %select_n3A_338 {offsets = [128, 0], sizes = [8, 1024], strides = [1, 1]} : vector<256x1024xf32> to vector<8x1024xf32>
    %add3A_404 = arith.addf %add3A_400, %slice3A_403 : vector<8x1024xf32>
    %slice3A_405 = vector.extract_strided_slice %convert_element_type3A_335 {offsets = [136, 0], sizes = [8, 1024], strides = [1, 1]} : vector<256x1024xf32> to vector<8x1024xf32>
    %add3A_406 = arith.addf %add3A_402, %slice3A_405 : vector<8x1024xf32>
    %slice3A_407 = vector.extract_strided_slice %select_n3A_338 {offsets = [136, 0], sizes = [8, 1024], strides = [1, 1]} : vector<256x1024xf32> to vector<8x1024xf32>
    %add3A_408 = arith.addf %add3A_404, %slice3A_407 : vector<8x1024xf32>
    %slice3A_409 = vector.extract_strided_slice %convert_element_type3A_335 {offsets = [144, 0], sizes = [8, 1024], strides = [1, 1]} : vector<256x1024xf32> to vector<8x1024xf32>
    %add3A_410 = arith.addf %add3A_406, %slice3A_409 : vector<8x1024xf32>
    %slice3A_411 = vector.extract_strided_slice %select_n3A_338 {offsets = [144, 0], sizes = [8, 1024], strides = [1, 1]} : vector<256x1024xf32> to vector<8x1024xf32>
    %add3A_412 = arith.addf %add3A_408, %slice3A_411 : vector<8x1024xf32>
    %slice3A_413 = vector.extract_strided_slice %convert_element_type3A_335 {offsets = [152, 0], sizes = [8, 1024], strides = [1, 1]} : vector<256x1024xf32> to vector<8x1024xf32>
    %add3A_414 = arith.addf %add3A_410, %slice3A_413 : vector<8x1024xf32>
    %slice3A_415 = vector.extract_strided_slice %select_n3A_338 {offsets = [152, 0], sizes = [8, 1024], strides = [1, 1]} : vector<256x1024xf32> to vector<8x1024xf32>
    %add3A_416 = arith.addf %add3A_412, %slice3A_415 : vector<8x1024xf32>
    %slice3A_417 = vector.extract_strided_slice %convert_element_type3A_335 {offsets = [160, 0], sizes = [8, 1024], strides = [1, 1]} : vector<256x1024xf32> to vector<8x1024xf32>
    %add3A_418 = arith.addf %add3A_414, %slice3A_417 : vector<8x1024xf32>
    %slice3A_419 = vector.extract_strided_slice %select_n3A_338 {offsets = [160, 0], sizes = [8, 1024], strides = [1, 1]} : vector<256x1024xf32> to vector<8x1024xf32>
    %add3A_420 = arith.addf %add3A_416, %slice3A_419 : vector<8x1024xf32>
    %slice3A_421 = vector.extract_strided_slice %convert_element_type3A_335 {offsets = [168, 0], sizes = [8, 1024], strides = [1, 1]} : vector<256x1024xf32> to vector<8x1024xf32>
    %add3A_422 = arith.addf %add3A_418, %slice3A_421 : vector<8x1024xf32>
    %slice3A_423 = vector.extract_strided_slice %select_n3A_338 {offsets = [168, 0], sizes = [8, 1024], strides = [1, 1]} : vector<256x1024xf32> to vector<8x1024xf32>
    %add3A_424 = arith.addf %add3A_420, %slice3A_423 : vector<8x1024xf32>
    %slice3A_425 = vector.extract_strided_slice %convert_element_type3A_335 {offsets = [176, 0], sizes = [8, 1024], strides = [1, 1]} : vector<256x1024xf32> to vector<8x1024xf32>
    %add3A_426 = arith.addf %add3A_422, %slice3A_425 : vector<8x1024xf32>
    %slice3A_427 = vector.extract_strided_slice %select_n3A_338 {offsets = [176, 0], sizes = [8, 1024], strides = [1, 1]} : vector<256x1024xf32> to vector<8x1024xf32>
    %add3A_428 = arith.addf %add3A_424, %slice3A_427 : vector<8x1024xf32>
    %slice3A_429 = vector.extract_strided_slice %convert_element_type3A_335 {offsets = [184, 0], sizes = [8, 1024], strides = [1, 1]} : vector<256x1024xf32> to vector<8x1024xf32>
    %add3A_430 = arith.addf %add3A_426, %slice3A_429 : vector<8x1024xf32>
    %slice3A_431 = vector.extract_strided_slice %select_n3A_338 {offsets = [184, 0], sizes = [8, 1024], strides = [1, 1]} : vector<256x1024xf32> to vector<8x1024xf32>
    %add3A_432 = arith.addf %add3A_428, %slice3A_431 : vector<8x1024xf32>
    %slice3A_433 = vector.extract_strided_slice %convert_element_type3A_335 {offsets = [192, 0], sizes = [8, 1024], strides = [1, 1]} : vector<256x1024xf32> to vector<8x1024xf32>
    %add3A_434 = arith.addf %add3A_430, %slice3A_433 : vector<8x1024xf32>
    %slice3A_435 = vector.extract_strided_slice %select_n3A_338 {offsets = [192, 0], sizes = [8, 1024], strides = [1, 1]} : vector<256x1024xf32> to vector<8x1024xf32>
    %add3A_436 = arith.addf %add3A_432, %slice3A_435 : vector<8x1024xf32>
    %slice3A_437 = vector.extract_strided_slice %convert_element_type3A_335 {offsets = [200, 0], sizes = [8, 1024], strides = [1, 1]} : vector<256x1024xf32> to vector<8x1024xf32>
    %add3A_438 = arith.addf %add3A_434, %slice3A_437 : vector<8x1024xf32>
    %slice3A_439 = vector.extract_strided_slice %select_n3A_338 {offsets = [200, 0], sizes = [8, 1024], strides = [1, 1]} : vector<256x1024xf32> to vector<8x1024xf32>
    %add3A_440 = arith.addf %add3A_436, %slice3A_439 : vector<8x1024xf32>
    %slice3A_441 = vector.extract_strided_slice %convert_element_type3A_335 {offsets = [208, 0], sizes = [8, 1024], strides = [1, 1]} : vector<256x1024xf32> to vector<8x1024xf32>
    %add3A_442 = arith.addf %add3A_438, %slice3A_441 : vector<8x1024xf32>
    %slice3A_443 = vector.extract_strided_slice %select_n3A_338 {offsets = [208, 0], sizes = [8, 1024], strides = [1, 1]} : vector<256x1024xf32> to vector<8x1024xf32>
    %add3A_444 = arith.addf %add3A_440, %slice3A_443 : vector<8x1024xf32>
    %slice3A_445 = vector.extract_strided_slice %convert_element_type3A_335 {offsets = [216, 0], sizes = [8, 1024], strides = [1, 1]} : vector<256x1024xf32> to vector<8x1024xf32>
    %add3A_446 = arith.addf %add3A_442, %slice3A_445 : vector<8x1024xf32>
    %slice3A_447 = vector.extract_strided_slice %select_n3A_338 {offsets = [216, 0], sizes = [8, 1024], strides = [1, 1]} : vector<256x1024xf32> to vector<8x1024xf32>
    %add3A_448 = arith.addf %add3A_444, %slice3A_447 : vector<8x1024xf32>
    %slice3A_449 = vector.extract_strided_slice %convert_element_type3A_335 {offsets = [224, 0], sizes = [8, 1024], strides = [1, 1]} : vector<256x1024xf32> to vector<8x1024xf32>
    %add3A_450 = arith.addf %add3A_446, %slice3A_449 : vector<8x1024xf32>
    %slice3A_451 = vector.extract_strided_slice %select_n3A_338 {offsets = [224, 0], sizes = [8, 1024], strides = [1, 1]} : vector<256x1024xf32> to vector<8x1024xf32>
    %add3A_452 = arith.addf %add3A_448, %slice3A_451 : vector<8x1024xf32>
    %slice3A_453 = vector.extract_strided_slice %convert_element_type3A_335 {offsets = [232, 0], sizes = [8, 1024], strides = [1, 1]} : vector<256x1024xf32> to vector<8x1024xf32>
    %add3A_454 = arith.addf %add3A_450, %slice3A_453 : vector<8x1024xf32>
    %slice3A_455 = vector.extract_strided_slice %select_n3A_338 {offsets = [232, 0], sizes = [8, 1024], strides = [1, 1]} : vector<256x1024xf32> to vector<8x1024xf32>
    %add3A_456 = arith.addf %add3A_452, %slice3A_455 : vector<8x1024xf32>
    %slice3A_457 = vector.extract_strided_slice %convert_element_type3A_335 {offsets = [240, 0], sizes = [8, 1024], strides = [1, 1]} : vector<256x1024xf32> to vector<8x1024xf32>
    %add3A_458 = arith.addf %add3A_454, %slice3A_457 : vector<8x1024xf32>
    %slice3A_459 = vector.extract_strided_slice %select_n3A_338 {offsets = [240, 0], sizes = [8, 1024], strides = [1, 1]} : vector<256x1024xf32> to vector<8x1024xf32>
    %add3A_460 = arith.addf %add3A_456, %slice3A_459 : vector<8x1024xf32>
    %slice3A_461 = vector.extract_strided_slice %convert_element_type3A_335 {offsets = [248, 0], sizes = [8, 1024], strides = [1, 1]} : vector<256x1024xf32> to vector<8x1024xf32>
    %add3A_462 = arith.addf %add3A_458, %slice3A_461 : vector<8x1024xf32>
    %slice3A_463 = vector.extract_strided_slice %select_n3A_338 {offsets = [248, 0], sizes = [8, 1024], strides = [1, 1]} : vector<256x1024xf32> to vector<8x1024xf32>
    %add3A_464 = arith.addf %add3A_460, %slice3A_463 : vector<8x1024xf32>
    %get3A_465 = arith.constant 2 : index
    %get3A_466 = arith.constant 0 : index
    %get3A_467 = arith.constant 0 : index
    %get3A_468 = vector.load %arg5[%get3A_465, %get3A_466, %get3A_467] : memref<22x8x1024xf32, #tpu.memory_space<vmem>>, vector<1x8x1024xf32>
    %get3A_469 = vector.shape_cast %get3A_468 : vector<1x8x1024xf32> to vector<8x1024xf32>
    %add3A_470 = arith.addf %get3A_469, %add3A_462 : vector<8x1024xf32>
    %swap3A_471 = arith.constant 2 : index
    %swap3A_472 = arith.constant 0 : index
    %swap3A_473 = arith.constant 0 : index
    %swap3A_474 = vector.load %arg5[%swap3A_471, %swap3A_472, %swap3A_473] : memref<22x8x1024xf32, #tpu.memory_space<vmem>>, vector<1x8x1024xf32>
    %swap3A_475 = vector.shape_cast %swap3A_474 : vector<1x8x1024xf32> to vector<8x1024xf32>
    %swap3A_476 = vector.shape_cast %add3A_470 : vector<8x1024xf32> to vector<1x8x1024xf32>
    tpu.vector_store %arg5[%swap3A_471, %swap3A_472, %swap3A_473], %swap3A_476 {strides = array<i32>} : memref<22x8x1024xf32, #tpu.memory_space<vmem>>, vector<1x8x1024xf32>,
    %get3A_477 = arith.constant 13 : index
    %get3A_478 = arith.constant 0 : index
    %get3A_479 = arith.constant 0 : index
    %get3A_480 = vector.load %arg5[%get3A_477, %get3A_478, %get3A_479] : memref<22x8x1024xf32, #tpu.memory_space<vmem>>, vector<1x8x1024xf32>
    %get3A_481 = vector.shape_cast %get3A_480 : vector<1x8x1024xf32> to vector<8x1024xf32>
    %add3A_482 = arith.addf %get3A_481, %add3A_464 : vector<8x1024xf32>
    %swap3A_483 = arith.constant 13 : index
    %swap3A_484 = arith.constant 0 : index
    %swap3A_485 = arith.constant 0 : index
    %swap3A_486 = vector.load %arg5[%swap3A_483, %swap3A_484, %swap3A_485] : memref<22x8x1024xf32, #tpu.memory_space<vmem>>, vector<1x8x1024xf32>
    %swap3A_487 = vector.shape_cast %swap3A_486 : vector<1x8x1024xf32> to vector<8x1024xf32>
    %swap3A_488 = vector.shape_cast %add3A_482 : vector<8x1024xf32> to vector<1x8x1024xf32>
    tpu.vector_store %arg5[%swap3A_483, %swap3A_484, %swap3A_485], %swap3A_488 {strides = array<i32>} : memref<22x8x1024xf32, #tpu.memory_space<vmem>>, vector<1x8x1024xf32>,
    %ge3A_489 = arith.constant 3.000000e+00 : f32
    %ge3A_490 = vector.broadcast %ge3A_489 : f32 to vector<256x1024xf32>
    %ge3A_491 = arith.cmpf oge, %select_n3A, %ge3A_490 : vector<256x1024xf32>
    %convert_element_type3A_492 = arith.extui %ge3A_491 : vector<256x1024xi1> to vector<256x1024xi32>
    %convert_element_type3A_493 = arith.sitofp %convert_element_type3A_492 : vector<256x1024xi32> to vector<256x1024xf32>
    %jit3A_494 = arith.constant 0.000000e+00 : f32
    %broadcast_in_dim3A_495 = vector.broadcast %jit3A_494 : f32 to vector<256x1024xf32>
    %select_n3A_496 = arith.select %ge3A_491, %mul3A_18, %broadcast_in_dim3A_495 : vector<256x1024xi1>, vector<256x1024xf32>
    %slice3A_497 = vector.extract_strided_slice %convert_element_type3A_493 {offsets = [0, 0], sizes = [8, 1024], strides = [1, 1]} : vector<256x1024xf32> to vector<8x1024xf32>
    %slice3A_498 = vector.extract_strided_slice %select_n3A_496 {offsets = [0, 0], sizes = [8, 1024], strides = [1, 1]} : vector<256x1024xf32> to vector<8x1024xf32>
    %slice3A_499 = vector.extract_strided_slice %convert_element_type3A_493 {offsets = [8, 0], sizes = [8, 1024], strides = [1, 1]} : vector<256x1024xf32> to vector<8x1024xf32>
    %add3A_500 = arith.addf %slice3A_497, %slice3A_499 : vector<8x1024xf32>
    %slice3A_501 = vector.extract_strided_slice %select_n3A_496 {offsets = [8, 0], sizes = [8, 1024], strides = [1, 1]} : vector<256x1024xf32> to vector<8x1024xf32>
    %add3A_502 = arith.addf %slice3A_498, %slice3A_501 : vector<8x1024xf32>
    %slice3A_503 = vector.extract_strided_slice %convert_element_type3A_493 {offsets = [16, 0], sizes = [8, 1024], strides = [1, 1]} : vector<256x1024xf32> to vector<8x1024xf32>
    %add3A_504 = arith.addf %add3A_500, %slice3A_503 : vector<8x1024xf32>
    %slice3A_505 = vector.extract_strided_slice %select_n3A_496 {offsets = [16, 0], sizes = [8, 1024], strides = [1, 1]} : vector<256x1024xf32> to vector<8x1024xf32>
    %add3A_506 = arith.addf %add3A_502, %slice3A_505 : vector<8x1024xf32>
    %slice3A_507 = vector.extract_strided_slice %convert_element_type3A_493 {offsets = [24, 0], sizes = [8, 1024], strides = [1, 1]} : vector<256x1024xf32> to vector<8x1024xf32>
    %add3A_508 = arith.addf %add3A_504, %slice3A_507 : vector<8x1024xf32>
    %slice3A_509 = vector.extract_strided_slice %select_n3A_496 {offsets = [24, 0], sizes = [8, 1024], strides = [1, 1]} : vector<256x1024xf32> to vector<8x1024xf32>
    %add3A_510 = arith.addf %add3A_506, %slice3A_509 : vector<8x1024xf32>
    %slice3A_511 = vector.extract_strided_slice %convert_element_type3A_493 {offsets = [32, 0], sizes = [8, 1024], strides = [1, 1]} : vector<256x1024xf32> to vector<8x1024xf32>
    %add3A_512 = arith.addf %add3A_508, %slice3A_511 : vector<8x1024xf32>
    %slice3A_513 = vector.extract_strided_slice %select_n3A_496 {offsets = [32, 0], sizes = [8, 1024], strides = [1, 1]} : vector<256x1024xf32> to vector<8x1024xf32>
    %add3A_514 = arith.addf %add3A_510, %slice3A_513 : vector<8x1024xf32>
    %slice3A_515 = vector.extract_strided_slice %convert_element_type3A_493 {offsets = [40, 0], sizes = [8, 1024], strides = [1, 1]} : vector<256x1024xf32> to vector<8x1024xf32>
    %add3A_516 = arith.addf %add3A_512, %slice3A_515 : vector<8x1024xf32>
    %slice3A_517 = vector.extract_strided_slice %select_n3A_496 {offsets = [40, 0], sizes = [8, 1024], strides = [1, 1]} : vector<256x1024xf32> to vector<8x1024xf32>
    %add3A_518 = arith.addf %add3A_514, %slice3A_517 : vector<8x1024xf32>
    %slice3A_519 = vector.extract_strided_slice %convert_element_type3A_493 {offsets = [48, 0], sizes = [8, 1024], strides = [1, 1]} : vector<256x1024xf32> to vector<8x1024xf32>
    %add3A_520 = arith.addf %add3A_516, %slice3A_519 : vector<8x1024xf32>
    %slice3A_521 = vector.extract_strided_slice %select_n3A_496 {offsets = [48, 0], sizes = [8, 1024], strides = [1, 1]} : vector<256x1024xf32> to vector<8x1024xf32>
    %add3A_522 = arith.addf %add3A_518, %slice3A_521 : vector<8x1024xf32>
    %slice3A_523 = vector.extract_strided_slice %convert_element_type3A_493 {offsets = [56, 0], sizes = [8, 1024], strides = [1, 1]} : vector<256x1024xf32> to vector<8x1024xf32>
    %add3A_524 = arith.addf %add3A_520, %slice3A_523 : vector<8x1024xf32>
    %slice3A_525 = vector.extract_strided_slice %select_n3A_496 {offsets = [56, 0], sizes = [8, 1024], strides = [1, 1]} : vector<256x1024xf32> to vector<8x1024xf32>
    %add3A_526 = arith.addf %add3A_522, %slice3A_525 : vector<8x1024xf32>
    %slice3A_527 = vector.extract_strided_slice %convert_element_type3A_493 {offsets = [64, 0], sizes = [8, 1024], strides = [1, 1]} : vector<256x1024xf32> to vector<8x1024xf32>
    %add3A_528 = arith.addf %add3A_524, %slice3A_527 : vector<8x1024xf32>
    %slice3A_529 = vector.extract_strided_slice %select_n3A_496 {offsets = [64, 0], sizes = [8, 1024], strides = [1, 1]} : vector<256x1024xf32> to vector<8x1024xf32>
    %add3A_530 = arith.addf %add3A_526, %slice3A_529 : vector<8x1024xf32>
    %slice3A_531 = vector.extract_strided_slice %convert_element_type3A_493 {offsets = [72, 0], sizes = [8, 1024], strides = [1, 1]} : vector<256x1024xf32> to vector<8x1024xf32>
    %add3A_532 = arith.addf %add3A_528, %slice3A_531 : vector<8x1024xf32>
    %slice3A_533 = vector.extract_strided_slice %select_n3A_496 {offsets = [72, 0], sizes = [8, 1024], strides = [1, 1]} : vector<256x1024xf32> to vector<8x1024xf32>
    %add3A_534 = arith.addf %add3A_530, %slice3A_533 : vector<8x1024xf32>
    %slice3A_535 = vector.extract_strided_slice %convert_element_type3A_493 {offsets = [80, 0], sizes = [8, 1024], strides = [1, 1]} : vector<256x1024xf32> to vector<8x1024xf32>
    %add3A_536 = arith.addf %add3A_532, %slice3A_535 : vector<8x1024xf32>
    %slice3A_537 = vector.extract_strided_slice %select_n3A_496 {offsets = [80, 0], sizes = [8, 1024], strides = [1, 1]} : vector<256x1024xf32> to vector<8x1024xf32>
    %add3A_538 = arith.addf %add3A_534, %slice3A_537 : vector<8x1024xf32>
    %slice3A_539 = vector.extract_strided_slice %convert_element_type3A_493 {offsets = [88, 0], sizes = [8, 1024], strides = [1, 1]} : vector<256x1024xf32> to vector<8x1024xf32>
    %add3A_540 = arith.addf %add3A_536, %slice3A_539 : vector<8x1024xf32>
    %slice3A_541 = vector.extract_strided_slice %select_n3A_496 {offsets = [88, 0], sizes = [8, 1024], strides = [1, 1]} : vector<256x1024xf32> to vector<8x1024xf32>
    %add3A_542 = arith.addf %add3A_538, %slice3A_541 : vector<8x1024xf32>
    %slice3A_543 = vector.extract_strided_slice %convert_element_type3A_493 {offsets = [96, 0], sizes = [8, 1024], strides = [1, 1]} : vector<256x1024xf32> to vector<8x1024xf32>
    %add3A_544 = arith.addf %add3A_540, %slice3A_543 : vector<8x1024xf32>
    %slice3A_545 = vector.extract_strided_slice %select_n3A_496 {offsets = [96, 0], sizes = [8, 1024], strides = [1, 1]} : vector<256x1024xf32> to vector<8x1024xf32>
    %add3A_546 = arith.addf %add3A_542, %slice3A_545 : vector<8x1024xf32>
    %slice3A_547 = vector.extract_strided_slice %convert_element_type3A_493 {offsets = [104, 0], sizes = [8, 1024], strides = [1, 1]} : vector<256x1024xf32> to vector<8x1024xf32>
    %add3A_548 = arith.addf %add3A_544, %slice3A_547 : vector<8x1024xf32>
    %slice3A_549 = vector.extract_strided_slice %select_n3A_496 {offsets = [104, 0], sizes = [8, 1024], strides = [1, 1]} : vector<256x1024xf32> to vector<8x1024xf32>
    %add3A_550 = arith.addf %add3A_546, %slice3A_549 : vector<8x1024xf32>
    %slice3A_551 = vector.extract_strided_slice %convert_element_type3A_493 {offsets = [112, 0], sizes = [8, 1024], strides = [1, 1]} : vector<256x1024xf32> to vector<8x1024xf32>
    %add3A_552 = arith.addf %add3A_548, %slice3A_551 : vector<8x1024xf32>
    %slice3A_553 = vector.extract_strided_slice %select_n3A_496 {offsets = [112, 0], sizes = [8, 1024], strides = [1, 1]} : vector<256x1024xf32> to vector<8x1024xf32>
    %add3A_554 = arith.addf %add3A_550, %slice3A_553 : vector<8x1024xf32>
    %slice3A_555 = vector.extract_strided_slice %convert_element_type3A_493 {offsets = [120, 0], sizes = [8, 1024], strides = [1, 1]} : vector<256x1024xf32> to vector<8x1024xf32>
    %add3A_556 = arith.addf %add3A_552, %slice3A_555 : vector<8x1024xf32>
    %slice3A_557 = vector.extract_strided_slice %select_n3A_496 {offsets = [120, 0], sizes = [8, 1024], strides = [1, 1]} : vector<256x1024xf32> to vector<8x1024xf32>
    %add3A_558 = arith.addf %add3A_554, %slice3A_557 : vector<8x1024xf32>
    %slice3A_559 = vector.extract_strided_slice %convert_element_type3A_493 {offsets = [128, 0], sizes = [8, 1024], strides = [1, 1]} : vector<256x1024xf32> to vector<8x1024xf32>
    %add3A_560 = arith.addf %add3A_556, %slice3A_559 : vector<8x1024xf32>
    %slice3A_561 = vector.extract_strided_slice %select_n3A_496 {offsets = [128, 0], sizes = [8, 1024], strides = [1, 1]} : vector<256x1024xf32> to vector<8x1024xf32>
    %add3A_562 = arith.addf %add3A_558, %slice3A_561 : vector<8x1024xf32>
    %slice3A_563 = vector.extract_strided_slice %convert_element_type3A_493 {offsets = [136, 0], sizes = [8, 1024], strides = [1, 1]} : vector<256x1024xf32> to vector<8x1024xf32>
    %add3A_564 = arith.addf %add3A_560, %slice3A_563 : vector<8x1024xf32>
    %slice3A_565 = vector.extract_strided_slice %select_n3A_496 {offsets = [136, 0], sizes = [8, 1024], strides = [1, 1]} : vector<256x1024xf32> to vector<8x1024xf32>
    %add3A_566 = arith.addf %add3A_562, %slice3A_565 : vector<8x1024xf32>
    %slice3A_567 = vector.extract_strided_slice %convert_element_type3A_493 {offsets = [144, 0], sizes = [8, 1024], strides = [1, 1]} : vector<256x1024xf32> to vector<8x1024xf32>
    %add3A_568 = arith.addf %add3A_564, %slice3A_567 : vector<8x1024xf32>
    %slice3A_569 = vector.extract_strided_slice %select_n3A_496 {offsets = [144, 0], sizes = [8, 1024], strides = [1, 1]} : vector<256x1024xf32> to vector<8x1024xf32>
    %add3A_570 = arith.addf %add3A_566, %slice3A_569 : vector<8x1024xf32>
    %slice3A_571 = vector.extract_strided_slice %convert_element_type3A_493 {offsets = [152, 0], sizes = [8, 1024], strides = [1, 1]} : vector<256x1024xf32> to vector<8x1024xf32>
    %add3A_572 = arith.addf %add3A_568, %slice3A_571 : vector<8x1024xf32>
    %slice3A_573 = vector.extract_strided_slice %select_n3A_496 {offsets = [152, 0], sizes = [8, 1024], strides = [1, 1]} : vector<256x1024xf32> to vector<8x1024xf32>
    %add3A_574 = arith.addf %add3A_570, %slice3A_573 : vector<8x1024xf32>
    %slice3A_575 = vector.extract_strided_slice %convert_element_type3A_493 {offsets = [160, 0], sizes = [8, 1024], strides = [1, 1]} : vector<256x1024xf32> to vector<8x1024xf32>
    %add3A_576 = arith.addf %add3A_572, %slice3A_575 : vector<8x1024xf32>
    %slice3A_577 = vector.extract_strided_slice %select_n3A_496 {offsets = [160, 0], sizes = [8, 1024], strides = [1, 1]} : vector<256x1024xf32> to vector<8x1024xf32>
    %add3A_578 = arith.addf %add3A_574, %slice3A_577 : vector<8x1024xf32>
    %slice3A_579 = vector.extract_strided_slice %convert_element_type3A_493 {offsets = [168, 0], sizes = [8, 1024], strides = [1, 1]} : vector<256x1024xf32> to vector<8x1024xf32>
    %add3A_580 = arith.addf %add3A_576, %slice3A_579 : vector<8x1024xf32>
    %slice3A_581 = vector.extract_strided_slice %select_n3A_496 {offsets = [168, 0], sizes = [8, 1024], strides = [1, 1]} : vector<256x1024xf32> to vector<8x1024xf32>
    %add3A_582 = arith.addf %add3A_578, %slice3A_581 : vector<8x1024xf32>
    %slice3A_583 = vector.extract_strided_slice %convert_element_type3A_493 {offsets = [176, 0], sizes = [8, 1024], strides = [1, 1]} : vector<256x1024xf32> to vector<8x1024xf32>
    %add3A_584 = arith.addf %add3A_580, %slice3A_583 : vector<8x1024xf32>
    %slice3A_585 = vector.extract_strided_slice %select_n3A_496 {offsets = [176, 0], sizes = [8, 1024], strides = [1, 1]} : vector<256x1024xf32> to vector<8x1024xf32>
    %add3A_586 = arith.addf %add3A_582, %slice3A_585 : vector<8x1024xf32>
    %slice3A_587 = vector.extract_strided_slice %convert_element_type3A_493 {offsets = [184, 0], sizes = [8, 1024], strides = [1, 1]} : vector<256x1024xf32> to vector<8x1024xf32>
    %add3A_588 = arith.addf %add3A_584, %slice3A_587 : vector<8x1024xf32>
    %slice3A_589 = vector.extract_strided_slice %select_n3A_496 {offsets = [184, 0], sizes = [8, 1024], strides = [1, 1]} : vector<256x1024xf32> to vector<8x1024xf32>
    %add3A_590 = arith.addf %add3A_586, %slice3A_589 : vector<8x1024xf32>
    %slice3A_591 = vector.extract_strided_slice %convert_element_type3A_493 {offsets = [192, 0], sizes = [8, 1024], strides = [1, 1]} : vector<256x1024xf32> to vector<8x1024xf32>
    %add3A_592 = arith.addf %add3A_588, %slice3A_591 : vector<8x1024xf32>
    %slice3A_593 = vector.extract_strided_slice %select_n3A_496 {offsets = [192, 0], sizes = [8, 1024], strides = [1, 1]} : vector<256x1024xf32> to vector<8x1024xf32>
    %add3A_594 = arith.addf %add3A_590, %slice3A_593 : vector<8x1024xf32>
    %slice3A_595 = vector.extract_strided_slice %convert_element_type3A_493 {offsets = [200, 0], sizes = [8, 1024], strides = [1, 1]} : vector<256x1024xf32> to vector<8x1024xf32>
    %add3A_596 = arith.addf %add3A_592, %slice3A_595 : vector<8x1024xf32>
    %slice3A_597 = vector.extract_strided_slice %select_n3A_496 {offsets = [200, 0], sizes = [8, 1024], strides = [1, 1]} : vector<256x1024xf32> to vector<8x1024xf32>
    %add3A_598 = arith.addf %add3A_594, %slice3A_597 : vector<8x1024xf32>
    %slice3A_599 = vector.extract_strided_slice %convert_element_type3A_493 {offsets = [208, 0], sizes = [8, 1024], strides = [1, 1]} : vector<256x1024xf32> to vector<8x1024xf32>
    %add3A_600 = arith.addf %add3A_596, %slice3A_599 : vector<8x1024xf32>
    %slice3A_601 = vector.extract_strided_slice %select_n3A_496 {offsets = [208, 0], sizes = [8, 1024], strides = [1, 1]} : vector<256x1024xf32> to vector<8x1024xf32>
    %add3A_602 = arith.addf %add3A_598, %slice3A_601 : vector<8x1024xf32>
    %slice3A_603 = vector.extract_strided_slice %convert_element_type3A_493 {offsets = [216, 0], sizes = [8, 1024], strides = [1, 1]} : vector<256x1024xf32> to vector<8x1024xf32>
    %add3A_604 = arith.addf %add3A_600, %slice3A_603 : vector<8x1024xf32>
    %slice3A_605 = vector.extract_strided_slice %select_n3A_496 {offsets = [216, 0], sizes = [8, 1024], strides = [1, 1]} : vector<256x1024xf32> to vector<8x1024xf32>
    %add3A_606 = arith.addf %add3A_602, %slice3A_605 : vector<8x1024xf32>
    %slice3A_607 = vector.extract_strided_slice %convert_element_type3A_493 {offsets = [224, 0], sizes = [8, 1024], strides = [1, 1]} : vector<256x1024xf32> to vector<8x1024xf32>
    %add3A_608 = arith.addf %add3A_604, %slice3A_607 : vector<8x1024xf32>
    %slice3A_609 = vector.extract_strided_slice %select_n3A_496 {offsets = [224, 0], sizes = [8, 1024], strides = [1, 1]} : vector<256x1024xf32> to vector<8x1024xf32>
    %add3A_610 = arith.addf %add3A_606, %slice3A_609 : vector<8x1024xf32>
    %slice3A_611 = vector.extract_strided_slice %convert_element_type3A_493 {offsets = [232, 0], sizes = [8, 1024], strides = [1, 1]} : vector<256x1024xf32> to vector<8x1024xf32>
    %add3A_612 = arith.addf %add3A_608, %slice3A_611 : vector<8x1024xf32>
    %slice3A_613 = vector.extract_strided_slice %select_n3A_496 {offsets = [232, 0], sizes = [8, 1024], strides = [1, 1]} : vector<256x1024xf32> to vector<8x1024xf32>
    %add3A_614 = arith.addf %add3A_610, %slice3A_613 : vector<8x1024xf32>
    %slice3A_615 = vector.extract_strided_slice %convert_element_type3A_493 {offsets = [240, 0], sizes = [8, 1024], strides = [1, 1]} : vector<256x1024xf32> to vector<8x1024xf32>
    %add3A_616 = arith.addf %add3A_612, %slice3A_615 : vector<8x1024xf32>
    %slice3A_617 = vector.extract_strided_slice %select_n3A_496 {offsets = [240, 0], sizes = [8, 1024], strides = [1, 1]} : vector<256x1024xf32> to vector<8x1024xf32>
    %add3A_618 = arith.addf %add3A_614, %slice3A_617 : vector<8x1024xf32>
    %slice3A_619 = vector.extract_strided_slice %convert_element_type3A_493 {offsets = [248, 0], sizes = [8, 1024], strides = [1, 1]} : vector<256x1024xf32> to vector<8x1024xf32>
    %add3A_620 = arith.addf %add3A_616, %slice3A_619 : vector<8x1024xf32>
    %slice3A_621 = vector.extract_strided_slice %select_n3A_496 {offsets = [248, 0], sizes = [8, 1024], strides = [1, 1]} : vector<256x1024xf32> to vector<8x1024xf32>
    %add3A_622 = arith.addf %add3A_618, %slice3A_621 : vector<8x1024xf32>
    %get3A_623 = arith.constant 3 : index
    %get3A_624 = arith.constant 0 : index
    %get3A_625 = arith.constant 0 : index
    %get3A_626 = vector.load %arg5[%get3A_623, %get3A_624, %get3A_625] : memref<22x8x1024xf32, #tpu.memory_space<vmem>>, vector<1x8x1024xf32>
    %get3A_627 = vector.shape_cast %get3A_626 : vector<1x8x1024xf32> to vector<8x1024xf32>
    %add3A_628 = arith.addf %get3A_627, %add3A_620 : vector<8x1024xf32>
    %swap3A_629 = arith.constant 3 : index
    %swap3A_630 = arith.constant 0 : index
    %swap3A_631 = arith.constant 0 : index
    %swap3A_632 = vector.load %arg5[%swap3A_629, %swap3A_630, %swap3A_631] : memref<22x8x1024xf32, #tpu.memory_space<vmem>>, vector<1x8x1024xf32>
    %swap3A_633 = vector.shape_cast %swap3A_632 : vector<1x8x1024xf32> to vector<8x1024xf32>
    %swap3A_634 = vector.shape_cast %add3A_628 : vector<8x1024xf32> to vector<1x8x1024xf32>
    tpu.vector_store %arg5[%swap3A_629, %swap3A_630, %swap3A_631], %swap3A_634 {strides = array<i32>} : memref<22x8x1024xf32, #tpu.memory_space<vmem>>, vector<1x8x1024xf32>,
    %get3A_635 = arith.constant 14 : index
    %get3A_636 = arith.constant 0 : index
    %get3A_637 = arith.constant 0 : index
    %get3A_638 = vector.load %arg5[%get3A_635, %get3A_636, %get3A_637] : memref<22x8x1024xf32, #tpu.memory_space<vmem>>, vector<1x8x1024xf32>
    %get3A_639 = vector.shape_cast %get3A_638 : vector<1x8x1024xf32> to vector<8x1024xf32>
    %add3A_640 = arith.addf %get3A_639, %add3A_622 : vector<8x1024xf32>
    %swap3A_641 = arith.constant 14 : index
    %swap3A_642 = arith.constant 0 : index
    %swap3A_643 = arith.constant 0 : index
    %swap3A_644 = vector.load %arg5[%swap3A_641, %swap3A_642, %swap3A_643] : memref<22x8x1024xf32, #tpu.memory_space<vmem>>, vector<1x8x1024xf32>
    %swap3A_645 = vector.shape_cast %swap3A_644 : vector<1x8x1024xf32> to vector<8x1024xf32>
    %swap3A_646 = vector.shape_cast %add3A_640 : vector<8x1024xf32> to vector<1x8x1024xf32>
    tpu.vector_store %arg5[%swap3A_641, %swap3A_642, %swap3A_643], %swap3A_646 {strides = array<i32>} : memref<22x8x1024xf32, #tpu.memory_space<vmem>>, vector<1x8x1024xf32>,
    %ge3A_647 = arith.constant 4.000000e+00 : f32
    %ge3A_648 = vector.broadcast %ge3A_647 : f32 to vector<256x1024xf32>
    %ge3A_649 = arith.cmpf oge, %select_n3A, %ge3A_648 : vector<256x1024xf32>
    %convert_element_type3A_650 = arith.extui %ge3A_649 : vector<256x1024xi1> to vector<256x1024xi32>
    %convert_element_type3A_651 = arith.sitofp %convert_element_type3A_650 : vector<256x1024xi32> to vector<256x1024xf32>
    %jit3A_652 = arith.constant 0.000000e+00 : f32
    %broadcast_in_dim3A_653 = vector.broadcast %jit3A_652 : f32 to vector<256x1024xf32>
    %select_n3A_654 = arith.select %ge3A_649, %mul3A_18, %broadcast_in_dim3A_653 : vector<256x1024xi1>, vector<256x1024xf32>
    %slice3A_655 = vector.extract_strided_slice %convert_element_type3A_651 {offsets = [0, 0], sizes = [8, 1024], strides = [1, 1]} : vector<256x1024xf32> to vector<8x1024xf32>
    %slice3A_656 = vector.extract_strided_slice %select_n3A_654 {offsets = [0, 0], sizes = [8, 1024], strides = [1, 1]} : vector<256x1024xf32> to vector<8x1024xf32>
    %slice3A_657 = vector.extract_strided_slice %convert_element_type3A_651 {offsets = [8, 0], sizes = [8, 1024], strides = [1, 1]} : vector<256x1024xf32> to vector<8x1024xf32>
    %add3A_658 = arith.addf %slice3A_655, %slice3A_657 : vector<8x1024xf32>
    %slice3A_659 = vector.extract_strided_slice %select_n3A_654 {offsets = [8, 0], sizes = [8, 1024], strides = [1, 1]} : vector<256x1024xf32> to vector<8x1024xf32>
    %add3A_660 = arith.addf %slice3A_656, %slice3A_659 : vector<8x1024xf32>
    %slice3A_661 = vector.extract_strided_slice %convert_element_type3A_651 {offsets = [16, 0], sizes = [8, 1024], strides = [1, 1]} : vector<256x1024xf32> to vector<8x1024xf32>
    %add3A_662 = arith.addf %add3A_658, %slice3A_661 : vector<8x1024xf32>
    %slice3A_663 = vector.extract_strided_slice %select_n3A_654 {offsets = [16, 0], sizes = [8, 1024], strides = [1, 1]} : vector<256x1024xf32> to vector<8x1024xf32>
    %add3A_664 = arith.addf %add3A_660, %slice3A_663 : vector<8x1024xf32>
    %slice3A_665 = vector.extract_strided_slice %convert_element_type3A_651 {offsets = [24, 0], sizes = [8, 1024], strides = [1, 1]} : vector<256x1024xf32> to vector<8x1024xf32>
    %add3A_666 = arith.addf %add3A_662, %slice3A_665 : vector<8x1024xf32>
    %slice3A_667 = vector.extract_strided_slice %select_n3A_654 {offsets = [24, 0], sizes = [8, 1024], strides = [1, 1]} : vector<256x1024xf32> to vector<8x1024xf32>
    %add3A_668 = arith.addf %add3A_664, %slice3A_667 : vector<8x1024xf32>
    %slice3A_669 = vector.extract_strided_slice %convert_element_type3A_651 {offsets = [32, 0], sizes = [8, 1024], strides = [1, 1]} : vector<256x1024xf32> to vector<8x1024xf32>
    %add3A_670 = arith.addf %add3A_666, %slice3A_669 : vector<8x1024xf32>
    %slice3A_671 = vector.extract_strided_slice %select_n3A_654 {offsets = [32, 0], sizes = [8, 1024], strides = [1, 1]} : vector<256x1024xf32> to vector<8x1024xf32>
    %add3A_672 = arith.addf %add3A_668, %slice3A_671 : vector<8x1024xf32>
    %slice3A_673 = vector.extract_strided_slice %convert_element_type3A_651 {offsets = [40, 0], sizes = [8, 1024], strides = [1, 1]} : vector<256x1024xf32> to vector<8x1024xf32>
    %add3A_674 = arith.addf %add3A_670, %slice3A_673 : vector<8x1024xf32>
    %slice3A_675 = vector.extract_strided_slice %select_n3A_654 {offsets = [40, 0], sizes = [8, 1024], strides = [1, 1]} : vector<256x1024xf32> to vector<8x1024xf32>
    %add3A_676 = arith.addf %add3A_672, %slice3A_675 : vector<8x1024xf32>
    %slice3A_677 = vector.extract_strided_slice %convert_element_type3A_651 {offsets = [48, 0], sizes = [8, 1024], strides = [1, 1]} : vector<256x1024xf32> to vector<8x1024xf32>
    %add3A_678 = arith.addf %add3A_674, %slice3A_677 : vector<8x1024xf32>
    %slice3A_679 = vector.extract_strided_slice %select_n3A_654 {offsets = [48, 0], sizes = [8, 1024], strides = [1, 1]} : vector<256x1024xf32> to vector<8x1024xf32>
    %add3A_680 = arith.addf %add3A_676, %slice3A_679 : vector<8x1024xf32>
    %slice3A_681 = vector.extract_strided_slice %convert_element_type3A_651 {offsets = [56, 0], sizes = [8, 1024], strides = [1, 1]} : vector<256x1024xf32> to vector<8x1024xf32>
    %add3A_682 = arith.addf %add3A_678, %slice3A_681 : vector<8x1024xf32>
    %slice3A_683 = vector.extract_strided_slice %select_n3A_654 {offsets = [56, 0], sizes = [8, 1024], strides = [1, 1]} : vector<256x1024xf32> to vector<8x1024xf32>
    %add3A_684 = arith.addf %add3A_680, %slice3A_683 : vector<8x1024xf32>
    %slice3A_685 = vector.extract_strided_slice %convert_element_type3A_651 {offsets = [64, 0], sizes = [8, 1024], strides = [1, 1]} : vector<256x1024xf32> to vector<8x1024xf32>
    %add3A_686 = arith.addf %add3A_682, %slice3A_685 : vector<8x1024xf32>
    %slice3A_687 = vector.extract_strided_slice %select_n3A_654 {offsets = [64, 0], sizes = [8, 1024], strides = [1, 1]} : vector<256x1024xf32> to vector<8x1024xf32>
    %add3A_688 = arith.addf %add3A_684, %slice3A_687 : vector<8x1024xf32>
    %slice3A_689 = vector.extract_strided_slice %convert_element_type3A_651 {offsets = [72, 0], sizes = [8, 1024], strides = [1, 1]} : vector<256x1024xf32> to vector<8x1024xf32>
    %add3A_690 = arith.addf %add3A_686, %slice3A_689 : vector<8x1024xf32>
    %slice3A_691 = vector.extract_strided_slice %select_n3A_654 {offsets = [72, 0], sizes = [8, 1024], strides = [1, 1]} : vector<256x1024xf32> to vector<8x1024xf32>
    %add3A_692 = arith.addf %add3A_688, %slice3A_691 : vector<8x1024xf32>
    %slice3A_693 = vector.extract_strided_slice %convert_element_type3A_651 {offsets = [80, 0], sizes = [8, 1024], strides = [1, 1]} : vector<256x1024xf32> to vector<8x1024xf32>
    %add3A_694 = arith.addf %add3A_690, %slice3A_693 : vector<8x1024xf32>
    %slice3A_695 = vector.extract_strided_slice %select_n3A_654 {offsets = [80, 0], sizes = [8, 1024], strides = [1, 1]} : vector<256x1024xf32> to vector<8x1024xf32>
    %add3A_696 = arith.addf %add3A_692, %slice3A_695 : vector<8x1024xf32>
    %slice3A_697 = vector.extract_strided_slice %convert_element_type3A_651 {offsets = [88, 0], sizes = [8, 1024], strides = [1, 1]} : vector<256x1024xf32> to vector<8x1024xf32>
    %add3A_698 = arith.addf %add3A_694, %slice3A_697 : vector<8x1024xf32>
    %slice3A_699 = vector.extract_strided_slice %select_n3A_654 {offsets = [88, 0], sizes = [8, 1024], strides = [1, 1]} : vector<256x1024xf32> to vector<8x1024xf32>
    %add3A_700 = arith.addf %add3A_696, %slice3A_699 : vector<8x1024xf32>
    %slice3A_701 = vector.extract_strided_slice %convert_element_type3A_651 {offsets = [96, 0], sizes = [8, 1024], strides = [1, 1]} : vector<256x1024xf32> to vector<8x1024xf32>
    %add3A_702 = arith.addf %add3A_698, %slice3A_701 : vector<8x1024xf32>
    %slice3A_703 = vector.extract_strided_slice %select_n3A_654 {offsets = [96, 0], sizes = [8, 1024], strides = [1, 1]} : vector<256x1024xf32> to vector<8x1024xf32>
    %add3A_704 = arith.addf %add3A_700, %slice3A_703 : vector<8x1024xf32>
    %slice3A_705 = vector.extract_strided_slice %convert_element_type3A_651 {offsets = [104, 0], sizes = [8, 1024], strides = [1, 1]} : vector<256x1024xf32> to vector<8x1024xf32>
    %add3A_706 = arith.addf %add3A_702, %slice3A_705 : vector<8x1024xf32>
    %slice3A_707 = vector.extract_strided_slice %select_n3A_654 {offsets = [104, 0], sizes = [8, 1024], strides = [1, 1]} : vector<256x1024xf32> to vector<8x1024xf32>
    %add3A_708 = arith.addf %add3A_704, %slice3A_707 : vector<8x1024xf32>
    %slice3A_709 = vector.extract_strided_slice %convert_element_type3A_651 {offsets = [112, 0], sizes = [8, 1024], strides = [1, 1]} : vector<256x1024xf32> to vector<8x1024xf32>
    %add3A_710 = arith.addf %add3A_706, %slice3A_709 : vector<8x1024xf32>
    %slice3A_711 = vector.extract_strided_slice %select_n3A_654 {offsets = [112, 0], sizes = [8, 1024], strides = [1, 1]} : vector<256x1024xf32> to vector<8x1024xf32>
    %add3A_712 = arith.addf %add3A_708, %slice3A_711 : vector<8x1024xf32>
    %slice3A_713 = vector.extract_strided_slice %convert_element_type3A_651 {offsets = [120, 0], sizes = [8, 1024], strides = [1, 1]} : vector<256x1024xf32> to vector<8x1024xf32>
    %add3A_714 = arith.addf %add3A_710, %slice3A_713 : vector<8x1024xf32>
    %slice3A_715 = vector.extract_strided_slice %select_n3A_654 {offsets = [120, 0], sizes = [8, 1024], strides = [1, 1]} : vector<256x1024xf32> to vector<8x1024xf32>
    %add3A_716 = arith.addf %add3A_712, %slice3A_715 : vector<8x1024xf32>
    %slice3A_717 = vector.extract_strided_slice %convert_element_type3A_651 {offsets = [128, 0], sizes = [8, 1024], strides = [1, 1]} : vector<256x1024xf32> to vector<8x1024xf32>
    %add3A_718 = arith.addf %add3A_714, %slice3A_717 : vector<8x1024xf32>
    %slice3A_719 = vector.extract_strided_slice %select_n3A_654 {offsets = [128, 0], sizes = [8, 1024], strides = [1, 1]} : vector<256x1024xf32> to vector<8x1024xf32>
    %add3A_720 = arith.addf %add3A_716, %slice3A_719 : vector<8x1024xf32>
    %slice3A_721 = vector.extract_strided_slice %convert_element_type3A_651 {offsets = [136, 0], sizes = [8, 1024], strides = [1, 1]} : vector<256x1024xf32> to vector<8x1024xf32>
    %add3A_722 = arith.addf %add3A_718, %slice3A_721 : vector<8x1024xf32>
    %slice3A_723 = vector.extract_strided_slice %select_n3A_654 {offsets = [136, 0], sizes = [8, 1024], strides = [1, 1]} : vector<256x1024xf32> to vector<8x1024xf32>
    %add3A_724 = arith.addf %add3A_720, %slice3A_723 : vector<8x1024xf32>
    %slice3A_725 = vector.extract_strided_slice %convert_element_type3A_651 {offsets = [144, 0], sizes = [8, 1024], strides = [1, 1]} : vector<256x1024xf32> to vector<8x1024xf32>
    %add3A_726 = arith.addf %add3A_722, %slice3A_725 : vector<8x1024xf32>
    %slice3A_727 = vector.extract_strided_slice %select_n3A_654 {offsets = [144, 0], sizes = [8, 1024], strides = [1, 1]} : vector<256x1024xf32> to vector<8x1024xf32>
    %add3A_728 = arith.addf %add3A_724, %slice3A_727 : vector<8x1024xf32>
    %slice3A_729 = vector.extract_strided_slice %convert_element_type3A_651 {offsets = [152, 0], sizes = [8, 1024], strides = [1, 1]} : vector<256x1024xf32> to vector<8x1024xf32>
    %add3A_730 = arith.addf %add3A_726, %slice3A_729 : vector<8x1024xf32>
    %slice3A_731 = vector.extract_strided_slice %select_n3A_654 {offsets = [152, 0], sizes = [8, 1024], strides = [1, 1]} : vector<256x1024xf32> to vector<8x1024xf32>
    %add3A_732 = arith.addf %add3A_728, %slice3A_731 : vector<8x1024xf32>
    %slice3A_733 = vector.extract_strided_slice %convert_element_type3A_651 {offsets = [160, 0], sizes = [8, 1024], strides = [1, 1]} : vector<256x1024xf32> to vector<8x1024xf32>
    %add3A_734 = arith.addf %add3A_730, %slice3A_733 : vector<8x1024xf32>
    %slice3A_735 = vector.extract_strided_slice %select_n3A_654 {offsets = [160, 0], sizes = [8, 1024], strides = [1, 1]} : vector<256x1024xf32> to vector<8x1024xf32>
    %add3A_736 = arith.addf %add3A_732, %slice3A_735 : vector<8x1024xf32>
    %slice3A_737 = vector.extract_strided_slice %convert_element_type3A_651 {offsets = [168, 0], sizes = [8, 1024], strides = [1, 1]} : vector<256x1024xf32> to vector<8x1024xf32>
    %add3A_738 = arith.addf %add3A_734, %slice3A_737 : vector<8x1024xf32>
    %slice3A_739 = vector.extract_strided_slice %select_n3A_654 {offsets = [168, 0], sizes = [8, 1024], strides = [1, 1]} : vector<256x1024xf32> to vector<8x1024xf32>
    %add3A_740 = arith.addf %add3A_736, %slice3A_739 : vector<8x1024xf32>
    %slice3A_741 = vector.extract_strided_slice %convert_element_type3A_651 {offsets = [176, 0], sizes = [8, 1024], strides = [1, 1]} : vector<256x1024xf32> to vector<8x1024xf32>
    %add3A_742 = arith.addf %add3A_738, %slice3A_741 : vector<8x1024xf32>
    %slice3A_743 = vector.extract_strided_slice %select_n3A_654 {offsets = [176, 0], sizes = [8, 1024], strides = [1, 1]} : vector<256x1024xf32> to vector<8x1024xf32>
    %add3A_744 = arith.addf %add3A_740, %slice3A_743 : vector<8x1024xf32>
    %slice3A_745 = vector.extract_strided_slice %convert_element_type3A_651 {offsets = [184, 0], sizes = [8, 1024], strides = [1, 1]} : vector<256x1024xf32> to vector<8x1024xf32>
    %add3A_746 = arith.addf %add3A_742, %slice3A_745 : vector<8x1024xf32>
    %slice3A_747 = vector.extract_strided_slice %select_n3A_654 {offsets = [184, 0], sizes = [8, 1024], strides = [1, 1]} : vector<256x1024xf32> to vector<8x1024xf32>
    %add3A_748 = arith.addf %add3A_744, %slice3A_747 : vector<8x1024xf32>
    %slice3A_749 = vector.extract_strided_slice %convert_element_type3A_651 {offsets = [192, 0], sizes = [8, 1024], strides = [1, 1]} : vector<256x1024xf32> to vector<8x1024xf32>
    %add3A_750 = arith.addf %add3A_746, %slice3A_749 : vector<8x1024xf32>
    %slice3A_751 = vector.extract_strided_slice %select_n3A_654 {offsets = [192, 0], sizes = [8, 1024], strides = [1, 1]} : vector<256x1024xf32> to vector<8x1024xf32>
    %add3A_752 = arith.addf %add3A_748, %slice3A_751 : vector<8x1024xf32>
    %slice3A_753 = vector.extract_strided_slice %convert_element_type3A_651 {offsets = [200, 0], sizes = [8, 1024], strides = [1, 1]} : vector<256x1024xf32> to vector<8x1024xf32>
    %add3A_754 = arith.addf %add3A_750, %slice3A_753 : vector<8x1024xf32>
    %slice3A_755 = vector.extract_strided_slice %select_n3A_654 {offsets = [200, 0], sizes = [8, 1024], strides = [1, 1]} : vector<256x1024xf32> to vector<8x1024xf32>
    %add3A_756 = arith.addf %add3A_752, %slice3A_755 : vector<8x1024xf32>
    %slice3A_757 = vector.extract_strided_slice %convert_element_type3A_651 {offsets = [208, 0], sizes = [8, 1024], strides = [1, 1]} : vector<256x1024xf32> to vector<8x1024xf32>
    %add3A_758 = arith.addf %add3A_754, %slice3A_757 : vector<8x1024xf32>
    %slice3A_759 = vector.extract_strided_slice %select_n3A_654 {offsets = [208, 0], sizes = [8, 1024], strides = [1, 1]} : vector<256x1024xf32> to vector<8x1024xf32>
    %add3A_760 = arith.addf %add3A_756, %slice3A_759 : vector<8x1024xf32>
    %slice3A_761 = vector.extract_strided_slice %convert_element_type3A_651 {offsets = [216, 0], sizes = [8, 1024], strides = [1, 1]} : vector<256x1024xf32> to vector<8x1024xf32>
    %add3A_762 = arith.addf %add3A_758, %slice3A_761 : vector<8x1024xf32>
    %slice3A_763 = vector.extract_strided_slice %select_n3A_654 {offsets = [216, 0], sizes = [8, 1024], strides = [1, 1]} : vector<256x1024xf32> to vector<8x1024xf32>
    %add3A_764 = arith.addf %add3A_760, %slice3A_763 : vector<8x1024xf32>
    %slice3A_765 = vector.extract_strided_slice %convert_element_type3A_651 {offsets = [224, 0], sizes = [8, 1024], strides = [1, 1]} : vector<256x1024xf32> to vector<8x1024xf32>
    %add3A_766 = arith.addf %add3A_762, %slice3A_765 : vector<8x1024xf32>
    %slice3A_767 = vector.extract_strided_slice %select_n3A_654 {offsets = [224, 0], sizes = [8, 1024], strides = [1, 1]} : vector<256x1024xf32> to vector<8x1024xf32>
    %add3A_768 = arith.addf %add3A_764, %slice3A_767 : vector<8x1024xf32>
    %slice3A_769 = vector.extract_strided_slice %convert_element_type3A_651 {offsets = [232, 0], sizes = [8, 1024], strides = [1, 1]} : vector<256x1024xf32> to vector<8x1024xf32>
    %add3A_770 = arith.addf %add3A_766, %slice3A_769 : vector<8x1024xf32>
    %slice3A_771 = vector.extract_strided_slice %select_n3A_654 {offsets = [232, 0], sizes = [8, 1024], strides = [1, 1]} : vector<256x1024xf32> to vector<8x1024xf32>
    %add3A_772 = arith.addf %add3A_768, %slice3A_771 : vector<8x1024xf32>
    %slice3A_773 = vector.extract_strided_slice %convert_element_type3A_651 {offsets = [240, 0], sizes = [8, 1024], strides = [1, 1]} : vector<256x1024xf32> to vector<8x1024xf32>
    %add3A_774 = arith.addf %add3A_770, %slice3A_773 : vector<8x1024xf32>
    %slice3A_775 = vector.extract_strided_slice %select_n3A_654 {offsets = [240, 0], sizes = [8, 1024], strides = [1, 1]} : vector<256x1024xf32> to vector<8x1024xf32>
    %add3A_776 = arith.addf %add3A_772, %slice3A_775 : vector<8x1024xf32>
    %slice3A_777 = vector.extract_strided_slice %convert_element_type3A_651 {offsets = [248, 0], sizes = [8, 1024], strides = [1, 1]} : vector<256x1024xf32> to vector<8x1024xf32>
    %add3A_778 = arith.addf %add3A_774, %slice3A_777 : vector<8x1024xf32>
    %slice3A_779 = vector.extract_strided_slice %select_n3A_654 {offsets = [248, 0], sizes = [8, 1024], strides = [1, 1]} : vector<256x1024xf32> to vector<8x1024xf32>
    %add3A_780 = arith.addf %add3A_776, %slice3A_779 : vector<8x1024xf32>
    %get3A_781 = arith.constant 4 : index
    %get3A_782 = arith.constant 0 : index
    %get3A_783 = arith.constant 0 : index
    %get3A_784 = vector.load %arg5[%get3A_781, %get3A_782, %get3A_783] : memref<22x8x1024xf32, #tpu.memory_space<vmem>>, vector<1x8x1024xf32>
    %get3A_785 = vector.shape_cast %get3A_784 : vector<1x8x1024xf32> to vector<8x1024xf32>
    %add3A_786 = arith.addf %get3A_785, %add3A_778 : vector<8x1024xf32>
    %swap3A_787 = arith.constant 4 : index
    %swap3A_788 = arith.constant 0 : index
    %swap3A_789 = arith.constant 0 : index
    %swap3A_790 = vector.load %arg5[%swap3A_787, %swap3A_788, %swap3A_789] : memref<22x8x1024xf32, #tpu.memory_space<vmem>>, vector<1x8x1024xf32>
    %swap3A_791 = vector.shape_cast %swap3A_790 : vector<1x8x1024xf32> to vector<8x1024xf32>
    %swap3A_792 = vector.shape_cast %add3A_786 : vector<8x1024xf32> to vector<1x8x1024xf32>
    tpu.vector_store %arg5[%swap3A_787, %swap3A_788, %swap3A_789], %swap3A_792 {strides = array<i32>} : memref<22x8x1024xf32, #tpu.memory_space<vmem>>, vector<1x8x1024xf32>,
    %get3A_793 = arith.constant 15 : index
    %get3A_794 = arith.constant 0 : index
    %get3A_795 = arith.constant 0 : index
    %get3A_796 = vector.load %arg5[%get3A_793, %get3A_794, %get3A_795] : memref<22x8x1024xf32, #tpu.memory_space<vmem>>, vector<1x8x1024xf32>
    %get3A_797 = vector.shape_cast %get3A_796 : vector<1x8x1024xf32> to vector<8x1024xf32>
    %add3A_798 = arith.addf %get3A_797, %add3A_780 : vector<8x1024xf32>
    %swap3A_799 = arith.constant 15 : index
    %swap3A_800 = arith.constant 0 : index
    %swap3A_801 = arith.constant 0 : index
    %swap3A_802 = vector.load %arg5[%swap3A_799, %swap3A_800, %swap3A_801] : memref<22x8x1024xf32, #tpu.memory_space<vmem>>, vector<1x8x1024xf32>
    %swap3A_803 = vector.shape_cast %swap3A_802 : vector<1x8x1024xf32> to vector<8x1024xf32>
    %swap3A_804 = vector.shape_cast %add3A_798 : vector<8x1024xf32> to vector<1x8x1024xf32>
    tpu.vector_store %arg5[%swap3A_799, %swap3A_800, %swap3A_801], %swap3A_804 {strides = array<i32>} : memref<22x8x1024xf32, #tpu.memory_space<vmem>>, vector<1x8x1024xf32>,
    %ge3A_805 = arith.constant 5.000000e+00 : f32
    %ge3A_806 = vector.broadcast %ge3A_805 : f32 to vector<256x1024xf32>
    %ge3A_807 = arith.cmpf oge, %select_n3A, %ge3A_806 : vector<256x1024xf32>
    %convert_element_type3A_808 = arith.extui %ge3A_807 : vector<256x1024xi1> to vector<256x1024xi32>
    %convert_element_type3A_809 = arith.sitofp %convert_element_type3A_808 : vector<256x1024xi32> to vector<256x1024xf32>
    %jit3A_810 = arith.constant 0.000000e+00 : f32
    %broadcast_in_dim3A_811 = vector.broadcast %jit3A_810 : f32 to vector<256x1024xf32>
    %select_n3A_812 = arith.select %ge3A_807, %mul3A_18, %broadcast_in_dim3A_811 : vector<256x1024xi1>, vector<256x1024xf32>
    %slice3A_813 = vector.extract_strided_slice %convert_element_type3A_809 {offsets = [0, 0], sizes = [8, 1024], strides = [1, 1]} : vector<256x1024xf32> to vector<8x1024xf32>
    %slice3A_814 = vector.extract_strided_slice %select_n3A_812 {offsets = [0, 0], sizes = [8, 1024], strides = [1, 1]} : vector<256x1024xf32> to vector<8x1024xf32>
    %slice3A_815 = vector.extract_strided_slice %convert_element_type3A_809 {offsets = [8, 0], sizes = [8, 1024], strides = [1, 1]} : vector<256x1024xf32> to vector<8x1024xf32>
    %add3A_816 = arith.addf %slice3A_813, %slice3A_815 : vector<8x1024xf32>
    %slice3A_817 = vector.extract_strided_slice %select_n3A_812 {offsets = [8, 0], sizes = [8, 1024], strides = [1, 1]} : vector<256x1024xf32> to vector<8x1024xf32>
    %add3A_818 = arith.addf %slice3A_814, %slice3A_817 : vector<8x1024xf32>
    %slice3A_819 = vector.extract_strided_slice %convert_element_type3A_809 {offsets = [16, 0], sizes = [8, 1024], strides = [1, 1]} : vector<256x1024xf32> to vector<8x1024xf32>
    %add3A_820 = arith.addf %add3A_816, %slice3A_819 : vector<8x1024xf32>
    %slice3A_821 = vector.extract_strided_slice %select_n3A_812 {offsets = [16, 0], sizes = [8, 1024], strides = [1, 1]} : vector<256x1024xf32> to vector<8x1024xf32>
    %add3A_822 = arith.addf %add3A_818, %slice3A_821 : vector<8x1024xf32>
    %slice3A_823 = vector.extract_strided_slice %convert_element_type3A_809 {offsets = [24, 0], sizes = [8, 1024], strides = [1, 1]} : vector<256x1024xf32> to vector<8x1024xf32>
    %add3A_824 = arith.addf %add3A_820, %slice3A_823 : vector<8x1024xf32>
    %slice3A_825 = vector.extract_strided_slice %select_n3A_812 {offsets = [24, 0], sizes = [8, 1024], strides = [1, 1]} : vector<256x1024xf32> to vector<8x1024xf32>
    %add3A_826 = arith.addf %add3A_822, %slice3A_825 : vector<8x1024xf32>
    %slice3A_827 = vector.extract_strided_slice %convert_element_type3A_809 {offsets = [32, 0], sizes = [8, 1024], strides = [1, 1]} : vector<256x1024xf32> to vector<8x1024xf32>
    %add3A_828 = arith.addf %add3A_824, %slice3A_827 : vector<8x1024xf32>
    %slice3A_829 = vector.extract_strided_slice %select_n3A_812 {offsets = [32, 0], sizes = [8, 1024], strides = [1, 1]} : vector<256x1024xf32> to vector<8x1024xf32>
    %add3A_830 = arith.addf %add3A_826, %slice3A_829 : vector<8x1024xf32>
    %slice3A_831 = vector.extract_strided_slice %convert_element_type3A_809 {offsets = [40, 0], sizes = [8, 1024], strides = [1, 1]} : vector<256x1024xf32> to vector<8x1024xf32>
    %add3A_832 = arith.addf %add3A_828, %slice3A_831 : vector<8x1024xf32>
    %slice3A_833 = vector.extract_strided_slice %select_n3A_812 {offsets = [40, 0], sizes = [8, 1024], strides = [1, 1]} : vector<256x1024xf32> to vector<8x1024xf32>
    %add3A_834 = arith.addf %add3A_830, %slice3A_833 : vector<8x1024xf32>
    %slice3A_835 = vector.extract_strided_slice %convert_element_type3A_809 {offsets = [48, 0], sizes = [8, 1024], strides = [1, 1]} : vector<256x1024xf32> to vector<8x1024xf32>
    %add3A_836 = arith.addf %add3A_832, %slice3A_835 : vector<8x1024xf32>
    %slice3A_837 = vector.extract_strided_slice %select_n3A_812 {offsets = [48, 0], sizes = [8, 1024], strides = [1, 1]} : vector<256x1024xf32> to vector<8x1024xf32>
    %add3A_838 = arith.addf %add3A_834, %slice3A_837 : vector<8x1024xf32>
    %slice3A_839 = vector.extract_strided_slice %convert_element_type3A_809 {offsets = [56, 0], sizes = [8, 1024], strides = [1, 1]} : vector<256x1024xf32> to vector<8x1024xf32>
    %add3A_840 = arith.addf %add3A_836, %slice3A_839 : vector<8x1024xf32>
    %slice3A_841 = vector.extract_strided_slice %select_n3A_812 {offsets = [56, 0], sizes = [8, 1024], strides = [1, 1]} : vector<256x1024xf32> to vector<8x1024xf32>
    %add3A_842 = arith.addf %add3A_838, %slice3A_841 : vector<8x1024xf32>
    %slice3A_843 = vector.extract_strided_slice %convert_element_type3A_809 {offsets = [64, 0], sizes = [8, 1024], strides = [1, 1]} : vector<256x1024xf32> to vector<8x1024xf32>
    %add3A_844 = arith.addf %add3A_840, %slice3A_843 : vector<8x1024xf32>
    %slice3A_845 = vector.extract_strided_slice %select_n3A_812 {offsets = [64, 0], sizes = [8, 1024], strides = [1, 1]} : vector<256x1024xf32> to vector<8x1024xf32>
    %add3A_846 = arith.addf %add3A_842, %slice3A_845 : vector<8x1024xf32>
    %slice3A_847 = vector.extract_strided_slice %convert_element_type3A_809 {offsets = [72, 0], sizes = [8, 1024], strides = [1, 1]} : vector<256x1024xf32> to vector<8x1024xf32>
    %add3A_848 = arith.addf %add3A_844, %slice3A_847 : vector<8x1024xf32>
    %slice3A_849 = vector.extract_strided_slice %select_n3A_812 {offsets = [72, 0], sizes = [8, 1024], strides = [1, 1]} : vector<256x1024xf32> to vector<8x1024xf32>
    %add3A_850 = arith.addf %add3A_846, %slice3A_849 : vector<8x1024xf32>
    %slice3A_851 = vector.extract_strided_slice %convert_element_type3A_809 {offsets = [80, 0], sizes = [8, 1024], strides = [1, 1]} : vector<256x1024xf32> to vector<8x1024xf32>
    %add3A_852 = arith.addf %add3A_848, %slice3A_851 : vector<8x1024xf32>
    %slice3A_853 = vector.extract_strided_slice %select_n3A_812 {offsets = [80, 0], sizes = [8, 1024], strides = [1, 1]} : vector<256x1024xf32> to vector<8x1024xf32>
    %add3A_854 = arith.addf %add3A_850, %slice3A_853 : vector<8x1024xf32>
    %slice3A_855 = vector.extract_strided_slice %convert_element_type3A_809 {offsets = [88, 0], sizes = [8, 1024], strides = [1, 1]} : vector<256x1024xf32> to vector<8x1024xf32>
    %add3A_856 = arith.addf %add3A_852, %slice3A_855 : vector<8x1024xf32>
    %slice3A_857 = vector.extract_strided_slice %select_n3A_812 {offsets = [88, 0], sizes = [8, 1024], strides = [1, 1]} : vector<256x1024xf32> to vector<8x1024xf32>
    %add3A_858 = arith.addf %add3A_854, %slice3A_857 : vector<8x1024xf32>
    %slice3A_859 = vector.extract_strided_slice %convert_element_type3A_809 {offsets = [96, 0], sizes = [8, 1024], strides = [1, 1]} : vector<256x1024xf32> to vector<8x1024xf32>
    %add3A_860 = arith.addf %add3A_856, %slice3A_859 : vector<8x1024xf32>
    %slice3A_861 = vector.extract_strided_slice %select_n3A_812 {offsets = [96, 0], sizes = [8, 1024], strides = [1, 1]} : vector<256x1024xf32> to vector<8x1024xf32>
    %add3A_862 = arith.addf %add3A_858, %slice3A_861 : vector<8x1024xf32>
    %slice3A_863 = vector.extract_strided_slice %convert_element_type3A_809 {offsets = [104, 0], sizes = [8, 1024], strides = [1, 1]} : vector<256x1024xf32> to vector<8x1024xf32>
    %add3A_864 = arith.addf %add3A_860, %slice3A_863 : vector<8x1024xf32>
    %slice3A_865 = vector.extract_strided_slice %select_n3A_812 {offsets = [104, 0], sizes = [8, 1024], strides = [1, 1]} : vector<256x1024xf32> to vector<8x1024xf32>
    %add3A_866 = arith.addf %add3A_862, %slice3A_865 : vector<8x1024xf32>
    %slice3A_867 = vector.extract_strided_slice %convert_element_type3A_809 {offsets = [112, 0], sizes = [8, 1024], strides = [1, 1]} : vector<256x1024xf32> to vector<8x1024xf32>
    %add3A_868 = arith.addf %add3A_864, %slice3A_867 : vector<8x1024xf32>
    %slice3A_869 = vector.extract_strided_slice %select_n3A_812 {offsets = [112, 0], sizes = [8, 1024], strides = [1, 1]} : vector<256x1024xf32> to vector<8x1024xf32>
    %add3A_870 = arith.addf %add3A_866, %slice3A_869 : vector<8x1024xf32>
    %slice3A_871 = vector.extract_strided_slice %convert_element_type3A_809 {offsets = [120, 0], sizes = [8, 1024], strides = [1, 1]} : vector<256x1024xf32> to vector<8x1024xf32>
    %add3A_872 = arith.addf %add3A_868, %slice3A_871 : vector<8x1024xf32>
    %slice3A_873 = vector.extract_strided_slice %select_n3A_812 {offsets = [120, 0], sizes = [8, 1024], strides = [1, 1]} : vector<256x1024xf32> to vector<8x1024xf32>
    %add3A_874 = arith.addf %add3A_870, %slice3A_873 : vector<8x1024xf32>
    %slice3A_875 = vector.extract_strided_slice %convert_element_type3A_809 {offsets = [128, 0], sizes = [8, 1024], strides = [1, 1]} : vector<256x1024xf32> to vector<8x1024xf32>
    %add3A_876 = arith.addf %add3A_872, %slice3A_875 : vector<8x1024xf32>
    %slice3A_877 = vector.extract_strided_slice %select_n3A_812 {offsets = [128, 0], sizes = [8, 1024], strides = [1, 1]} : vector<256x1024xf32> to vector<8x1024xf32>
    %add3A_878 = arith.addf %add3A_874, %slice3A_877 : vector<8x1024xf32>
    %slice3A_879 = vector.extract_strided_slice %convert_element_type3A_809 {offsets = [136, 0], sizes = [8, 1024], strides = [1, 1]} : vector<256x1024xf32> to vector<8x1024xf32>
    %add3A_880 = arith.addf %add3A_876, %slice3A_879 : vector<8x1024xf32>
    %slice3A_881 = vector.extract_strided_slice %select_n3A_812 {offsets = [136, 0], sizes = [8, 1024], strides = [1, 1]} : vector<256x1024xf32> to vector<8x1024xf32>
    %add3A_882 = arith.addf %add3A_878, %slice3A_881 : vector<8x1024xf32>
    %slice3A_883 = vector.extract_strided_slice %convert_element_type3A_809 {offsets = [144, 0], sizes = [8, 1024], strides = [1, 1]} : vector<256x1024xf32> to vector<8x1024xf32>
    %add3A_884 = arith.addf %add3A_880, %slice3A_883 : vector<8x1024xf32>
    %slice3A_885 = vector.extract_strided_slice %select_n3A_812 {offsets = [144, 0], sizes = [8, 1024], strides = [1, 1]} : vector<256x1024xf32> to vector<8x1024xf32>
    %add3A_886 = arith.addf %add3A_882, %slice3A_885 : vector<8x1024xf32>
    %slice3A_887 = vector.extract_strided_slice %convert_element_type3A_809 {offsets = [152, 0], sizes = [8, 1024], strides = [1, 1]} : vector<256x1024xf32> to vector<8x1024xf32>
    %add3A_888 = arith.addf %add3A_884, %slice3A_887 : vector<8x1024xf32>
    %slice3A_889 = vector.extract_strided_slice %select_n3A_812 {offsets = [152, 0], sizes = [8, 1024], strides = [1, 1]} : vector<256x1024xf32> to vector<8x1024xf32>
    %add3A_890 = arith.addf %add3A_886, %slice3A_889 : vector<8x1024xf32>
    %slice3A_891 = vector.extract_strided_slice %convert_element_type3A_809 {offsets = [160, 0], sizes = [8, 1024], strides = [1, 1]} : vector<256x1024xf32> to vector<8x1024xf32>
    %add3A_892 = arith.addf %add3A_888, %slice3A_891 : vector<8x1024xf32>
    %slice3A_893 = vector.extract_strided_slice %select_n3A_812 {offsets = [160, 0], sizes = [8, 1024], strides = [1, 1]} : vector<256x1024xf32> to vector<8x1024xf32>
    %add3A_894 = arith.addf %add3A_890, %slice3A_893 : vector<8x1024xf32>
    %slice3A_895 = vector.extract_strided_slice %convert_element_type3A_809 {offsets = [168, 0], sizes = [8, 1024], strides = [1, 1]} : vector<256x1024xf32> to vector<8x1024xf32>
    %add3A_896 = arith.addf %add3A_892, %slice3A_895 : vector<8x1024xf32>
    %slice3A_897 = vector.extract_strided_slice %select_n3A_812 {offsets = [168, 0], sizes = [8, 1024], strides = [1, 1]} : vector<256x1024xf32> to vector<8x1024xf32>
    %add3A_898 = arith.addf %add3A_894, %slice3A_897 : vector<8x1024xf32>
    %slice3A_899 = vector.extract_strided_slice %convert_element_type3A_809 {offsets = [176, 0], sizes = [8, 1024], strides = [1, 1]} : vector<256x1024xf32> to vector<8x1024xf32>
    %add3A_900 = arith.addf %add3A_896, %slice3A_899 : vector<8x1024xf32>
    %slice3A_901 = vector.extract_strided_slice %select_n3A_812 {offsets = [176, 0], sizes = [8, 1024], strides = [1, 1]} : vector<256x1024xf32> to vector<8x1024xf32>
    %add3A_902 = arith.addf %add3A_898, %slice3A_901 : vector<8x1024xf32>
    %slice3A_903 = vector.extract_strided_slice %convert_element_type3A_809 {offsets = [184, 0], sizes = [8, 1024], strides = [1, 1]} : vector<256x1024xf32> to vector<8x1024xf32>
    %add3A_904 = arith.addf %add3A_900, %slice3A_903 : vector<8x1024xf32>
    %slice3A_905 = vector.extract_strided_slice %select_n3A_812 {offsets = [184, 0], sizes = [8, 1024], strides = [1, 1]} : vector<256x1024xf32> to vector<8x1024xf32>
    %add3A_906 = arith.addf %add3A_902, %slice3A_905 : vector<8x1024xf32>
    %slice3A_907 = vector.extract_strided_slice %convert_element_type3A_809 {offsets = [192, 0], sizes = [8, 1024], strides = [1, 1]} : vector<256x1024xf32> to vector<8x1024xf32>
    %add3A_908 = arith.addf %add3A_904, %slice3A_907 : vector<8x1024xf32>
    %slice3A_909 = vector.extract_strided_slice %select_n3A_812 {offsets = [192, 0], sizes = [8, 1024], strides = [1, 1]} : vector<256x1024xf32> to vector<8x1024xf32>
    %add3A_910 = arith.addf %add3A_906, %slice3A_909 : vector<8x1024xf32>
    %slice3A_911 = vector.extract_strided_slice %convert_element_type3A_809 {offsets = [200, 0], sizes = [8, 1024], strides = [1, 1]} : vector<256x1024xf32> to vector<8x1024xf32>
    %add3A_912 = arith.addf %add3A_908, %slice3A_911 : vector<8x1024xf32>
    %slice3A_913 = vector.extract_strided_slice %select_n3A_812 {offsets = [200, 0], sizes = [8, 1024], strides = [1, 1]} : vector<256x1024xf32> to vector<8x1024xf32>
    %add3A_914 = arith.addf %add3A_910, %slice3A_913 : vector<8x1024xf32>
    %slice3A_915 = vector.extract_strided_slice %convert_element_type3A_809 {offsets = [208, 0], sizes = [8, 1024], strides = [1, 1]} : vector<256x1024xf32> to vector<8x1024xf32>
    %add3A_916 = arith.addf %add3A_912, %slice3A_915 : vector<8x1024xf32>
    %slice3A_917 = vector.extract_strided_slice %select_n3A_812 {offsets = [208, 0], sizes = [8, 1024], strides = [1, 1]} : vector<256x1024xf32> to vector<8x1024xf32>
    %add3A_918 = arith.addf %add3A_914, %slice3A_917 : vector<8x1024xf32>
    %slice3A_919 = vector.extract_strided_slice %convert_element_type3A_809 {offsets = [216, 0], sizes = [8, 1024], strides = [1, 1]} : vector<256x1024xf32> to vector<8x1024xf32>
    %add3A_920 = arith.addf %add3A_916, %slice3A_919 : vector<8x1024xf32>
    %slice3A_921 = vector.extract_strided_slice %select_n3A_812 {offsets = [216, 0], sizes = [8, 1024], strides = [1, 1]} : vector<256x1024xf32> to vector<8x1024xf32>
    %add3A_922 = arith.addf %add3A_918, %slice3A_921 : vector<8x1024xf32>
    %slice3A_923 = vector.extract_strided_slice %convert_element_type3A_809 {offsets = [224, 0], sizes = [8, 1024], strides = [1, 1]} : vector<256x1024xf32> to vector<8x1024xf32>
    %add3A_924 = arith.addf %add3A_920, %slice3A_923 : vector<8x1024xf32>
    %slice3A_925 = vector.extract_strided_slice %select_n3A_812 {offsets = [224, 0], sizes = [8, 1024], strides = [1, 1]} : vector<256x1024xf32> to vector<8x1024xf32>
    %add3A_926 = arith.addf %add3A_922, %slice3A_925 : vector<8x1024xf32>
    %slice3A_927 = vector.extract_strided_slice %convert_element_type3A_809 {offsets = [232, 0], sizes = [8, 1024], strides = [1, 1]} : vector<256x1024xf32> to vector<8x1024xf32>
    %add3A_928 = arith.addf %add3A_924, %slice3A_927 : vector<8x1024xf32>
    %slice3A_929 = vector.extract_strided_slice %select_n3A_812 {offsets = [232, 0], sizes = [8, 1024], strides = [1, 1]} : vector<256x1024xf32> to vector<8x1024xf32>
    %add3A_930 = arith.addf %add3A_926, %slice3A_929 : vector<8x1024xf32>
    %slice3A_931 = vector.extract_strided_slice %convert_element_type3A_809 {offsets = [240, 0], sizes = [8, 1024], strides = [1, 1]} : vector<256x1024xf32> to vector<8x1024xf32>
    %add3A_932 = arith.addf %add3A_928, %slice3A_931 : vector<8x1024xf32>
    %slice3A_933 = vector.extract_strided_slice %select_n3A_812 {offsets = [240, 0], sizes = [8, 1024], strides = [1, 1]} : vector<256x1024xf32> to vector<8x1024xf32>
    %add3A_934 = arith.addf %add3A_930, %slice3A_933 : vector<8x1024xf32>
    %slice3A_935 = vector.extract_strided_slice %convert_element_type3A_809 {offsets = [248, 0], sizes = [8, 1024], strides = [1, 1]} : vector<256x1024xf32> to vector<8x1024xf32>
    %add3A_936 = arith.addf %add3A_932, %slice3A_935 : vector<8x1024xf32>
    %slice3A_937 = vector.extract_strided_slice %select_n3A_812 {offsets = [248, 0], sizes = [8, 1024], strides = [1, 1]} : vector<256x1024xf32> to vector<8x1024xf32>
    %add3A_938 = arith.addf %add3A_934, %slice3A_937 : vector<8x1024xf32>
    %get3A_939 = arith.constant 5 : index
    %get3A_940 = arith.constant 0 : index
    %get3A_941 = arith.constant 0 : index
    %get3A_942 = vector.load %arg5[%get3A_939, %get3A_940, %get3A_941] : memref<22x8x1024xf32, #tpu.memory_space<vmem>>, vector<1x8x1024xf32>
    %get3A_943 = vector.shape_cast %get3A_942 : vector<1x8x1024xf32> to vector<8x1024xf32>
    %add3A_944 = arith.addf %get3A_943, %add3A_936 : vector<8x1024xf32>
    %swap3A_945 = arith.constant 5 : index
    %swap3A_946 = arith.constant 0 : index
    %swap3A_947 = arith.constant 0 : index
    %swap3A_948 = vector.load %arg5[%swap3A_945, %swap3A_946, %swap3A_947] : memref<22x8x1024xf32, #tpu.memory_space<vmem>>, vector<1x8x1024xf32>
    %swap3A_949 = vector.shape_cast %swap3A_948 : vector<1x8x1024xf32> to vector<8x1024xf32>
    %swap3A_950 = vector.shape_cast %add3A_944 : vector<8x1024xf32> to vector<1x8x1024xf32>
    tpu.vector_store %arg5[%swap3A_945, %swap3A_946, %swap3A_947], %swap3A_950 {strides = array<i32>} : memref<22x8x1024xf32, #tpu.memory_space<vmem>>, vector<1x8x1024xf32>,
    %get3A_951 = arith.constant 16 : index
    %get3A_952 = arith.constant 0 : index
    %get3A_953 = arith.constant 0 : index
    %get3A_954 = vector.load %arg5[%get3A_951, %get3A_952, %get3A_953] : memref<22x8x1024xf32, #tpu.memory_space<vmem>>, vector<1x8x1024xf32>
    %get3A_955 = vector.shape_cast %get3A_954 : vector<1x8x1024xf32> to vector<8x1024xf32>
    %add3A_956 = arith.addf %get3A_955, %add3A_938 : vector<8x1024xf32>
    %swap3A_957 = arith.constant 16 : index
    %swap3A_958 = arith.constant 0 : index
    %swap3A_959 = arith.constant 0 : index
    %swap3A_960 = vector.load %arg5[%swap3A_957, %swap3A_958, %swap3A_959] : memref<22x8x1024xf32, #tpu.memory_space<vmem>>, vector<1x8x1024xf32>
    %swap3A_961 = vector.shape_cast %swap3A_960 : vector<1x8x1024xf32> to vector<8x1024xf32>
    %swap3A_962 = vector.shape_cast %add3A_956 : vector<8x1024xf32> to vector<1x8x1024xf32>
    tpu.vector_store %arg5[%swap3A_957, %swap3A_958, %swap3A_959], %swap3A_962 {strides = array<i32>} : memref<22x8x1024xf32, #tpu.memory_space<vmem>>, vector<1x8x1024xf32>,
    %ge3A_963 = arith.constant 6.000000e+00 : f32
    %ge3A_964 = vector.broadcast %ge3A_963 : f32 to vector<256x1024xf32>
    %ge3A_965 = arith.cmpf oge, %select_n3A, %ge3A_964 : vector<256x1024xf32>
    %convert_element_type3A_966 = arith.extui %ge3A_965 : vector<256x1024xi1> to vector<256x1024xi32>
    %convert_element_type3A_967 = arith.sitofp %convert_element_type3A_966 : vector<256x1024xi32> to vector<256x1024xf32>
    %jit3A_968 = arith.constant 0.000000e+00 : f32
    %broadcast_in_dim3A_969 = vector.broadcast %jit3A_968 : f32 to vector<256x1024xf32>
    %select_n3A_970 = arith.select %ge3A_965, %mul3A_18, %broadcast_in_dim3A_969 : vector<256x1024xi1>, vector<256x1024xf32>
    %slice3A_971 = vector.extract_strided_slice %convert_element_type3A_967 {offsets = [0, 0], sizes = [8, 1024], strides = [1, 1]} : vector<256x1024xf32> to vector<8x1024xf32>
    %slice3A_972 = vector.extract_strided_slice %select_n3A_970 {offsets = [0, 0], sizes = [8, 1024], strides = [1, 1]} : vector<256x1024xf32> to vector<8x1024xf32>
    %slice3A_973 = vector.extract_strided_slice %convert_element_type3A_967 {offsets = [8, 0], sizes = [8, 1024], strides = [1, 1]} : vector<256x1024xf32> to vector<8x1024xf32>
    %add3A_974 = arith.addf %slice3A_971, %slice3A_973 : vector<8x1024xf32>
    %slice3A_975 = vector.extract_strided_slice %select_n3A_970 {offsets = [8, 0], sizes = [8, 1024], strides = [1, 1]} : vector<256x1024xf32> to vector<8x1024xf32>
    %add3A_976 = arith.addf %slice3A_972, %slice3A_975 : vector<8x1024xf32>
    %slice3A_977 = vector.extract_strided_slice %convert_element_type3A_967 {offsets = [16, 0], sizes = [8, 1024], strides = [1, 1]} : vector<256x1024xf32> to vector<8x1024xf32>
    %add3A_978 = arith.addf %add3A_974, %slice3A_977 : vector<8x1024xf32>
    %slice3A_979 = vector.extract_strided_slice %select_n3A_970 {offsets = [16, 0], sizes = [8, 1024], strides = [1, 1]} : vector<256x1024xf32> to vector<8x1024xf32>
    %add3A_980 = arith.addf %add3A_976, %slice3A_979 : vector<8x1024xf32>
    %slice3A_981 = vector.extract_strided_slice %convert_element_type3A_967 {offsets = [24, 0], sizes = [8, 1024], strides = [1, 1]} : vector<256x1024xf32> to vector<8x1024xf32>
    %add3A_982 = arith.addf %add3A_978, %slice3A_981 : vector<8x1024xf32>
    %slice3A_983 = vector.extract_strided_slice %select_n3A_970 {offsets = [24, 0], sizes = [8, 1024], strides = [1, 1]} : vector<256x1024xf32> to vector<8x1024xf32>
    %add3A_984 = arith.addf %add3A_980, %slice3A_983 : vector<8x1024xf32>
    %slice3A_985 = vector.extract_strided_slice %convert_element_type3A_967 {offsets = [32, 0], sizes = [8, 1024], strides = [1, 1]} : vector<256x1024xf32> to vector<8x1024xf32>
    %add3A_986 = arith.addf %add3A_982, %slice3A_985 : vector<8x1024xf32>
    %slice3A_987 = vector.extract_strided_slice %select_n3A_970 {offsets = [32, 0], sizes = [8, 1024], strides = [1, 1]} : vector<256x1024xf32> to vector<8x1024xf32>
    %add3A_988 = arith.addf %add3A_984, %slice3A_987 : vector<8x1024xf32>
    %slice3A_989 = vector.extract_strided_slice %convert_element_type3A_967 {offsets = [40, 0], sizes = [8, 1024], strides = [1, 1]} : vector<256x1024xf32> to vector<8x1024xf32>
    %add3A_990 = arith.addf %add3A_986, %slice3A_989 : vector<8x1024xf32>
    %slice3A_991 = vector.extract_strided_slice %select_n3A_970 {offsets = [40, 0], sizes = [8, 1024], strides = [1, 1]} : vector<256x1024xf32> to vector<8x1024xf32>
    %add3A_992 = arith.addf %add3A_988, %slice3A_991 : vector<8x1024xf32>
    %slice3A_993 = vector.extract_strided_slice %convert_element_type3A_967 {offsets = [48, 0], sizes = [8, 1024], strides = [1, 1]} : vector<256x1024xf32> to vector<8x1024xf32>
    %add3A_994 = arith.addf %add3A_990, %slice3A_993 : vector<8x1024xf32>
    %slice3A_995 = vector.extract_strided_slice %select_n3A_970 {offsets = [48, 0], sizes = [8, 1024], strides = [1, 1]} : vector<256x1024xf32> to vector<8x1024xf32>
    %add3A_996 = arith.addf %add3A_992, %slice3A_995 : vector<8x1024xf32>
    %slice3A_997 = vector.extract_strided_slice %convert_element_type3A_967 {offsets = [56, 0], sizes = [8, 1024], strides = [1, 1]} : vector<256x1024xf32> to vector<8x1024xf32>
    %add3A_998 = arith.addf %add3A_994, %slice3A_997 : vector<8x1024xf32>
    %slice3A_999 = vector.extract_strided_slice %select_n3A_970 {offsets = [56, 0], sizes = [8, 1024], strides = [1, 1]} : vector<256x1024xf32> to vector<8x1024xf32>
    %add3A_1000 = arith.addf %add3A_996, %slice3A_999 : vector<8x1024xf32>
    %slice3A_1001 = vector.extract_strided_slice %convert_element_type3A_967 {offsets = [64, 0], sizes = [8, 1024], strides = [1, 1]} : vector<256x1024xf32> to vector<8x1024xf32>
    %add3A_1002 = arith.addf %add3A_998, %slice3A_1001 : vector<8x1024xf32>
    %slice3A_1003 = vector.extract_strided_slice %select_n3A_970 {offsets = [64, 0], sizes = [8, 1024], strides = [1, 1]} : vector<256x1024xf32> to vector<8x1024xf32>
    %add3A_1004 = arith.addf %add3A_1000, %slice3A_1003 : vector<8x1024xf32>
    %slice3A_1005 = vector.extract_strided_slice %convert_element_type3A_967 {offsets = [72, 0], sizes = [8, 1024], strides = [1, 1]} : vector<256x1024xf32> to vector<8x1024xf32>
    %add3A_1006 = arith.addf %add3A_1002, %slice3A_1005 : vector<8x1024xf32>
    %slice3A_1007 = vector.extract_strided_slice %select_n3A_970 {offsets = [72, 0], sizes = [8, 1024], strides = [1, 1]} : vector<256x1024xf32> to vector<8x1024xf32>
    %add3A_1008 = arith.addf %add3A_1004, %slice3A_1007 : vector<8x1024xf32>
    %slice3A_1009 = vector.extract_strided_slice %convert_element_type3A_967 {offsets = [80, 0], sizes = [8, 1024], strides = [1, 1]} : vector<256x1024xf32> to vector<8x1024xf32>
    %add3A_1010 = arith.addf %add3A_1006, %slice3A_1009 : vector<8x1024xf32>
    %slice3A_1011 = vector.extract_strided_slice %select_n3A_970 {offsets = [80, 0], sizes = [8, 1024], strides = [1, 1]} : vector<256x1024xf32> to vector<8x1024xf32>
    %add3A_1012 = arith.addf %add3A_1008, %slice3A_1011 : vector<8x1024xf32>
    %slice3A_1013 = vector.extract_strided_slice %convert_element_type3A_967 {offsets = [88, 0], sizes = [8, 1024], strides = [1, 1]} : vector<256x1024xf32> to vector<8x1024xf32>
    %add3A_1014 = arith.addf %add3A_1010, %slice3A_1013 : vector<8x1024xf32>
    %slice3A_1015 = vector.extract_strided_slice %select_n3A_970 {offsets = [88, 0], sizes = [8, 1024], strides = [1, 1]} : vector<256x1024xf32> to vector<8x1024xf32>
    %add3A_1016 = arith.addf %add3A_1012, %slice3A_1015 : vector<8x1024xf32>
    %slice3A_1017 = vector.extract_strided_slice %convert_element_type3A_967 {offsets = [96, 0], sizes = [8, 1024], strides = [1, 1]} : vector<256x1024xf32> to vector<8x1024xf32>
    %add3A_1018 = arith.addf %add3A_1014, %slice3A_1017 : vector<8x1024xf32>
    %slice3A_1019 = vector.extract_strided_slice %select_n3A_970 {offsets = [96, 0], sizes = [8, 1024], strides = [1, 1]} : vector<256x1024xf32> to vector<8x1024xf32>
    %add3A_1020 = arith.addf %add3A_1016, %slice3A_1019 : vector<8x1024xf32>
    %slice3A_1021 = vector.extract_strided_slice %convert_element_type3A_967 {offsets = [104, 0], sizes = [8, 1024], strides = [1, 1]} : vector<256x1024xf32> to vector<8x1024xf32>
    %add3A_1022 = arith.addf %add3A_1018, %slice3A_1021 : vector<8x1024xf32>
    %slice3A_1023 = vector.extract_strided_slice %select_n3A_970 {offsets = [104, 0], sizes = [8, 1024], strides = [1, 1]} : vector<256x1024xf32> to vector<8x1024xf32>
    %add3A_1024 = arith.addf %add3A_1020, %slice3A_1023 : vector<8x1024xf32>
    %slice3A_1025 = vector.extract_strided_slice %convert_element_type3A_967 {offsets = [112, 0], sizes = [8, 1024], strides = [1, 1]} : vector<256x1024xf32> to vector<8x1024xf32>
    %add3A_1026 = arith.addf %add3A_1022, %slice3A_1025 : vector<8x1024xf32>
    %slice3A_1027 = vector.extract_strided_slice %select_n3A_970 {offsets = [112, 0], sizes = [8, 1024], strides = [1, 1]} : vector<256x1024xf32> to vector<8x1024xf32>
    %add3A_1028 = arith.addf %add3A_1024, %slice3A_1027 : vector<8x1024xf32>
    %slice3A_1029 = vector.extract_strided_slice %convert_element_type3A_967 {offsets = [120, 0], sizes = [8, 1024], strides = [1, 1]} : vector<256x1024xf32> to vector<8x1024xf32>
    %add3A_1030 = arith.addf %add3A_1026, %slice3A_1029 : vector<8x1024xf32>
    %slice3A_1031 = vector.extract_strided_slice %select_n3A_970 {offsets = [120, 0], sizes = [8, 1024], strides = [1, 1]} : vector<256x1024xf32> to vector<8x1024xf32>
    %add3A_1032 = arith.addf %add3A_1028, %slice3A_1031 : vector<8x1024xf32>
    %slice3A_1033 = vector.extract_strided_slice %convert_element_type3A_967 {offsets = [128, 0], sizes = [8, 1024], strides = [1, 1]} : vector<256x1024xf32> to vector<8x1024xf32>
    %add3A_1034 = arith.addf %add3A_1030, %slice3A_1033 : vector<8x1024xf32>
    %slice3A_1035 = vector.extract_strided_slice %select_n3A_970 {offsets = [128, 0], sizes = [8, 1024], strides = [1, 1]} : vector<256x1024xf32> to vector<8x1024xf32>
    %add3A_1036 = arith.addf %add3A_1032, %slice3A_1035 : vector<8x1024xf32>
    %slice3A_1037 = vector.extract_strided_slice %convert_element_type3A_967 {offsets = [136, 0], sizes = [8, 1024], strides = [1, 1]} : vector<256x1024xf32> to vector<8x1024xf32>
    %add3A_1038 = arith.addf %add3A_1034, %slice3A_1037 : vector<8x1024xf32>
    %slice3A_1039 = vector.extract_strided_slice %select_n3A_970 {offsets = [136, 0], sizes = [8, 1024], strides = [1, 1]} : vector<256x1024xf32> to vector<8x1024xf32>
    %add3A_1040 = arith.addf %add3A_1036, %slice3A_1039 : vector<8x1024xf32>
    %slice3A_1041 = vector.extract_strided_slice %convert_element_type3A_967 {offsets = [144, 0], sizes = [8, 1024], strides = [1, 1]} : vector<256x1024xf32> to vector<8x1024xf32>
    %add3A_1042 = arith.addf %add3A_1038, %slice3A_1041 : vector<8x1024xf32>
    %slice3A_1043 = vector.extract_strided_slice %select_n3A_970 {offsets = [144, 0], sizes = [8, 1024], strides = [1, 1]} : vector<256x1024xf32> to vector<8x1024xf32>
    %add3A_1044 = arith.addf %add3A_1040, %slice3A_1043 : vector<8x1024xf32>
    %slice3A_1045 = vector.extract_strided_slice %convert_element_type3A_967 {offsets = [152, 0], sizes = [8, 1024], strides = [1, 1]} : vector<256x1024xf32> to vector<8x1024xf32>
    %add3A_1046 = arith.addf %add3A_1042, %slice3A_1045 : vector<8x1024xf32>
    %slice3A_1047 = vector.extract_strided_slice %select_n3A_970 {offsets = [152, 0], sizes = [8, 1024], strides = [1, 1]} : vector<256x1024xf32> to vector<8x1024xf32>
    %add3A_1048 = arith.addf %add3A_1044, %slice3A_1047 : vector<8x1024xf32>
    %slice3A_1049 = vector.extract_strided_slice %convert_element_type3A_967 {offsets = [160, 0], sizes = [8, 1024], strides = [1, 1]} : vector<256x1024xf32> to vector<8x1024xf32>
    %add3A_1050 = arith.addf %add3A_1046, %slice3A_1049 : vector<8x1024xf32>
    %slice3A_1051 = vector.extract_strided_slice %select_n3A_970 {offsets = [160, 0], sizes = [8, 1024], strides = [1, 1]} : vector<256x1024xf32> to vector<8x1024xf32>
    %add3A_1052 = arith.addf %add3A_1048, %slice3A_1051 : vector<8x1024xf32>
    %slice3A_1053 = vector.extract_strided_slice %convert_element_type3A_967 {offsets = [168, 0], sizes = [8, 1024], strides = [1, 1]} : vector<256x1024xf32> to vector<8x1024xf32>
    %add3A_1054 = arith.addf %add3A_1050, %slice3A_1053 : vector<8x1024xf32>
    %slice3A_1055 = vector.extract_strided_slice %select_n3A_970 {offsets = [168, 0], sizes = [8, 1024], strides = [1, 1]} : vector<256x1024xf32> to vector<8x1024xf32>
    %add3A_1056 = arith.addf %add3A_1052, %slice3A_1055 : vector<8x1024xf32>
    %slice3A_1057 = vector.extract_strided_slice %convert_element_type3A_967 {offsets = [176, 0], sizes = [8, 1024], strides = [1, 1]} : vector<256x1024xf32> to vector<8x1024xf32>
    %add3A_1058 = arith.addf %add3A_1054, %slice3A_1057 : vector<8x1024xf32>
    %slice3A_1059 = vector.extract_strided_slice %select_n3A_970 {offsets = [176, 0], sizes = [8, 1024], strides = [1, 1]} : vector<256x1024xf32> to vector<8x1024xf32>
    %add3A_1060 = arith.addf %add3A_1056, %slice3A_1059 : vector<8x1024xf32>
    %slice3A_1061 = vector.extract_strided_slice %convert_element_type3A_967 {offsets = [184, 0], sizes = [8, 1024], strides = [1, 1]} : vector<256x1024xf32> to vector<8x1024xf32>
    %add3A_1062 = arith.addf %add3A_1058, %slice3A_1061 : vector<8x1024xf32>
    %slice3A_1063 = vector.extract_strided_slice %select_n3A_970 {offsets = [184, 0], sizes = [8, 1024], strides = [1, 1]} : vector<256x1024xf32> to vector<8x1024xf32>
    %add3A_1064 = arith.addf %add3A_1060, %slice3A_1063 : vector<8x1024xf32>
    %slice3A_1065 = vector.extract_strided_slice %convert_element_type3A_967 {offsets = [192, 0], sizes = [8, 1024], strides = [1, 1]} : vector<256x1024xf32> to vector<8x1024xf32>
    %add3A_1066 = arith.addf %add3A_1062, %slice3A_1065 : vector<8x1024xf32>
    %slice3A_1067 = vector.extract_strided_slice %select_n3A_970 {offsets = [192, 0], sizes = [8, 1024], strides = [1, 1]} : vector<256x1024xf32> to vector<8x1024xf32>
    %add3A_1068 = arith.addf %add3A_1064, %slice3A_1067 : vector<8x1024xf32>
    %slice3A_1069 = vector.extract_strided_slice %convert_element_type3A_967 {offsets = [200, 0], sizes = [8, 1024], strides = [1, 1]} : vector<256x1024xf32> to vector<8x1024xf32>
    %add3A_1070 = arith.addf %add3A_1066, %slice3A_1069 : vector<8x1024xf32>
    %slice3A_1071 = vector.extract_strided_slice %select_n3A_970 {offsets = [200, 0], sizes = [8, 1024], strides = [1, 1]} : vector<256x1024xf32> to vector<8x1024xf32>
    %add3A_1072 = arith.addf %add3A_1068, %slice3A_1071 : vector<8x1024xf32>
    %slice3A_1073 = vector.extract_strided_slice %convert_element_type3A_967 {offsets = [208, 0], sizes = [8, 1024], strides = [1, 1]} : vector<256x1024xf32> to vector<8x1024xf32>
    %add3A_1074 = arith.addf %add3A_1070, %slice3A_1073 : vector<8x1024xf32>
    %slice3A_1075 = vector.extract_strided_slice %select_n3A_970 {offsets = [208, 0], sizes = [8, 1024], strides = [1, 1]} : vector<256x1024xf32> to vector<8x1024xf32>
    %add3A_1076 = arith.addf %add3A_1072, %slice3A_1075 : vector<8x1024xf32>
    %slice3A_1077 = vector.extract_strided_slice %convert_element_type3A_967 {offsets = [216, 0], sizes = [8, 1024], strides = [1, 1]} : vector<256x1024xf32> to vector<8x1024xf32>
    %add3A_1078 = arith.addf %add3A_1074, %slice3A_1077 : vector<8x1024xf32>
    %slice3A_1079 = vector.extract_strided_slice %select_n3A_970 {offsets = [216, 0], sizes = [8, 1024], strides = [1, 1]} : vector<256x1024xf32> to vector<8x1024xf32>
    %add3A_1080 = arith.addf %add3A_1076, %slice3A_1079 : vector<8x1024xf32>
    %slice3A_1081 = vector.extract_strided_slice %convert_element_type3A_967 {offsets = [224, 0], sizes = [8, 1024], strides = [1, 1]} : vector<256x1024xf32> to vector<8x1024xf32>
    %add3A_1082 = arith.addf %add3A_1078, %slice3A_1081 : vector<8x1024xf32>
    %slice3A_1083 = vector.extract_strided_slice %select_n3A_970 {offsets = [224, 0], sizes = [8, 1024], strides = [1, 1]} : vector<256x1024xf32> to vector<8x1024xf32>
    %add3A_1084 = arith.addf %add3A_1080, %slice3A_1083 : vector<8x1024xf32>
    %slice3A_1085 = vector.extract_strided_slice %convert_element_type3A_967 {offsets = [232, 0], sizes = [8, 1024], strides = [1, 1]} : vector<256x1024xf32> to vector<8x1024xf32>
    %add3A_1086 = arith.addf %add3A_1082, %slice3A_1085 : vector<8x1024xf32>
    %slice3A_1087 = vector.extract_strided_slice %select_n3A_970 {offsets = [232, 0], sizes = [8, 1024], strides = [1, 1]} : vector<256x1024xf32> to vector<8x1024xf32>
    %add3A_1088 = arith.addf %add3A_1084, %slice3A_1087 : vector<8x1024xf32>
    %slice3A_1089 = vector.extract_strided_slice %convert_element_type3A_967 {offsets = [240, 0], sizes = [8, 1024], strides = [1, 1]} : vector<256x1024xf32> to vector<8x1024xf32>
    %add3A_1090 = arith.addf %add3A_1086, %slice3A_1089 : vector<8x1024xf32>
    %slice3A_1091 = vector.extract_strided_slice %select_n3A_970 {offsets = [240, 0], sizes = [8, 1024], strides = [1, 1]} : vector<256x1024xf32> to vector<8x1024xf32>
    %add3A_1092 = arith.addf %add3A_1088, %slice3A_1091 : vector<8x1024xf32>
    %slice3A_1093 = vector.extract_strided_slice %convert_element_type3A_967 {offsets = [248, 0], sizes = [8, 1024], strides = [1, 1]} : vector<256x1024xf32> to vector<8x1024xf32>
    %add3A_1094 = arith.addf %add3A_1090, %slice3A_1093 : vector<8x1024xf32>
    %slice3A_1095 = vector.extract_strided_slice %select_n3A_970 {offsets = [248, 0], sizes = [8, 1024], strides = [1, 1]} : vector<256x1024xf32> to vector<8x1024xf32>
    %add3A_1096 = arith.addf %add3A_1092, %slice3A_1095 : vector<8x1024xf32>
    %get3A_1097 = arith.constant 6 : index
    %get3A_1098 = arith.constant 0 : index
    %get3A_1099 = arith.constant 0 : index
    %get3A_1100 = vector.load %arg5[%get3A_1097, %get3A_1098, %get3A_1099] : memref<22x8x1024xf32, #tpu.memory_space<vmem>>, vector<1x8x1024xf32>
    %get3A_1101 = vector.shape_cast %get3A_1100 : vector<1x8x1024xf32> to vector<8x1024xf32>
    %add3A_1102 = arith.addf %get3A_1101, %add3A_1094 : vector<8x1024xf32>
    %swap3A_1103 = arith.constant 6 : index
    %swap3A_1104 = arith.constant 0 : index
    %swap3A_1105 = arith.constant 0 : index
    %swap3A_1106 = vector.load %arg5[%swap3A_1103, %swap3A_1104, %swap3A_1105] : memref<22x8x1024xf32, #tpu.memory_space<vmem>>, vector<1x8x1024xf32>
    %swap3A_1107 = vector.shape_cast %swap3A_1106 : vector<1x8x1024xf32> to vector<8x1024xf32>
    %swap3A_1108 = vector.shape_cast %add3A_1102 : vector<8x1024xf32> to vector<1x8x1024xf32>
    tpu.vector_store %arg5[%swap3A_1103, %swap3A_1104, %swap3A_1105], %swap3A_1108 {strides = array<i32>} : memref<22x8x1024xf32, #tpu.memory_space<vmem>>, vector<1x8x1024xf32>,
    %get3A_1109 = arith.constant 17 : index
    %get3A_1110 = arith.constant 0 : index
    %get3A_1111 = arith.constant 0 : index
    %get3A_1112 = vector.load %arg5[%get3A_1109, %get3A_1110, %get3A_1111] : memref<22x8x1024xf32, #tpu.memory_space<vmem>>, vector<1x8x1024xf32>
    %get3A_1113 = vector.shape_cast %get3A_1112 : vector<1x8x1024xf32> to vector<8x1024xf32>
    %add3A_1114 = arith.addf %get3A_1113, %add3A_1096 : vector<8x1024xf32>
    %swap3A_1115 = arith.constant 17 : index
    %swap3A_1116 = arith.constant 0 : index
    %swap3A_1117 = arith.constant 0 : index
    %swap3A_1118 = vector.load %arg5[%swap3A_1115, %swap3A_1116, %swap3A_1117] : memref<22x8x1024xf32, #tpu.memory_space<vmem>>, vector<1x8x1024xf32>
    %swap3A_1119 = vector.shape_cast %swap3A_1118 : vector<1x8x1024xf32> to vector<8x1024xf32>
    %swap3A_1120 = vector.shape_cast %add3A_1114 : vector<8x1024xf32> to vector<1x8x1024xf32>
    tpu.vector_store %arg5[%swap3A_1115, %swap3A_1116, %swap3A_1117], %swap3A_1120 {strides = array<i32>} : memref<22x8x1024xf32, #tpu.memory_space<vmem>>, vector<1x8x1024xf32>,
    %ge3A_1121 = arith.constant 7.000000e+00 : f32
    %ge3A_1122 = vector.broadcast %ge3A_1121 : f32 to vector<256x1024xf32>
    %ge3A_1123 = arith.cmpf oge, %select_n3A, %ge3A_1122 : vector<256x1024xf32>
    %convert_element_type3A_1124 = arith.extui %ge3A_1123 : vector<256x1024xi1> to vector<256x1024xi32>
    %convert_element_type3A_1125 = arith.sitofp %convert_element_type3A_1124 : vector<256x1024xi32> to vector<256x1024xf32>
    %jit3A_1126 = arith.constant 0.000000e+00 : f32
    %broadcast_in_dim3A_1127 = vector.broadcast %jit3A_1126 : f32 to vector<256x1024xf32>
    %select_n3A_1128 = arith.select %ge3A_1123, %mul3A_18, %broadcast_in_dim3A_1127 : vector<256x1024xi1>, vector<256x1024xf32>
    %slice3A_1129 = vector.extract_strided_slice %convert_element_type3A_1125 {offsets = [0, 0], sizes = [8, 1024], strides = [1, 1]} : vector<256x1024xf32> to vector<8x1024xf32>
    %slice3A_1130 = vector.extract_strided_slice %select_n3A_1128 {offsets = [0, 0], sizes = [8, 1024], strides = [1, 1]} : vector<256x1024xf32> to vector<8x1024xf32>
    %slice3A_1131 = vector.extract_strided_slice %convert_element_type3A_1125 {offsets = [8, 0], sizes = [8, 1024], strides = [1, 1]} : vector<256x1024xf32> to vector<8x1024xf32>
    %add3A_1132 = arith.addf %slice3A_1129, %slice3A_1131 : vector<8x1024xf32>
    %slice3A_1133 = vector.extract_strided_slice %select_n3A_1128 {offsets = [8, 0], sizes = [8, 1024], strides = [1, 1]} : vector<256x1024xf32> to vector<8x1024xf32>
    %add3A_1134 = arith.addf %slice3A_1130, %slice3A_1133 : vector<8x1024xf32>
    %slice3A_1135 = vector.extract_strided_slice %convert_element_type3A_1125 {offsets = [16, 0], sizes = [8, 1024], strides = [1, 1]} : vector<256x1024xf32> to vector<8x1024xf32>
    %add3A_1136 = arith.addf %add3A_1132, %slice3A_1135 : vector<8x1024xf32>
    %slice3A_1137 = vector.extract_strided_slice %select_n3A_1128 {offsets = [16, 0], sizes = [8, 1024], strides = [1, 1]} : vector<256x1024xf32> to vector<8x1024xf32>
    %add3A_1138 = arith.addf %add3A_1134, %slice3A_1137 : vector<8x1024xf32>
    %slice3A_1139 = vector.extract_strided_slice %convert_element_type3A_1125 {offsets = [24, 0], sizes = [8, 1024], strides = [1, 1]} : vector<256x1024xf32> to vector<8x1024xf32>
    %add3A_1140 = arith.addf %add3A_1136, %slice3A_1139 : vector<8x1024xf32>
    %slice3A_1141 = vector.extract_strided_slice %select_n3A_1128 {offsets = [24, 0], sizes = [8, 1024], strides = [1, 1]} : vector<256x1024xf32> to vector<8x1024xf32>
    %add3A_1142 = arith.addf %add3A_1138, %slice3A_1141 : vector<8x1024xf32>
    %slice3A_1143 = vector.extract_strided_slice %convert_element_type3A_1125 {offsets = [32, 0], sizes = [8, 1024], strides = [1, 1]} : vector<256x1024xf32> to vector<8x1024xf32>
    %add3A_1144 = arith.addf %add3A_1140, %slice3A_1143 : vector<8x1024xf32>
    %slice3A_1145 = vector.extract_strided_slice %select_n3A_1128 {offsets = [32, 0], sizes = [8, 1024], strides = [1, 1]} : vector<256x1024xf32> to vector<8x1024xf32>
    %add3A_1146 = arith.addf %add3A_1142, %slice3A_1145 : vector<8x1024xf32>
    %slice3A_1147 = vector.extract_strided_slice %convert_element_type3A_1125 {offsets = [40, 0], sizes = [8, 1024], strides = [1, 1]} : vector<256x1024xf32> to vector<8x1024xf32>
    %add3A_1148 = arith.addf %add3A_1144, %slice3A_1147 : vector<8x1024xf32>
    %slice3A_1149 = vector.extract_strided_slice %select_n3A_1128 {offsets = [40, 0], sizes = [8, 1024], strides = [1, 1]} : vector<256x1024xf32> to vector<8x1024xf32>
    %add3A_1150 = arith.addf %add3A_1146, %slice3A_1149 : vector<8x1024xf32>
    %slice3A_1151 = vector.extract_strided_slice %convert_element_type3A_1125 {offsets = [48, 0], sizes = [8, 1024], strides = [1, 1]} : vector<256x1024xf32> to vector<8x1024xf32>
    %add3A_1152 = arith.addf %add3A_1148, %slice3A_1151 : vector<8x1024xf32>
    %slice3A_1153 = vector.extract_strided_slice %select_n3A_1128 {offsets = [48, 0], sizes = [8, 1024], strides = [1, 1]} : vector<256x1024xf32> to vector<8x1024xf32>
    %add3A_1154 = arith.addf %add3A_1150, %slice3A_1153 : vector<8x1024xf32>
    %slice3A_1155 = vector.extract_strided_slice %convert_element_type3A_1125 {offsets = [56, 0], sizes = [8, 1024], strides = [1, 1]} : vector<256x1024xf32> to vector<8x1024xf32>
    %add3A_1156 = arith.addf %add3A_1152, %slice3A_1155 : vector<8x1024xf32>
    %slice3A_1157 = vector.extract_strided_slice %select_n3A_1128 {offsets = [56, 0], sizes = [8, 1024], strides = [1, 1]} : vector<256x1024xf32> to vector<8x1024xf32>
    %add3A_1158 = arith.addf %add3A_1154, %slice3A_1157 : vector<8x1024xf32>
    %slice3A_1159 = vector.extract_strided_slice %convert_element_type3A_1125 {offsets = [64, 0], sizes = [8, 1024], strides = [1, 1]} : vector<256x1024xf32> to vector<8x1024xf32>
    %add3A_1160 = arith.addf %add3A_1156, %slice3A_1159 : vector<8x1024xf32>
    %slice3A_1161 = vector.extract_strided_slice %select_n3A_1128 {offsets = [64, 0], sizes = [8, 1024], strides = [1, 1]} : vector<256x1024xf32> to vector<8x1024xf32>
    %add3A_1162 = arith.addf %add3A_1158, %slice3A_1161 : vector<8x1024xf32>
    %slice3A_1163 = vector.extract_strided_slice %convert_element_type3A_1125 {offsets = [72, 0], sizes = [8, 1024], strides = [1, 1]} : vector<256x1024xf32> to vector<8x1024xf32>
    %add3A_1164 = arith.addf %add3A_1160, %slice3A_1163 : vector<8x1024xf32>
    %slice3A_1165 = vector.extract_strided_slice %select_n3A_1128 {offsets = [72, 0], sizes = [8, 1024], strides = [1, 1]} : vector<256x1024xf32> to vector<8x1024xf32>
    %add3A_1166 = arith.addf %add3A_1162, %slice3A_1165 : vector<8x1024xf32>
    %slice3A_1167 = vector.extract_strided_slice %convert_element_type3A_1125 {offsets = [80, 0], sizes = [8, 1024], strides = [1, 1]} : vector<256x1024xf32> to vector<8x1024xf32>
    %add3A_1168 = arith.addf %add3A_1164, %slice3A_1167 : vector<8x1024xf32>
    %slice3A_1169 = vector.extract_strided_slice %select_n3A_1128 {offsets = [80, 0], sizes = [8, 1024], strides = [1, 1]} : vector<256x1024xf32> to vector<8x1024xf32>
    %add3A_1170 = arith.addf %add3A_1166, %slice3A_1169 : vector<8x1024xf32>
    %slice3A_1171 = vector.extract_strided_slice %convert_element_type3A_1125 {offsets = [88, 0], sizes = [8, 1024], strides = [1, 1]} : vector<256x1024xf32> to vector<8x1024xf32>
    %add3A_1172 = arith.addf %add3A_1168, %slice3A_1171 : vector<8x1024xf32>
    %slice3A_1173 = vector.extract_strided_slice %select_n3A_1128 {offsets = [88, 0], sizes = [8, 1024], strides = [1, 1]} : vector<256x1024xf32> to vector<8x1024xf32>
    %add3A_1174 = arith.addf %add3A_1170, %slice3A_1173 : vector<8x1024xf32>
    %slice3A_1175 = vector.extract_strided_slice %convert_element_type3A_1125 {offsets = [96, 0], sizes = [8, 1024], strides = [1, 1]} : vector<256x1024xf32> to vector<8x1024xf32>
    %add3A_1176 = arith.addf %add3A_1172, %slice3A_1175 : vector<8x1024xf32>
    %slice3A_1177 = vector.extract_strided_slice %select_n3A_1128 {offsets = [96, 0], sizes = [8, 1024], strides = [1, 1]} : vector<256x1024xf32> to vector<8x1024xf32>
    %add3A_1178 = arith.addf %add3A_1174, %slice3A_1177 : vector<8x1024xf32>
    %slice3A_1179 = vector.extract_strided_slice %convert_element_type3A_1125 {offsets = [104, 0], sizes = [8, 1024], strides = [1, 1]} : vector<256x1024xf32> to vector<8x1024xf32>
    %add3A_1180 = arith.addf %add3A_1176, %slice3A_1179 : vector<8x1024xf32>
    %slice3A_1181 = vector.extract_strided_slice %select_n3A_1128 {offsets = [104, 0], sizes = [8, 1024], strides = [1, 1]} : vector<256x1024xf32> to vector<8x1024xf32>
    %add3A_1182 = arith.addf %add3A_1178, %slice3A_1181 : vector<8x1024xf32>
    %slice3A_1183 = vector.extract_strided_slice %convert_element_type3A_1125 {offsets = [112, 0], sizes = [8, 1024], strides = [1, 1]} : vector<256x1024xf32> to vector<8x1024xf32>
    %add3A_1184 = arith.addf %add3A_1180, %slice3A_1183 : vector<8x1024xf32>
    %slice3A_1185 = vector.extract_strided_slice %select_n3A_1128 {offsets = [112, 0], sizes = [8, 1024], strides = [1, 1]} : vector<256x1024xf32> to vector<8x1024xf32>
    %add3A_1186 = arith.addf %add3A_1182, %slice3A_1185 : vector<8x1024xf32>
    %slice3A_1187 = vector.extract_strided_slice %convert_element_type3A_1125 {offsets = [120, 0], sizes = [8, 1024], strides = [1, 1]} : vector<256x1024xf32> to vector<8x1024xf32>
    %add3A_1188 = arith.addf %add3A_1184, %slice3A_1187 : vector<8x1024xf32>
    %slice3A_1189 = vector.extract_strided_slice %select_n3A_1128 {offsets = [120, 0], sizes = [8, 1024], strides = [1, 1]} : vector<256x1024xf32> to vector<8x1024xf32>
    %add3A_1190 = arith.addf %add3A_1186, %slice3A_1189 : vector<8x1024xf32>
    %slice3A_1191 = vector.extract_strided_slice %convert_element_type3A_1125 {offsets = [128, 0], sizes = [8, 1024], strides = [1, 1]} : vector<256x1024xf32> to vector<8x1024xf32>
    %add3A_1192 = arith.addf %add3A_1188, %slice3A_1191 : vector<8x1024xf32>
    %slice3A_1193 = vector.extract_strided_slice %select_n3A_1128 {offsets = [128, 0], sizes = [8, 1024], strides = [1, 1]} : vector<256x1024xf32> to vector<8x1024xf32>
    %add3A_1194 = arith.addf %add3A_1190, %slice3A_1193 : vector<8x1024xf32>
    %slice3A_1195 = vector.extract_strided_slice %convert_element_type3A_1125 {offsets = [136, 0], sizes = [8, 1024], strides = [1, 1]} : vector<256x1024xf32> to vector<8x1024xf32>
    %add3A_1196 = arith.addf %add3A_1192, %slice3A_1195 : vector<8x1024xf32>
    %slice3A_1197 = vector.extract_strided_slice %select_n3A_1128 {offsets = [136, 0], sizes = [8, 1024], strides = [1, 1]} : vector<256x1024xf32> to vector<8x1024xf32>
    %add3A_1198 = arith.addf %add3A_1194, %slice3A_1197 : vector<8x1024xf32>
    %slice3A_1199 = vector.extract_strided_slice %convert_element_type3A_1125 {offsets = [144, 0], sizes = [8, 1024], strides = [1, 1]} : vector<256x1024xf32> to vector<8x1024xf32>
    %add3A_1200 = arith.addf %add3A_1196, %slice3A_1199 : vector<8x1024xf32>
    %slice3A_1201 = vector.extract_strided_slice %select_n3A_1128 {offsets = [144, 0], sizes = [8, 1024], strides = [1, 1]} : vector<256x1024xf32> to vector<8x1024xf32>
    %add3A_1202 = arith.addf %add3A_1198, %slice3A_1201 : vector<8x1024xf32>
    %slice3A_1203 = vector.extract_strided_slice %convert_element_type3A_1125 {offsets = [152, 0], sizes = [8, 1024], strides = [1, 1]} : vector<256x1024xf32> to vector<8x1024xf32>
    %add3A_1204 = arith.addf %add3A_1200, %slice3A_1203 : vector<8x1024xf32>
    %slice3A_1205 = vector.extract_strided_slice %select_n3A_1128 {offsets = [152, 0], sizes = [8, 1024], strides = [1, 1]} : vector<256x1024xf32> to vector<8x1024xf32>
    %add3A_1206 = arith.addf %add3A_1202, %slice3A_1205 : vector<8x1024xf32>
    %slice3A_1207 = vector.extract_strided_slice %convert_element_type3A_1125 {offsets = [160, 0], sizes = [8, 1024], strides = [1, 1]} : vector<256x1024xf32> to vector<8x1024xf32>
    %add3A_1208 = arith.addf %add3A_1204, %slice3A_1207 : vector<8x1024xf32>
    %slice3A_1209 = vector.extract_strided_slice %select_n3A_1128 {offsets = [160, 0], sizes = [8, 1024], strides = [1, 1]} : vector<256x1024xf32> to vector<8x1024xf32>
    %add3A_1210 = arith.addf %add3A_1206, %slice3A_1209 : vector<8x1024xf32>
    %slice3A_1211 = vector.extract_strided_slice %convert_element_type3A_1125 {offsets = [168, 0], sizes = [8, 1024], strides = [1, 1]} : vector<256x1024xf32> to vector<8x1024xf32>
    %add3A_1212 = arith.addf %add3A_1208, %slice3A_1211 : vector<8x1024xf32>
    %slice3A_1213 = vector.extract_strided_slice %select_n3A_1128 {offsets = [168, 0], sizes = [8, 1024], strides = [1, 1]} : vector<256x1024xf32> to vector<8x1024xf32>
    %add3A_1214 = arith.addf %add3A_1210, %slice3A_1213 : vector<8x1024xf32>
    %slice3A_1215 = vector.extract_strided_slice %convert_element_type3A_1125 {offsets = [176, 0], sizes = [8, 1024], strides = [1, 1]} : vector<256x1024xf32> to vector<8x1024xf32>
    %add3A_1216 = arith.addf %add3A_1212, %slice3A_1215 : vector<8x1024xf32>
    %slice3A_1217 = vector.extract_strided_slice %select_n3A_1128 {offsets = [176, 0], sizes = [8, 1024], strides = [1, 1]} : vector<256x1024xf32> to vector<8x1024xf32>
    %add3A_1218 = arith.addf %add3A_1214, %slice3A_1217 : vector<8x1024xf32>
    %slice3A_1219 = vector.extract_strided_slice %convert_element_type3A_1125 {offsets = [184, 0], sizes = [8, 1024], strides = [1, 1]} : vector<256x1024xf32> to vector<8x1024xf32>
    %add3A_1220 = arith.addf %add3A_1216, %slice3A_1219 : vector<8x1024xf32>
    %slice3A_1221 = vector.extract_strided_slice %select_n3A_1128 {offsets = [184, 0], sizes = [8, 1024], strides = [1, 1]} : vector<256x1024xf32> to vector<8x1024xf32>
    %add3A_1222 = arith.addf %add3A_1218, %slice3A_1221 : vector<8x1024xf32>
    %slice3A_1223 = vector.extract_strided_slice %convert_element_type3A_1125 {offsets = [192, 0], sizes = [8, 1024], strides = [1, 1]} : vector<256x1024xf32> to vector<8x1024xf32>
    %add3A_1224 = arith.addf %add3A_1220, %slice3A_1223 : vector<8x1024xf32>
    %slice3A_1225 = vector.extract_strided_slice %select_n3A_1128 {offsets = [192, 0], sizes = [8, 1024], strides = [1, 1]} : vector<256x1024xf32> to vector<8x1024xf32>
    %add3A_1226 = arith.addf %add3A_1222, %slice3A_1225 : vector<8x1024xf32>
    %slice3A_1227 = vector.extract_strided_slice %convert_element_type3A_1125 {offsets = [200, 0], sizes = [8, 1024], strides = [1, 1]} : vector<256x1024xf32> to vector<8x1024xf32>
    %add3A_1228 = arith.addf %add3A_1224, %slice3A_1227 : vector<8x1024xf32>
    %slice3A_1229 = vector.extract_strided_slice %select_n3A_1128 {offsets = [200, 0], sizes = [8, 1024], strides = [1, 1]} : vector<256x1024xf32> to vector<8x1024xf32>
    %add3A_1230 = arith.addf %add3A_1226, %slice3A_1229 : vector<8x1024xf32>
    %slice3A_1231 = vector.extract_strided_slice %convert_element_type3A_1125 {offsets = [208, 0], sizes = [8, 1024], strides = [1, 1]} : vector<256x1024xf32> to vector<8x1024xf32>
    %add3A_1232 = arith.addf %add3A_1228, %slice3A_1231 : vector<8x1024xf32>
    %slice3A_1233 = vector.extract_strided_slice %select_n3A_1128 {offsets = [208, 0], sizes = [8, 1024], strides = [1, 1]} : vector<256x1024xf32> to vector<8x1024xf32>
    %add3A_1234 = arith.addf %add3A_1230, %slice3A_1233 : vector<8x1024xf32>
    %slice3A_1235 = vector.extract_strided_slice %convert_element_type3A_1125 {offsets = [216, 0], sizes = [8, 1024], strides = [1, 1]} : vector<256x1024xf32> to vector<8x1024xf32>
    %add3A_1236 = arith.addf %add3A_1232, %slice3A_1235 : vector<8x1024xf32>
    %slice3A_1237 = vector.extract_strided_slice %select_n3A_1128 {offsets = [216, 0], sizes = [8, 1024], strides = [1, 1]} : vector<256x1024xf32> to vector<8x1024xf32>
    %add3A_1238 = arith.addf %add3A_1234, %slice3A_1237 : vector<8x1024xf32>
    %slice3A_1239 = vector.extract_strided_slice %convert_element_type3A_1125 {offsets = [224, 0], sizes = [8, 1024], strides = [1, 1]} : vector<256x1024xf32> to vector<8x1024xf32>
    %add3A_1240 = arith.addf %add3A_1236, %slice3A_1239 : vector<8x1024xf32>
    %slice3A_1241 = vector.extract_strided_slice %select_n3A_1128 {offsets = [224, 0], sizes = [8, 1024], strides = [1, 1]} : vector<256x1024xf32> to vector<8x1024xf32>
    %add3A_1242 = arith.addf %add3A_1238, %slice3A_1241 : vector<8x1024xf32>
    %slice3A_1243 = vector.extract_strided_slice %convert_element_type3A_1125 {offsets = [232, 0], sizes = [8, 1024], strides = [1, 1]} : vector<256x1024xf32> to vector<8x1024xf32>
    %add3A_1244 = arith.addf %add3A_1240, %slice3A_1243 : vector<8x1024xf32>
    %slice3A_1245 = vector.extract_strided_slice %select_n3A_1128 {offsets = [232, 0], sizes = [8, 1024], strides = [1, 1]} : vector<256x1024xf32> to vector<8x1024xf32>
    %add3A_1246 = arith.addf %add3A_1242, %slice3A_1245 : vector<8x1024xf32>
    %slice3A_1247 = vector.extract_strided_slice %convert_element_type3A_1125 {offsets = [240, 0], sizes = [8, 1024], strides = [1, 1]} : vector<256x1024xf32> to vector<8x1024xf32>
    %add3A_1248 = arith.addf %add3A_1244, %slice3A_1247 : vector<8x1024xf32>
    %slice3A_1249 = vector.extract_strided_slice %select_n3A_1128 {offsets = [240, 0], sizes = [8, 1024], strides = [1, 1]} : vector<256x1024xf32> to vector<8x1024xf32>
    %add3A_1250 = arith.addf %add3A_1246, %slice3A_1249 : vector<8x1024xf32>
    %slice3A_1251 = vector.extract_strided_slice %convert_element_type3A_1125 {offsets = [248, 0], sizes = [8, 1024], strides = [1, 1]} : vector<256x1024xf32> to vector<8x1024xf32>
    %add3A_1252 = arith.addf %add3A_1248, %slice3A_1251 : vector<8x1024xf32>
    %slice3A_1253 = vector.extract_strided_slice %select_n3A_1128 {offsets = [248, 0], sizes = [8, 1024], strides = [1, 1]} : vector<256x1024xf32> to vector<8x1024xf32>
    %add3A_1254 = arith.addf %add3A_1250, %slice3A_1253 : vector<8x1024xf32>
    %get3A_1255 = arith.constant 7 : index
    %get3A_1256 = arith.constant 0 : index
    %get3A_1257 = arith.constant 0 : index
    %get3A_1258 = vector.load %arg5[%get3A_1255, %get3A_1256, %get3A_1257] : memref<22x8x1024xf32, #tpu.memory_space<vmem>>, vector<1x8x1024xf32>
    %get3A_1259 = vector.shape_cast %get3A_1258 : vector<1x8x1024xf32> to vector<8x1024xf32>
    %add3A_1260 = arith.addf %get3A_1259, %add3A_1252 : vector<8x1024xf32>
    %swap3A_1261 = arith.constant 7 : index
    %swap3A_1262 = arith.constant 0 : index
    %swap3A_1263 = arith.constant 0 : index
    %swap3A_1264 = vector.load %arg5[%swap3A_1261, %swap3A_1262, %swap3A_1263] : memref<22x8x1024xf32, #tpu.memory_space<vmem>>, vector<1x8x1024xf32>
    %swap3A_1265 = vector.shape_cast %swap3A_1264 : vector<1x8x1024xf32> to vector<8x1024xf32>
    %swap3A_1266 = vector.shape_cast %add3A_1260 : vector<8x1024xf32> to vector<1x8x1024xf32>
    tpu.vector_store %arg5[%swap3A_1261, %swap3A_1262, %swap3A_1263], %swap3A_1266 {strides = array<i32>} : memref<22x8x1024xf32, #tpu.memory_space<vmem>>, vector<1x8x1024xf32>,
    %get3A_1267 = arith.constant 18 : index
    %get3A_1268 = arith.constant 0 : index
    %get3A_1269 = arith.constant 0 : index
    %get3A_1270 = vector.load %arg5[%get3A_1267, %get3A_1268, %get3A_1269] : memref<22x8x1024xf32, #tpu.memory_space<vmem>>, vector<1x8x1024xf32>
    %get3A_1271 = vector.shape_cast %get3A_1270 : vector<1x8x1024xf32> to vector<8x1024xf32>
    %add3A_1272 = arith.addf %get3A_1271, %add3A_1254 : vector<8x1024xf32>
    %swap3A_1273 = arith.constant 18 : index
    %swap3A_1274 = arith.constant 0 : index
    %swap3A_1275 = arith.constant 0 : index
    %swap3A_1276 = vector.load %arg5[%swap3A_1273, %swap3A_1274, %swap3A_1275] : memref<22x8x1024xf32, #tpu.memory_space<vmem>>, vector<1x8x1024xf32>
    %swap3A_1277 = vector.shape_cast %swap3A_1276 : vector<1x8x1024xf32> to vector<8x1024xf32>
    %swap3A_1278 = vector.shape_cast %add3A_1272 : vector<8x1024xf32> to vector<1x8x1024xf32>
    tpu.vector_store %arg5[%swap3A_1273, %swap3A_1274, %swap3A_1275], %swap3A_1278 {strides = array<i32>} : memref<22x8x1024xf32, #tpu.memory_space<vmem>>, vector<1x8x1024xf32>,
    %ge3A_1279 = arith.constant 8.000000e+00 : f32
    %ge3A_1280 = vector.broadcast %ge3A_1279 : f32 to vector<256x1024xf32>
    %ge3A_1281 = arith.cmpf oge, %select_n3A, %ge3A_1280 : vector<256x1024xf32>
    %convert_element_type3A_1282 = arith.extui %ge3A_1281 : vector<256x1024xi1> to vector<256x1024xi32>
    %convert_element_type3A_1283 = arith.sitofp %convert_element_type3A_1282 : vector<256x1024xi32> to vector<256x1024xf32>
    %jit3A_1284 = arith.constant 0.000000e+00 : f32
    %broadcast_in_dim3A_1285 = vector.broadcast %jit3A_1284 : f32 to vector<256x1024xf32>
    %select_n3A_1286 = arith.select %ge3A_1281, %mul3A_18, %broadcast_in_dim3A_1285 : vector<256x1024xi1>, vector<256x1024xf32>
    %slice3A_1287 = vector.extract_strided_slice %convert_element_type3A_1283 {offsets = [0, 0], sizes = [8, 1024], strides = [1, 1]} : vector<256x1024xf32> to vector<8x1024xf32>
    %slice3A_1288 = vector.extract_strided_slice %select_n3A_1286 {offsets = [0, 0], sizes = [8, 1024], strides = [1, 1]} : vector<256x1024xf32> to vector<8x1024xf32>
    %slice3A_1289 = vector.extract_strided_slice %convert_element_type3A_1283 {offsets = [8, 0], sizes = [8, 1024], strides = [1, 1]} : vector<256x1024xf32> to vector<8x1024xf32>
    %add3A_1290 = arith.addf %slice3A_1287, %slice3A_1289 : vector<8x1024xf32>
    %slice3A_1291 = vector.extract_strided_slice %select_n3A_1286 {offsets = [8, 0], sizes = [8, 1024], strides = [1, 1]} : vector<256x1024xf32> to vector<8x1024xf32>
    %add3A_1292 = arith.addf %slice3A_1288, %slice3A_1291 : vector<8x1024xf32>
    %slice3A_1293 = vector.extract_strided_slice %convert_element_type3A_1283 {offsets = [16, 0], sizes = [8, 1024], strides = [1, 1]} : vector<256x1024xf32> to vector<8x1024xf32>
    %add3A_1294 = arith.addf %add3A_1290, %slice3A_1293 : vector<8x1024xf32>
    %slice3A_1295 = vector.extract_strided_slice %select_n3A_1286 {offsets = [16, 0], sizes = [8, 1024], strides = [1, 1]} : vector<256x1024xf32> to vector<8x1024xf32>
    %add3A_1296 = arith.addf %add3A_1292, %slice3A_1295 : vector<8x1024xf32>
    %slice3A_1297 = vector.extract_strided_slice %convert_element_type3A_1283 {offsets = [24, 0], sizes = [8, 1024], strides = [1, 1]} : vector<256x1024xf32> to vector<8x1024xf32>
    %add3A_1298 = arith.addf %add3A_1294, %slice3A_1297 : vector<8x1024xf32>
    %slice3A_1299 = vector.extract_strided_slice %select_n3A_1286 {offsets = [24, 0], sizes = [8, 1024], strides = [1, 1]} : vector<256x1024xf32> to vector<8x1024xf32>
    %add3A_1300 = arith.addf %add3A_1296, %slice3A_1299 : vector<8x1024xf32>
    %slice3A_1301 = vector.extract_strided_slice %convert_element_type3A_1283 {offsets = [32, 0], sizes = [8, 1024], strides = [1, 1]} : vector<256x1024xf32> to vector<8x1024xf32>
    %add3A_1302 = arith.addf %add3A_1298, %slice3A_1301 : vector<8x1024xf32>
    %slice3A_1303 = vector.extract_strided_slice %select_n3A_1286 {offsets = [32, 0], sizes = [8, 1024], strides = [1, 1]} : vector<256x1024xf32> to vector<8x1024xf32>
    %add3A_1304 = arith.addf %add3A_1300, %slice3A_1303 : vector<8x1024xf32>
    %slice3A_1305 = vector.extract_strided_slice %convert_element_type3A_1283 {offsets = [40, 0], sizes = [8, 1024], strides = [1, 1]} : vector<256x1024xf32> to vector<8x1024xf32>
    %add3A_1306 = arith.addf %add3A_1302, %slice3A_1305 : vector<8x1024xf32>
    %slice3A_1307 = vector.extract_strided_slice %select_n3A_1286 {offsets = [40, 0], sizes = [8, 1024], strides = [1, 1]} : vector<256x1024xf32> to vector<8x1024xf32>
    %add3A_1308 = arith.addf %add3A_1304, %slice3A_1307 : vector<8x1024xf32>
    %slice3A_1309 = vector.extract_strided_slice %convert_element_type3A_1283 {offsets = [48, 0], sizes = [8, 1024], strides = [1, 1]} : vector<256x1024xf32> to vector<8x1024xf32>
    %add3A_1310 = arith.addf %add3A_1306, %slice3A_1309 : vector<8x1024xf32>
    %slice3A_1311 = vector.extract_strided_slice %select_n3A_1286 {offsets = [48, 0], sizes = [8, 1024], strides = [1, 1]} : vector<256x1024xf32> to vector<8x1024xf32>
    %add3A_1312 = arith.addf %add3A_1308, %slice3A_1311 : vector<8x1024xf32>
    %slice3A_1313 = vector.extract_strided_slice %convert_element_type3A_1283 {offsets = [56, 0], sizes = [8, 1024], strides = [1, 1]} : vector<256x1024xf32> to vector<8x1024xf32>
    %add3A_1314 = arith.addf %add3A_1310, %slice3A_1313 : vector<8x1024xf32>
    %slice3A_1315 = vector.extract_strided_slice %select_n3A_1286 {offsets = [56, 0], sizes = [8, 1024], strides = [1, 1]} : vector<256x1024xf32> to vector<8x1024xf32>
    %add3A_1316 = arith.addf %add3A_1312, %slice3A_1315 : vector<8x1024xf32>
    %slice3A_1317 = vector.extract_strided_slice %convert_element_type3A_1283 {offsets = [64, 0], sizes = [8, 1024], strides = [1, 1]} : vector<256x1024xf32> to vector<8x1024xf32>
    %add3A_1318 = arith.addf %add3A_1314, %slice3A_1317 : vector<8x1024xf32>
    %slice3A_1319 = vector.extract_strided_slice %select_n3A_1286 {offsets = [64, 0], sizes = [8, 1024], strides = [1, 1]} : vector<256x1024xf32> to vector<8x1024xf32>
    %add3A_1320 = arith.addf %add3A_1316, %slice3A_1319 : vector<8x1024xf32>
    %slice3A_1321 = vector.extract_strided_slice %convert_element_type3A_1283 {offsets = [72, 0], sizes = [8, 1024], strides = [1, 1]} : vector<256x1024xf32> to vector<8x1024xf32>
    %add3A_1322 = arith.addf %add3A_1318, %slice3A_1321 : vector<8x1024xf32>
    %slice3A_1323 = vector.extract_strided_slice %select_n3A_1286 {offsets = [72, 0], sizes = [8, 1024], strides = [1, 1]} : vector<256x1024xf32> to vector<8x1024xf32>
    %add3A_1324 = arith.addf %add3A_1320, %slice3A_1323 : vector<8x1024xf32>
    %slice3A_1325 = vector.extract_strided_slice %convert_element_type3A_1283 {offsets = [80, 0], sizes = [8, 1024], strides = [1, 1]} : vector<256x1024xf32> to vector<8x1024xf32>
    %add3A_1326 = arith.addf %add3A_1322, %slice3A_1325 : vector<8x1024xf32>
    %slice3A_1327 = vector.extract_strided_slice %select_n3A_1286 {offsets = [80, 0], sizes = [8, 1024], strides = [1, 1]} : vector<256x1024xf32> to vector<8x1024xf32>
    %add3A_1328 = arith.addf %add3A_1324, %slice3A_1327 : vector<8x1024xf32>
    %slice3A_1329 = vector.extract_strided_slice %convert_element_type3A_1283 {offsets = [88, 0], sizes = [8, 1024], strides = [1, 1]} : vector<256x1024xf32> to vector<8x1024xf32>
    %add3A_1330 = arith.addf %add3A_1326, %slice3A_1329 : vector<8x1024xf32>
    %slice3A_1331 = vector.extract_strided_slice %select_n3A_1286 {offsets = [88, 0], sizes = [8, 1024], strides = [1, 1]} : vector<256x1024xf32> to vector<8x1024xf32>
    %add3A_1332 = arith.addf %add3A_1328, %slice3A_1331 : vector<8x1024xf32>
    %slice3A_1333 = vector.extract_strided_slice %convert_element_type3A_1283 {offsets = [96, 0], sizes = [8, 1024], strides = [1, 1]} : vector<256x1024xf32> to vector<8x1024xf32>
    %add3A_1334 = arith.addf %add3A_1330, %slice3A_1333 : vector<8x1024xf32>
    %slice3A_1335 = vector.extract_strided_slice %select_n3A_1286 {offsets = [96, 0], sizes = [8, 1024], strides = [1, 1]} : vector<256x1024xf32> to vector<8x1024xf32>
    %add3A_1336 = arith.addf %add3A_1332, %slice3A_1335 : vector<8x1024xf32>
    %slice3A_1337 = vector.extract_strided_slice %convert_element_type3A_1283 {offsets = [104, 0], sizes = [8, 1024], strides = [1, 1]} : vector<256x1024xf32> to vector<8x1024xf32>
    %add3A_1338 = arith.addf %add3A_1334, %slice3A_1337 : vector<8x1024xf32>
    %slice3A_1339 = vector.extract_strided_slice %select_n3A_1286 {offsets = [104, 0], sizes = [8, 1024], strides = [1, 1]} : vector<256x1024xf32> to vector<8x1024xf32>
    %add3A_1340 = arith.addf %add3A_1336, %slice3A_1339 : vector<8x1024xf32>
    %slice3A_1341 = vector.extract_strided_slice %convert_element_type3A_1283 {offsets = [112, 0], sizes = [8, 1024], strides = [1, 1]} : vector<256x1024xf32> to vector<8x1024xf32>
    %add3A_1342 = arith.addf %add3A_1338, %slice3A_1341 : vector<8x1024xf32>
    %slice3A_1343 = vector.extract_strided_slice %select_n3A_1286 {offsets = [112, 0], sizes = [8, 1024], strides = [1, 1]} : vector<256x1024xf32> to vector<8x1024xf32>
    %add3A_1344 = arith.addf %add3A_1340, %slice3A_1343 : vector<8x1024xf32>
    %slice3A_1345 = vector.extract_strided_slice %convert_element_type3A_1283 {offsets = [120, 0], sizes = [8, 1024], strides = [1, 1]} : vector<256x1024xf32> to vector<8x1024xf32>
    %add3A_1346 = arith.addf %add3A_1342, %slice3A_1345 : vector<8x1024xf32>
    %slice3A_1347 = vector.extract_strided_slice %select_n3A_1286 {offsets = [120, 0], sizes = [8, 1024], strides = [1, 1]} : vector<256x1024xf32> to vector<8x1024xf32>
    %add3A_1348 = arith.addf %add3A_1344, %slice3A_1347 : vector<8x1024xf32>
    %slice3A_1349 = vector.extract_strided_slice %convert_element_type3A_1283 {offsets = [128, 0], sizes = [8, 1024], strides = [1, 1]} : vector<256x1024xf32> to vector<8x1024xf32>
    %add3A_1350 = arith.addf %add3A_1346, %slice3A_1349 : vector<8x1024xf32>
    %slice3A_1351 = vector.extract_strided_slice %select_n3A_1286 {offsets = [128, 0], sizes = [8, 1024], strides = [1, 1]} : vector<256x1024xf32> to vector<8x1024xf32>
    %add3A_1352 = arith.addf %add3A_1348, %slice3A_1351 : vector<8x1024xf32>
    %slice3A_1353 = vector.extract_strided_slice %convert_element_type3A_1283 {offsets = [136, 0], sizes = [8, 1024], strides = [1, 1]} : vector<256x1024xf32> to vector<8x1024xf32>
    %add3A_1354 = arith.addf %add3A_1350, %slice3A_1353 : vector<8x1024xf32>
    %slice3A_1355 = vector.extract_strided_slice %select_n3A_1286 {offsets = [136, 0], sizes = [8, 1024], strides = [1, 1]} : vector<256x1024xf32> to vector<8x1024xf32>
    %add3A_1356 = arith.addf %add3A_1352, %slice3A_1355 : vector<8x1024xf32>
    %slice3A_1357 = vector.extract_strided_slice %convert_element_type3A_1283 {offsets = [144, 0], sizes = [8, 1024], strides = [1, 1]} : vector<256x1024xf32> to vector<8x1024xf32>
    %add3A_1358 = arith.addf %add3A_1354, %slice3A_1357 : vector<8x1024xf32>
    %slice3A_1359 = vector.extract_strided_slice %select_n3A_1286 {offsets = [144, 0], sizes = [8, 1024], strides = [1, 1]} : vector<256x1024xf32> to vector<8x1024xf32>
    %add3A_1360 = arith.addf %add3A_1356, %slice3A_1359 : vector<8x1024xf32>
    %slice3A_1361 = vector.extract_strided_slice %convert_element_type3A_1283 {offsets = [152, 0], sizes = [8, 1024], strides = [1, 1]} : vector<256x1024xf32> to vector<8x1024xf32>
    %add3A_1362 = arith.addf %add3A_1358, %slice3A_1361 : vector<8x1024xf32>
    %slice3A_1363 = vector.extract_strided_slice %select_n3A_1286 {offsets = [152, 0], sizes = [8, 1024], strides = [1, 1]} : vector<256x1024xf32> to vector<8x1024xf32>
    %add3A_1364 = arith.addf %add3A_1360, %slice3A_1363 : vector<8x1024xf32>
    %slice3A_1365 = vector.extract_strided_slice %convert_element_type3A_1283 {offsets = [160, 0], sizes = [8, 1024], strides = [1, 1]} : vector<256x1024xf32> to vector<8x1024xf32>
    %add3A_1366 = arith.addf %add3A_1362, %slice3A_1365 : vector<8x1024xf32>
    %slice3A_1367 = vector.extract_strided_slice %select_n3A_1286 {offsets = [160, 0], sizes = [8, 1024], strides = [1, 1]} : vector<256x1024xf32> to vector<8x1024xf32>
    %add3A_1368 = arith.addf %add3A_1364, %slice3A_1367 : vector<8x1024xf32>
    %slice3A_1369 = vector.extract_strided_slice %convert_element_type3A_1283 {offsets = [168, 0], sizes = [8, 1024], strides = [1, 1]} : vector<256x1024xf32> to vector<8x1024xf32>
    %add3A_1370 = arith.addf %add3A_1366, %slice3A_1369 : vector<8x1024xf32>
    %slice3A_1371 = vector.extract_strided_slice %select_n3A_1286 {offsets = [168, 0], sizes = [8, 1024], strides = [1, 1]} : vector<256x1024xf32> to vector<8x1024xf32>
    %add3A_1372 = arith.addf %add3A_1368, %slice3A_1371 : vector<8x1024xf32>
    %slice3A_1373 = vector.extract_strided_slice %convert_element_type3A_1283 {offsets = [176, 0], sizes = [8, 1024], strides = [1, 1]} : vector<256x1024xf32> to vector<8x1024xf32>
    %add3A_1374 = arith.addf %add3A_1370, %slice3A_1373 : vector<8x1024xf32>
    %slice3A_1375 = vector.extract_strided_slice %select_n3A_1286 {offsets = [176, 0], sizes = [8, 1024], strides = [1, 1]} : vector<256x1024xf32> to vector<8x1024xf32>
    %add3A_1376 = arith.addf %add3A_1372, %slice3A_1375 : vector<8x1024xf32>
    %slice3A_1377 = vector.extract_strided_slice %convert_element_type3A_1283 {offsets = [184, 0], sizes = [8, 1024], strides = [1, 1]} : vector<256x1024xf32> to vector<8x1024xf32>
    %add3A_1378 = arith.addf %add3A_1374, %slice3A_1377 : vector<8x1024xf32>
    %slice3A_1379 = vector.extract_strided_slice %select_n3A_1286 {offsets = [184, 0], sizes = [8, 1024], strides = [1, 1]} : vector<256x1024xf32> to vector<8x1024xf32>
    %add3A_1380 = arith.addf %add3A_1376, %slice3A_1379 : vector<8x1024xf32>
    %slice3A_1381 = vector.extract_strided_slice %convert_element_type3A_1283 {offsets = [192, 0], sizes = [8, 1024], strides = [1, 1]} : vector<256x1024xf32> to vector<8x1024xf32>
    %add3A_1382 = arith.addf %add3A_1378, %slice3A_1381 : vector<8x1024xf32>
    %slice3A_1383 = vector.extract_strided_slice %select_n3A_1286 {offsets = [192, 0], sizes = [8, 1024], strides = [1, 1]} : vector<256x1024xf32> to vector<8x1024xf32>
    %add3A_1384 = arith.addf %add3A_1380, %slice3A_1383 : vector<8x1024xf32>
    %slice3A_1385 = vector.extract_strided_slice %convert_element_type3A_1283 {offsets = [200, 0], sizes = [8, 1024], strides = [1, 1]} : vector<256x1024xf32> to vector<8x1024xf32>
    %add3A_1386 = arith.addf %add3A_1382, %slice3A_1385 : vector<8x1024xf32>
    %slice3A_1387 = vector.extract_strided_slice %select_n3A_1286 {offsets = [200, 0], sizes = [8, 1024], strides = [1, 1]} : vector<256x1024xf32> to vector<8x1024xf32>
    %add3A_1388 = arith.addf %add3A_1384, %slice3A_1387 : vector<8x1024xf32>
    %slice3A_1389 = vector.extract_strided_slice %convert_element_type3A_1283 {offsets = [208, 0], sizes = [8, 1024], strides = [1, 1]} : vector<256x1024xf32> to vector<8x1024xf32>
    %add3A_1390 = arith.addf %add3A_1386, %slice3A_1389 : vector<8x1024xf32>
    %slice3A_1391 = vector.extract_strided_slice %select_n3A_1286 {offsets = [208, 0], sizes = [8, 1024], strides = [1, 1]} : vector<256x1024xf32> to vector<8x1024xf32>
    %add3A_1392 = arith.addf %add3A_1388, %slice3A_1391 : vector<8x1024xf32>
    %slice3A_1393 = vector.extract_strided_slice %convert_element_type3A_1283 {offsets = [216, 0], sizes = [8, 1024], strides = [1, 1]} : vector<256x1024xf32> to vector<8x1024xf32>
    %add3A_1394 = arith.addf %add3A_1390, %slice3A_1393 : vector<8x1024xf32>
    %slice3A_1395 = vector.extract_strided_slice %select_n3A_1286 {offsets = [216, 0], sizes = [8, 1024], strides = [1, 1]} : vector<256x1024xf32> to vector<8x1024xf32>
    %add3A_1396 = arith.addf %add3A_1392, %slice3A_1395 : vector<8x1024xf32>
    %slice3A_1397 = vector.extract_strided_slice %convert_element_type3A_1283 {offsets = [224, 0], sizes = [8, 1024], strides = [1, 1]} : vector<256x1024xf32> to vector<8x1024xf32>
    %add3A_1398 = arith.addf %add3A_1394, %slice3A_1397 : vector<8x1024xf32>
    %slice3A_1399 = vector.extract_strided_slice %select_n3A_1286 {offsets = [224, 0], sizes = [8, 1024], strides = [1, 1]} : vector<256x1024xf32> to vector<8x1024xf32>
    %add3A_1400 = arith.addf %add3A_1396, %slice3A_1399 : vector<8x1024xf32>
    %slice3A_1401 = vector.extract_strided_slice %convert_element_type3A_1283 {offsets = [232, 0], sizes = [8, 1024], strides = [1, 1]} : vector<256x1024xf32> to vector<8x1024xf32>
    %add3A_1402 = arith.addf %add3A_1398, %slice3A_1401 : vector<8x1024xf32>
    %slice3A_1403 = vector.extract_strided_slice %select_n3A_1286 {offsets = [232, 0], sizes = [8, 1024], strides = [1, 1]} : vector<256x1024xf32> to vector<8x1024xf32>
    %add3A_1404 = arith.addf %add3A_1400, %slice3A_1403 : vector<8x1024xf32>
    %slice3A_1405 = vector.extract_strided_slice %convert_element_type3A_1283 {offsets = [240, 0], sizes = [8, 1024], strides = [1, 1]} : vector<256x1024xf32> to vector<8x1024xf32>
    %add3A_1406 = arith.addf %add3A_1402, %slice3A_1405 : vector<8x1024xf32>
    %slice3A_1407 = vector.extract_strided_slice %select_n3A_1286 {offsets = [240, 0], sizes = [8, 1024], strides = [1, 1]} : vector<256x1024xf32> to vector<8x1024xf32>
    %add3A_1408 = arith.addf %add3A_1404, %slice3A_1407 : vector<8x1024xf32>
    %slice3A_1409 = vector.extract_strided_slice %convert_element_type3A_1283 {offsets = [248, 0], sizes = [8, 1024], strides = [1, 1]} : vector<256x1024xf32> to vector<8x1024xf32>
    %add3A_1410 = arith.addf %add3A_1406, %slice3A_1409 : vector<8x1024xf32>
    %slice3A_1411 = vector.extract_strided_slice %select_n3A_1286 {offsets = [248, 0], sizes = [8, 1024], strides = [1, 1]} : vector<256x1024xf32> to vector<8x1024xf32>
    %add3A_1412 = arith.addf %add3A_1408, %slice3A_1411 : vector<8x1024xf32>
    %get3A_1413 = arith.constant 8 : index
    %get3A_1414 = arith.constant 0 : index
    %get3A_1415 = arith.constant 0 : index
    %get3A_1416 = vector.load %arg5[%get3A_1413, %get3A_1414, %get3A_1415] : memref<22x8x1024xf32, #tpu.memory_space<vmem>>, vector<1x8x1024xf32>
    %get3A_1417 = vector.shape_cast %get3A_1416 : vector<1x8x1024xf32> to vector<8x1024xf32>
    %add3A_1418 = arith.addf %get3A_1417, %add3A_1410 : vector<8x1024xf32>
    %swap3A_1419 = arith.constant 8 : index
    %swap3A_1420 = arith.constant 0 : index
    %swap3A_1421 = arith.constant 0 : index
    %swap3A_1422 = vector.load %arg5[%swap3A_1419, %swap3A_1420, %swap3A_1421] : memref<22x8x1024xf32, #tpu.memory_space<vmem>>, vector<1x8x1024xf32>
    %swap3A_1423 = vector.shape_cast %swap3A_1422 : vector<1x8x1024xf32> to vector<8x1024xf32>
    %swap3A_1424 = vector.shape_cast %add3A_1418 : vector<8x1024xf32> to vector<1x8x1024xf32>
    tpu.vector_store %arg5[%swap3A_1419, %swap3A_1420, %swap3A_1421], %swap3A_1424 {strides = array<i32>} : memref<22x8x1024xf32, #tpu.memory_space<vmem>>, vector<1x8x1024xf32>,
    %get3A_1425 = arith.constant 19 : index
    %get3A_1426 = arith.constant 0 : index
    %get3A_1427 = arith.constant 0 : index
    %get3A_1428 = vector.load %arg5[%get3A_1425, %get3A_1426, %get3A_1427] : memref<22x8x1024xf32, #tpu.memory_space<vmem>>, vector<1x8x1024xf32>
    %get3A_1429 = vector.shape_cast %get3A_1428 : vector<1x8x1024xf32> to vector<8x1024xf32>
    %add3A_1430 = arith.addf %get3A_1429, %add3A_1412 : vector<8x1024xf32>
    %swap3A_1431 = arith.constant 19 : index
    %swap3A_1432 = arith.constant 0 : index
    %swap3A_1433 = arith.constant 0 : index
    %swap3A_1434 = vector.load %arg5[%swap3A_1431, %swap3A_1432, %swap3A_1433] : memref<22x8x1024xf32, #tpu.memory_space<vmem>>, vector<1x8x1024xf32>
    %swap3A_1435 = vector.shape_cast %swap3A_1434 : vector<1x8x1024xf32> to vector<8x1024xf32>
    %swap3A_1436 = vector.shape_cast %add3A_1430 : vector<8x1024xf32> to vector<1x8x1024xf32>
    tpu.vector_store %arg5[%swap3A_1431, %swap3A_1432, %swap3A_1433], %swap3A_1436 {strides = array<i32>} : memref<22x8x1024xf32, #tpu.memory_space<vmem>>, vector<1x8x1024xf32>,
    %ge3A_1437 = arith.constant 9.000000e+00 : f32
    %ge3A_1438 = vector.broadcast %ge3A_1437 : f32 to vector<256x1024xf32>
    %ge3A_1439 = arith.cmpf oge, %select_n3A, %ge3A_1438 : vector<256x1024xf32>
    %convert_element_type3A_1440 = arith.extui %ge3A_1439 : vector<256x1024xi1> to vector<256x1024xi32>
    %convert_element_type3A_1441 = arith.sitofp %convert_element_type3A_1440 : vector<256x1024xi32> to vector<256x1024xf32>
    %jit3A_1442 = arith.constant 0.000000e+00 : f32
    %broadcast_in_dim3A_1443 = vector.broadcast %jit3A_1442 : f32 to vector<256x1024xf32>
    %select_n3A_1444 = arith.select %ge3A_1439, %mul3A_18, %broadcast_in_dim3A_1443 : vector<256x1024xi1>, vector<256x1024xf32>
    %slice3A_1445 = vector.extract_strided_slice %convert_element_type3A_1441 {offsets = [0, 0], sizes = [8, 1024], strides = [1, 1]} : vector<256x1024xf32> to vector<8x1024xf32>
    %slice3A_1446 = vector.extract_strided_slice %select_n3A_1444 {offsets = [0, 0], sizes = [8, 1024], strides = [1, 1]} : vector<256x1024xf32> to vector<8x1024xf32>
    %slice3A_1447 = vector.extract_strided_slice %convert_element_type3A_1441 {offsets = [8, 0], sizes = [8, 1024], strides = [1, 1]} : vector<256x1024xf32> to vector<8x1024xf32>
    %add3A_1448 = arith.addf %slice3A_1445, %slice3A_1447 : vector<8x1024xf32>
    %slice3A_1449 = vector.extract_strided_slice %select_n3A_1444 {offsets = [8, 0], sizes = [8, 1024], strides = [1, 1]} : vector<256x1024xf32> to vector<8x1024xf32>
    %add3A_1450 = arith.addf %slice3A_1446, %slice3A_1449 : vector<8x1024xf32>
    %slice3A_1451 = vector.extract_strided_slice %convert_element_type3A_1441 {offsets = [16, 0], sizes = [8, 1024], strides = [1, 1]} : vector<256x1024xf32> to vector<8x1024xf32>
    %add3A_1452 = arith.addf %add3A_1448, %slice3A_1451 : vector<8x1024xf32>
    %slice3A_1453 = vector.extract_strided_slice %select_n3A_1444 {offsets = [16, 0], sizes = [8, 1024], strides = [1, 1]} : vector<256x1024xf32> to vector<8x1024xf32>
    %add3A_1454 = arith.addf %add3A_1450, %slice3A_1453 : vector<8x1024xf32>
    %slice3A_1455 = vector.extract_strided_slice %convert_element_type3A_1441 {offsets = [24, 0], sizes = [8, 1024], strides = [1, 1]} : vector<256x1024xf32> to vector<8x1024xf32>
    %add3A_1456 = arith.addf %add3A_1452, %slice3A_1455 : vector<8x1024xf32>
    %slice3A_1457 = vector.extract_strided_slice %select_n3A_1444 {offsets = [24, 0], sizes = [8, 1024], strides = [1, 1]} : vector<256x1024xf32> to vector<8x1024xf32>
    %add3A_1458 = arith.addf %add3A_1454, %slice3A_1457 : vector<8x1024xf32>
    %slice3A_1459 = vector.extract_strided_slice %convert_element_type3A_1441 {offsets = [32, 0], sizes = [8, 1024], strides = [1, 1]} : vector<256x1024xf32> to vector<8x1024xf32>
    %add3A_1460 = arith.addf %add3A_1456, %slice3A_1459 : vector<8x1024xf32>
    %slice3A_1461 = vector.extract_strided_slice %select_n3A_1444 {offsets = [32, 0], sizes = [8, 1024], strides = [1, 1]} : vector<256x1024xf32> to vector<8x1024xf32>
    %add3A_1462 = arith.addf %add3A_1458, %slice3A_1461 : vector<8x1024xf32>
    %slice3A_1463 = vector.extract_strided_slice %convert_element_type3A_1441 {offsets = [40, 0], sizes = [8, 1024], strides = [1, 1]} : vector<256x1024xf32> to vector<8x1024xf32>
    %add3A_1464 = arith.addf %add3A_1460, %slice3A_1463 : vector<8x1024xf32>
    %slice3A_1465 = vector.extract_strided_slice %select_n3A_1444 {offsets = [40, 0], sizes = [8, 1024], strides = [1, 1]} : vector<256x1024xf32> to vector<8x1024xf32>
    %add3A_1466 = arith.addf %add3A_1462, %slice3A_1465 : vector<8x1024xf32>
    %slice3A_1467 = vector.extract_strided_slice %convert_element_type3A_1441 {offsets = [48, 0], sizes = [8, 1024], strides = [1, 1]} : vector<256x1024xf32> to vector<8x1024xf32>
    %add3A_1468 = arith.addf %add3A_1464, %slice3A_1467 : vector<8x1024xf32>
    %slice3A_1469 = vector.extract_strided_slice %select_n3A_1444 {offsets = [48, 0], sizes = [8, 1024], strides = [1, 1]} : vector<256x1024xf32> to vector<8x1024xf32>
    %add3A_1470 = arith.addf %add3A_1466, %slice3A_1469 : vector<8x1024xf32>
    %slice3A_1471 = vector.extract_strided_slice %convert_element_type3A_1441 {offsets = [56, 0], sizes = [8, 1024], strides = [1, 1]} : vector<256x1024xf32> to vector<8x1024xf32>
    %add3A_1472 = arith.addf %add3A_1468, %slice3A_1471 : vector<8x1024xf32>
    %slice3A_1473 = vector.extract_strided_slice %select_n3A_1444 {offsets = [56, 0], sizes = [8, 1024], strides = [1, 1]} : vector<256x1024xf32> to vector<8x1024xf32>
    %add3A_1474 = arith.addf %add3A_1470, %slice3A_1473 : vector<8x1024xf32>
    %slice3A_1475 = vector.extract_strided_slice %convert_element_type3A_1441 {offsets = [64, 0], sizes = [8, 1024], strides = [1, 1]} : vector<256x1024xf32> to vector<8x1024xf32>
    %add3A_1476 = arith.addf %add3A_1472, %slice3A_1475 : vector<8x1024xf32>
    %slice3A_1477 = vector.extract_strided_slice %select_n3A_1444 {offsets = [64, 0], sizes = [8, 1024], strides = [1, 1]} : vector<256x1024xf32> to vector<8x1024xf32>
    %add3A_1478 = arith.addf %add3A_1474, %slice3A_1477 : vector<8x1024xf32>
    %slice3A_1479 = vector.extract_strided_slice %convert_element_type3A_1441 {offsets = [72, 0], sizes = [8, 1024], strides = [1, 1]} : vector<256x1024xf32> to vector<8x1024xf32>
    %add3A_1480 = arith.addf %add3A_1476, %slice3A_1479 : vector<8x1024xf32>
    %slice3A_1481 = vector.extract_strided_slice %select_n3A_1444 {offsets = [72, 0], sizes = [8, 1024], strides = [1, 1]} : vector<256x1024xf32> to vector<8x1024xf32>
    %add3A_1482 = arith.addf %add3A_1478, %slice3A_1481 : vector<8x1024xf32>
    %slice3A_1483 = vector.extract_strided_slice %convert_element_type3A_1441 {offsets = [80, 0], sizes = [8, 1024], strides = [1, 1]} : vector<256x1024xf32> to vector<8x1024xf32>
    %add3A_1484 = arith.addf %add3A_1480, %slice3A_1483 : vector<8x1024xf32>
    %slice3A_1485 = vector.extract_strided_slice %select_n3A_1444 {offsets = [80, 0], sizes = [8, 1024], strides = [1, 1]} : vector<256x1024xf32> to vector<8x1024xf32>
    %add3A_1486 = arith.addf %add3A_1482, %slice3A_1485 : vector<8x1024xf32>
    %slice3A_1487 = vector.extract_strided_slice %convert_element_type3A_1441 {offsets = [88, 0], sizes = [8, 1024], strides = [1, 1]} : vector<256x1024xf32> to vector<8x1024xf32>
    %add3A_1488 = arith.addf %add3A_1484, %slice3A_1487 : vector<8x1024xf32>
    %slice3A_1489 = vector.extract_strided_slice %select_n3A_1444 {offsets = [88, 0], sizes = [8, 1024], strides = [1, 1]} : vector<256x1024xf32> to vector<8x1024xf32>
    %add3A_1490 = arith.addf %add3A_1486, %slice3A_1489 : vector<8x1024xf32>
    %slice3A_1491 = vector.extract_strided_slice %convert_element_type3A_1441 {offsets = [96, 0], sizes = [8, 1024], strides = [1, 1]} : vector<256x1024xf32> to vector<8x1024xf32>
    %add3A_1492 = arith.addf %add3A_1488, %slice3A_1491 : vector<8x1024xf32>
    %slice3A_1493 = vector.extract_strided_slice %select_n3A_1444 {offsets = [96, 0], sizes = [8, 1024], strides = [1, 1]} : vector<256x1024xf32> to vector<8x1024xf32>
    %add3A_1494 = arith.addf %add3A_1490, %slice3A_1493 : vector<8x1024xf32>
    %slice3A_1495 = vector.extract_strided_slice %convert_element_type3A_1441 {offsets = [104, 0], sizes = [8, 1024], strides = [1, 1]} : vector<256x1024xf32> to vector<8x1024xf32>
    %add3A_1496 = arith.addf %add3A_1492, %slice3A_1495 : vector<8x1024xf32>
    %slice3A_1497 = vector.extract_strided_slice %select_n3A_1444 {offsets = [104, 0], sizes = [8, 1024], strides = [1, 1]} : vector<256x1024xf32> to vector<8x1024xf32>
    %add3A_1498 = arith.addf %add3A_1494, %slice3A_1497 : vector<8x1024xf32>
    %slice3A_1499 = vector.extract_strided_slice %convert_element_type3A_1441 {offsets = [112, 0], sizes = [8, 1024], strides = [1, 1]} : vector<256x1024xf32> to vector<8x1024xf32>
    %add3A_1500 = arith.addf %add3A_1496, %slice3A_1499 : vector<8x1024xf32>
    %slice3A_1501 = vector.extract_strided_slice %select_n3A_1444 {offsets = [112, 0], sizes = [8, 1024], strides = [1, 1]} : vector<256x1024xf32> to vector<8x1024xf32>
    %add3A_1502 = arith.addf %add3A_1498, %slice3A_1501 : vector<8x1024xf32>
    %slice3A_1503 = vector.extract_strided_slice %convert_element_type3A_1441 {offsets = [120, 0], sizes = [8, 1024], strides = [1, 1]} : vector<256x1024xf32> to vector<8x1024xf32>
    %add3A_1504 = arith.addf %add3A_1500, %slice3A_1503 : vector<8x1024xf32>
    %slice3A_1505 = vector.extract_strided_slice %select_n3A_1444 {offsets = [120, 0], sizes = [8, 1024], strides = [1, 1]} : vector<256x1024xf32> to vector<8x1024xf32>
    %add3A_1506 = arith.addf %add3A_1502, %slice3A_1505 : vector<8x1024xf32>
    %slice3A_1507 = vector.extract_strided_slice %convert_element_type3A_1441 {offsets = [128, 0], sizes = [8, 1024], strides = [1, 1]} : vector<256x1024xf32> to vector<8x1024xf32>
    %add3A_1508 = arith.addf %add3A_1504, %slice3A_1507 : vector<8x1024xf32>
    %slice3A_1509 = vector.extract_strided_slice %select_n3A_1444 {offsets = [128, 0], sizes = [8, 1024], strides = [1, 1]} : vector<256x1024xf32> to vector<8x1024xf32>
    %add3A_1510 = arith.addf %add3A_1506, %slice3A_1509 : vector<8x1024xf32>
    %slice3A_1511 = vector.extract_strided_slice %convert_element_type3A_1441 {offsets = [136, 0], sizes = [8, 1024], strides = [1, 1]} : vector<256x1024xf32> to vector<8x1024xf32>
    %add3A_1512 = arith.addf %add3A_1508, %slice3A_1511 : vector<8x1024xf32>
    %slice3A_1513 = vector.extract_strided_slice %select_n3A_1444 {offsets = [136, 0], sizes = [8, 1024], strides = [1, 1]} : vector<256x1024xf32> to vector<8x1024xf32>
    %add3A_1514 = arith.addf %add3A_1510, %slice3A_1513 : vector<8x1024xf32>
    %slice3A_1515 = vector.extract_strided_slice %convert_element_type3A_1441 {offsets = [144, 0], sizes = [8, 1024], strides = [1, 1]} : vector<256x1024xf32> to vector<8x1024xf32>
    %add3A_1516 = arith.addf %add3A_1512, %slice3A_1515 : vector<8x1024xf32>
    %slice3A_1517 = vector.extract_strided_slice %select_n3A_1444 {offsets = [144, 0], sizes = [8, 1024], strides = [1, 1]} : vector<256x1024xf32> to vector<8x1024xf32>
    %add3A_1518 = arith.addf %add3A_1514, %slice3A_1517 : vector<8x1024xf32>
    %slice3A_1519 = vector.extract_strided_slice %convert_element_type3A_1441 {offsets = [152, 0], sizes = [8, 1024], strides = [1, 1]} : vector<256x1024xf32> to vector<8x1024xf32>
    %add3A_1520 = arith.addf %add3A_1516, %slice3A_1519 : vector<8x1024xf32>
    %slice3A_1521 = vector.extract_strided_slice %select_n3A_1444 {offsets = [152, 0], sizes = [8, 1024], strides = [1, 1]} : vector<256x1024xf32> to vector<8x1024xf32>
    %add3A_1522 = arith.addf %add3A_1518, %slice3A_1521 : vector<8x1024xf32>
    %slice3A_1523 = vector.extract_strided_slice %convert_element_type3A_1441 {offsets = [160, 0], sizes = [8, 1024], strides = [1, 1]} : vector<256x1024xf32> to vector<8x1024xf32>
    %add3A_1524 = arith.addf %add3A_1520, %slice3A_1523 : vector<8x1024xf32>
    %slice3A_1525 = vector.extract_strided_slice %select_n3A_1444 {offsets = [160, 0], sizes = [8, 1024], strides = [1, 1]} : vector<256x1024xf32> to vector<8x1024xf32>
    %add3A_1526 = arith.addf %add3A_1522, %slice3A_1525 : vector<8x1024xf32>
    %slice3A_1527 = vector.extract_strided_slice %convert_element_type3A_1441 {offsets = [168, 0], sizes = [8, 1024], strides = [1, 1]} : vector<256x1024xf32> to vector<8x1024xf32>
    %add3A_1528 = arith.addf %add3A_1524, %slice3A_1527 : vector<8x1024xf32>
    %slice3A_1529 = vector.extract_strided_slice %select_n3A_1444 {offsets = [168, 0], sizes = [8, 1024], strides = [1, 1]} : vector<256x1024xf32> to vector<8x1024xf32>
    %add3A_1530 = arith.addf %add3A_1526, %slice3A_1529 : vector<8x1024xf32>
    %slice3A_1531 = vector.extract_strided_slice %convert_element_type3A_1441 {offsets = [176, 0], sizes = [8, 1024], strides = [1, 1]} : vector<256x1024xf32> to vector<8x1024xf32>
    %add3A_1532 = arith.addf %add3A_1528, %slice3A_1531 : vector<8x1024xf32>
    %slice3A_1533 = vector.extract_strided_slice %select_n3A_1444 {offsets = [176, 0], sizes = [8, 1024], strides = [1, 1]} : vector<256x1024xf32> to vector<8x1024xf32>
    %add3A_1534 = arith.addf %add3A_1530, %slice3A_1533 : vector<8x1024xf32>
    %slice3A_1535 = vector.extract_strided_slice %convert_element_type3A_1441 {offsets = [184, 0], sizes = [8, 1024], strides = [1, 1]} : vector<256x1024xf32> to vector<8x1024xf32>
    %add3A_1536 = arith.addf %add3A_1532, %slice3A_1535 : vector<8x1024xf32>
    %slice3A_1537 = vector.extract_strided_slice %select_n3A_1444 {offsets = [184, 0], sizes = [8, 1024], strides = [1, 1]} : vector<256x1024xf32> to vector<8x1024xf32>
    %add3A_1538 = arith.addf %add3A_1534, %slice3A_1537 : vector<8x1024xf32>
    %slice3A_1539 = vector.extract_strided_slice %convert_element_type3A_1441 {offsets = [192, 0], sizes = [8, 1024], strides = [1, 1]} : vector<256x1024xf32> to vector<8x1024xf32>
    %add3A_1540 = arith.addf %add3A_1536, %slice3A_1539 : vector<8x1024xf32>
    %slice3A_1541 = vector.extract_strided_slice %select_n3A_1444 {offsets = [192, 0], sizes = [8, 1024], strides = [1, 1]} : vector<256x1024xf32> to vector<8x1024xf32>
    %add3A_1542 = arith.addf %add3A_1538, %slice3A_1541 : vector<8x1024xf32>
    %slice3A_1543 = vector.extract_strided_slice %convert_element_type3A_1441 {offsets = [200, 0], sizes = [8, 1024], strides = [1, 1]} : vector<256x1024xf32> to vector<8x1024xf32>
    %add3A_1544 = arith.addf %add3A_1540, %slice3A_1543 : vector<8x1024xf32>
    %slice3A_1545 = vector.extract_strided_slice %select_n3A_1444 {offsets = [200, 0], sizes = [8, 1024], strides = [1, 1]} : vector<256x1024xf32> to vector<8x1024xf32>
    %add3A_1546 = arith.addf %add3A_1542, %slice3A_1545 : vector<8x1024xf32>
    %slice3A_1547 = vector.extract_strided_slice %convert_element_type3A_1441 {offsets = [208, 0], sizes = [8, 1024], strides = [1, 1]} : vector<256x1024xf32> to vector<8x1024xf32>
    %add3A_1548 = arith.addf %add3A_1544, %slice3A_1547 : vector<8x1024xf32>
    %slice3A_1549 = vector.extract_strided_slice %select_n3A_1444 {offsets = [208, 0], sizes = [8, 1024], strides = [1, 1]} : vector<256x1024xf32> to vector<8x1024xf32>
    %add3A_1550 = arith.addf %add3A_1546, %slice3A_1549 : vector<8x1024xf32>
    %slice3A_1551 = vector.extract_strided_slice %convert_element_type3A_1441 {offsets = [216, 0], sizes = [8, 1024], strides = [1, 1]} : vector<256x1024xf32> to vector<8x1024xf32>
    %add3A_1552 = arith.addf %add3A_1548, %slice3A_1551 : vector<8x1024xf32>
    %slice3A_1553 = vector.extract_strided_slice %select_n3A_1444 {offsets = [216, 0], sizes = [8, 1024], strides = [1, 1]} : vector<256x1024xf32> to vector<8x1024xf32>
    %add3A_1554 = arith.addf %add3A_1550, %slice3A_1553 : vector<8x1024xf32>
    %slice3A_1555 = vector.extract_strided_slice %convert_element_type3A_1441 {offsets = [224, 0], sizes = [8, 1024], strides = [1, 1]} : vector<256x1024xf32> to vector<8x1024xf32>
    %add3A_1556 = arith.addf %add3A_1552, %slice3A_1555 : vector<8x1024xf32>
    %slice3A_1557 = vector.extract_strided_slice %select_n3A_1444 {offsets = [224, 0], sizes = [8, 1024], strides = [1, 1]} : vector<256x1024xf32> to vector<8x1024xf32>
    %add3A_1558 = arith.addf %add3A_1554, %slice3A_1557 : vector<8x1024xf32>
    %slice3A_1559 = vector.extract_strided_slice %convert_element_type3A_1441 {offsets = [232, 0], sizes = [8, 1024], strides = [1, 1]} : vector<256x1024xf32> to vector<8x1024xf32>
    %add3A_1560 = arith.addf %add3A_1556, %slice3A_1559 : vector<8x1024xf32>
    %slice3A_1561 = vector.extract_strided_slice %select_n3A_1444 {offsets = [232, 0], sizes = [8, 1024], strides = [1, 1]} : vector<256x1024xf32> to vector<8x1024xf32>
    %add3A_1562 = arith.addf %add3A_1558, %slice3A_1561 : vector<8x1024xf32>
    %slice3A_1563 = vector.extract_strided_slice %convert_element_type3A_1441 {offsets = [240, 0], sizes = [8, 1024], strides = [1, 1]} : vector<256x1024xf32> to vector<8x1024xf32>
    %add3A_1564 = arith.addf %add3A_1560, %slice3A_1563 : vector<8x1024xf32>
    %slice3A_1565 = vector.extract_strided_slice %select_n3A_1444 {offsets = [240, 0], sizes = [8, 1024], strides = [1, 1]} : vector<256x1024xf32> to vector<8x1024xf32>
    %add3A_1566 = arith.addf %add3A_1562, %slice3A_1565 : vector<8x1024xf32>
    %slice3A_1567 = vector.extract_strided_slice %convert_element_type3A_1441 {offsets = [248, 0], sizes = [8, 1024], strides = [1, 1]} : vector<256x1024xf32> to vector<8x1024xf32>
    %add3A_1568 = arith.addf %add3A_1564, %slice3A_1567 : vector<8x1024xf32>
    %slice3A_1569 = vector.extract_strided_slice %select_n3A_1444 {offsets = [248, 0], sizes = [8, 1024], strides = [1, 1]} : vector<256x1024xf32> to vector<8x1024xf32>
    %add3A_1570 = arith.addf %add3A_1566, %slice3A_1569 : vector<8x1024xf32>
    %get3A_1571 = arith.constant 9 : index
    %get3A_1572 = arith.constant 0 : index
    %get3A_1573 = arith.constant 0 : index
    %get3A_1574 = vector.load %arg5[%get3A_1571, %get3A_1572, %get3A_1573] : memref<22x8x1024xf32, #tpu.memory_space<vmem>>, vector<1x8x1024xf32>
    %get3A_1575 = vector.shape_cast %get3A_1574 : vector<1x8x1024xf32> to vector<8x1024xf32>
    %add3A_1576 = arith.addf %get3A_1575, %add3A_1568 : vector<8x1024xf32>
    %swap3A_1577 = arith.constant 9 : index
    %swap3A_1578 = arith.constant 0 : index
    %swap3A_1579 = arith.constant 0 : index
    %swap3A_1580 = vector.load %arg5[%swap3A_1577, %swap3A_1578, %swap3A_1579] : memref<22x8x1024xf32, #tpu.memory_space<vmem>>, vector<1x8x1024xf32>
    %swap3A_1581 = vector.shape_cast %swap3A_1580 : vector<1x8x1024xf32> to vector<8x1024xf32>
    %swap3A_1582 = vector.shape_cast %add3A_1576 : vector<8x1024xf32> to vector<1x8x1024xf32>
    tpu.vector_store %arg5[%swap3A_1577, %swap3A_1578, %swap3A_1579], %swap3A_1582 {strides = array<i32>} : memref<22x8x1024xf32, #tpu.memory_space<vmem>>, vector<1x8x1024xf32>,
    %get3A_1583 = arith.constant 20 : index
    %get3A_1584 = arith.constant 0 : index
    %get3A_1585 = arith.constant 0 : index
    %get3A_1586 = vector.load %arg5[%get3A_1583, %get3A_1584, %get3A_1585] : memref<22x8x1024xf32, #tpu.memory_space<vmem>>, vector<1x8x1024xf32>
    %get3A_1587 = vector.shape_cast %get3A_1586 : vector<1x8x1024xf32> to vector<8x1024xf32>
    %add3A_1588 = arith.addf %get3A_1587, %add3A_1570 : vector<8x1024xf32>
    %swap3A_1589 = arith.constant 20 : index
    %swap3A_1590 = arith.constant 0 : index
    %swap3A_1591 = arith.constant 0 : index
    %swap3A_1592 = vector.load %arg5[%swap3A_1589, %swap3A_1590, %swap3A_1591] : memref<22x8x1024xf32, #tpu.memory_space<vmem>>, vector<1x8x1024xf32>
    %swap3A_1593 = vector.shape_cast %swap3A_1592 : vector<1x8x1024xf32> to vector<8x1024xf32>
    %swap3A_1594 = vector.shape_cast %add3A_1588 : vector<8x1024xf32> to vector<1x8x1024xf32>
    tpu.vector_store %arg5[%swap3A_1589, %swap3A_1590, %swap3A_1591], %swap3A_1594 {strides = array<i32>} : memref<22x8x1024xf32, #tpu.memory_space<vmem>>, vector<1x8x1024xf32>,
    %ge3A_1595 = arith.constant 10.0000095 : f32
    %ge3A_1596 = vector.broadcast %ge3A_1595 : f32 to vector<256x1024xf32>
    %ge3A_1597 = arith.cmpf oge, %select_n3A, %ge3A_1596 : vector<256x1024xf32>
    %convert_element_type3A_1598 = arith.extui %ge3A_1597 : vector<256x1024xi1> to vector<256x1024xi32>
    %convert_element_type3A_1599 = arith.sitofp %convert_element_type3A_1598 : vector<256x1024xi32> to vector<256x1024xf32>
    %jit3A_1600 = arith.constant 0.000000e+00 : f32
    %broadcast_in_dim3A_1601 = vector.broadcast %jit3A_1600 : f32 to vector<256x1024xf32>
    %select_n3A_1602 = arith.select %ge3A_1597, %mul3A_18, %broadcast_in_dim3A_1601 : vector<256x1024xi1>, vector<256x1024xf32>
    %slice3A_1603 = vector.extract_strided_slice %convert_element_type3A_1599 {offsets = [0, 0], sizes = [8, 1024], strides = [1, 1]} : vector<256x1024xf32> to vector<8x1024xf32>
    %slice3A_1604 = vector.extract_strided_slice %select_n3A_1602 {offsets = [0, 0], sizes = [8, 1024], strides = [1, 1]} : vector<256x1024xf32> to vector<8x1024xf32>
    %slice3A_1605 = vector.extract_strided_slice %convert_element_type3A_1599 {offsets = [8, 0], sizes = [8, 1024], strides = [1, 1]} : vector<256x1024xf32> to vector<8x1024xf32>
    %add3A_1606 = arith.addf %slice3A_1603, %slice3A_1605 : vector<8x1024xf32>
    %slice3A_1607 = vector.extract_strided_slice %select_n3A_1602 {offsets = [8, 0], sizes = [8, 1024], strides = [1, 1]} : vector<256x1024xf32> to vector<8x1024xf32>
    %add3A_1608 = arith.addf %slice3A_1604, %slice3A_1607 : vector<8x1024xf32>
    %slice3A_1609 = vector.extract_strided_slice %convert_element_type3A_1599 {offsets = [16, 0], sizes = [8, 1024], strides = [1, 1]} : vector<256x1024xf32> to vector<8x1024xf32>
    %add3A_1610 = arith.addf %add3A_1606, %slice3A_1609 : vector<8x1024xf32>
    %slice3A_1611 = vector.extract_strided_slice %select_n3A_1602 {offsets = [16, 0], sizes = [8, 1024], strides = [1, 1]} : vector<256x1024xf32> to vector<8x1024xf32>
    %add3A_1612 = arith.addf %add3A_1608, %slice3A_1611 : vector<8x1024xf32>
    %slice3A_1613 = vector.extract_strided_slice %convert_element_type3A_1599 {offsets = [24, 0], sizes = [8, 1024], strides = [1, 1]} : vector<256x1024xf32> to vector<8x1024xf32>
    %add3A_1614 = arith.addf %add3A_1610, %slice3A_1613 : vector<8x1024xf32>
    %slice3A_1615 = vector.extract_strided_slice %select_n3A_1602 {offsets = [24, 0], sizes = [8, 1024], strides = [1, 1]} : vector<256x1024xf32> to vector<8x1024xf32>
    %add3A_1616 = arith.addf %add3A_1612, %slice3A_1615 : vector<8x1024xf32>
    %slice3A_1617 = vector.extract_strided_slice %convert_element_type3A_1599 {offsets = [32, 0], sizes = [8, 1024], strides = [1, 1]} : vector<256x1024xf32> to vector<8x1024xf32>
    %add3A_1618 = arith.addf %add3A_1614, %slice3A_1617 : vector<8x1024xf32>
    %slice3A_1619 = vector.extract_strided_slice %select_n3A_1602 {offsets = [32, 0], sizes = [8, 1024], strides = [1, 1]} : vector<256x1024xf32> to vector<8x1024xf32>
    %add3A_1620 = arith.addf %add3A_1616, %slice3A_1619 : vector<8x1024xf32>
    %slice3A_1621 = vector.extract_strided_slice %convert_element_type3A_1599 {offsets = [40, 0], sizes = [8, 1024], strides = [1, 1]} : vector<256x1024xf32> to vector<8x1024xf32>
    %add3A_1622 = arith.addf %add3A_1618, %slice3A_1621 : vector<8x1024xf32>
    %slice3A_1623 = vector.extract_strided_slice %select_n3A_1602 {offsets = [40, 0], sizes = [8, 1024], strides = [1, 1]} : vector<256x1024xf32> to vector<8x1024xf32>
    %add3A_1624 = arith.addf %add3A_1620, %slice3A_1623 : vector<8x1024xf32>
    %slice3A_1625 = vector.extract_strided_slice %convert_element_type3A_1599 {offsets = [48, 0], sizes = [8, 1024], strides = [1, 1]} : vector<256x1024xf32> to vector<8x1024xf32>
    %add3A_1626 = arith.addf %add3A_1622, %slice3A_1625 : vector<8x1024xf32>
    %slice3A_1627 = vector.extract_strided_slice %select_n3A_1602 {offsets = [48, 0], sizes = [8, 1024], strides = [1, 1]} : vector<256x1024xf32> to vector<8x1024xf32>
    %add3A_1628 = arith.addf %add3A_1624, %slice3A_1627 : vector<8x1024xf32>
    %slice3A_1629 = vector.extract_strided_slice %convert_element_type3A_1599 {offsets = [56, 0], sizes = [8, 1024], strides = [1, 1]} : vector<256x1024xf32> to vector<8x1024xf32>
    %add3A_1630 = arith.addf %add3A_1626, %slice3A_1629 : vector<8x1024xf32>
    %slice3A_1631 = vector.extract_strided_slice %select_n3A_1602 {offsets = [56, 0], sizes = [8, 1024], strides = [1, 1]} : vector<256x1024xf32> to vector<8x1024xf32>
    %add3A_1632 = arith.addf %add3A_1628, %slice3A_1631 : vector<8x1024xf32>
    %slice3A_1633 = vector.extract_strided_slice %convert_element_type3A_1599 {offsets = [64, 0], sizes = [8, 1024], strides = [1, 1]} : vector<256x1024xf32> to vector<8x1024xf32>
    %add3A_1634 = arith.addf %add3A_1630, %slice3A_1633 : vector<8x1024xf32>
    %slice3A_1635 = vector.extract_strided_slice %select_n3A_1602 {offsets = [64, 0], sizes = [8, 1024], strides = [1, 1]} : vector<256x1024xf32> to vector<8x1024xf32>
    %add3A_1636 = arith.addf %add3A_1632, %slice3A_1635 : vector<8x1024xf32>
    %slice3A_1637 = vector.extract_strided_slice %convert_element_type3A_1599 {offsets = [72, 0], sizes = [8, 1024], strides = [1, 1]} : vector<256x1024xf32> to vector<8x1024xf32>
    %add3A_1638 = arith.addf %add3A_1634, %slice3A_1637 : vector<8x1024xf32>
    %slice3A_1639 = vector.extract_strided_slice %select_n3A_1602 {offsets = [72, 0], sizes = [8, 1024], strides = [1, 1]} : vector<256x1024xf32> to vector<8x1024xf32>
    %add3A_1640 = arith.addf %add3A_1636, %slice3A_1639 : vector<8x1024xf32>
    %slice3A_1641 = vector.extract_strided_slice %convert_element_type3A_1599 {offsets = [80, 0], sizes = [8, 1024], strides = [1, 1]} : vector<256x1024xf32> to vector<8x1024xf32>
    %add3A_1642 = arith.addf %add3A_1638, %slice3A_1641 : vector<8x1024xf32>
    %slice3A_1643 = vector.extract_strided_slice %select_n3A_1602 {offsets = [80, 0], sizes = [8, 1024], strides = [1, 1]} : vector<256x1024xf32> to vector<8x1024xf32>
    %add3A_1644 = arith.addf %add3A_1640, %slice3A_1643 : vector<8x1024xf32>
    %slice3A_1645 = vector.extract_strided_slice %convert_element_type3A_1599 {offsets = [88, 0], sizes = [8, 1024], strides = [1, 1]} : vector<256x1024xf32> to vector<8x1024xf32>
    %add3A_1646 = arith.addf %add3A_1642, %slice3A_1645 : vector<8x1024xf32>
    %slice3A_1647 = vector.extract_strided_slice %select_n3A_1602 {offsets = [88, 0], sizes = [8, 1024], strides = [1, 1]} : vector<256x1024xf32> to vector<8x1024xf32>
    %add3A_1648 = arith.addf %add3A_1644, %slice3A_1647 : vector<8x1024xf32>
    %slice3A_1649 = vector.extract_strided_slice %convert_element_type3A_1599 {offsets = [96, 0], sizes = [8, 1024], strides = [1, 1]} : vector<256x1024xf32> to vector<8x1024xf32>
    %add3A_1650 = arith.addf %add3A_1646, %slice3A_1649 : vector<8x1024xf32>
    %slice3A_1651 = vector.extract_strided_slice %select_n3A_1602 {offsets = [96, 0], sizes = [8, 1024], strides = [1, 1]} : vector<256x1024xf32> to vector<8x1024xf32>
    %add3A_1652 = arith.addf %add3A_1648, %slice3A_1651 : vector<8x1024xf32>
    %slice3A_1653 = vector.extract_strided_slice %convert_element_type3A_1599 {offsets = [104, 0], sizes = [8, 1024], strides = [1, 1]} : vector<256x1024xf32> to vector<8x1024xf32>
    %add3A_1654 = arith.addf %add3A_1650, %slice3A_1653 : vector<8x1024xf32>
    %slice3A_1655 = vector.extract_strided_slice %select_n3A_1602 {offsets = [104, 0], sizes = [8, 1024], strides = [1, 1]} : vector<256x1024xf32> to vector<8x1024xf32>
    %add3A_1656 = arith.addf %add3A_1652, %slice3A_1655 : vector<8x1024xf32>
    %slice3A_1657 = vector.extract_strided_slice %convert_element_type3A_1599 {offsets = [112, 0], sizes = [8, 1024], strides = [1, 1]} : vector<256x1024xf32> to vector<8x1024xf32>
    %add3A_1658 = arith.addf %add3A_1654, %slice3A_1657 : vector<8x1024xf32>
    %slice3A_1659 = vector.extract_strided_slice %select_n3A_1602 {offsets = [112, 0], sizes = [8, 1024], strides = [1, 1]} : vector<256x1024xf32> to vector<8x1024xf32>
    %add3A_1660 = arith.addf %add3A_1656, %slice3A_1659 : vector<8x1024xf32>
    %slice3A_1661 = vector.extract_strided_slice %convert_element_type3A_1599 {offsets = [120, 0], sizes = [8, 1024], strides = [1, 1]} : vector<256x1024xf32> to vector<8x1024xf32>
    %add3A_1662 = arith.addf %add3A_1658, %slice3A_1661 : vector<8x1024xf32>
    %slice3A_1663 = vector.extract_strided_slice %select_n3A_1602 {offsets = [120, 0], sizes = [8, 1024], strides = [1, 1]} : vector<256x1024xf32> to vector<8x1024xf32>
    %add3A_1664 = arith.addf %add3A_1660, %slice3A_1663 : vector<8x1024xf32>
    %slice3A_1665 = vector.extract_strided_slice %convert_element_type3A_1599 {offsets = [128, 0], sizes = [8, 1024], strides = [1, 1]} : vector<256x1024xf32> to vector<8x1024xf32>
    %add3A_1666 = arith.addf %add3A_1662, %slice3A_1665 : vector<8x1024xf32>
    %slice3A_1667 = vector.extract_strided_slice %select_n3A_1602 {offsets = [128, 0], sizes = [8, 1024], strides = [1, 1]} : vector<256x1024xf32> to vector<8x1024xf32>
    %add3A_1668 = arith.addf %add3A_1664, %slice3A_1667 : vector<8x1024xf32>
    %slice3A_1669 = vector.extract_strided_slice %convert_element_type3A_1599 {offsets = [136, 0], sizes = [8, 1024], strides = [1, 1]} : vector<256x1024xf32> to vector<8x1024xf32>
    %add3A_1670 = arith.addf %add3A_1666, %slice3A_1669 : vector<8x1024xf32>
    %slice3A_1671 = vector.extract_strided_slice %select_n3A_1602 {offsets = [136, 0], sizes = [8, 1024], strides = [1, 1]} : vector<256x1024xf32> to vector<8x1024xf32>
    %add3A_1672 = arith.addf %add3A_1668, %slice3A_1671 : vector<8x1024xf32>
    %slice3A_1673 = vector.extract_strided_slice %convert_element_type3A_1599 {offsets = [144, 0], sizes = [8, 1024], strides = [1, 1]} : vector<256x1024xf32> to vector<8x1024xf32>
    %add3A_1674 = arith.addf %add3A_1670, %slice3A_1673 : vector<8x1024xf32>
    %slice3A_1675 = vector.extract_strided_slice %select_n3A_1602 {offsets = [144, 0], sizes = [8, 1024], strides = [1, 1]} : vector<256x1024xf32> to vector<8x1024xf32>
    %add3A_1676 = arith.addf %add3A_1672, %slice3A_1675 : vector<8x1024xf32>
    %slice3A_1677 = vector.extract_strided_slice %convert_element_type3A_1599 {offsets = [152, 0], sizes = [8, 1024], strides = [1, 1]} : vector<256x1024xf32> to vector<8x1024xf32>
    %add3A_1678 = arith.addf %add3A_1674, %slice3A_1677 : vector<8x1024xf32>
    %slice3A_1679 = vector.extract_strided_slice %select_n3A_1602 {offsets = [152, 0], sizes = [8, 1024], strides = [1, 1]} : vector<256x1024xf32> to vector<8x1024xf32>
    %add3A_1680 = arith.addf %add3A_1676, %slice3A_1679 : vector<8x1024xf32>
    %slice3A_1681 = vector.extract_strided_slice %convert_element_type3A_1599 {offsets = [160, 0], sizes = [8, 1024], strides = [1, 1]} : vector<256x1024xf32> to vector<8x1024xf32>
    %add3A_1682 = arith.addf %add3A_1678, %slice3A_1681 : vector<8x1024xf32>
    %slice3A_1683 = vector.extract_strided_slice %select_n3A_1602 {offsets = [160, 0], sizes = [8, 1024], strides = [1, 1]} : vector<256x1024xf32> to vector<8x1024xf32>
    %add3A_1684 = arith.addf %add3A_1680, %slice3A_1683 : vector<8x1024xf32>
    %slice3A_1685 = vector.extract_strided_slice %convert_element_type3A_1599 {offsets = [168, 0], sizes = [8, 1024], strides = [1, 1]} : vector<256x1024xf32> to vector<8x1024xf32>
    %add3A_1686 = arith.addf %add3A_1682, %slice3A_1685 : vector<8x1024xf32>
    %slice3A_1687 = vector.extract_strided_slice %select_n3A_1602 {offsets = [168, 0], sizes = [8, 1024], strides = [1, 1]} : vector<256x1024xf32> to vector<8x1024xf32>
    %add3A_1688 = arith.addf %add3A_1684, %slice3A_1687 : vector<8x1024xf32>
    %slice3A_1689 = vector.extract_strided_slice %convert_element_type3A_1599 {offsets = [176, 0], sizes = [8, 1024], strides = [1, 1]} : vector<256x1024xf32> to vector<8x1024xf32>
    %add3A_1690 = arith.addf %add3A_1686, %slice3A_1689 : vector<8x1024xf32>
    %slice3A_1691 = vector.extract_strided_slice %select_n3A_1602 {offsets = [176, 0], sizes = [8, 1024], strides = [1, 1]} : vector<256x1024xf32> to vector<8x1024xf32>
    %add3A_1692 = arith.addf %add3A_1688, %slice3A_1691 : vector<8x1024xf32>
    %slice3A_1693 = vector.extract_strided_slice %convert_element_type3A_1599 {offsets = [184, 0], sizes = [8, 1024], strides = [1, 1]} : vector<256x1024xf32> to vector<8x1024xf32>
    %add3A_1694 = arith.addf %add3A_1690, %slice3A_1693 : vector<8x1024xf32>
    %slice3A_1695 = vector.extract_strided_slice %select_n3A_1602 {offsets = [184, 0], sizes = [8, 1024], strides = [1, 1]} : vector<256x1024xf32> to vector<8x1024xf32>
    %add3A_1696 = arith.addf %add3A_1692, %slice3A_1695 : vector<8x1024xf32>
    %slice3A_1697 = vector.extract_strided_slice %convert_element_type3A_1599 {offsets = [192, 0], sizes = [8, 1024], strides = [1, 1]} : vector<256x1024xf32> to vector<8x1024xf32>
    %add3A_1698 = arith.addf %add3A_1694, %slice3A_1697 : vector<8x1024xf32>
    %slice3A_1699 = vector.extract_strided_slice %select_n3A_1602 {offsets = [192, 0], sizes = [8, 1024], strides = [1, 1]} : vector<256x1024xf32> to vector<8x1024xf32>
    %add3A_1700 = arith.addf %add3A_1696, %slice3A_1699 : vector<8x1024xf32>
    %slice3A_1701 = vector.extract_strided_slice %convert_element_type3A_1599 {offsets = [200, 0], sizes = [8, 1024], strides = [1, 1]} : vector<256x1024xf32> to vector<8x1024xf32>
    %add3A_1702 = arith.addf %add3A_1698, %slice3A_1701 : vector<8x1024xf32>
    %slice3A_1703 = vector.extract_strided_slice %select_n3A_1602 {offsets = [200, 0], sizes = [8, 1024], strides = [1, 1]} : vector<256x1024xf32> to vector<8x1024xf32>
    %add3A_1704 = arith.addf %add3A_1700, %slice3A_1703 : vector<8x1024xf32>
    %slice3A_1705 = vector.extract_strided_slice %convert_element_type3A_1599 {offsets = [208, 0], sizes = [8, 1024], strides = [1, 1]} : vector<256x1024xf32> to vector<8x1024xf32>
    %add3A_1706 = arith.addf %add3A_1702, %slice3A_1705 : vector<8x1024xf32>
    %slice3A_1707 = vector.extract_strided_slice %select_n3A_1602 {offsets = [208, 0], sizes = [8, 1024], strides = [1, 1]} : vector<256x1024xf32> to vector<8x1024xf32>
    %add3A_1708 = arith.addf %add3A_1704, %slice3A_1707 : vector<8x1024xf32>
    %slice3A_1709 = vector.extract_strided_slice %convert_element_type3A_1599 {offsets = [216, 0], sizes = [8, 1024], strides = [1, 1]} : vector<256x1024xf32> to vector<8x1024xf32>
    %add3A_1710 = arith.addf %add3A_1706, %slice3A_1709 : vector<8x1024xf32>
    %slice3A_1711 = vector.extract_strided_slice %select_n3A_1602 {offsets = [216, 0], sizes = [8, 1024], strides = [1, 1]} : vector<256x1024xf32> to vector<8x1024xf32>
    %add3A_1712 = arith.addf %add3A_1708, %slice3A_1711 : vector<8x1024xf32>
    %slice3A_1713 = vector.extract_strided_slice %convert_element_type3A_1599 {offsets = [224, 0], sizes = [8, 1024], strides = [1, 1]} : vector<256x1024xf32> to vector<8x1024xf32>
    %add3A_1714 = arith.addf %add3A_1710, %slice3A_1713 : vector<8x1024xf32>
    %slice3A_1715 = vector.extract_strided_slice %select_n3A_1602 {offsets = [224, 0], sizes = [8, 1024], strides = [1, 1]} : vector<256x1024xf32> to vector<8x1024xf32>
    %add3A_1716 = arith.addf %add3A_1712, %slice3A_1715 : vector<8x1024xf32>
    %slice3A_1717 = vector.extract_strided_slice %convert_element_type3A_1599 {offsets = [232, 0], sizes = [8, 1024], strides = [1, 1]} : vector<256x1024xf32> to vector<8x1024xf32>
    %add3A_1718 = arith.addf %add3A_1714, %slice3A_1717 : vector<8x1024xf32>
    %slice3A_1719 = vector.extract_strided_slice %select_n3A_1602 {offsets = [232, 0], sizes = [8, 1024], strides = [1, 1]} : vector<256x1024xf32> to vector<8x1024xf32>
    %add3A_1720 = arith.addf %add3A_1716, %slice3A_1719 : vector<8x1024xf32>
    %slice3A_1721 = vector.extract_strided_slice %convert_element_type3A_1599 {offsets = [240, 0], sizes = [8, 1024], strides = [1, 1]} : vector<256x1024xf32> to vector<8x1024xf32>
    %add3A_1722 = arith.addf %add3A_1718, %slice3A_1721 : vector<8x1024xf32>
    %slice3A_1723 = vector.extract_strided_slice %select_n3A_1602 {offsets = [240, 0], sizes = [8, 1024], strides = [1, 1]} : vector<256x1024xf32> to vector<8x1024xf32>
    %add3A_1724 = arith.addf %add3A_1720, %slice3A_1723 : vector<8x1024xf32>
    %slice3A_1725 = vector.extract_strided_slice %convert_element_type3A_1599 {offsets = [248, 0], sizes = [8, 1024], strides = [1, 1]} : vector<256x1024xf32> to vector<8x1024xf32>
    %add3A_1726 = arith.addf %add3A_1722, %slice3A_1725 : vector<8x1024xf32>
    %slice3A_1727 = vector.extract_strided_slice %select_n3A_1602 {offsets = [248, 0], sizes = [8, 1024], strides = [1, 1]} : vector<256x1024xf32> to vector<8x1024xf32>
    %add3A_1728 = arith.addf %add3A_1724, %slice3A_1727 : vector<8x1024xf32>
    %get3A_1729 = arith.constant 10 : index
    %get3A_1730 = arith.constant 0 : index
    %get3A_1731 = arith.constant 0 : index
    %get3A_1732 = vector.load %arg5[%get3A_1729, %get3A_1730, %get3A_1731] : memref<22x8x1024xf32, #tpu.memory_space<vmem>>, vector<1x8x1024xf32>
    %get3A_1733 = vector.shape_cast %get3A_1732 : vector<1x8x1024xf32> to vector<8x1024xf32>
    %add3A_1734 = arith.addf %get3A_1733, %add3A_1726 : vector<8x1024xf32>
    %swap3A_1735 = arith.constant 10 : index
    %swap3A_1736 = arith.constant 0 : index
    %swap3A_1737 = arith.constant 0 : index
    %swap3A_1738 = vector.load %arg5[%swap3A_1735, %swap3A_1736, %swap3A_1737] : memref<22x8x1024xf32, #tpu.memory_space<vmem>>, vector<1x8x1024xf32>
    %swap3A_1739 = vector.shape_cast %swap3A_1738 : vector<1x8x1024xf32> to vector<8x1024xf32>
    %swap3A_1740 = vector.shape_cast %add3A_1734 : vector<8x1024xf32> to vector<1x8x1024xf32>
    tpu.vector_store %arg5[%swap3A_1735, %swap3A_1736, %swap3A_1737], %swap3A_1740 {strides = array<i32>} : memref<22x8x1024xf32, #tpu.memory_space<vmem>>, vector<1x8x1024xf32>,
    %get3A_1741 = arith.constant 21 : index
    %get3A_1742 = arith.constant 0 : index
    %get3A_1743 = arith.constant 0 : index
    %get3A_1744 = vector.load %arg5[%get3A_1741, %get3A_1742, %get3A_1743] : memref<22x8x1024xf32, #tpu.memory_space<vmem>>, vector<1x8x1024xf32>
    %get3A_1745 = vector.shape_cast %get3A_1744 : vector<1x8x1024xf32> to vector<8x1024xf32>
    %add3A_1746 = arith.addf %get3A_1745, %add3A_1728 : vector<8x1024xf32>
    %swap3A_1747 = arith.constant 21 : index
    %swap3A_1748 = arith.constant 0 : index
    %swap3A_1749 = arith.constant 0 : index
    %swap3A_1750 = vector.load %arg5[%swap3A_1747, %swap3A_1748, %swap3A_1749] : memref<22x8x1024xf32, #tpu.memory_space<vmem>>, vector<1x8x1024xf32>
    %swap3A_1751 = vector.shape_cast %swap3A_1750 : vector<1x8x1024xf32> to vector<8x1024xf32>
    %swap3A_1752 = vector.shape_cast %add3A_1746 : vector<8x1024xf32> to vector<1x8x1024xf32>
    tpu.vector_store %arg5[%swap3A_1747, %swap3A_1748, %swap3A_1749], %swap3A_1752 {strides = array<i32>} : memref<22x8x1024xf32, #tpu.memory_space<vmem>>, vector<1x8x1024xf32>,
    return
  }
  func.func @transform_0(%arg0: i32) -> i32 {
    %c0_i32 = arith.constant 0 : i32
    %c0_i32_0 = arith.constant 0 : i32
    return %c0_i32 : i32
  }
  func.func @transform_1(%arg0: i32) -> (i32, i32) {
    %add3A = arith.constant 40 : i32
    %add3A_0 = arith.addi %add3A, %arg0 : i32
    %c0_i32 = arith.constant 0 : i32
    %c0_i32_1 = arith.constant 0 : i32
    return %add3A_0, %c0_i32 : i32, i32
  }
  func.func @transform_2(%arg0: i32) -> (i32, i32) {
    %add3A = arith.constant 40 : i32
    %add3A_0 = arith.addi %add3A, %arg0 : i32
    %c0_i32 = arith.constant 0 : i32
    %c0_i32_1 = arith.constant 0 : i32
    return %add3A_0, %c0_i32 : i32, i32
  }
  func.func @transform_3(%arg0: i32) -> (i32, i32) {
    %add3A = arith.constant 40 : i32
    %add3A_0 = arith.addi %add3A, %arg0 : i32
    %c0_i32 = arith.constant 0 : i32
    %c0_i32_1 = arith.constant 0 : i32
    return %add3A_0, %c0_i32 : i32, i32
  }
  func.func @transform_4(%arg0: i32) -> (i32, i32, i32) {
    %c0_i32 = arith.constant 0 : i32
    %c0_i32_0 = arith.constant 0 : i32
    %c0_i32_1 = arith.constant 0 : i32
    %c0_i32_2 = arith.constant 0 : i32
    return %c0_i32, %c0_i32_0, %c0_i32_1 : i32, i32, i32
  }
}

</mosaic_0001>

<sc_bundles>
// kernel: kernel.6.cloned.1.call-start
scs
__scs_entry_jumppad:
0x0: {  	(pc) =	sbr.rel $0x88, $3  }
0x1: {  	(tag) =	ssettag $0x0;
	lr =	simm.s32 $0x1  }
0x2: {  	[smem:$0x3F9E] =	sst lr;
	_ =	strace $0xD0000000  }
0x3: {  	_ = 	snop  }
0x4: {  	_ = 	snop  }
0x5: {  	_ = 	snop  }
0x6: {  	_ = 	snop  }
0x7: {  	_ = 	snop  }
__scs_overlays_trampoline_lowered:
0x8: {  	[smem:$0x3FAD] =	sst s0  }
0x9: {  	[smem:$0x3FAE] =	sst s1  }
0xa: {  	[smem:$0x3FAF] =	sst s2  }
0xb: {  	[smem:$0x3FB0] =	sst s3  }
0xc: {  	[smem:$0x3FB1] =	sst s4  }
0xd: {  	[smem:$0x3FB2] =	sst s5  }
0xe: {  	[smem:$0x3FB3] =	sst s6  }
0xf: {  	[smem:$0x3FB4] =	sst s7  }
0x10: {  	[smem:$0x3FB5] =	sst s8  }
0x11: {  	[smem:$0x3FB6] =	sst s9;
	s0 =	simm.s32 @!p0 $0x0  }
0x12: {  	s1 =	sld [smem:$0x3F9C];
	s0 =	simm.s32 @p0 $0x1  }
0x13: {  	[smem:$0x3FB7] =	sst s0;
	s0 =	simm.s32 @!p1 $0x0  }
0x14: {  	s2 =	sld [smem:$0x3F9B];
	s0 =	simm.s32 @p1 $0x1  }
0x15: {  	[smem:$0x3FB8] =	sst s0;
	s0 =	simm.s32 @!p2 $0x0  }
0x16: {  	s3 =	sld [smem:$0x3FDB];
	s0 =	simm.s32 @p2 $0x1  }
0x17: {  	s4 =	simm.s32 $0x1BF5;
	[smem:$0x3FBA] =	sst s0  }
0x18: {  	s0 =	sld [smem:$0x3F9D];
	_ =	swait.ge [sflag:s4], $0x0  }
0x19: {  	s7 =	sld [smem:$0x3F9E]  }
0x1a: {  	s8 =	sadd.s32 $0xFFFFE003, lr  }
0x1b: {  	s9 =	sadd.s32 $0xFFFFFEF7, lr;
	s5 =	simm.s32 $0xFFFFFFFF;
	p2 =	slt.u32 s8, $0xFFFFF086  }
0x1c: {  	p1 =	slt.u32 s9, $0xF7A;
	s5 =	simm.s32 @!p2 $0x0  }
0x1d: {  	s5 =	simm.s32 @p1 $0x1;
	p0 =	seq.s32 s7, s2  }
0x1e: {  	s7 =	smul.u32 @!p0 $0xF7A, s2;
	p2 =	seq.s32 @!p0 s5, $0x0  }
0x1f: {  	s9 =	smul.u32 $0xF7A, s1;
	s8 =	simm.s32 @!p0 $0x1BF5;
	p2 =	por !p2, p0  }
0x20: {  	[sflag:s8] =	ssyncset.s32 @!p0 $0xFFFFF086;
	s6 =	sadd.s32 @!p0 s3, s7;
	s7 =	simm.s32 @!p0 $0x108  }
0x21: {  	s3 =	sadd.s32 s3, s9;
	s6 =	sadd.s32 @!p0 $0x88, s6;
	s7 =	simm.s32 @p2 $0x1082  }
0x22: {  	[simem:s7], [sflag:s8] =	dma.local @!p0 [hbm:s6], $0xF7A  }
0x23: {  	s9 =	sor.u32 $0xD0000000, s2;
	s6 =	simm.s32 $0x108;
	_ =	swait.ge @!p0 [sflag:s8], $0x0  }
0x24: {  	s3 =	sadd.s32 $0x88, s3;
	s6 =	simm.s32 @!p1 $0x1082;
	[sflag:s4] =	ssyncset.s32 $0xFFFFF086  }
0x25: {  	[simem:s6], [sflag:s4] =	dma.local [hbm:s3], $0xF7A  }
0x26: {  	[smem:$0x3F9E] =	sst s1;
	(tag) =	ssettag s2;
	_ =	strace s9  }
0x27: {  	s1 =	sld [smem:$0x3FAE]  }
0x28: {  	s2 =	sld [smem:$0x3FAF]  }
0x29: {  	s4 =	sld [smem:$0x3FB1]  }
0x2a: {  	p0 =	seq.s32 s5, $0x0;
	s5 =	sld [smem:$0x3FB2]  }
0x2b: {  	s6 =	sld [smem:$0x3FB3]  }
0x2c: {  	s7 =	sld [smem:$0x3FB4]  }
0x2d: {  	s3 =	simm.s32 $0x108;
	s8 =	sld [smem:$0x3FB5]  }
0x2e: {  	s3 =	simm.s32 @!p0 $0x1082;
	s9 =	sld [smem:$0x3FB6]  }
0x2f: {  	lr =	sadd.s32 s0, s3;
	s0 =	sld [smem:$0x3FAD]  }
0x30: {  	s3 =	sld [smem:$0x3FB0]  }
0x31: {  	[smem:$0x3FB9] =	sst s10  }
0x32: {  	s10 =	sld [smem:$0x3FB7];
	_ =	sdelay $0x3  }
0x33: {  	p0 =	seq.s32 s10, $0x1;
	s10 =	sld [smem:$0x3FB9];
	_ =	sdelay $0x3  }
0x34: {  	[smem:$0x3FB9] =	sst s10  }
0x35: {  	s10 =	sld [smem:$0x3FB8];
	_ =	sdelay $0x3  }
0x36: {  	p1 =	seq.s32 s10, $0x1;
	s10 =	sld [smem:$0x3FB9];
	_ =	sdelay $0x3  }
0x37: {  	[smem:$0x3FB9] =	sst s10  }
0x38: {  	s10 =	sld [smem:$0x3FBA]  }
0x39: {  	_ = 	snop;
	(pc) =	sbr.ind lr, $3  }
0x3a: {  	_ = 	snop  }
0x3b: {  	_ = 	snop  }
0x3c: {  	p2 =	seq.s32 s10, $0x1;
	s10 =	sld [smem:$0x3FB9]  }
0x3d: {  	_ =	shalt  }
0x3e: {  	_ =	shalt  }
0x3f: {  	_ =	shalt  }
0x40: {  	_ =	shalt  }
0x41: {  	_ =	shalt  }
0x42: {  	_ =	shalt  }
0x43: {  	_ =	shalt  }
0x44: {  	_ =	shalt  }
0x45: {  	_ =	shalt  }
0x46: {  	_ =	shalt  }
0x47: {  	_ =	shalt  }
0x48: {  	_ =	shalt  }
0x49: {  	_ =	shalt  }
0x4a: {  	_ =	shalt  }
0x4b: {  	_ =	shalt  }
0x4c: {  	_ =	shalt  }
0x4d: {  	_ =	shalt  }
0x4e: {  	_ =	shalt  }
0x4f: {  	_ =	shalt  }
0x50: {  	_ =	shalt  }
0x51: {  	_ =	shalt  }
0x52: {  	_ =	shalt  }
0x53: {  	_ =	shalt  }
0x54: {  	_ =	shalt  }
0x55: {  	_ =	shalt  }
0x56: {  	_ =	shalt  }
0x57: {  	_ =	shalt  }
0x58: {  	_ =	shalt  }
0x59: {  	_ =	shalt  }
0x5a: {  	_ =	shalt  }
0x5b: {  	_ =	shalt  }
0x5c: {  	_ =	shalt  }
0x5d: {  	_ =	shalt  }
0x5e: {  	_ =	shalt  }
0x5f: {  	_ =	shalt  }
0x60: {  	_ =	shalt  }
0x61: {  	_ =	shalt  }
0x62: {  	_ =	shalt  }
0x63: {  	_ =	shalt  }
0x64: {  	_ =	shalt  }
0x65: {  	_ =	shalt  }
0x66: {  	_ =	shalt  }
0x67: {  	_ =	shalt  }
0x68: {  	_ =	shalt  }
0x69: {  	_ =	shalt  }
0x6a: {  	_ =	shalt  }
0x6b: {  	_ =	shalt  }
0x6c: {  	_ =	shalt  }
0x6d: {  	_ =	shalt  }
0x6e: {  	_ =	shalt  }
0x6f: {  	_ =	shalt  }
0x70: {  	_ =	shalt  }
0x71: {  	_ =	shalt  }
0x72: {  	_ =	shalt  }
0x73: {  	_ =	shalt  }
0x74: {  	_ =	shalt  }
0x75: {  	_ =	shalt  }
0x76: {  	_ =	shalt  }
0x77: {  	_ =	shalt  }
0x78: {  	_ =	shalt  }
0x79: {  	_ =	shalt  }
0x7a: {  	_ =	shalt  }
0x7b: {  	_ =	shalt  }
0x7c: {  	_ =	shalt  }
0x7d: {  	_ =	shalt  }
0x7e: {  	_ =	shalt  }
0x7f: {  	_ =	shalt  }
0x80: {  	_ =	shalt  }
0x81: {  	_ =	shalt  }
0x82: {  	_ =	shalt  }
0x83: {  	_ =	shalt  }
0x84: {  	_ =	shalt  }
0x85: {  	_ =	shalt  }
0x86: {  	_ =	shalt  }
0x87: {  	_ =	shalt  }
.Lfunc_end0:
.L_simem_size_0:
called_computation_lowered:
.L_overlay_start_0:
0x88: {  	s2 =	sld [smem:$0x3FD9]  }
0x89: {  	s3 =	sld [smem:$0x3FFE];
	_ =	sdelay $0x1  }
0x8a: {  	s1 =	srdreg.scid  }
0x8b: {  	s0 =	sand.u32 $0x1, s1  }
0x8c: {  	s17 =	sshll.u32 s0, $0xA;
	s2 =	sadd.s32 s3, s2  }
0x8d: {  	s2 =	sadd.s32 s2, s17  }
0x8e: {  	[smem:$0x3FC5] =	sst s2  }
0x8f: {  	_ = 	snop  }
0x90: {  	s2 =	sld [smem:$0x3FC9]  }
0x91: {  	s18 =	sld [smem:$0x3FC8];
	(tm) =	ssettm $0x1  }
0x92: {  	s4 =	sld [smem:$0x3FFB];
	_ =	sdelay $0x3  }
0x93: {  	_ =	strace s4  }
0x94: {  	s4 =	sld [smem:$0x3FFC];
	_ =	sdelay $0x3  }
0x95: {  	_ =	strace s4  }
0x96: {  	s4 =	sld [smem:$0x3FFD];
	_ =	sdelay $0x3  }
0x97: {  	_ =	strace s4  }
0x98: {  	_ =	strace $0x8FFFFFFF  }
0x99: {  	s19 =	sld [smem:$0x3FDB];
	_ =	sdelay $0x1  }
0x9a: {  	s5 =	simm.s32 $_scs_section_size  }
0x9b: {  	s6 =	simm.s32 $_size__tile_overlayer_lowered;
	s7 =	simm.s32 $_tile_overlayer_lowered  }
0x9c: {  	s22 =	simm.s32 $0x1BFF;
	s21 =	sshll.u32 s7, $0x1;
	s4 =	sadd.s32 s5, s19  }
0x9d: {  	s8 =	simm.s32 $0x0;
	s20 =	sshll.u32 s6, $0x1;
	s6 =	sadd.s32 s21, s4  }
0x9e: {  	[timem:s8], [sflag:s22] =	dma.local [hbm:s6], s20  }
0x9f: {  	_ =	swait.ge [sflag:s22], s20  }
0xa0: {  	s5 =	ssub.s32 $0x0, s20;
	[sflag:s22] =	ssyncset.done $0x0  }
0xa1: {  	[sflag:s22] =	ssyncadd.s32 s5;
	_ =	sdelay $0x1  }
0xa2: {  	s23 =	simm.s32 $0x1B8B  }
0xa3: {  	_ =	swait.ge [sflag:s23], $0x1  }
0xa4: {  	[sflag:s23] =	ssyncset.done $0x0  }
0xa5: {  	s25 =	simm.s32 $0x1B8E;
	s24 =	sld [smem:$0x3FFE];
	[sflag:s23] =	ssyncadd.s32 $0xFFFFFFFF  }
0xa6: {  	s26 =	simm.s32 $execute0_lowered;
	[smem:$0x3FD2] =	sst s25  }
0xa7: {  	s6 =	sshll.u32 s26, $0x1;
	_ =	strace $0x80000046;
	[dreg:$0x1] =	wrdreg $0xFFFFFFFF  }
0xa8: {  	s28 =	simm.s32 $_size_execute0_lowered;
	s4 =	sadd.s32 s4, s6;
	[dreg:$0x0] =	wrdreg $0x0  }
0xa9: {  	s6 =	sshll.u32 s28, $0x1;
	[dreg:$0x2] =	wrdreg s4  }
0xaa: {  	[dreg:$0x3] =	wrdreg s6  }
0xab: {  	[dreg:$0x4] =	wrdreg $0xC0  }
0xac: {  	_ =	task [dreg:s8], $0x5FFFF  }
0xad: {  	[dreg:$0x1] =	wrdreg $0xFFFFFFFF  }
0xae: {  	[dreg:$0x0] =	wrdreg $0x60  }
0xaf: {  	[dreg:$0x2] =	wrdreg s2  }
0xb0: {  	[dreg:$0x3] =	wrdreg s18  }
0xb1: {  	[dreg:$0x4] =	wrdreg s24  }
0xb2: {  	[dreg:$0x5] =	wrdreg $0x9  }
0xb3: {  	_ =	task.clear_ibuf [dreg:s8], $0x6FFFF;
	_ =	strace $0x90000046  }
0xb4: {  	s29 =	simm.s32 $0x9;
	_ =	strace $0x80000048  }
0xb5: {  	_ =	swait.ge [sflag:s29], $0x1  }
0xb6: {  	[sflag:s29] =	ssyncadd.s32 $0xFFFFFFFF  }
0xb7: {  	_ =	strace $0x90000048  }
0xb8: {  	_ =	sfence  }
0xb9: {  	s30 =	sld [smem:$0x0];
	_ =	sdelay $0x2  }
0xba: {  	s31 =	sshll.u32 s1, $0xD;
	s1 =	sshrl.u32 s1, $0x2  }
0xbb: {  	s3 =	sand.u32 $0x4000, s31;
	s1 =	sadd.s32 s1, s30  }
0xbc: {  	s0 =	sor.u32 s3, s0;
	s1 =	sshll.u32 s1, $0x11  }
0xbd: {  	s0 =	sor.u32 s1, s0  }
0xbe: {  	s0 =	sadd.s32 $0x8F2B, s0  }
0xbf: {  	[sflag:s0] =	ssyncadd.remote.s32 $0x1  }
0xc0: {  	_ =	sfence.sel $0xFFFF  }
0xc1: {  	[dreg:$0x0] =	wrdreg $0xFFFFFFFF;
	(pc) =	sbr.abs _section_cstart, $3  }
0xc2: {  	[dreg:$0x1] =	wrdreg $0xFFFFFFFF  }
0xc3: {  	_ =	task.clear_ibuf [dreg:s8], $0x2FFFF;
	_ =	strace $0x9FFFFFFF  }
0xc4: {  	(tm) =	ssettm $0x7FFFFFFF  }
0xc5: {  	_ =	shalt  }
tec
execute0_lowered:
.L_overlay_start_1:
0x0: {  	(tag) =	ssettag $0x1  }
0x1: {  	s1 =	rddreg [dreg:$0x0];
	s2 =	srdreg.scid  }
0x2: {  	s0 =	stileid.u32;
	s3 =	rddreg [dreg:$0x1]  }
0x3: {  	s11 =	rddreg [dreg:$0x2];
	s4 =	simm.s32 $0x0;
	s14 =	simm.s32 $0x8000  }
0x4: {  	s15 =	simm.s32 $0xC000;
	s16 =	simm.s32 $0x1;
	s17 =	simm.s32 $0x2  }
0x5: {  	s18 =	simm.s32 $0x10000;
	s5 =	sand.u32 $0x1, s2;
	s31 =	sshll.u32 s0, $0x1  }
0x6: {  	s19 =	simm.s32 $0x3;
	s2 =	rddreg [dreg:$0x3];
	s9 =	sor.u32 s5, s31  }
0x7: {  	s20 =	simm.s32 $0x0;
	[smem:$0x7FF] =	sst s4;
	s8 =	smul.u32 $0xC0, s9  }
0x8: {  	s5 =	ssub.s32 $0x2, s5;
	_ =	strace $0x80000047;
	s6 =	smul.u32 $0x6000, s9  }
0x9: {  	s7 =	sshrl.u32 s5, $0x1;
	s10 =	smul.u32 $0x30000, s9;
	s13 =	sshll.u32 s9, $0x6  }
0xa: {  	s12 =	ssub.s32 s5, s7;
	s11 =	sadd.s32 s11, s13;
	s13 =	simm.s32 $0x4000  }
0xb: {  	s5 =	sadd.s32 s1, s6;
	s6 =	sadd.s32 s3, s6;
	s10 =	sshrl.u32 s10, $0x3  }
0xc: {  	s7 =	sor.u32 $0x10, s8;
	s8 =	sor.u32 $0x20, s8;
	s10 =	sadd.s32 $0x5800, s10  }
0xd: {  	v0 =	vimm.f32 $0.0e+00;
	s12 =	smax.u32 s12, $0x1;
	s9 =	sadd.s32 s1, s10;
	s10 =	sadd.s32 s3, s10  }
.LBB2_1:
0xe: {  	v7 =	vimm.f32 $0.0e+00;
	v10 =	vimm.f32 $0.0e+00;
	v6 =	vimm.f32 $0.0e+00  }
0xf: {  	[tilespmem:s4], [sflag:$0x1] =	stream.linear.gather [hbm4b:s5+s4], $0x4000, $0x38;
	v2 =	vimm.f32 $0.0e+00;
	v4 =	vimm.f32 $0.0e+00;
	v1 =	vimm.f32 $0.0e+00;
	[tilespmem:$0x10200] =	vst v63  }
0x10: {  	v5 =	vimm.f32 $0.0e+00;
	v8 =	vimm.f32 $0.0e+00;
	v3 =	vimm.f32 $0.0e+00;
	s21 =	simm.s32 $0x0  }
0x11: {  	v11 =	vimm.f32 $0.0e+00;
	v12 =	vimm.f32 $0.0e+00;
	v9 =	vimm.f32 $0.0e+00;
	[tilespmem:s13], [sflag:$0x1] =	stream.linear.gather [hbm4b:s6+s4], $0x4000, $0x38;
	[tilespmem:$0x10200] =	vst v63  }
.LBB2_2:
0x12: {  	s22 =	sshll.u32 s21, $0x5  }
0x13: {  	s23 =	sadd.s32 s22, s7  }
0x14: {  	s23 =	sshll.u32 s23, $0x7  }
0x15: {  	s25 =	simm.s32 $0x0;
	s24 =	sadd.s32 s1, s23  }
0x16: {  	[tilespmem:s14], [sflag:$0x2] =	stream.linear.gather [hbm4b:s24+s25], $0x4000, $0x38;
	[tilespmem:$0x10200] =	vst v63  }
0x17: {  	s23 =	sadd.s32 s3, s23  }
0x18: {  	[tilespmem:s15], [sflag:$0x2] =	stream.linear.gather [hbm4b:s23+s25], $0x4000, $0x38;
	[tilespmem:$0x10200] =	vst v63  }
0x19: {  	_ =	swait.ge [sflag:s16], $0x4000  }
0x1a: {  	[sflag:s16] =	ssyncset.done $0x0  }
0x1b: {  	s26 =	sand.u32 $0x2000, s25;
	s30 =	sand.u32 $0x1C00, s25;
	[sflag:s16] =	ssyncadd.s32 $0xFFFFC000  }
0x1c: {  	s31 =	sand.u32 $0x380, s25;
	s23 =	sor.u32 s30, s26;
	_ =	swait.ge [sflag:s16], $0x4000  }
0x1d: {  	s25 =	sand.u32 $0x40, s25;
	s23 =	sor.u32 s31, s23;
	[sflag:s16] =	ssyncset.done $0x0  }
0x1e: {  	s24 =	sor.u32 s25, s23;
	[sflag:s16] =	ssyncadd.s32 $0xFFFFC000  }
0x1f: {  	v13 =	vld [tilespmem:s24+$0x30]  }
0x20: {  	v14 =	vld [tilespmem:s24+$0x4030]  }
0x21: {  	v15 =	vld [tilespmem:s24+$0x0]  }
0x22: {  	s30 =	simm.s32 $0x40;
	s25 =	simm.s32 $0x200;
	v16 =	vld [tilespmem:s24+$0x4000]  }
0x23: {  	s26 =	simm.s32 $0x8;
	s28 =	sand.u32 $0x2000, s30;
	s23 =	sand.u32 $0x1C00, s25;
	v18 =	vld [tilespmem:s24+$0x10]  }
0x24: {  	s26 =	sand.u32 $0x380, s26;
	s23 =	sor.u32 s23, s28;
	v19 =	vld [tilespmem:s24+$0x4010]  }
0x25: {  	s25 =	sand.u32 $0x40, s30;
	s23 =	sor.u32 s26, s23;
	v20 =	vld [tilespmem:s24+$0x20]  }
0x26: {  	s23 =	sor.u32 s25, s23;
	v21 =	vld [tilespmem:s24+$0x4020]  }
0x27: {  	v22 =	vadd.f32 v13, v10;
	v23 =	vmul.f32 v14, v13;
	v13 =	vadd.f32 v14, v7;
	v14 =	vld [tilespmem:s23+$0x30]  }
0x28: {  	v17 =	vld [tilespmem:s23+$0x4030];
	v10 =	vadd.f32 v15, v12;
	v15 =	vmul.f32 v16, v15;
	v11 =	vadd.f32 v16, v11  }
0x29: {  	v8 =	vadd.f32 v18, v8;
	v12 =	vld [tilespmem:s23+$0x0];
	v5 =	vadd.f32 v19, v5  }
0x2a: {  	s25 =	simm.s32 $0x400;
	s24 =	simm.s32 $0x80;
	v18 =	vmul.f32 v19, v18;
	v7 =	vadd.f32 v23, v6;
	v6 =	vadd.f32 v15, v9;
	v15 =	vld [tilespmem:s23+$0x4000]  }
0x2b: {  	s31 =	simm.s32 $0x10;
	s29 =	sand.u32 $0x1C00, s25;
	s28 =	sand.u32 $0x2000, s24;
	v4 =	vadd.f32 v20, v4;
	v16 =	vld [tilespmem:s23+$0x10];
	v19 =	vmul.f32 v21, v20;
	v2 =	vadd.f32 v21, v2  }
0x2c: {  	s26 =	simm.s32 $0x18;
	s28 =	sor.u32 s29, s28;
	s29 =	sand.u32 $0x380, s31;
	v3 =	vadd.f32 v18, v3;
	v18 =	vld [tilespmem:s23+$0x4010];
	v9 =	vadd.f32 v14, v22  }
.LBB2_3:
0x2d: {  	p0 =	sne.s32 s26, $0x7F8;
	s30 =	sand.u32 $0x40, s24;
	s28 =	sor.u32 s29, s28;
	v20 =	vld [tilespmem:s23+$0x20];
	v21 =	vmul.f32 v17, v14;
	v13 =	vadd.f32 v17, v13;
	v1 =	vadd.f32 v19, v1  }
0x2e: {  	v10 =	vadd.f32 v12, v10;
	v22 =	vld [tilespmem:s23+$0x4020];
	s23 =	sor.u32 s30, s28  }
0x2f: {  	v14 =	vld [tilespmem:s23+$0x30];
	v19 =	vmul.f32 v15, v12;
	v11 =	vadd.f32 v15, v11;
	v7 =	vadd.f32 v21, v7  }
.Ltmp0:
0x30: {  	v17 =	vld [tilespmem:s23+$0x4030];
	v8 =	vadd.f32 v16, v8;
	(pc) =	sbr.rel @p0 .LBB2_3-.Ltmp0, $4  }
0x31: {  	v12 =	vld [tilespmem:s23+$0x0];
	v6 =	vadd.f32 v19, v6;
	v19 =	vmul.f32 v18, v16;
	v5 =	vadd.f32 v18, v5  }
0x32: {  	s25 =	sadd.s32 $0x200, s25;
	s24 =	sadd.s32 $0x40, s24;
	v15 =	vld [tilespmem:s23+$0x4000];
	v4 =	vadd.f32 v20, v4  }
0x33: {  	s28 =	sand.u32 $0x2000, s24;
	s29 =	sand.u32 $0x1C00, s25;
	v16 =	vld [tilespmem:s23+$0x10];
	v3 =	vadd.f32 v19, v3;
	v19 =	vmul.f32 v22, v20;
	v2 =	vadd.f32 v22, v2  }
0x34: {  	s28 =	sor.u32 s29, s28;
	s29 =	sand.u32 $0x380, s26;
	s26 =	sadd.s32 $0x8, s26;
	v18 =	vld [tilespmem:s23+$0x4010];
	v9 =	vadd.f32 v14, v9  }
0x35: {  	s24 =	sand.u32 $0x40, s24;
	s25 =	sor.u32 s29, s28;
	v20 =	vld [tilespmem:s23+$0x20]  }
0x36: {  	v21 =	vld [tilespmem:s23+$0x4020];
	s24 =	sor.u32 s24, s25  }
0x37: {  	v22 =	vld [tilespmem:s24+$0x30]  }
0x38: {  	v23 =	vld [tilespmem:s24+$0x4030]  }
0x39: {  	v24 =	vld [tilespmem:s24+$0x0]  }
0x3a: {  	v25 =	vld [tilespmem:s24+$0x4000]  }
0x3b: {  	s22 =	sadd.s32 s22, s8;
	v26 =	vld [tilespmem:s24+$0x10]  }
0x3c: {  	s22 =	sshll.u32 s22, $0x7;
	v27 =	vld [tilespmem:s24+$0x4010]  }
0x3d: {  	s31 =	simm.s32 $0x0;
	v28 =	vld [tilespmem:s24+$0x20];
	s30 =	sadd.s32 s1, s22  }
0x3e: {  	v29 =	vld [tilespmem:s24+$0x4020];
	[tilespmem:s31], [sflag:$0x1] =	stream.linear.gather [hbm4b:s30+s31], $0x4000, $0x38  }
0x3f: {  	s22 =	sadd.s32 s3, s22  }
0x40: {  	[tilespmem:s13], [sflag:$0x1] =	stream.linear.gather [hbm4b:s22+s31], $0x4000, $0x38;
	[tilespmem:$0x10200] =	vst v63  }
0x41: {  	_ =	swait.ge [sflag:s17], $0x4000  }
0x42: {  	[sflag:s17] =	ssyncset.done $0x0  }
0x43: {  	v14 =	vmul.f32 v17, v14;
	v13 =	vadd.f32 v17, v13;
	v1 =	vadd.f32 v19, v1;
	s25 =	sand.u32 $0x2000, s31;
	s26 =	sand.u32 $0x1C00, s31;
	[sflag:s17] =	ssyncadd.s32 $0xFFFFC000  }
0x44: {  	v10 =	vadd.f32 v12, v10;
	s29 =	sand.u32 $0x380, s31;
	v12 =	vmul.f32 v15, v12;
	v11 =	vadd.f32 v15, v11;
	s22 =	sor.u32 s26, s25;
	_ =	swait.ge [sflag:s17], $0x4000  }
0x45: {  	v7 =	vadd.f32 v14, v7;
	s24 =	sand.u32 $0x40, s31;
	v8 =	vadd.f32 v16, v8;
	v14 =	vmul.f32 v18, v16;
	s22 =	sor.u32 s29, s22;
	[sflag:s17] =	ssyncset.done $0x0  }
0x46: {  	v6 =	vadd.f32 v12, v6;
	v5 =	vadd.f32 v18, v5;
	s23 =	sor.u32 s24, s22;
	[sflag:s17] =	ssyncadd.s32 $0xFFFFC000  }
0x47: {  	v4 =	vadd.f32 v20, v4;
	v12 =	vmul.f32 v21, v20;
	v3 =	vadd.f32 v14, v3;
	v14 =	vld [tilespmem:s23+$0x8030]  }
0x48: {  	v2 =	vadd.f32 v21, v2;
	v9 =	vadd.f32 v22, v9;
	v15 =	vld [tilespmem:s23+$0xC030]  }
0x49: {  	v16 =	vmul.f32 v23, v22;
	v13 =	vadd.f32 v23, v13;
	v1 =	vadd.f32 v12, v1;
	v12 =	vld [tilespmem:s23+$0x8000]  }
0x4a: {  	s30 =	simm.s32 $0x200;
	s31 =	simm.s32 $0x40;
	v10 =	vadd.f32 v24, v10;
	v17 =	vmul.f32 v25, v24;
	v11 =	vadd.f32 v25, v11;
	v18 =	vld [tilespmem:s23+$0xC000]  }
0x4b: {  	s29 =	simm.s32 $0x8;
	s26 =	sand.u32 $0x2000, s31;
	s22 =	sand.u32 $0x1C00, s30;
	v7 =	vadd.f32 v16, v7;
	v16 =	vadd.f32 v26, v8;
	v8 =	vmul.f32 v27, v26;
	v19 =	vld [tilespmem:s23+$0x8010]  }
0x4c: {  	s25 =	sand.u32 $0x380, s29;
	s22 =	sor.u32 s22, s26;
	v6 =	vadd.f32 v17, v6;
	v17 =	vadd.f32 v27, v5;
	v5 =	vmul.f32 v29, v28;
	v20 =	vld [tilespmem:s23+$0xC010]  }
0x4d: {  	v58 =	vadd.f32 v28, v4;
	s24 =	sand.u32 $0x40, s31;
	v61 =	vadd.f32 v29, v2;
	s22 =	sor.u32 s25, s22;
	v60 =	vld [tilespmem:s23+$0x8020]  }
0x4e: {  	s22 =	sor.u32 s24, s22;
	v59 =	vadd.f32 v8, v3;
	v1 =	vadd.f32 v5, v1;
	v62 =	vld [tilespmem:s23+$0xC020]  }
0x4f: {  	v63 =	vadd.f32 v14, v9;
	v4 =	vmul.f32 v15, v14;
	v8 =	vadd.f32 v15, v13;
	v13 =	vld [tilespmem:s22+$0x8030]  }
0x50: {  	v2 =	vadd.f32 v12, v10;
	v9 =	vmul.f32 v18, v12;
	v3 =	vadd.f32 v18, v11;
	v15 =	vld [tilespmem:s22+$0xC030]  }
0x51: {  	v5 =	vadd.f32 v19, v16;
	v14 =	vld [tilespmem:s22+$0x8000];
	v10 =	vmul.f32 v20, v19;
	v4 =	vadd.f32 v4, v7  }
0x52: {  	s24 =	simm.s32 $0x400;
	s23 =	simm.s32 $0x80;
	v16 =	vld [tilespmem:s22+$0xC000];
	v6 =	vadd.f32 v9, v6;
	v7 =	vadd.f32 v20, v17  }
0x53: {  	s30 =	simm.s32 $0x10;
	s28 =	sand.u32 $0x1C00, s24;
	s31 =	sand.u32 $0x2000, s23;
	v19 =	vmul.f32 v62, v60;
	v9 =	vadd.f32 v60, v58;
	v17 =	vld [tilespmem:s22+$0x8010];
	v11 =	vadd.f32 v10, v59  }
0x54: {  	s25 =	simm.s32 $0x18;
	s26 =	sor.u32 s28, s31;
	s28 =	sand.u32 $0x380, s30;
	v18 =	vld [tilespmem:s22+$0xC010];
	v10 =	vadd.f32 v62, v61;
	v12 =	vadd.f32 v13, v63  }
.LBB2_5:
0x55: {  	p0 =	sne.s32 s25, $0x7F8;
	s29 =	sand.u32 $0x40, s23;
	s26 =	sor.u32 s28, s26;
	v20 =	vld [tilespmem:s22+$0x8020];
	v21 =	vmul.f32 v15, v13;
	v8 =	vadd.f32 v15, v8;
	v1 =	vadd.f32 v19, v1  }
0x56: {  	v2 =	vadd.f32 v14, v2;
	v22 =	vld [tilespmem:s22+$0xC020];
	s22 =	sor.u32 s29, s26  }
0x57: {  	v13 =	vld [tilespmem:s22+$0x8030];
	v19 =	vmul.f32 v16, v14;
	v3 =	vadd.f32 v16, v3;
	v4 =	vadd.f32 v21, v4  }
.Ltmp1:
0x58: {  	v15 =	vld [tilespmem:s22+$0xC030];
	v5 =	vadd.f32 v17, v5;
	(pc) =	sbr.rel @p0 .LBB2_5-.Ltmp1, $4  }
0x59: {  	v14 =	vld [tilespmem:s22+$0x8000];
	v6 =	vadd.f32 v19, v6;
	v19 =	vmul.f32 v18, v17;
	v7 =	vadd.f32 v18, v7  }
0x5a: {  	s24 =	sadd.s32 $0x200, s24;
	s23 =	sadd.s32 $0x40, s23;
	v16 =	vld [tilespmem:s22+$0xC000];
	v9 =	vadd.f32 v20, v9  }
0x5b: {  	s26 =	sand.u32 $0x2000, s23;
	s28 =	sand.u32 $0x1C00, s24;
	v17 =	vld [tilespmem:s22+$0x8010];
	v11 =	vadd.f32 v19, v11;
	v19 =	vmul.f32 v22, v20;
	v10 =	vadd.f32 v22, v10  }
0x5c: {  	s26 =	sor.u32 s28, s26;
	s28 =	sand.u32 $0x380, s25;
	s25 =	sadd.s32 $0x8, s25;
	v18 =	vld [tilespmem:s22+$0xC010];
	v12 =	vadd.f32 v13, v12  }
0x5d: {  	s23 =	sand.u32 $0x40, s23;
	s24 =	sor.u32 s28, s26;
	v20 =	vld [tilespmem:s22+$0x8020]  }
0x5e: {  	v21 =	vld [tilespmem:s22+$0xC020];
	s23 =	sor.u32 s23, s24  }
0x5f: {  	v22 =	vld [tilespmem:s23+$0x8030]  }
0x60: {  	v23 =	vld [tilespmem:s23+$0xC030]  }
0x61: {  	v24 =	vld [tilespmem:s23+$0x8000]  }
0x62: {  	v13 =	vmul.f32 v15, v13;
	v8 =	vadd.f32 v15, v8;
	v1 =	vadd.f32 v19, v1;
	v15 =	vld [tilespmem:s23+$0xC000]  }
0x63: {  	v2 =	vadd.f32 v14, v2;
	v14 =	vmul.f32 v16, v14;
	v3 =	vadd.f32 v16, v3;
	v59 =	vld [tilespmem:s23+$0x8010]  }
0x64: {  	v4 =	vadd.f32 v13, v4;
	v62 =	vld [tilespmem:s23+$0x8020];
	v5 =	vadd.f32 v17, v5  }
0x65: {  	v63 =	vld [tilespmem:s23+$0xC020];
	v13 =	vmul.f32 v18, v17;
	v14 =	vadd.f32 v14, v6;
	v61 =	vadd.f32 v18, v7  }
0x66: {  	v60 =	vld [tilespmem:s23+$0xC010];
	v25 =	vadd.f32 v20, v9;
	v6 =	vmul.f32 v21, v20;
	v21 =	vadd.f32 v21, v10  }
0x67: {  	s21 =	sadd.s32 $0x1, s21;
	v13 =	vadd.f32 v13, v11;
	v10 =	vadd.f32 v22, v12;
	v9 =	vmul.f32 v23, v22  }
0x68: {  	p0 =	sne.s32 s21, $0x5;
	v7 =	vadd.f32 v23, v8;
	v12 =	vadd.f32 v24, v2;
	v2 =	vmul.f32 v15, v24  }
.Ltmp2:
0x69: {  	v1 =	vadd.f32 v6, v1;
	v11 =	vadd.f32 v15, v3;
	(pc) =	sbr.rel @p0 .LBB2_2-.Ltmp2, $4  }
0x6a: {  	v6 =	vadd.f32 v9, v4;
	v9 =	vadd.f32 v2, v14;
	v14 =	vmul.f32 v63, v62  }
0x6b: {  	v8 =	vadd.f32 v59, v5;
	v3 =	vmul.f32 v60, v59;
	v5 =	vadd.f32 v60, v61  }
0x6c: {  	v4 =	vadd.f32 v62, v25;
	v1 =	vadd.f32 v14, v1  }
0x6d: {  	v3 =	vadd.f32 v3, v13;
	v2 =	vadd.f32 v63, v21  }
0x6e: {  	s21 =	simm.s32 $0x0  }
0x6f: {  	[tilespmem:s14], [sflag:$0x2] =	stream.linear.gather [hbm4b:s9+s21], $0x4000, $0x38;
	[tilespmem:$0x10200] =	vst v63  }
0x70: {  	_ = 	snop  }
0x71: {  	[tilespmem:s15], [sflag:$0x2] =	stream.linear.gather [hbm4b:s10+s21], $0x4000, $0x38;
	[tilespmem:$0x10200] =	vst v63  }
0x72: {  	_ =	swait.ge [sflag:s16], $0x4000  }
0x73: {  	[sflag:s16] =	ssyncset.done $0x0  }
0x74: {  	s22 =	sand.u32 $0x2000, s21;
	s23 =	sand.u32 $0x1C00, s21;
	[sflag:s16] =	ssyncadd.s32 $0xFFFFC000  }
0x75: {  	s26 =	sand.u32 $0x380, s21;
	s22 =	sor.u32 s23, s22;
	_ =	swait.ge [sflag:s16], $0x4000  }
0x76: {  	s21 =	sand.u32 $0x40, s21;
	s22 =	sor.u32 s26, s22;
	[sflag:s16] =	ssyncset.done $0x0  }
0x77: {  	s22 =	sor.u32 s21, s22;
	[sflag:s16] =	ssyncadd.s32 $0xFFFFC000  }
0x78: {  	v13 =	vld [tilespmem:s22+$0x30]  }
0x79: {  	v14 =	vld [tilespmem:s22+$0x4030]  }
0x7a: {  	v15 =	vld [tilespmem:s22+$0x0]  }
0x7b: {  	s28 =	simm.s32 $0x200;
	s29 =	simm.s32 $0x40;
	v16 =	vld [tilespmem:s22+$0x4000]  }
0x7c: {  	s24 =	simm.s32 $0x8;
	s25 =	sand.u32 $0x2000, s29;
	s21 =	sand.u32 $0x1C00, s28;
	v18 =	vld [tilespmem:s22+$0x10]  }
0x7d: {  	s24 =	sand.u32 $0x380, s24;
	s21 =	sor.u32 s21, s25;
	v19 =	vld [tilespmem:s22+$0x4010]  }
0x7e: {  	s23 =	sand.u32 $0x40, s29;
	s21 =	sor.u32 s24, s21;
	v20 =	vld [tilespmem:s22+$0x20]  }
0x7f: {  	s21 =	sor.u32 s23, s21;
	v21 =	vld [tilespmem:s22+$0x4020]  }
0x80: {  	v22 =	vadd.f32 v13, v10;
	v23 =	vmul.f32 v14, v13;
	v13 =	vadd.f32 v14, v7;
	v14 =	vld [tilespmem:s21+$0x30]  }
0x81: {  	v17 =	vld [tilespmem:s21+$0x4030];
	v10 =	vadd.f32 v15, v12;
	v15 =	vmul.f32 v16, v15;
	v11 =	vadd.f32 v16, v11  }
0x82: {  	v8 =	vadd.f32 v18, v8;
	v12 =	vld [tilespmem:s21+$0x0];
	v5 =	vadd.f32 v19, v5  }
0x83: {  	s23 =	simm.s32 $0x400;
	s22 =	simm.s32 $0x80;
	v18 =	vmul.f32 v19, v18;
	v7 =	vadd.f32 v23, v6;
	v6 =	vadd.f32 v15, v9;
	v15 =	vld [tilespmem:s21+$0x4000]  }
0x84: {  	s30 =	simm.s32 $0x10;
	s26 =	sand.u32 $0x1C00, s23;
	s31 =	sand.u32 $0x2000, s22;
	v4 =	vadd.f32 v20, v4;
	v16 =	vld [tilespmem:s21+$0x10];
	v19 =	vmul.f32 v21, v20;
	v2 =	vadd.f32 v21, v2  }
0x85: {  	s24 =	simm.s32 $0x18;
	s25 =	sor.u32 s26, s31;
	s26 =	sand.u32 $0x380, s30;
	v3 =	vadd.f32 v18, v3;
	v18 =	vld [tilespmem:s21+$0x4010];
	v9 =	vadd.f32 v14, v22  }
.LBB2_8:
0x86: {  	p0 =	sne.s32 s24, $0x7F8;
	s28 =	sand.u32 $0x40, s22;
	s25 =	sor.u32 s26, s25;
	v20 =	vld [tilespmem:s21+$0x20];
	v21 =	vmul.f32 v17, v14;
	v13 =	vadd.f32 v17, v13;
	v1 =	vadd.f32 v19, v1  }
0x87: {  	v10 =	vadd.f32 v12, v10;
	v22 =	vld [tilespmem:s21+$0x4020];
	s21 =	sor.u32 s28, s25  }
0x88: {  	v14 =	vld [tilespmem:s21+$0x30];
	v19 =	vmul.f32 v15, v12;
	v11 =	vadd.f32 v15, v11;
	v7 =	vadd.f32 v21, v7  }
.Ltmp3:
0x89: {  	v17 =	vld [tilespmem:s21+$0x4030];
	v8 =	vadd.f32 v16, v8;
	(pc) =	sbr.rel @p0 .LBB2_8-.Ltmp3, $4  }
0x8a: {  	v12 =	vld [tilespmem:s21+$0x0];
	v6 =	vadd.f32 v19, v6;
	v19 =	vmul.f32 v18, v16;
	v5 =	vadd.f32 v18, v5  }
0x8b: {  	s23 =	sadd.s32 $0x200, s23;
	s22 =	sadd.s32 $0x40, s22;
	v15 =	vld [tilespmem:s21+$0x4000];
	v4 =	vadd.f32 v20, v4  }
0x8c: {  	s25 =	sand.u32 $0x2000, s22;
	s26 =	sand.u32 $0x1C00, s23;
	v16 =	vld [tilespmem:s21+$0x10];
	v3 =	vadd.f32 v19, v3;
	v19 =	vmul.f32 v22, v20;
	v2 =	vadd.f32 v22, v2  }
0x8d: {  	s25 =	sor.u32 s26, s25;
	s26 =	sand.u32 $0x380, s24;
	s24 =	sadd.s32 $0x8, s24;
	v18 =	vld [tilespmem:s21+$0x4010];
	v9 =	vadd.f32 v14, v9  }
0x8e: {  	s22 =	sand.u32 $0x40, s22;
	s23 =	sor.u32 s26, s25;
	v20 =	vld [tilespmem:s21+$0x20]  }
0x8f: {  	v21 =	vld [tilespmem:s21+$0x4020];
	s22 =	sor.u32 s22, s23  }
0x90: {  	v22 =	vld [tilespmem:s22+$0x30]  }
0x91: {  	v23 =	vld [tilespmem:s22+$0x4030]  }
0x92: {  	v24 =	vld [tilespmem:s22+$0x0]  }
0x93: {  	v25 =	vld [tilespmem:s22+$0x4000]  }
0x94: {  	v26 =	vld [tilespmem:s22+$0x10]  }
0x95: {  	v27 =	vld [tilespmem:s22+$0x4010]  }
0x96: {  	v28 =	vld [tilespmem:s22+$0x20]  }
0x97: {  	v29 =	vld [tilespmem:s22+$0x4020];
	_ =	swait.ge [sflag:s17], $0x4000  }
0x98: {  	s29 =	simm.s32 $0x0;
	[sflag:s17] =	ssyncset.done $0x0  }
0x99: {  	v14 =	vmul.f32 v17, v14;
	v13 =	vadd.f32 v17, v13;
	v1 =	vadd.f32 v19, v1;
	s30 =	sand.u32 $0x2000, s29;
	s31 =	sand.u32 $0x1C00, s29;
	[sflag:s17] =	ssyncadd.s32 $0xFFFFC000  }
0x9a: {  	v10 =	vadd.f32 v12, v10;
	s24 =	sand.u32 $0x380, s29;
	v12 =	vmul.f32 v15, v12;
	v11 =	vadd.f32 v15, v11;
	s22 =	sor.u32 s31, s30;
	_ =	swait.ge [sflag:s17], $0x4000  }
0x9b: {  	s21 =	sand.u32 $0x40, s29;
	v7 =	vadd.f32 v14, v7;
	v8 =	vadd.f32 v16, v8;
	s22 =	sor.u32 s24, s22;
	v14 =	vmul.f32 v18, v16;
	[sflag:s17] =	ssyncset.done $0x0  }
0x9c: {  	v6 =	vadd.f32 v12, v6;
	v5 =	vadd.f32 v18, v5;
	s22 =	sor.u32 s21, s22;
	[sflag:s17] =	ssyncadd.s32 $0xFFFFC000  }
0x9d: {  	v4 =	vadd.f32 v20, v4;
	v12 =	vmul.f32 v21, v20;
	v3 =	vadd.f32 v14, v3;
	v14 =	vld [tilespmem:s22+$0x8030]  }
0x9e: {  	v2 =	vadd.f32 v21, v2;
	v9 =	vadd.f32 v22, v9;
	v15 =	vld [tilespmem:s22+$0xC030]  }
0x9f: {  	v16 =	vmul.f32 v23, v22;
	v13 =	vadd.f32 v23, v13;
	v1 =	vadd.f32 v12, v1;
	v12 =	vld [tilespmem:s22+$0x8000]  }
0xa0: {  	s25 =	simm.s32 $0x200;
	s26 =	simm.s32 $0x40;
	v10 =	vadd.f32 v24, v10;
	v17 =	vmul.f32 v25, v24;
	v11 =	vadd.f32 v25, v11;
	v18 =	vld [tilespmem:s22+$0xC000]  }
0xa1: {  	s28 =	sand.u32 $0x2000, s26;
	s24 =	simm.s32 $0x8;
	s21 =	sand.u32 $0x1C00, s25;
	v19 =	vld [tilespmem:s22+$0x8010];
	v7 =	vadd.f32 v16, v7;
	v16 =	vadd.f32 v26, v8;
	v8 =	vmul.f32 v27, v26  }
0xa2: {  	s24 =	sand.u32 $0x380, s24;
	s21 =	sor.u32 s21, s28;
	v62 =	vld [tilespmem:s22+$0xC020];
	v6 =	vadd.f32 v17, v6;
	v17 =	vadd.f32 v27, v5;
	v5 =	vmul.f32 v29, v28  }
0xa3: {  	s23 =	sand.u32 $0x40, s26;
	s21 =	sor.u32 s24, s21;
	v58 =	vadd.f32 v28, v4;
	v61 =	vadd.f32 v29, v2;
	v20 =	vld [tilespmem:s22+$0xC010]  }
0xa4: {  	s21 =	sor.u32 s23, s21;
	v60 =	vld [tilespmem:s22+$0x8020];
	v59 =	vadd.f32 v8, v3;
	v1 =	vadd.f32 v5, v1  }
0xa5: {  	v63 =	vadd.f32 v14, v9;
	v4 =	vmul.f32 v15, v14;
	v8 =	vadd.f32 v15, v13;
	v13 =	vld [tilespmem:s21+$0x8030]  }
0xa6: {  	v2 =	vadd.f32 v12, v10;
	v9 =	vmul.f32 v18, v12;
	v3 =	vadd.f32 v18, v11;
	v15 =	vld [tilespmem:s21+$0xC030]  }
0xa7: {  	v5 =	vadd.f32 v19, v16;
	v14 =	vld [tilespmem:s21+$0x8000];
	v11 =	vadd.f32 v62, v61  }
0xa8: {  	s23 =	simm.s32 $0x400;
	s22 =	simm.s32 $0x80;
	v10 =	vmul.f32 v20, v19;
	v16 =	vld [tilespmem:s21+$0xC000];
	v4 =	vadd.f32 v4, v7;
	v6 =	vadd.f32 v9, v6  }
0xa9: {  	s29 =	simm.s32 $0x10;
	s31 =	sand.u32 $0x1C00, s23;
	s30 =	sand.u32 $0x2000, s22;
	v19 =	vmul.f32 v62, v60;
	v7 =	vadd.f32 v20, v17;
	v9 =	vadd.f32 v60, v58;
	v17 =	vld [tilespmem:s21+$0x8010]  }
0xaa: {  	s26 =	sand.u32 $0x380, s29;
	s24 =	simm.s32 $0x18;
	s25 =	sor.u32 s31, s30;
	v18 =	vld [tilespmem:s21+$0xC010];
	v10 =	vadd.f32 v10, v59;
	v12 =	vadd.f32 v13, v63  }
.LBB2_10:
0xab: {  	p0 =	sne.s32 s24, $0x7F8;
	s28 =	sand.u32 $0x40, s22;
	s25 =	sor.u32 s26, s25;
	v20 =	vld [tilespmem:s21+$0x8020];
	v21 =	vmul.f32 v15, v13;
	v8 =	vadd.f32 v15, v8;
	v1 =	vadd.f32 v19, v1  }
0xac: {  	v2 =	vadd.f32 v14, v2;
	v22 =	vld [tilespmem:s21+$0xC020];
	s21 =	sor.u32 s28, s25  }
0xad: {  	v13 =	vld [tilespmem:s21+$0x8030];
	v19 =	vmul.f32 v16, v14;
	v3 =	vadd.f32 v16, v3;
	v4 =	vadd.f32 v21, v4  }
.Ltmp4:
0xae: {  	v15 =	vld [tilespmem:s21+$0xC030];
	v5 =	vadd.f32 v17, v5;
	(pc) =	sbr.rel @p0 .LBB2_10-.Ltmp4, $4  }
0xaf: {  	v14 =	vld [tilespmem:s21+$0x8000];
	v6 =	vadd.f32 v19, v6;
	v19 =	vmul.f32 v18, v17;
	v7 =	vadd.f32 v18, v7  }
0xb0: {  	s23 =	sadd.s32 $0x200, s23;
	s22 =	sadd.s32 $0x40, s22;
	v16 =	vld [tilespmem:s21+$0xC000];
	v9 =	vadd.f32 v20, v9  }
0xb1: {  	s25 =	sand.u32 $0x2000, s22;
	s26 =	sand.u32 $0x1C00, s23;
	v17 =	vld [tilespmem:s21+$0x8010];
	v10 =	vadd.f32 v19, v10;
	v19 =	vmul.f32 v22, v20;
	v11 =	vadd.f32 v22, v11  }
0xb2: {  	s25 =	sor.u32 s26, s25;
	s26 =	sand.u32 $0x380, s24;
	s24 =	sadd.s32 $0x8, s24;
	v18 =	vld [tilespmem:s21+$0xC010];
	v12 =	vadd.f32 v13, v12  }
0xb3: {  	s22 =	sand.u32 $0x40, s22;
	s23 =	sor.u32 s26, s25;
	v20 =	vld [tilespmem:s21+$0x8020]  }
0xb4: {  	v21 =	vld [tilespmem:s21+$0xC020];
	s22 =	sor.u32 s22, s23  }
0xb5: {  	v22 =	vld [tilespmem:s22+$0x8030]  }
0xb6: {  	v24 =	vld [tilespmem:s22+$0x8000]  }
0xb7: {  	v13 =	vmul.f32 v15, v13;
	v8 =	vadd.f32 v15, v8;
	v1 =	vadd.f32 v19, v1;
	v50 =	vld [tilespmem:s22+$0xC000]  }
0xb8: {  	v2 =	vadd.f32 v14, v2;
	v51 =	vmul.f32 v16, v14;
	v3 =	vadd.f32 v16, v3;
	v52 =	vld [tilespmem:s22+$0x8010]  }
0xb9: {  	v4 =	vadd.f32 v13, v4;
	v54 =	vld [tilespmem:s22+$0xC010];
	v5 =	vadd.f32 v17, v5;
	v53 =	vmul.f32 v18, v17  }
0xba: {  	v56 =	vld [tilespmem:s22+$0x8020];
	v6 =	vadd.f32 v51, v6;
	v7 =	vadd.f32 v18, v7;
	v55 =	vmul.f32 v21, v20  }
0xbb: {  	v57 =	vld [tilespmem:s22+$0xC020];
	v9 =	vadd.f32 v20, v9;
	v11 =	vadd.f32 v21, v11  }
0xbc: {  	v23 =	vld [tilespmem:s22+$0xC030];
	v10 =	vadd.f32 v53, v10;
	v1 =	vadd.f32 v55, v1  }
0xbd: {  	v12 =	vadd.f32 v22, v12;
	v2 =	vadd.f32 v24, v2  }
0xbe: {  	v59 =	vmul.f32 v50, v24;
	v3 =	vadd.f32 v50, v3;
	v60 =	vmul.f32 v54, v52  }
0xbf: {  	v5 =	vadd.f32 v52, v5;
	v7 =	vadd.f32 v54, v7  }
0xc0: {  	v61 =	vmul.f32 v57, v56;
	v6 =	vadd.f32 v59, v6;
	v10 =	vadd.f32 v60, v10  }
0xc1: {  	v58 =	vmul.f32 v23, v22;
	v9 =	vadd.f32 v56, v9;
	v62 =	vadd.f32 v57, v11  }
0xc2: {  	v1 =	vadd.f32 v61, v1;
	v6 =	vadd.f32 v10, v6  }
0xc3: {  	v4 =	vadd.f32 v58, v4;
	v2 =	vadd.f32 v5, v2  }
0xc4: {  	v3 =	vadd.f32 v7, v3;
	v1 =	vadd.f32 v1, v6  }
0xc5: {  	v63 =	vadd.f32 v23, v8;
	v2 =	vadd.f32 v9, v2  }
0xc6: {  	v3 =	vadd.f32 v62, v3;
	v1 =	vadd.f32 v4, v1  }
0xc7: {  	[tilespmem:$0x10180] =	vst v0;
	v2 =	vadd.f32 v12, v2  }
0xc8: {  	s20 =	sadd.s32 $0x1, s20;
	[tilespmem:$0x10000] =	vst v1;
	v1 =	vadd.f32 v63, v3  }
0xc9: {  	p0 =	sne.s32 s20, s12;
	[tilespmem:$0x10080] =	vst v2  }
.Ltmp5:
0xca: {  	[tilespmem:$0x10100] =	vst v1;
	(pc) =	sbr.rel @p0 .LBB2_1-.Ltmp5, $4  }
0xcb: {  	[hbm4b:s11+s4] =	stream.linear.scatter [tilespmem:s18], [sflag:$0x3], $0x200, $0x38;
	[tilespmem:$0x10200] =	vst v63  }
0xcc: {  	_ =	swait.ge [sflag:s19], $0x200  }
0xcd: {  	[sflag:s19] =	ssyncset.done $0x0  }
0xce: {  	[sflag:s19] =	ssyncadd.s32 $0xFFFFFE00  }
0xcf: {  	_ =	sfence.sel $0x180000  }
0xd0: {  	[bflag:$0x0] =	sbarrier.arrive $0xFFFF  }
0xd1: {  	p0 =	sne.s32 s0, $0x0;
	_ =	strace $0x90000047  }
0xd2: {  	s0 =	sadd.s32 @!p0 $0x100000, s2;
	[bflag:$0x2] =	sbarrier.arrive $0xFFFF  }
0xd3: {  	[sflag:s0] =	ssyncadd.tile.s32 @!p0 $0x1;
	_ =	shalt  }
.Lfunc_end2:
_tile_overlayer_lowered:
.L_overlay_start_2:
0xd4: {  	(tag) =	ssettag $0x2  }
0xd5: {  	s0 =	rddreg [dreg:$0x0];
	s2 =	stileid.u32  }
0xd6: {  	s1 =	rddreg [dreg:$0x1];
	p0 =	sne.s32 s2, $0x0  }
0xd7: {  	s3 =	rddreg [dreg:$0x2];
	[bflag:$0x3] =	sbarrier.arrive $0xFFFF;
	s2 =	simm.s32 @!p0 $0x1C03  }
0xd8: {  	[timem:s3], [sflag:s2] =	dma.local @!p0 [hbm:s0], s1  }
0xd9: {  	s0 =	simm.s32 @!p0 $0x3  }
0xda: {  	_ =	swait.ge @!p0 [sflag:s0], s1  }
0xdb: {  	s1 =	ssub.s32 @!p0 $0x0, s1;
	[sflag:s0] =	ssyncset.done @!p0 $0x0  }
0xdc: {  	[sflag:s0] =	ssyncadd.s32 @!p0 s1  }
0xdd: {  	[bflag:$0x3] =	sbarrier.arrive $0xFFFF  }
0xde: {  	_ =	shalt  }

// kernel: kernel.9.cloned.1.call-start
scs
__scs_entry_jumppad:
0x0: {  	(pc) =	sbr.rel $0x88, $3  }
0x1: {  	(tag) =	ssettag $0x0;
	lr =	simm.s32 $0x1  }
0x2: {  	[smem:$0x3F9E] =	sst lr;
	_ =	strace $0xD0000000  }
0x3: {  	_ = 	snop  }
0x4: {  	_ = 	snop  }
0x5: {  	_ = 	snop  }
0x6: {  	_ = 	snop  }
0x7: {  	_ = 	snop  }
__scs_overlays_trampoline_lowered:
0x8: {  	[smem:$0x3FAD] =	sst s0  }
0x9: {  	[smem:$0x3FAE] =	sst s1  }
0xa: {  	[smem:$0x3FAF] =	sst s2  }
0xb: {  	[smem:$0x3FB0] =	sst s3  }
0xc: {  	[smem:$0x3FB1] =	sst s4  }
0xd: {  	[smem:$0x3FB2] =	sst s5  }
0xe: {  	[smem:$0x3FB3] =	sst s6  }
0xf: {  	[smem:$0x3FB4] =	sst s7  }
0x10: {  	[smem:$0x3FB5] =	sst s8  }
0x11: {  	[smem:$0x3FB6] =	sst s9;
	s0 =	simm.s32 @!p0 $0x0  }
0x12: {  	s1 =	sld [smem:$0x3F9C];
	s0 =	simm.s32 @p0 $0x1  }
0x13: {  	[smem:$0x3FB7] =	sst s0;
	s0 =	simm.s32 @!p1 $0x0  }
0x14: {  	s2 =	sld [smem:$0x3F9B];
	s0 =	simm.s32 @p1 $0x1  }
0x15: {  	[smem:$0x3FB8] =	sst s0;
	s0 =	simm.s32 @!p2 $0x0  }
0x16: {  	s3 =	sld [smem:$0x3FDB];
	s0 =	simm.s32 @p2 $0x1  }
0x17: {  	s4 =	simm.s32 $0x1BF5;
	[smem:$0x3FBA] =	sst s0  }
0x18: {  	s0 =	sld [smem:$0x3F9D];
	_ =	swait.ge [sflag:s4], $0x0  }
0x19: {  	s7 =	sld [smem:$0x3F9E]  }
0x1a: {  	s8 =	sadd.s32 $0xFFFFE003, lr  }
0x1b: {  	s9 =	sadd.s32 $0xFFFFFEF7, lr;
	s5 =	simm.s32 $0xFFFFFFFF;
	p2 =	slt.u32 s8, $0xFFFFF086  }
0x1c: {  	p1 =	slt.u32 s9, $0xF7A;
	s5 =	simm.s32 @!p2 $0x0  }
0x1d: {  	s5 =	simm.s32 @p1 $0x1;
	p0 =	seq.s32 s7, s2  }
0x1e: {  	s7 =	smul.u32 @!p0 $0xF7A, s2;
	p2 =	seq.s32 @!p0 s5, $0x0  }
0x1f: {  	s9 =	smul.u32 $0xF7A, s1;
	s8 =	simm.s32 @!p0 $0x1BF5;
	p2 =	por !p2, p0  }
0x20: {  	[sflag:s8] =	ssyncset.s32 @!p0 $0xFFFFF086;
	s6 =	sadd.s32 @!p0 s3, s7;
	s7 =	simm.s32 @!p0 $0x108  }
0x21: {  	s3 =	sadd.s32 s3, s9;
	s6 =	sadd.s32 @!p0 $0x88, s6;
	s7 =	simm.s32 @p2 $0x1082  }
0x22: {  	[simem:s7], [sflag:s8] =	dma.local @!p0 [hbm:s6], $0xF7A  }
0x23: {  	s9 =	sor.u32 $0xD0000000, s2;
	s6 =	simm.s32 $0x108;
	_ =	swait.ge @!p0 [sflag:s8], $0x0  }
0x24: {  	s3 =	sadd.s32 $0x88, s3;
	s6 =	simm.s32 @!p1 $0x1082;
	[sflag:s4] =	ssyncset.s32 $0xFFFFF086  }
0x25: {  	[simem:s6], [sflag:s4] =	dma.local [hbm:s3], $0xF7A  }
0x26: {  	[smem:$0x3F9E] =	sst s1;
	(tag) =	ssettag s2;
	_ =	strace s9  }
0x27: {  	s1 =	sld [smem:$0x3FAE]  }
0x28: {  	s2 =	sld [smem:$0x3FAF]  }
0x29: {  	s4 =	sld [smem:$0x3FB1]  }
0x2a: {  	p0 =	seq.s32 s5, $0x0;
	s5 =	sld [smem:$0x3FB2]  }
0x2b: {  	s6 =	sld [smem:$0x3FB3]  }
0x2c: {  	s7 =	sld [smem:$0x3FB4]  }
0x2d: {  	s3 =	simm.s32 $0x108;
	s8 =	sld [smem:$0x3FB5]  }
0x2e: {  	s3 =	simm.s32 @!p0 $0x1082;
	s9 =	sld [smem:$0x3FB6]  }
0x2f: {  	lr =	sadd.s32 s0, s3;
	s0 =	sld [smem:$0x3FAD]  }
0x30: {  	s3 =	sld [smem:$0x3FB0]  }
0x31: {  	[smem:$0x3FB9] =	sst s10  }
0x32: {  	s10 =	sld [smem:$0x3FB7];
	_ =	sdelay $0x3  }
0x33: {  	p0 =	seq.s32 s10, $0x1;
	s10 =	sld [smem:$0x3FB9];
	_ =	sdelay $0x3  }
0x34: {  	[smem:$0x3FB9] =	sst s10  }
0x35: {  	s10 =	sld [smem:$0x3FB8];
	_ =	sdelay $0x3  }
0x36: {  	p1 =	seq.s32 s10, $0x1;
	s10 =	sld [smem:$0x3FB9];
	_ =	sdelay $0x3  }
0x37: {  	[smem:$0x3FB9] =	sst s10  }
0x38: {  	s10 =	sld [smem:$0x3FBA]  }
0x39: {  	_ = 	snop;
	(pc) =	sbr.ind lr, $3  }
0x3a: {  	_ = 	snop  }
0x3b: {  	_ = 	snop  }
0x3c: {  	p2 =	seq.s32 s10, $0x1;
	s10 =	sld [smem:$0x3FB9]  }
0x3d: {  	_ =	shalt  }
0x3e: {  	_ =	shalt  }
0x3f: {  	_ =	shalt  }
0x40: {  	_ =	shalt  }
0x41: {  	_ =	shalt  }
0x42: {  	_ =	shalt  }
0x43: {  	_ =	shalt  }
0x44: {  	_ =	shalt  }
0x45: {  	_ =	shalt  }
0x46: {  	_ =	shalt  }
0x47: {  	_ =	shalt  }
0x48: {  	_ =	shalt  }
0x49: {  	_ =	shalt  }
0x4a: {  	_ =	shalt  }
0x4b: {  	_ =	shalt  }
0x4c: {  	_ =	shalt  }
0x4d: {  	_ =	shalt  }
0x4e: {  	_ =	shalt  }
0x4f: {  	_ =	shalt  }
0x50: {  	_ =	shalt  }
0x51: {  	_ =	shalt  }
0x52: {  	_ =	shalt  }
0x53: {  	_ =	shalt  }
0x54: {  	_ =	shalt  }
0x55: {  	_ =	shalt  }
0x56: {  	_ =	shalt  }
0x57: {  	_ =	shalt  }
0x58: {  	_ =	shalt  }
0x59: {  	_ =	shalt  }
0x5a: {  	_ =	shalt  }
0x5b: {  	_ =	shalt  }
0x5c: {  	_ =	shalt  }
0x5d: {  	_ =	shalt  }
0x5e: {  	_ =	shalt  }
0x5f: {  	_ =	shalt  }
0x60: {  	_ =	shalt  }
0x61: {  	_ =	shalt  }
0x62: {  	_ =	shalt  }
0x63: {  	_ =	shalt  }
0x64: {  	_ =	shalt  }
0x65: {  	_ =	shalt  }
0x66: {  	_ =	shalt  }
0x67: {  	_ =	shalt  }
0x68: {  	_ =	shalt  }
0x69: {  	_ =	shalt  }
0x6a: {  	_ =	shalt  }
0x6b: {  	_ =	shalt  }
0x6c: {  	_ =	shalt  }
0x6d: {  	_ =	shalt  }
0x6e: {  	_ =	shalt  }
0x6f: {  	_ =	shalt  }
0x70: {  	_ =	shalt  }
0x71: {  	_ =	shalt  }
0x72: {  	_ =	shalt  }
0x73: {  	_ =	shalt  }
0x74: {  	_ =	shalt  }
0x75: {  	_ =	shalt  }
0x76: {  	_ =	shalt  }
0x77: {  	_ =	shalt  }
0x78: {  	_ =	shalt  }
0x79: {  	_ =	shalt  }
0x7a: {  	_ =	shalt  }
0x7b: {  	_ =	shalt  }
0x7c: {  	_ =	shalt  }
0x7d: {  	_ =	shalt  }
0x7e: {  	_ =	shalt  }
0x7f: {  	_ =	shalt  }
0x80: {  	_ =	shalt  }
0x81: {  	_ =	shalt  }
0x82: {  	_ =	shalt  }
0x83: {  	_ =	shalt  }
0x84: {  	_ =	shalt  }
0x85: {  	_ =	shalt  }
0x86: {  	_ =	shalt  }
0x87: {  	_ =	shalt  }
.Lfunc_end0:
.L_simem_size_0:
called_computation.1_lowered:
.L_overlay_start_0:
0x88: {  	s2 =	sld [smem:$0x3FD9]  }
0x89: {  	s3 =	sld [smem:$0x3FFE];
	_ =	sdelay $0x1  }
0x8a: {  	s1 =	srdreg.scid  }
0x8b: {  	s0 =	sand.u32 $0x1, s1  }
0x8c: {  	s17 =	sshll.u32 s0, $0xA;
	s2 =	sadd.s32 s3, s2  }
0x8d: {  	s2 =	sadd.s32 s2, s17  }
0x8e: {  	[smem:$0x3FC5] =	sst s2  }
0x8f: {  	_ = 	snop  }
0x90: {  	s2 =	sld [smem:$0x3FC9]  }
0x91: {  	s18 =	sld [smem:$0x3FC8]  }
0x92: {  	s4 =	sld [smem:$0x3FC7];
	(tm) =	ssettm $0x1  }
0x93: {  	s5 =	sld [smem:$0x3FFB];
	_ =	sdelay $0x3  }
0x94: {  	_ =	strace s5  }
0x95: {  	s5 =	sld [smem:$0x3FFC];
	_ =	sdelay $0x3  }
0x96: {  	_ =	strace s5  }
0x97: {  	s5 =	sld [smem:$0x3FFD];
	_ =	sdelay $0x3  }
0x98: {  	_ =	strace s5  }
0x99: {  	_ =	strace $0x8FFFFFFF  }
0x9a: {  	s19 =	sld [smem:$0x3FDB];
	_ =	sdelay $0x1  }
0x9b: {  	s6 =	simm.s32 $_scs_section_size  }
0x9c: {  	s7 =	simm.s32 $_size__tile_overlayer_lowered;
	s8 =	simm.s32 $_tile_overlayer_lowered  }
0x9d: {  	s22 =	simm.s32 $0x1BFF;
	s21 =	sshll.u32 s8, $0x1;
	s5 =	sadd.s32 s6, s19  }
0x9e: {  	s9 =	simm.s32 $0x0;
	s20 =	sshll.u32 s7, $0x1;
	s7 =	sadd.s32 s21, s5  }
0x9f: {  	[timem:s9], [sflag:s22] =	dma.local [hbm:s7], s20  }
0xa0: {  	_ =	swait.ge [sflag:s22], s20  }
0xa1: {  	s6 =	ssub.s32 $0x0, s20;
	[sflag:s22] =	ssyncset.done $0x0  }
0xa2: {  	[sflag:s22] =	ssyncadd.s32 s6;
	_ =	sdelay $0x1  }
0xa3: {  	s23 =	simm.s32 $0x1B8B  }
0xa4: {  	_ =	swait.ge [sflag:s23], $0x1  }
0xa5: {  	[sflag:s23] =	ssyncset.done $0x0  }
0xa6: {  	s25 =	simm.s32 $0x1B8E;
	s24 =	sld [smem:$0x3FFE];
	[sflag:s23] =	ssyncadd.s32 $0xFFFFFFFF  }
0xa7: {  	s26 =	simm.s32 $execute0_lowered;
	[smem:$0x3FD2] =	sst s25  }
0xa8: {  	s7 =	sshll.u32 s26, $0x1;
	_ =	strace $0x80000049;
	[dreg:$0x1] =	wrdreg $0xFFFFFFFF  }
0xa9: {  	s28 =	simm.s32 $_size_execute0_lowered;
	s5 =	sadd.s32 s5, s7;
	[dreg:$0x0] =	wrdreg $0x0  }
0xaa: {  	s7 =	sshll.u32 s28, $0x1;
	[dreg:$0x2] =	wrdreg s5  }
0xab: {  	[dreg:$0x3] =	wrdreg s7  }
0xac: {  	[dreg:$0x4] =	wrdreg $0xC0  }
0xad: {  	_ =	task [dreg:s9], $0x5FFFF  }
0xae: {  	[dreg:$0x1] =	wrdreg $0xFFFFFFFF  }
0xaf: {  	[dreg:$0x0] =	wrdreg $0x60  }
0xb0: {  	[dreg:$0x2] =	wrdreg s2  }
0xb1: {  	[dreg:$0x3] =	wrdreg s18  }
0xb2: {  	[dreg:$0x4] =	wrdreg s4  }
0xb3: {  	[dreg:$0x5] =	wrdreg s24  }
0xb4: {  	[dreg:$0x6] =	wrdreg $0x9  }
0xb5: {  	_ =	task.clear_ibuf [dreg:s9], $0x7FFFF;
	_ =	strace $0x90000049  }
0xb6: {  	s29 =	simm.s32 $0x9;
	_ =	strace $0x8000004B  }
0xb7: {  	_ =	swait.ge [sflag:s29], $0x1  }
0xb8: {  	[sflag:s29] =	ssyncadd.s32 $0xFFFFFFFF  }
0xb9: {  	_ =	strace $0x9000004B  }
0xba: {  	_ =	sfence  }
0xbb: {  	s30 =	sld [smem:$0x0];
	_ =	sdelay $0x2  }
0xbc: {  	s31 =	sshll.u32 s1, $0xD;
	s1 =	sshrl.u32 s1, $0x2  }
0xbd: {  	s3 =	sand.u32 $0x4000, s31;
	s1 =	sadd.s32 s1, s30  }
0xbe: {  	s0 =	sor.u32 s3, s0;
	s1 =	sshll.u32 s1, $0x11  }
0xbf: {  	s0 =	sor.u32 s1, s0  }
0xc0: {  	s0 =	sadd.s32 $0x8F2B, s0  }
0xc1: {  	[sflag:s0] =	ssyncadd.remote.s32 $0x1  }
0xc2: {  	_ =	sfence.sel $0xFFFF  }
0xc3: {  	[dreg:$0x0] =	wrdreg $0xFFFFFFFF;
	(pc) =	sbr.abs _section_cstart, $3  }
0xc4: {  	[dreg:$0x1] =	wrdreg $0xFFFFFFFF  }
0xc5: {  	_ =	task.clear_ibuf [dreg:s9], $0x2FFFF;
	_ =	strace $0x9FFFFFFF  }
0xc6: {  	(tm) =	ssettm $0x7FFFFFFF  }
0xc7: {  	_ =	shalt  }
tec
execute0_lowered:
.L_overlay_start_1:
0x0: {  	(tag) =	ssettag $0x1  }
0x1: {  	s1 =	rddreg [dreg:$0x0]  }
0x2: {  	s2 =	rddreg [dreg:$0x1]  }
0x3: {  	s4 =	rddreg [dreg:$0x2];
	s0 =	srdreg.scid  }
0x4: {  	s5 =	stileid.u32;
	s8 =	rddreg [dreg:$0x3]  }
0x5: {  	s6 =	simm.s32 $0x0;
	s18 =	simm.s32 $0x3;
	s19 =	simm.s32 $0x4000  }
0x6: {  	s20 =	simm.s32 $0x8000;
	s21 =	simm.s32 $0xC000;
	s22 =	simm.s32 $0x10000  }
0x7: {  	s23 =	simm.s32 $0x14000;
	s24 =	simm.s32 $0x1;
	s25 =	simm.s32 $0x18080  }
0x8: {  	s0 =	sand.u32 $0x1, s0;
	s3 =	sshll.u32 s5, $0x1;
	s5 =	sshrl.u32 s5, $0x2  }
0x9: {  	s26 =	simm.s32 $0x2;
	s3 =	sor.u32 s0, s3;
	s5 =	smul.u32 $0xC00, s5  }
0xa: {  	s30 =	simm.s32 $0x0;
	[smem:$0x7FF] =	sst s6;
	s9 =	smul.u32 $0xA000, s3  }
0xb: {  	s0 =	ssub.s32 $0x2, s0;
	s7 =	sshll.u32 s3, $0x7;
	s10 =	smul.u32 $0x50000, s3  }
0xc: {  	s28 =	sshrl.u32 s0, $0x1;
	s3 =	smul.u32 $0x140, s3;
	s7 =	sand.u32 $0x380, s7  }
0xd: {  	_ =	strace $0x8000004A;
	s0 =	ssub.s32 s0, s28;
	s5 =	sor.u32 s5, s7  }
0xe: {  	s29 =	sadd.s32 s1, s9;
	s12 =	sshrl.u32 s10, $0x3;
	s10 =	sor.u32 $0x10, s3  }
0xf: {  	s11 =	sor.u32 $0x20, s3;
	s16 =	smax.u32 s0, $0x1;
	s5 =	sshrl.u32 s5, $0x3  }
0x10: {  	[dreg:$0x5] =	wrdreg s29;
	s31 =	sadd.s32 $0x9800, s12;
	s5 =	sadd.s32 s5, s8  }
0x11: {  	v0 =	vlaneseq.u32;
	s8 =	sadd.s32 s2, s9;
	s9 =	sadd.s32 s4, s9;
	s12 =	sadd.s32 s1, s31  }
0x12: {  	v1 =	vimm.f32 $0.0e+00;
	v3 =	vimm.f32 $1.000000000e+00;
	v2 =	vor.u32 $0xA0, v0;
	s13 =	sadd.s32 s2, s31;
	s14 =	sadd.s32 s4, s31;
	s15 =	sadd.s32 $0x200, s5  }
.LBB2_1:
0x13: {  	s0 =	rddreg [dreg:$0x3];
	s3 =	simm.s32 $0x18000  }
0x14: {  	[tilespmem:s3], [sflag:$0x3] =	stream.linear.gather [hbm4b:s0+s6], $0x80, $0x38;
	[tilespmem:$0x18200] =	vst v63  }
0x15: {  	_ =	swait.ge [sflag:s18], $0x80  }
0x16: {  	[sflag:s18] =	ssyncset.done $0x0  }
0x17: {  	[sflag:s18] =	ssyncadd.s32 $0xFFFFFF80  }
0x18: {  	[tilespmem:$0x18080] =	vst v1  }
0x19: {  	[tilespmem:$0x18090] =	vst v1  }
0x1a: {  	[tilespmem:$0x180A0] =	vst v1  }
0x1b: {  	[tilespmem:$0x180B0] =	vst v1  }
0x1c: {  	[tilespmem:$0x180C0] =	vst v1  }
0x1d: {  	[tilespmem:$0x180D0] =	vst v1  }
0x1e: {  	[tilespmem:$0x180E0] =	vst v1  }
0x1f: {  	[tilespmem:$0x180F0] =	vst v1  }
0x20: {  	[tilespmem:$0x18100] =	vst v1  }
0x21: {  	[tilespmem:$0x18110] =	vst v1  }
0x22: {  	[tilespmem:$0x18120] =	vst v1  }
0x23: {  	[tilespmem:$0x18130] =	vst v1  }
0x24: {  	[tilespmem:$0x18140] =	vst v1  }
0x25: {  	[tilespmem:$0x18150] =	vst v1  }
0x26: {  	[tilespmem:$0x18160] =	vst v1  }
0x27: {  	[tilespmem:$0x18170] =	vst v1  }
0x28: {  	[tilespmem:$0x18180] =	vst v1  }
0x29: {  	[tilespmem:$0x18190] =	vst v1  }
0x2a: {  	[tilespmem:$0x181A0] =	vst v1  }
0x2b: {  	[tilespmem:$0x181B0] =	vst v1  }
0x2c: {  	[tilespmem:$0x181C0] =	vst v1  }
0x2d: {  	s29 =	rddreg [dreg:$0x5];
	[tilespmem:$0x181D0] =	vst v1  }
0x2e: {  	v4 =	vld [tilespmem:$0x18000];
	[tilespmem:s6], [sflag:$0x1] =	stream.linear.gather [hbm4b:s29+s6], $0x4000, $0x38  }
0x2f: {  	_ = 	snop  }
0x30: {  	[tilespmem:s19], [sflag:$0x1] =	stream.linear.gather [hbm4b:s8+s6], $0x4000, $0x38;
	[tilespmem:$0x18200] =	vst v63  }
0x31: {  	s31 =	simm.s32 $0x0  }
0x32: {  	[tilespmem:s20], [sflag:$0x1] =	stream.linear.gather [hbm4b:s9+s6], $0x4000, $0x38;
	[tilespmem:$0x18200] =	vst v63  }
.LBB2_2:
0x33: {  	s3 =	sshll.u32 s31, $0x5  }
0x34: {  	s0 =	sadd.s32 s3, s10  }
0x35: {  	s0 =	sshll.u32 s0, $0x7  }
0x36: {  	s17 =	simm.s32 $0x0;
	s5 =	sadd.s32 s1, s0  }
0x37: {  	[tilespmem:s21], [sflag:$0x2] =	stream.linear.gather [hbm4b:s5+s17], $0x4000, $0x38;
	[tilespmem:$0x18200] =	vst v63  }
0x38: {  	s7 =	sadd.s32 s2, s0  }
0x39: {  	[tilespmem:s22], [sflag:$0x2] =	stream.linear.gather [hbm4b:s7+s17], $0x4000, $0x38;
	[tilespmem:$0x18200] =	vst v63  }
0x3a: {  	s0 =	sadd.s32 s4, s0  }
0x3b: {  	[tilespmem:s23], [sflag:$0x2] =	stream.linear.gather [hbm4b:s0+s17], $0x4000, $0x38;
	[tilespmem:$0x18200] =	vst v63  }
0x3c: {  	_ =	swait.ge [sflag:s24], $0x4000  }
0x3d: {  	[sflag:s24] =	ssyncset.done $0x0  }
0x3e: {  	[sflag:s24] =	ssyncadd.s32 $0xFFFFC000  }
0x3f: {  	_ =	swait.ge [sflag:s24], $0x4000  }
0x40: {  	[sflag:s24] =	ssyncset.done $0x0  }
0x41: {  	s5 =	simm.s32 $0x0;
	[sflag:s24] =	ssyncadd.s32 $0xFFFFC000  }
0x42: {  	s7 =	sand.u32 $0x1C00, s17;
	s0 =	sand.u32 $0x2000, s5;
	_ =	swait.ge [sflag:s24], $0x4000  }
0x43: {  	s17 =	sand.u32 $0x380, s17;
	s0 =	sor.u32 s0, s7;
	[sflag:s24] =	ssyncset.done $0x0  }
0x44: {  	s5 =	sor.u32 s17, s0;
	[sflag:s24] =	ssyncadd.s32 $0xFFFFC000  }
0x45: {  	v12 =	vld [tilespmem:s5+$0x4040]  }
0x46: {  	v6 =	vld [tilespmem:s5+$0x0]  }
0x47: {  	v5 =	vld [tilespmem:s5+$0x70]  }
0x48: {  	v7 =	vld [tilespmem:s5+$0x4070]  }
0x49: {  	v9 =	vld [tilespmem:s5+$0x50]  }
0x4a: {  	v8 =	vld [tilespmem:s5+$0x4000]  }
0x4b: {  	v10 =	vld [tilespmem:s5+$0x4050]  }
0x4c: {  	s0 =	simm.s32 $0x80;
	s17 =	simm.s32 $0x400;
	v11 =	vld [tilespmem:s5+$0x60]  }
0x4d: {  	s29 =	simm.s32 $0x10;
	s28 =	sand.u32 $0x2000, s0;
	s7 =	sand.u32 $0x1C00, s17;
	v21 =	vld [tilespmem:s5+$0x20]  }
0x4e: {  	s7 =	sor.u32 s28, s7;
	s28 =	sand.u32 $0x380, s29;
	v20 =	vld [tilespmem:s5+$0x4060];
	v13 =	vmul.f32 v5, v4  }
0x4f: {  	s28 =	sor.u32 s28, s7;
	v15 =	vld [tilespmem:s5+$0x40];
	v14 =	vmul.f32 $1.000000000e+01, v7;
	v17 =	vmul.f32 v7, v5  }
0x50: {  	v53 =	vld [tilespmem:s28+$0x30];
	v5 =	vmul.f32 v9, v4;
	v7 =	vmul.f32 $1.000000000e+01, v8  }
0x51: {  	v18 =	vmul.f32 $1.000000000e+01, v12;
	v19 =	vmul.f32 $1.000000000e+01, v10  }
0x52: {  	v16 =	vld [tilespmem:s5+$0x30];
	v22 =	vmul.f32 v11, v4;
	v29 =	vmul.f32 v21, v4  }
0x53: {  	v27 =	vld [tilespmem:s5+$0x4020];
	v38 =	vmul.f32 v8, v6;
	v42 =	vmul.f32 v20, v11  }
0x54: {  	v13 =	vsub.f32 v13, v14;
	v14 =	vmul.f32 v6, v4;
	v5 =	vsub.f32 v5, v19  }
0x55: {  	v58 =	vmul.f32 v53, v4;
	v19 =	vmul.f32 v15, v4  }
0x56: {  	v8 =	vld [tilespmem:s28+$0x0];
	v13 =	vand.u32 $0x7FFFFFFF, v13;
	v7 =	vsub.f32 v14, v7;
	v26 =	vand.u32 $0x7FFFFFFF, v5  }
0x57: {  	v14 =	vld [tilespmem:s5+$0x8050];
	v5 =	vmul.f32 v16, v4;
	v18 =	vsub.f32 v19, v18;
	v19 =	vmul.f32 $1.000000000e+01, v20  }
0x58: {  	v23 =	vld [tilespmem:s5+$0x8000];
	v20 =	vmul.f32 v27, v21;
	vm0 =	vlt.f32 v13, $1.000000950e+01;
	v13 =	vtrunc.f32 v13  }
0x59: {  	v24 =	vld [tilespmem:s5+$0x4030];
	v28 =	vtrunc.f32 v26;
	v13 =	vcvt.f32.s32 v13  }
0x5a: {  	v31 =	vld [tilespmem:s5+$0x8060];
	vm10 =	vlt.f32 v26, $1.000000950e+01;
	v7 =	vand.u32 $0x7FFFFFFF, v7;
	v28 =	vcvt.f32.s32 v28  }
0x5b: {  	v51 =	vmul.f32 v8, v4;
	v25 =	vtrunc.f32 v7;
	vm1 =	vlt.s32 v13, $0x9  }
0x5c: {  	vm2 =	vlt.s32 v28, $0x9;
	vm3 =	vgt.f32 v14, $0.0e+00;
	v14 =	vsub.f32 v22, v19  }
0x5d: {  	v22 =	vcvt.f32.s32 v25;
	v13 =	vnsel vm1, $0x9, v13;
	vm1 =	vgt.f32 v23, $0.0e+00  }
0x5e: {  	v23 =	vand.u32 $0x7FFFFFFF, v18;
	v18 =	vmul.f32 $1.000000000e+01, v24;
	v24 =	vmul.f32 v24, v16  }
0x5f: {  	v28 =	vnsel vm2, $0x9, v28;
	vm2 =	vgt.f32 v31, $0.0e+00;
	v30 =	vtrunc.f32 v23  }
0x60: {  	v34 =	vld [tilespmem:s5+$0x8010];
	v13 =	vshll.u32 v13, $0x4;
	vm3 =	vmmov vm3;
	vm8 =	vlt.f32 v23, $1.000000950e+01  }
0x61: {  	v19 =	vld [tilespmem:s5+$0x8070];
	v26 =	vshll.u32 v28, $0x4;
	v32 =	vand.u32 $0x7FFFFFFF, v14;
	v14 =	vmul.f32 $1.000000000e+01, v27  }
0x62: {  	v25 =	vld [tilespmem:s5+$0x10];
	v5 =	vsub.f32 v5, v18;
	v18 =	vcvt.f32.s32 v30;
	v13 =	vor.u32 v0, v13  }
0x63: {  	v30 =	vld [tilespmem:s5+$0x4010];
	vm6 =	vlt.s32 v22, $0x9;
	v27 =	vmul.f32 v10, v9;
	v26 =	vor.u32 v0, v26  }
0x64: {  	v16 =	vtrunc.f32 v32;
	v22 =	vnsel vm6, $0x9, v22;
	v13 =	vsel vm0, v13, v2  }
0x65: {  	v39 =	vld [tilespmem:s28+$0x4070];
	vm0 =	vlt.f32 v7, $1.000000950e+01;
	vm6 =	vgt.f32 v34, $0.0e+00;
	vm15 =	vlt.f32 v32, $1.000000950e+01  }
0x66: {  	v62 =	vld [tilespmem:s28+$0x8070];
	v26 =	vsel vm10, v26, v2;
	v14 =	vsub.f32 v29, v14;
	vm4 =	vlt.s32 v18, $0x9  }
0x67: {  	v31 =	vld [tilespmem:s5+$0x8020];
	v33 =	vand.u32 $0x7FFFFFFF, v5;
	vm5 =	vgt.f32 v19, $0.0e+00;
	v19 =	vmul.f32 v25, v4  }
0x68: {  	v7 =	vld [tilespmem:s5+$0x8030];
	v5 =	vshll.u32 v22, $0x4;
	v22 =	vtrunc.f32 v33;
	v35 =	vmul.f32 $1.000000000e+01, v30  }
0x69: {  	v9 =	vld [tilespmem:s28+$0x4020];
	v36 =	vadd.s32 $0xB0, v13;
	v16 =	vcvt.f32.s32 v16;
	v22 =	vcvt.f32.s32 v22  }
0x6a: {  	v29 =	vld [tilespmem:s5+$0x8040];
	v5 =	vor.u32 v0, v5;
	v18 =	vnsel vm4, $0x9, v18;
	v19 =	vsub.f32 v19, v35  }
0x6b: {  	v37 =	vsel vm0, v5, v2;
	v5 =	vld [tilespmem:s28+$0x4040];
	v18 =	vshll.u32 v18, $0x4;
	vm0 =	vlt.s32 v22, $0x9  }
0x6c: {  	v25 =	vmul.f32 v30, v25;
	v30 =	vld [tilespmem:s28+$0x8050];
	v22 =	vnsel vm0, $0x9, v22;
	v19 =	vand.u32 $0x7FFFFFFF, v19  }
0x6d: {  	vm9 =	vgt.f32 v7, $0.0e+00;
	v6 =	vshll.u32 v22, $0x4;
	[tilespmem:v13+s25+$0x0] =	vst.idx.add.f32.msk vm5, v3;
	v13 =	vtrunc.f32 v19  }
0x6e: {  	v7 =	vld [tilespmem:s28+$0x50];
	vm0 =	vlt.f32 v33, $1.000000950e+01;
	v6 =	vor.u32 v0, v6;
	v13 =	vcvt.f32.s32 v13  }
0x6f: {  	v50 =	vadd.s32 $0xB0, v37;
	[tilespmem:v26+s25+$0x0] =	vst.idx.add.f32.msk vm3, v3;
	v33 =	vsel vm0, v6, v2;
	vm0 =	vlt.s32 v16, $0x9  }
0x70: {  	v41 =	vnsel vm0, $0x9, v16;
	v16 =	vmul.f32 v12, v15;
	v12 =	vld [tilespmem:s28+$0x4050];
	vm0 =	vlt.s32 v13, $0x9  }
0x71: {  	v18 =	vor.u32 v0, v18;
	v6 =	vld [tilespmem:s28+$0x20];
	v10 =	vnsel vm0, $0x9, v13;
	v13 =	vand.u32 $0x7FFFFFFF, v14  }
0x72: {  	[tilespmem:v37+s25+$0x0] =	vst.idx.add.f32.msk vm1, v3;
	v54 =	vshll.u32 v41, $0x4;
	v10 =	vshll.u32 v10, $0x4;
	v11 =	vtrunc.f32 v13  }
0x73: {  	[tilespmem:v36+s25+$0x0] =	vst.idx.add.f32.msk vm5, v17;
	vm0 =	vlt.f32 v19, $1.000000950e+01;
	v14 =	vor.u32 v0, v10;
	v19 =	vcvt.f32.s32 v11  }
0x74: {  	v22 =	vld [tilespmem:s28+$0x70];
	v23 =	vmul.f32 v7, v4;
	v55 =	vor.u32 v0, v54;
	v21 =	vsel vm0, v14, v2  }
0x75: {  	vm11 =	vlt.f32 v13, $1.000000950e+01;
	[tilespmem:v33+s25+$0x0] =	vst.idx.add.f32.msk vm9, v3;
	v52 =	vmul.f32 $1.000000000e+01, v12;
	vm7 =	vlt.s32 v19, $0x9  }
0x76: {  	v59 =	vmul.f32 v6, v4;
	v14 =	vld [tilespmem:s28+$0x4000];
	v15 =	vadd.s32 $0xB0, v21;
	v19 =	vnsel vm7, $0x9, v19  }
0x77: {  	v10 =	vld [tilespmem:s28+$0x60];
	vm0 =	vgt.f32 v29, $0.0e+00;
	v17 =	vsub.f32 v23, v52;
	v13 =	vshll.u32 v19, $0x4  }
0x78: {  	v29 =	vld [tilespmem:s28+$0x4030];
	v23 =	vsel vm15, v55, v2;
	vm7 =	vgt.f32 v31, $0.0e+00;
	v13 =	vor.u32 v0, v13  }
0x79: {  	v11 =	vmul.f32 v39, v22;
	v31 =	vmul.f32 $1.000000000e+01, v5;
	[tilespmem:v21+s25+$0x0] =	vst.idx.add.f32.msk vm6, v3;
	v21 =	vsel vm11, v13, v2  }
0x7a: {  	v19 =	vmul.f32 v22, v4;
	v22 =	vmul.f32 $1.000000000e+01, v39;
	v17 =	vand.u32 $0x7FFFFFFF, v17;
	v13 =	vld [tilespmem:s28+$0x40]  }
0x7b: {  	v40 =	vadd.s32 $0xB0, v33;
	v60 =	vtrunc.f32 v17;
	v28 =	vmul.f32 $1.000000000e+01, v14;
	[tilespmem:v15+s25+$0x0] =	vst.idx.add.f32.msk vm6, v25  }
0x7c: {  	v19 =	vsub.f32 v19, v22;
	v61 =	vcvt.f32.s32 v60;
	v25 =	vadd.s32 $0xB0, v21;
	v15 =	vld [tilespmem:s28+$0x4060]  }
0x7d: {  	v56 =	vadd.s32 $0xB0, v23;
	v22 =	vmul.f32 v10, v4;
	[tilespmem:v23+s25+$0x0] =	vst.idx.add.f32.msk vm2, v3;
	v23 =	vmul.f32 $1.000000000e+01, v29  }
0x7e: {  	v19 =	vand.u32 $0x7FFFFFFF, v19;
	v28 =	vsub.f32 v51, v28;
	vm4 =	vlt.s32 v61, $0x9;
	[tilespmem:v21+s25+$0x0] =	vst.idx.add.f32.msk vm7, v3  }
0x7f: {  	vm6 =	vlt.f32 v19, $1.000000950e+01;
	v19 =	vtrunc.f32 v19;
	v35 =	vsub.f32 v58, v23;
	v21 =	vld [tilespmem:s28+$0x8000]  }
0x80: {  	[tilespmem:v40+s25+$0x0] =	vst.idx.add.f32.msk vm9, v24;
	v19 =	vcvt.f32.s32 v19;
	v24 =	vand.u32 $0x7FFFFFFF, v28;
	v28 =	vmul.f32 v13, v4  }
0x81: {  	v23 =	vmul.f32 $1.000000000e+01, v9;
	v57 =	vtrunc.f32 v24;
	[tilespmem:v25+s25+$0x0] =	vst.idx.add.f32.msk vm7, v20;
	v20 =	vadd.s32 $0xB0, v26  }
0x82: {  	[tilespmem:v50+s25+$0x0] =	vst.idx.add.f32.msk vm1, v38;
	vm1 =	vlt.s32 v19, $0x9;
	v28 =	vsub.f32 v28, v31;
	v31 =	vmul.f32 $1.000000000e+01, v15  }
0x83: {  	v33 =	vld [tilespmem:s28+$0x8060];
	vm7 =	vgt.f32 v30, $0.0e+00;
	v32 =	vcvt.f32.s32 v57;
	v30 =	vnsel vm1, $0x9, v19  }
0x84: {  	v22 =	vsub.f32 v22, v31;
	vm1 =	vgt.f32 v21, $0.0e+00;
	v21 =	vand.u32 $0x7FFFFFFF, v28;
	v28 =	vld [tilespmem:s28+$0x10]  }
0x85: {  	[tilespmem:v56+s25+$0x0] =	vst.idx.add.f32.msk vm2, v42;
	vm5 =	vlt.s32 v32, $0x9;
	v31 =	vsel vm8, v18, v2;
	v63 =	vtrunc.f32 v21  }
0x86: {  	v19 =	vand.u32 $0x7FFFFFFF, v22;
	v22 =	vshll.u32 v30, $0x4;
	[tilespmem:v20+s25+$0x0] =	vst.idx.add.f32.msk vm3, v27;
	v20 =	vmul.f32 v29, v53  }
0x87: {  	v25 =	vld [tilespmem:s28+$0x4010];
	v29 =	vadd.s32 $0xB0, v31;
	v30 =	vsub.f32 v59, v23;
	v18 =	vcvt.f32.s32 v63  }
0x88: {  	v26 =	vld [tilespmem:s28+$0x8020];
	vm3 =	vgt.f32 v62, $0.0e+00;
	v23 =	vnsel vm4, $0x9, v61;
	v34 =	vor.u32 v0, v22  }
0x89: {  	v22 =	vld [tilespmem:s28+$0x8040];
	v27 =	vtrunc.f32 v19;
	vm2 =	vlt.s32 v18, $0x9;
	v36 =	vmul.f32 v28, v4  }
.LBB2_3:
0x8a: {  	v32 =	vnsel vm5, $0x9, v32  }
0x8b: {  	s0 =	sadd.s32 $0x80, s0;
	v35 =	vand.u32 $0x7FFFFFFF, v35;
	vm4 =	vgt.f32 v33, $0.0e+00;
	s29 =	sadd.s32 $0x10, s29;
	s17 =	sadd.s32 $0x400, s17;
	[tilespmem:v31+s25+$0x0] =	vst.idx.add.f32.msk vm0, v3;
	vm5 =	vmmov vm7  }
0x8c: {  	v34 =	vsel vm6, v34, v2;
	s5 =	sand.u32 $0x2000, s0;
	s7 =	sand.u32 $0x1C00, s17;
	p0 =	slt.u32 s0, $0x3F80;
	v31 =	vshll.u32 v32, $0x4;
	v32 =	vld [tilespmem:s28+$0x8010];
	v33 =	vtrunc.f32 v35  }
0x8d: {  	v37 =	vmul.f32 $1.000000000e+01, v25;
	v38 =	vadd.s32 $0xB0, v34;
	s5 =	sor.u32 s5, s7;
	s7 =	sand.u32 $0x380, s29;
	v33 =	vcvt.f32.s32 v33;
	[tilespmem:v29+s25+$0x0] =	vst.idx.add.f32.msk vm0, v16  }
0x8e: {  	vm0 =	vlt.f32 v24, $1.000000950e+01;
	v16 =	vor.u32 v0, v31;
	v24 =	vmul.f32 v25, v28;
	v25 =	vld [tilespmem:s28+$0x8030];
	s28 =	sor.u32 s7, s5  }
0x8f: {  	v29 =	vsub.f32 v36, v37;
	v16 =	vsel vm0, v16, v2;
	v28 =	vld [tilespmem:s28+$0x8050];
	vm0 =	vlt.s32 v33, $0x9  }
0x90: {  	v27 =	vcvt.f32.s32 v27;
	v36 =	vadd.s32 $0xB0, v16;
	v31 =	vld [tilespmem:s28+$0x4040];
	v33 =	vnsel vm0, $0x9, v33  }
0x91: {  	v37 =	vmul.f32 v14, v8;
	v14 =	vand.u32 $0x7FFFFFFF, v29;
	v29 =	vshll.u32 v33, $0x4;
	[tilespmem:v34+s25+$0x0] =	vst.idx.add.f32.msk vm3, v3  }
0x92: {  	vm0 =	vlt.f32 v35, $1.000000950e+01;
	v33 =	vtrunc.f32 v14;
	v8 =	vld [tilespmem:s28+$0x0];
	v29 =	vor.u32 v0, v29  }
0x93: {  	v33 =	vcvt.f32.s32 v33;
	v34 =	vld [tilespmem:s28+$0x70];
	v35 =	vsel vm0, v29, v2;
	vm0 =	vlt.s32 v27, $0x9  }
0x94: {  	v39 =	vld [tilespmem:s28+$0x4070];
	v40 =	vadd.s32 $0xB0, v35;
	v41 =	vnsel vm0, $0x9, v27;
	v27 =	vmul.f32 v15, v10  }
0x95: {  	v42 =	vmul.f32 v9, v6;
	v29 =	vmul.f32 v12, v7;
	vm0 =	vlt.s32 v33, $0x9;
	v6 =	vld [tilespmem:s28+$0x20]  }
0x96: {  	vm6 =	vgt.f32 v32, $0.0e+00;
	v15 =	vand.u32 $0x7FFFFFFF, v30;
	v7 =	vnsel vm0, $0x9, v33;
	[tilespmem:v16+s25+$0x0] =	vst.idx.add.f32.msk vm1, v3  }
0x97: {  	vm9 =	vgt.f32 v25, $0.0e+00;
	v12 =	vtrunc.f32 v15;
	v10 =	vshll.u32 v7, $0x4;
	v9 =	vld [tilespmem:s28+$0x4020]  }
0x98: {  	vm0 =	vlt.f32 v14, $1.000000950e+01;
	v12 =	vcvt.f32.s32 v12;
	v14 =	vor.u32 v0, v10;
	v7 =	vld [tilespmem:s28+$0x50]  }
0x99: {  	v16 =	vmul.f32 v5, v13;
	v5 =	vmovc v31;
	v30 =	vsel vm0, v14, v2;
	v10 =	vld [tilespmem:s28+$0x60];
	v25 =	vmul.f32 v39, v34  }
0x9a: {  	vm7 =	vlt.s32 v12, $0x9;
	vm0 =	vgt.f32 v22, $0.0e+00;
	v31 =	vadd.s32 $0xB0, v30;
	v14 =	vld [tilespmem:s28+$0x4000]  }
0x9b: {  	vm8 =	vlt.f32 v21, $1.000000950e+01;
	v13 =	vnsel vm7, $0x9, v12;
	vm7 =	vgt.f32 v26, $0.0e+00;
	v22 =	vld [tilespmem:s28+$0x4030]  }
0x9c: {  	vm10 =	vlt.f32 v17, $1.000000950e+01;
	vm11 =	vlt.f32 v15, $1.000000950e+01;
	v13 =	vshll.u32 v13, $0x4;
	v12 =	vld [tilespmem:s28+$0x4050]  }
0x9d: {  	v15 =	vmul.f32 v34, v4;
	v17 =	vmul.f32 $1.000000000e+01, v39;
	v13 =	vor.u32 v0, v13;
	[tilespmem:v35+s25+$0x0] =	vst.idx.add.f32.msk vm9, v3  }
0x9e: {  	v23 =	vshll.u32 v23, $0x4;
	v26 =	vsel vm11, v13, v2;
	v21 =	vmul.f32 v7, v4;
	[tilespmem:v30+s25+$0x0] =	vst.idx.add.f32.msk vm6, v3  }
0x9f: {  	v32 =	vmul.f32 $1.000000000e+01, v5;
	v17 =	vsub.f32 v15, v17;
	v30 =	vmul.f32 $1.000000000e+01, v14;
	v13 =	vld [tilespmem:s28+$0x40]  }
0xa0: {  	v23 =	vor.u32 v0, v23;
	v33 =	vmul.f32 v10, v4;
	[tilespmem:v31+s25+$0x0] =	vst.idx.add.f32.msk vm6, v24;
	v31 =	vadd.s32 $0xB0, v26  }
0xa1: {  	v17 =	vand.u32 $0x7FFFFFFF, v17;
	v24 =	vmul.f32 v8, v4;
	v34 =	vmul.f32 $1.000000000e+01, v12;
	v15 =	vld [tilespmem:s28+$0x4060]  }
0xa2: {  	v35 =	vshll.u32 v41, $0x4;
	vm6 =	vlt.f32 v17, $1.000000950e+01;
	v17 =	vtrunc.f32 v17;
	v39 =	vld [tilespmem:s28+$0x30]  }
0xa3: {  	vm11 =	vlt.f32 v19, $1.000000950e+01;
	v19 =	vor.u32 v0, v35;
	v24 =	vsub.f32 v24, v30;
	[tilespmem:v38+s25+$0x0] =	vst.idx.add.f32.msk vm3, v11  }
0xa4: {  	v19 =	vsel vm11, v19, v2;
	v30 =	vcvt.f32.s32 v17;
	v21 =	vsub.f32 v21, v34;
	[tilespmem:v40+s25+$0x0] =	vst.idx.add.f32.msk vm9, v20  }
0xa5: {  	v11 =	vmovc v25;
	v24 =	vand.u32 $0x7FFFFFFF, v24;
	v20 =	vmul.f32 v13, v4;
	[tilespmem:v36+s25+$0x0] =	vst.idx.add.f32.msk vm1, v37;
	v36 =	vadd.s32 $0xB0, v19  }
0xa6: {  	v18 =	vnsel vm2, $0x9, v18;
	v34 =	vtrunc.f32 v24;
	v17 =	vand.u32 $0x7FFFFFFF, v21;
	[tilespmem:v26+s25+$0x0] =	vst.idx.add.f32.msk vm7, v3  }
0xa7: {  	v23 =	vsel vm10, v23, v2;
	v20 =	vsub.f32 v20, v32;
	v21 =	vld [tilespmem:s28+$0x8000];
	v26 =	vmul.f32 v39, v4  }
0xa8: {  	v38 =	vadd.s32 $0xB0, v23;
	v37 =	vmul.f32 v6, v4;
	v32 =	vmul.f32 $1.000000000e+01, v15;
	[tilespmem:v31+s25+$0x0] =	vst.idx.add.f32.msk vm7, v42  }
0xa9: {  	v18 =	vshll.u32 v18, $0x4;
	vm1 =	vlt.s32 v30, $0x9;
	v31 =	vtrunc.f32 v17;
	v25 =	vld [tilespmem:s28+$0x4010]  }
0xaa: {  	vm7 =	vgt.f32 v28, $0.0e+00;
	v40 =	vcvt.f32.s32 v31;
	v31 =	vsub.f32 v33, v32;
	v41 =	vld [tilespmem:s28+$0x8070]  }
0xab: {  	v18 =	vor.u32 v0, v18;
	v30 =	vnsel vm1, $0x9, v30;
	v32 =	vcvt.f32.s32 v34;
	[tilespmem:v19+s25+$0x0] =	vst.idx.add.f32.msk vm4, v3  }
0xac: {  	v34 =	vmul.f32 $1.000000000e+01, v22;
	vm1 =	vgt.f32 v21, $0.0e+00;
	v21 =	vand.u32 $0x7FFFFFFF, v20;
	v33 =	vld [tilespmem:s28+$0x8060]  }
0xad: {  	vm9 =	vlt.s32 v40, $0x9;
	v19 =	vand.u32 $0x7FFFFFFF, v31;
	v28 =	vld [tilespmem:s28+$0x10];
	v20 =	vtrunc.f32 v21  }
.Ltmp0:
0xae: {  	v35 =	vsub.f32 v26, v34;
	v26 =	vshll.u32 v30, $0x4;
	v31 =	vsel vm8, v18, v2;
	[tilespmem:v23+s25+$0x0] =	vst.idx.add.f32.msk vm5, v3;
	(pc) =	sbr.rel @p0 .LBB2_3-.Ltmp0, $4  }
0xaf: {  	v34 =	vor.u32 v0, v26;
	v23 =	vmul.f32 $1.000000000e+01, v9;
	v18 =	vcvt.f32.s32 v20;
	[tilespmem:v38+s25+$0x0] =	vst.idx.add.f32.msk vm5, v29  }
0xb0: {  	v20 =	vmul.f32 v22, v39;
	vm5 =	vlt.s32 v32, $0x9;
	v29 =	vadd.s32 $0xB0, v31;
	[tilespmem:v36+s25+$0x0] =	vst.idx.add.f32.msk vm4, v27  }
0xb1: {  	vm3 =	vgt.f32 v41, $0.0e+00;
	v30 =	vsub.f32 v37, v23;
	v27 =	vtrunc.f32 v19;
	v22 =	vld [tilespmem:s28+$0x8040]  }
0xb2: {  	vm2 =	vlt.s32 v18, $0x9;
	v23 =	vnsel vm9, $0x9, v40;
	v36 =	vmul.f32 v28, v4;
	v26 =	vld [tilespmem:s28+$0x8020]  }
0xb3: {  	v37 =	vmul.f32 $1.000000000e+01, v25  }
0xb4: {  	v35 =	vand.u32 $0x7FFFFFFF, v35;
	v32 =	vnsel vm5, $0x9, v32;
	vm4 =	vgt.f32 v33, $0.0e+00  }
0xb5: {  	vm5 =	vmmov vm7;
	v34 =	vsel vm6, v34, v2;
	v36 =	vsub.f32 v36, v37  }
0xb6: {  	v30 =	vand.u32 $0x7FFFFFFF, v30;
	v25 =	vmul.f32 v25, v28;
	v38 =	vtrunc.f32 v35  }
0xb7: {  	v27 =	vcvt.f32.s32 v27;
	v38 =	vcvt.f32.s32 v38;
	v36 =	vand.u32 $0x7FFFFFFF, v36  }
0xb8: {  	v32 =	vshll.u32 v32, $0x4;
	v56 =	vadd.s32 $0xB0, v34;
	v40 =	vtrunc.f32 v36  }
0xb9: {  	v55 =	vld [tilespmem:s28+$0x8010];
	vm7 =	vlt.f32 v35, $1.000000950e+01;
	vm6 =	vlt.s32 v38, $0x9;
	v57 =	vcvt.f32.s32 v40  }
0xba: {  	v32 =	vor.u32 v0, v32;
	v38 =	vnsel vm6, $0x9, v38;
	vm6 =	vlt.f32 v24, $1.000000950e+01  }
0xbb: {  	v39 =	vld [tilespmem:s28+$0x8030];
	v60 =	vtrunc.f32 v30;
	v32 =	vsel vm6, v32, v2;
	vm6 =	vlt.s32 v57, $0x9  }
0xbc: {  	v35 =	vcvt.f32.s32 v60;
	v24 =	vshll.u32 v38, $0x4;
	v58 =	vnsel vm6, $0x9, v57  }
0xbd: {  	vm8 =	vlt.f32 v36, $1.000000950e+01;
	v24 =	vor.u32 v0, v24;
	v59 =	vshll.u32 v58, $0x4  }
0xbe: {  	[tilespmem:v31+s25+$0x0] =	vst.idx.add.f32.msk vm0, v3;
	v24 =	vsel vm7, v24, v2;
	vm7 =	vgt.f32 v55, $0.0e+00;
	v33 =	vor.u32 v0, v59  }
0xbf: {  	v8 =	vmul.f32 v14, v8;
	[tilespmem:v29+s25+$0x0] =	vst.idx.add.f32.msk vm0, v16;
	vm0 =	vlt.s32 v35, $0x9;
	v28 =	vsel vm8, v33, v2  }
0xc0: {  	v14 =	vnsel vm0, $0x9, v35;
	vm6 =	vgt.f32 v39, $0.0e+00;
	v29 =	vadd.s32 $0xB0, v28  }
0xc1: {  	v23 =	vshll.u32 v23, $0x4;
	[tilespmem:v34+s25+$0x0] =	vst.idx.add.f32.msk vm3, v3;
	vm0 =	vgt.f32 v26, $0.0e+00;
	v14 =	vshll.u32 v14, $0x4  }
0xc2: {  	[tilespmem:v56+s25+$0x0] =	vst.idx.add.f32.msk vm3, v11;
	v16 =	vadd.s32 $0xB0, v32;
	v14 =	vor.u32 v0, v14;
	vm8 =	vlt.s32 v27, $0x9  }
0xc3: {  	v31 =	vadd.s32 $0xB0, v24;
	[tilespmem:v32+s25+$0x0] =	vst.idx.add.f32.msk vm1, v3;
	v27 =	vnsel vm8, $0x9, v27;
	vm8 =	vlt.f32 v30, $1.000000950e+01  }
0xc4: {  	v6 =	vmul.f32 v9, v6;
	v9 =	vnsel vm2, $0x9, v18;
	v14 =	vsel vm8, v14, v2;
	[tilespmem:v28+s25+$0x0] =	vst.idx.add.f32.msk vm7, v3  }
0xc5: {  	vm8 =	vlt.f32 v17, $1.000000950e+01;
	v17 =	vor.u32 v0, v23;
	[tilespmem:v29+s25+$0x0] =	vst.idx.add.f32.msk vm7, v25;
	v25 =	vadd.s32 $0xB0, v14  }
0xc6: {  	v9 =	vshll.u32 v9, $0x4;
	[tilespmem:v24+s25+$0x0] =	vst.idx.add.f32.msk vm6, v3;
	v24 =	vshll.u32 v27, $0x4;
	v17 =	vsel vm8, v17, v2  }
0xc7: {  	[tilespmem:v16+s25+$0x0] =	vst.idx.add.f32.msk vm1, v8;
	v8 =	vadd.s32 $0xB0, v17;
	vm7 =	vlt.f32 v19, $1.000000950e+01;
	v19 =	vor.u32 v0, v24  }
0xc8: {  	v9 =	vor.u32 v0, v9;
	[tilespmem:v31+s25+$0x0] =	vst.idx.add.f32.msk vm6, v20;
	v11 =	vsel vm7, v19, v2  }
0xc9: {  	vm2 =	vgt.f32 v22, $0.0e+00;
	vm1 =	vlt.f32 v21, $1.000000950e+01;
	[tilespmem:v14+s25+$0x0] =	vst.idx.add.f32.msk vm0, v3;
	v16 =	vadd.s32 $0xB0, v11  }
0xca: {  	v7 =	vmul.f32 v12, v7;
	[tilespmem:v25+s25+$0x0] =	vst.idx.add.f32.msk vm0, v6;
	v6 =	vsel vm1, v9, v2  }
0xcb: {  	[tilespmem:v17+s25+$0x0] =	vst.idx.add.f32.msk vm5, v3;
	v9 =	vadd.s32 $0xB0, v6  }
0xcc: {  	v10 =	vmul.f32 v15, v10;
	[tilespmem:v8+s25+$0x0] =	vst.idx.add.f32.msk vm5, v7  }
0xcd: {  	[tilespmem:v11+s25+$0x0] =	vst.idx.add.f32.msk vm4, v3  }
0xce: {  	v5 =	vmul.f32 v5, v13;
	s0 =	sadd.s32 s3, s11;
	[tilespmem:v16+s25+$0x0] =	vst.idx.add.f32.msk vm4, v10  }
0xcf: {  	s0 =	sshll.u32 s0, $0x7;
	[tilespmem:v6+s25+$0x0] =	vst.idx.add.f32.msk vm2, v3  }
0xd0: {  	s5 =	simm.s32 $0x0;
	s17 =	sadd.s32 s1, s0;
	[tilespmem:v9+s25+$0x0] =	vst.idx.add.f32.msk vm2, v5  }
0xd1: {  	[tilespmem:s5], [sflag:$0x1] =	stream.linear.gather [hbm4b:s17+s5], $0x4000, $0x38;
	[tilespmem:$0x18200] =	vst v63  }
0xd2: {  	s29 =	sadd.s32 s2, s0  }
0xd3: {  	[tilespmem:s19], [sflag:$0x1] =	stream.linear.gather [hbm4b:s29+s5], $0x4000, $0x38;
	[tilespmem:$0x18200] =	vst v63  }
0xd4: {  	s0 =	sadd.s32 s4, s0  }
0xd5: {  	[tilespmem:s20], [sflag:$0x1] =	stream.linear.gather [hbm4b:s0+s5], $0x4000, $0x38;
	[tilespmem:$0x18200] =	vst v63  }
0xd6: {  	_ =	swait.ge [sflag:s26], $0x4000  }
0xd7: {  	[sflag:s26] =	ssyncset.done $0x0  }
0xd8: {  	[sflag:s26] =	ssyncadd.s32 $0xFFFFC000  }
0xd9: {  	_ =	swait.ge [sflag:s26], $0x4000  }
0xda: {  	[sflag:s26] =	ssyncset.done $0x0  }
0xdb: {  	s3 =	simm.s32 $0x0;
	[sflag:s26] =	ssyncadd.s32 $0xFFFFC000  }
0xdc: {  	s7 =	sand.u32 $0x1C00, s5;
	s0 =	sand.u32 $0x2000, s3;
	_ =	swait.ge [sflag:s26], $0x4000  }
0xdd: {  	s17 =	sand.u32 $0x380, s5;
	s0 =	sor.u32 s0, s7;
	[sflag:s26] =	ssyncset.done $0x0  }
0xde: {  	s5 =	sor.u32 s17, s0;
	[sflag:s26] =	ssyncadd.s32 $0xFFFFC000  }
0xdf: {  	v12 =	vld [tilespmem:s5+$0x10040]  }
0xe0: {  	v6 =	vld [tilespmem:s5+$0xC000]  }
0xe1: {  	v5 =	vld [tilespmem:s5+$0xC070]  }
0xe2: {  	v7 =	vld [tilespmem:s5+$0x10070]  }
0xe3: {  	v9 =	vld [tilespmem:s5+$0xC050]  }
0xe4: {  	v8 =	vld [tilespmem:s5+$0x10000]  }
0xe5: {  	v10 =	vld [tilespmem:s5+$0x10050]  }
0xe6: {  	s3 =	simm.s32 $0x400;
	s0 =	simm.s32 $0x80;
	v11 =	vld [tilespmem:s5+$0xC060]  }
0xe7: {  	s28 =	simm.s32 $0x10;
	s17 =	sand.u32 $0x1C00, s3;
	s7 =	sand.u32 $0x2000, s0;
	v21 =	vld [tilespmem:s5+$0xC020]  }
0xe8: {  	s29 =	sand.u32 $0x380, s28;
	s7 =	sor.u32 s7, s17;
	v20 =	vld [tilespmem:s5+$0x10060];
	v13 =	vmul.f32 v5, v4  }
0xe9: {  	s17 =	sor.u32 s29, s7;
	v15 =	vld [tilespmem:s5+$0xC040];
	v14 =	vmul.f32 $1.000000000e+01, v7;
	v17 =	vmul.f32 v7, v5  }
0xea: {  	v53 =	vld [tilespmem:s17+$0xC030];
	v5 =	vmul.f32 v9, v4;
	v7 =	vmul.f32 $1.000000000e+01, v8  }
0xeb: {  	v18 =	vmul.f32 $1.000000000e+01, v12;
	v19 =	vmul.f32 $1.000000000e+01, v10  }
0xec: {  	v16 =	vld [tilespmem:s5+$0xC030];
	v22 =	vmul.f32 v11, v4;
	v29 =	vmul.f32 v21, v4  }
0xed: {  	v27 =	vld [tilespmem:s5+$0x10020];
	v48 =	vmul.f32 v8, v6;
	v42 =	vmul.f32 v20, v11  }
0xee: {  	v13 =	vsub.f32 v13, v14;
	v14 =	vmul.f32 v6, v4;
	v5 =	vsub.f32 v5, v19  }
0xef: {  	v58 =	vmul.f32 v53, v4;
	v19 =	vmul.f32 v15, v4  }
0xf0: {  	v8 =	vld [tilespmem:s17+$0xC000];
	v13 =	vand.u32 $0x7FFFFFFF, v13;
	v7 =	vsub.f32 v14, v7;
	v26 =	vand.u32 $0x7FFFFFFF, v5  }
0xf1: {  	v14 =	vld [tilespmem:s5+$0x14050];
	v5 =	vmul.f32 v16, v4;
	v18 =	vsub.f32 v19, v18;
	v19 =	vmul.f32 $1.000000000e+01, v20  }
0xf2: {  	v23 =	vld [tilespmem:s5+$0x14000];
	v20 =	vmul.f32 v27, v21;
	vm0 =	vlt.f32 v13, $1.000000950e+01;
	v13 =	vtrunc.f32 v13  }
0xf3: {  	v24 =	vld [tilespmem:s5+$0x10030];
	v28 =	vtrunc.f32 v26;
	v13 =	vcvt.f32.s32 v13  }
0xf4: {  	v31 =	vld [tilespmem:s5+$0x14060];
	vm10 =	vlt.f32 v26, $1.000000950e+01;
	v7 =	vand.u32 $0x7FFFFFFF, v7;
	v28 =	vcvt.f32.s32 v28  }
0xf5: {  	v51 =	vmul.f32 v8, v4;
	v25 =	vtrunc.f32 v7;
	vm1 =	vlt.s32 v13, $0x9  }
0xf6: {  	vm2 =	vlt.s32 v28, $0x9;
	vm3 =	vgt.f32 v14, $0.0e+00;
	v14 =	vsub.f32 v22, v19  }
0xf7: {  	v22 =	vcvt.f32.s32 v25;
	v13 =	vnsel vm1, $0x9, v13;
	vm1 =	vgt.f32 v23, $0.0e+00  }
0xf8: {  	v23 =	vand.u32 $0x7FFFFFFF, v18;
	v18 =	vmul.f32 $1.000000000e+01, v24;
	v24 =	vmul.f32 v24, v16  }
0xf9: {  	v28 =	vnsel vm2, $0x9, v28;
	vm2 =	vgt.f32 v31, $0.0e+00;
	v30 =	vtrunc.f32 v23  }
0xfa: {  	v63 =	vld [tilespmem:s5+$0x14010];
	v13 =	vshll.u32 v13, $0x4;
	vm3 =	vmmov vm3;
	vm8 =	vlt.f32 v23, $1.000000950e+01  }
0xfb: {  	v19 =	vld [tilespmem:s5+$0x14070];
	v26 =	vshll.u32 v28, $0x4;
	v61 =	vand.u32 $0x7FFFFFFF, v14;
	v14 =	vmul.f32 $1.000000000e+01, v27  }
0xfc: {  	v25 =	vld [tilespmem:s5+$0xC010];
	v5 =	vsub.f32 v5, v18;
	v18 =	vcvt.f32.s32 v30;
	v13 =	vor.u32 v0, v13  }
0xfd: {  	v30 =	vld [tilespmem:s5+$0x10010];
	vm6 =	vlt.s32 v22, $0x9;
	v27 =	vmul.f32 v10, v9;
	v26 =	vor.u32 v0, v26  }
0xfe: {  	v16 =	vtrunc.f32 v61;
	v22 =	vnsel vm6, $0x9, v22;
	v13 =	vsel vm0, v13, v2  }
0xff: {  	v49 =	vld [tilespmem:s17+$0x10070];
	vm0 =	vlt.f32 v7, $1.000000950e+01;
	vm6 =	vgt.f32 v63, $0.0e+00;
	vm15 =	vlt.f32 v61, $1.000000950e+01  }
0x100: {  	v31 =	vld [tilespmem:s5+$0x14020];
	v26 =	vsel vm10, v26, v2;
	v14 =	vsub.f32 v29, v14;
	vm4 =	vlt.s32 v18, $0x9  }
0x101: {  	v7 =	vld [tilespmem:s5+$0x14030];
	v62 =	vand.u32 $0x7FFFFFFF, v5;
	vm5 =	vgt.f32 v19, $0.0e+00;
	v19 =	vmul.f32 v25, v4  }
0x102: {  	v9 =	vld [tilespmem:s17+$0x10020];
	v5 =	vshll.u32 v22, $0x4;
	v22 =	vtrunc.f32 v62;
	v44 =	vmul.f32 $1.000000000e+01, v30  }
0x103: {  	v29 =	vld [tilespmem:s5+$0x14040];
	v45 =	vadd.s32 $0xB0, v13;
	v5 =	vor.u32 v0, v5;
	v22 =	vcvt.f32.s32 v22  }
0x104: {  	v16 =	vcvt.f32.s32 v16;
	v46 =	vsel vm0, v5, v2;
	v5 =	vld [tilespmem:s17+$0x10040];
	v19 =	vsub.f32 v19, v44  }
0x105: {  	v18 =	vnsel vm4, $0x9, v18;
	v25 =	vmul.f32 v30, v25;
	v30 =	vld [tilespmem:s17+$0x14050];
	vm0 =	vlt.s32 v22, $0x9  }
0x106: {  	vm9 =	vgt.f32 v7, $0.0e+00;
	v7 =	vld [tilespmem:s17+$0xC050];
	v22 =	vnsel vm0, $0x9, v22;
	v19 =	vand.u32 $0x7FFFFFFF, v19  }
0x107: {  	v18 =	vshll.u32 v18, $0x4;
	v6 =	vshll.u32 v22, $0x4;
	[tilespmem:v13+s25+$0x0] =	vst.idx.add.f32.msk vm5, v3;
	v13 =	vtrunc.f32 v19  }
0x108: {  	[tilespmem:v26+s25+$0x0] =	vst.idx.add.f32.msk vm3, v3;
	vm0 =	vlt.f32 v62, $1.000000950e+01;
	v6 =	vor.u32 v0, v6;
	v13 =	vcvt.f32.s32 v13  }
0x109: {  	v47 =	vadd.s32 $0xB0, v46;
	v62 =	vld [tilespmem:s17+$0x14070];
	v33 =	vsel vm0, v6, v2;
	vm0 =	vlt.s32 v16, $0x9  }
0x10a: {  	v41 =	vnsel vm0, $0x9, v16;
	v16 =	vmul.f32 v12, v15;
	v12 =	vld [tilespmem:s17+$0x10050];
	vm0 =	vlt.s32 v13, $0x9  }
0x10b: {  	v18 =	vor.u32 v0, v18;
	v6 =	vld [tilespmem:s17+$0xC020];
	v10 =	vnsel vm0, $0x9, v13;
	v13 =	vand.u32 $0x7FFFFFFF, v14  }
0x10c: {  	[tilespmem:v46+s25+$0x0] =	vst.idx.add.f32.msk vm1, v3;
	v54 =	vshll.u32 v41, $0x4;
	v10 =	vshll.u32 v10, $0x4;
	v11 =	vtrunc.f32 v13  }
0x10d: {  	[tilespmem:v45+s25+$0x0] =	vst.idx.add.f32.msk vm5, v17;
	vm0 =	vlt.f32 v19, $1.000000950e+01;
	v14 =	vor.u32 v0, v10;
	v19 =	vcvt.f32.s32 v11  }
0x10e: {  	v22 =	vld [tilespmem:s17+$0xC070];
	v23 =	vmul.f32 v7, v4;
	v55 =	vor.u32 v0, v54;
	v21 =	vsel vm0, v14, v2  }
0x10f: {  	vm11 =	vlt.f32 v13, $1.000000950e+01;
	[tilespmem:v33+s25+$0x0] =	vst.idx.add.f32.msk vm9, v3;
	v52 =	vmul.f32 $1.000000000e+01, v12;
	vm7 =	vlt.s32 v19, $0x9  }
0x110: {  	v59 =	vmul.f32 v6, v4;
	v14 =	vld [tilespmem:s17+$0x10000];
	v15 =	vadd.s32 $0xB0, v21;
	v19 =	vnsel vm7, $0x9, v19  }
0x111: {  	v10 =	vld [tilespmem:s17+$0xC060];
	vm0 =	vgt.f32 v29, $0.0e+00;
	v17 =	vsub.f32 v23, v52;
	v13 =	vshll.u32 v19, $0x4  }
0x112: {  	v29 =	vld [tilespmem:s17+$0x10030];
	v23 =	vsel vm15, v55, v2;
	vm7 =	vgt.f32 v31, $0.0e+00;
	v13 =	vor.u32 v0, v13  }
0x113: {  	v11 =	vmul.f32 v49, v22;
	v31 =	vmul.f32 $1.000000000e+01, v5;
	[tilespmem:v21+s25+$0x0] =	vst.idx.add.f32.msk vm6, v3;
	v21 =	vsel vm11, v13, v2  }
0x114: {  	v19 =	vmul.f32 v22, v4;
	v22 =	vmul.f32 $1.000000000e+01, v49;
	v17 =	vand.u32 $0x7FFFFFFF, v17;
	v13 =	vld [tilespmem:s17+$0xC040]  }
0x115: {  	v50 =	vadd.s32 $0xB0, v33;
	v60 =	vtrunc.f32 v17;
	v28 =	vmul.f32 $1.000000000e+01, v14;
	[tilespmem:v15+s25+$0x0] =	vst.idx.add.f32.msk vm6, v25  }
0x116: {  	v19 =	vsub.f32 v19, v22;
	v61 =	vcvt.f32.s32 v60;
	v25 =	vadd.s32 $0xB0, v21;
	v15 =	vld [tilespmem:s17+$0x10060]  }
0x117: {  	v56 =	vadd.s32 $0xB0, v23;
	v22 =	vmul.f32 v10, v4;
	[tilespmem:v23+s25+$0x0] =	vst.idx.add.f32.msk vm2, v3;
	v23 =	vmul.f32 $1.000000000e+01, v29  }
0x118: {  	v19 =	vand.u32 $0x7FFFFFFF, v19;
	v28 =	vsub.f32 v51, v28;
	vm4 =	vlt.s32 v61, $0x9;
	[tilespmem:v21+s25+$0x0] =	vst.idx.add.f32.msk vm7, v3  }
0x119: {  	vm6 =	vlt.f32 v19, $1.000000950e+01;
	v19 =	vtrunc.f32 v19;
	v35 =	vsub.f32 v58, v23;
	v21 =	vld [tilespmem:s17+$0x14000]  }
0x11a: {  	[tilespmem:v50+s25+$0x0] =	vst.idx.add.f32.msk vm9, v24;
	v19 =	vcvt.f32.s32 v19;
	v24 =	vand.u32 $0x7FFFFFFF, v28;
	v28 =	vmul.f32 v13, v4  }
0x11b: {  	v23 =	vmul.f32 $1.000000000e+01, v9;
	v57 =	vtrunc.f32 v24;
	[tilespmem:v25+s25+$0x0] =	vst.idx.add.f32.msk vm7, v20;
	v20 =	vadd.s32 $0xB0, v26  }
0x11c: {  	[tilespmem:v47+s25+$0x0] =	vst.idx.add.f32.msk vm1, v48;
	vm1 =	vlt.s32 v19, $0x9;
	v28 =	vsub.f32 v28, v31;
	v31 =	vmul.f32 $1.000000000e+01, v15  }
0x11d: {  	v33 =	vld [tilespmem:s17+$0x14060];
	vm7 =	vgt.f32 v30, $0.0e+00;
	v32 =	vcvt.f32.s32 v57;
	v30 =	vnsel vm1, $0x9, v19  }
0x11e: {  	v22 =	vsub.f32 v22, v31;
	vm1 =	vgt.f32 v21, $0.0e+00;
	v21 =	vand.u32 $0x7FFFFFFF, v28;
	v28 =	vld [tilespmem:s17+$0xC010]  }
0x11f: {  	[tilespmem:v56+s25+$0x0] =	vst.idx.add.f32.msk vm2, v42;
	vm5 =	vlt.s32 v32, $0x9;
	v31 =	vsel vm8, v18, v2;
	v63 =	vtrunc.f32 v21  }
0x120: {  	v19 =	vand.u32 $0x7FFFFFFF, v22;
	v22 =	vshll.u32 v30, $0x4;
	[tilespmem:v20+s25+$0x0] =	vst.idx.add.f32.msk vm3, v27;
	v20 =	vmul.f32 v29, v53  }
0x121: {  	v25 =	vld [tilespmem:s17+$0x10010];
	v29 =	vadd.s32 $0xB0, v31;
	v30 =	vsub.f32 v59, v23;
	v18 =	vcvt.f32.s32 v63  }
0x122: {  	v26 =	vld [tilespmem:s17+$0x14020];
	vm3 =	vgt.f32 v62, $0.0e+00;
	v23 =	vnsel vm4, $0x9, v61;
	v34 =	vor.u32 v0, v22  }
0x123: {  	v22 =	vld [tilespmem:s17+$0x14040];
	v27 =	vtrunc.f32 v19;
	vm2 =	vlt.s32 v18, $0x9;
	v36 =	vmul.f32 v28, v4  }
.LBB2_5:
0x124: {  	v32 =	vnsel vm5, $0x9, v32  }
0x125: {  	s0 =	sadd.s32 $0x80, s0;
	v35 =	vand.u32 $0x7FFFFFFF, v35;
	vm4 =	vgt.f32 v33, $0.0e+00;
	s28 =	sadd.s32 $0x10, s28;
	s3 =	sadd.s32 $0x400, s3;
	[tilespmem:v31+s25+$0x0] =	vst.idx.add.f32.msk vm0, v3;
	vm5 =	vmmov vm7  }
0x126: {  	v34 =	vsel vm6, v34, v2;
	s5 =	sand.u32 $0x2000, s0;
	s7 =	sand.u32 $0x1C00, s3;
	p0 =	slt.u32 s0, $0x3F80;
	v31 =	vshll.u32 v32, $0x4;
	v32 =	vld [tilespmem:s17+$0x14010];
	v33 =	vtrunc.f32 v35  }
0x127: {  	v37 =	vmul.f32 $1.000000000e+01, v25;
	v38 =	vadd.s32 $0xB0, v34;
	s5 =	sor.u32 s5, s7;
	s7 =	sand.u32 $0x380, s28;
	v33 =	vcvt.f32.s32 v33;
	[tilespmem:v29+s25+$0x0] =	vst.idx.add.f32.msk vm0, v16  }
0x128: {  	vm0 =	vlt.f32 v24, $1.000000950e+01;
	v16 =	vor.u32 v0, v31;
	v24 =	vmul.f32 v25, v28;
	v25 =	vld [tilespmem:s17+$0x14030];
	s17 =	sor.u32 s7, s5  }
0x129: {  	v29 =	vsub.f32 v36, v37;
	v16 =	vsel vm0, v16, v2;
	v28 =	vld [tilespmem:s17+$0x14050];
	vm0 =	vlt.s32 v33, $0x9  }
0x12a: {  	v27 =	vcvt.f32.s32 v27;
	v36 =	vadd.s32 $0xB0, v16;
	v31 =	vld [tilespmem:s17+$0x10040];
	v33 =	vnsel vm0, $0x9, v33  }
0x12b: {  	v37 =	vmul.f32 v14, v8;
	v14 =	vand.u32 $0x7FFFFFFF, v29;
	v29 =	vshll.u32 v33, $0x4;
	[tilespmem:v34+s25+$0x0] =	vst.idx.add.f32.msk vm3, v3  }
0x12c: {  	vm0 =	vlt.f32 v35, $1.000000950e+01;
	v33 =	vtrunc.f32 v14;
	v8 =	vld [tilespmem:s17+$0xC000];
	v29 =	vor.u32 v0, v29  }
0x12d: {  	v33 =	vcvt.f32.s32 v33;
	v34 =	vld [tilespmem:s17+$0xC070];
	v35 =	vsel vm0, v29, v2;
	vm0 =	vlt.s32 v27, $0x9  }
0x12e: {  	v39 =	vld [tilespmem:s17+$0x10070];
	v40 =	vadd.s32 $0xB0, v35;
	v41 =	vnsel vm0, $0x9, v27;
	v27 =	vmul.f32 v15, v10  }
0x12f: {  	v42 =	vmul.f32 v9, v6;
	v29 =	vmul.f32 v12, v7;
	vm0 =	vlt.s32 v33, $0x9;
	v6 =	vld [tilespmem:s17+$0xC020]  }
0x130: {  	vm6 =	vgt.f32 v32, $0.0e+00;
	v15 =	vand.u32 $0x7FFFFFFF, v30;
	v7 =	vnsel vm0, $0x9, v33;
	[tilespmem:v16+s25+$0x0] =	vst.idx.add.f32.msk vm1, v3  }
0x131: {  	vm9 =	vgt.f32 v25, $0.0e+00;
	v12 =	vtrunc.f32 v15;
	v10 =	vshll.u32 v7, $0x4;
	v9 =	vld [tilespmem:s17+$0x10020]  }
0x132: {  	vm0 =	vlt.f32 v14, $1.000000950e+01;
	v12 =	vcvt.f32.s32 v12;
	v14 =	vor.u32 v0, v10;
	v7 =	vld [tilespmem:s17+$0xC050]  }
0x133: {  	v16 =	vmul.f32 v5, v13;
	v5 =	vmovc v31;
	v30 =	vsel vm0, v14, v2;
	v10 =	vld [tilespmem:s17+$0xC060];
	v25 =	vmul.f32 v39, v34  }
0x134: {  	vm7 =	vlt.s32 v12, $0x9;
	vm0 =	vgt.f32 v22, $0.0e+00;
	v31 =	vadd.s32 $0xB0, v30;
	v14 =	vld [tilespmem:s17+$0x10000]  }
0x135: {  	vm8 =	vlt.f32 v21, $1.000000950e+01;
	v13 =	vnsel vm7, $0x9, v12;
	vm7 =	vgt.f32 v26, $0.0e+00;
	v22 =	vld [tilespmem:s17+$0x10030]  }
0x136: {  	vm10 =	vlt.f32 v17, $1.000000950e+01;
	vm11 =	vlt.f32 v15, $1.000000950e+01;
	v13 =	vshll.u32 v13, $0x4;
	v12 =	vld [tilespmem:s17+$0x10050]  }
0x137: {  	v15 =	vmul.f32 v34, v4;
	v17 =	vmul.f32 $1.000000000e+01, v39;
	v13 =	vor.u32 v0, v13;
	[tilespmem:v35+s25+$0x0] =	vst.idx.add.f32.msk vm9, v3  }
0x138: {  	v23 =	vshll.u32 v23, $0x4;
	v26 =	vsel vm11, v13, v2;
	v21 =	vmul.f32 v7, v4;
	[tilespmem:v30+s25+$0x0] =	vst.idx.add.f32.msk vm6, v3  }
0x139: {  	v32 =	vmul.f32 $1.000000000e+01, v5;
	v17 =	vsub.f32 v15, v17;
	v30 =	vmul.f32 $1.000000000e+01, v14;
	v13 =	vld [tilespmem:s17+$0xC040]  }
0x13a: {  	v23 =	vor.u32 v0, v23;
	v33 =	vmul.f32 v10, v4;
	[tilespmem:v31+s25+$0x0] =	vst.idx.add.f32.msk vm6, v24;
	v31 =	vadd.s32 $0xB0, v26  }
0x13b: {  	v17 =	vand.u32 $0x7FFFFFFF, v17;
	v24 =	vmul.f32 v8, v4;
	v34 =	vmul.f32 $1.000000000e+01, v12;
	v15 =	vld [tilespmem:s17+$0x10060]  }
0x13c: {  	v35 =	vshll.u32 v41, $0x4;
	vm6 =	vlt.f32 v17, $1.000000950e+01;
	v17 =	vtrunc.f32 v17;
	v39 =	vld [tilespmem:s17+$0xC030]  }
0x13d: {  	vm11 =	vlt.f32 v19, $1.000000950e+01;
	v19 =	vor.u32 v0, v35;
	v24 =	vsub.f32 v24, v30;
	[tilespmem:v38+s25+$0x0] =	vst.idx.add.f32.msk vm3, v11  }
0x13e: {  	v19 =	vsel vm11, v19, v2;
	v30 =	vcvt.f32.s32 v17;
	v21 =	vsub.f32 v21, v34;
	[tilespmem:v40+s25+$0x0] =	vst.idx.add.f32.msk vm9, v20  }
0x13f: {  	v11 =	vmovc v25;
	v24 =	vand.u32 $0x7FFFFFFF, v24;
	v20 =	vmul.f32 v13, v4;
	[tilespmem:v36+s25+$0x0] =	vst.idx.add.f32.msk vm1, v37;
	v36 =	vadd.s32 $0xB0, v19  }
0x140: {  	v18 =	vnsel vm2, $0x9, v18;
	v34 =	vtrunc.f32 v24;
	v17 =	vand.u32 $0x7FFFFFFF, v21;
	[tilespmem:v26+s25+$0x0] =	vst.idx.add.f32.msk vm7, v3  }
0x141: {  	v23 =	vsel vm10, v23, v2;
	v20 =	vsub.f32 v20, v32;
	v21 =	vld [tilespmem:s17+$0x14000];
	v26 =	vmul.f32 v39, v4  }
0x142: {  	v38 =	vadd.s32 $0xB0, v23;
	v37 =	vmul.f32 v6, v4;
	v32 =	vmul.f32 $1.000000000e+01, v15;
	[tilespmem:v31+s25+$0x0] =	vst.idx.add.f32.msk vm7, v42  }
0x143: {  	v18 =	vshll.u32 v18, $0x4;
	vm1 =	vlt.s32 v30, $0x9;
	v31 =	vtrunc.f32 v17;
	v25 =	vld [tilespmem:s17+$0x10010]  }
0x144: {  	vm7 =	vgt.f32 v28, $0.0e+00;
	v40 =	vcvt.f32.s32 v31;
	v31 =	vsub.f32 v33, v32;
	v41 =	vld [tilespmem:s17+$0x14070]  }
0x145: {  	v18 =	vor.u32 v0, v18;
	v30 =	vnsel vm1, $0x9, v30;
	v32 =	vcvt.f32.s32 v34;
	[tilespmem:v19+s25+$0x0] =	vst.idx.add.f32.msk vm4, v3  }
0x146: {  	v34 =	vmul.f32 $1.000000000e+01, v22;
	vm1 =	vgt.f32 v21, $0.0e+00;
	v21 =	vand.u32 $0x7FFFFFFF, v20;
	v33 =	vld [tilespmem:s17+$0x14060]  }
0x147: {  	vm9 =	vlt.s32 v40, $0x9;
	v19 =	vand.u32 $0x7FFFFFFF, v31;
	v28 =	vld [tilespmem:s17+$0xC010];
	v20 =	vtrunc.f32 v21  }
.Ltmp1:
0x148: {  	v35 =	vsub.f32 v26, v34;
	v26 =	vshll.u32 v30, $0x4;
	v31 =	vsel vm8, v18, v2;
	[tilespmem:v23+s25+$0x0] =	vst.idx.add.f32.msk vm5, v3;
	(pc) =	sbr.rel @p0 .LBB2_5-.Ltmp1, $4  }
0x149: {  	v34 =	vor.u32 v0, v26;
	v23 =	vmul.f32 $1.000000000e+01, v9;
	v18 =	vcvt.f32.s32 v20;
	[tilespmem:v38+s25+$0x0] =	vst.idx.add.f32.msk vm5, v29  }
0x14a: {  	v20 =	vmul.f32 v22, v39;
	vm5 =	vlt.s32 v32, $0x9;
	v29 =	vadd.s32 $0xB0, v31;
	[tilespmem:v36+s25+$0x0] =	vst.idx.add.f32.msk vm4, v27  }
0x14b: {  	vm3 =	vgt.f32 v41, $0.0e+00;
	v30 =	vsub.f32 v37, v23;
	v27 =	vtrunc.f32 v19;
	v22 =	vld [tilespmem:s17+$0x14040]  }
0x14c: {  	vm2 =	vlt.s32 v18, $0x9;
	v23 =	vnsel vm9, $0x9, v40;
	v36 =	vmul.f32 v28, v4;
	v26 =	vld [tilespmem:s17+$0x14020]  }
0x14d: {  	v35 =	vand.u32 $0x7FFFFFFF, v35  }
0x14e: {  	v37 =	vmul.f32 $1.000000000e+01, v25;
	v32 =	vnsel vm5, $0x9, v32;
	vm4 =	vgt.f32 v33, $0.0e+00  }
0x14f: {  	vm5 =	vmmov vm7;
	v34 =	vsel vm6, v34, v2;
	vm9 =	vlt.f32 v24, $1.000000950e+01  }
0x150: {  	v30 =	vand.u32 $0x7FFFFFFF, v30;
	v51 =	vmul.f32 v25, v28;
	v27 =	vcvt.f32.s32 v27  }
0x151: {  	v8 =	vmul.f32 v14, v8;
	v23 =	vshll.u32 v23, $0x4;
	v6 =	vmul.f32 v9, v6  }
0x152: {  	v61 =	vnsel vm2, $0x9, v18;
	v38 =	vtrunc.f32 v35;
	v32 =	vshll.u32 v32, $0x4  }
0x153: {  	v46 =	vadd.s32 $0xB0, v34;
	v48 =	vtrunc.f32 v30;
	v36 =	vsub.f32 v36, v37  }
0x154: {  	v59 =	vor.u32 v0, v23;
	v38 =	vcvt.f32.s32 v38;
	v32 =	vor.u32 v0, v32  }
0x155: {  	v50 =	vcvt.f32.s32 v48;
	v32 =	vsel vm9, v32, v2;
	v36 =	vand.u32 $0x7FFFFFFF, v36  }
0x156: {  	v41 =	vld [tilespmem:s17+$0x14010];
	vm15 =	vlt.s32 v38, $0x9;
	v52 =	vadd.s32 $0xB0, v32;
	v44 =	vtrunc.f32 v36  }
0x157: {  	[tilespmem:v31+s25+$0x0] =	vst.idx.add.f32.msk vm0, v3;
	vm13 =	vlt.s32 v50, $0x9;
	v43 =	vnsel vm15, $0x9, v38;
	v38 =	vcvt.f32.s32 v44  }
0x158: {  	[tilespmem:v29+s25+$0x0] =	vst.idx.add.f32.msk vm0, v16;
	vm0 =	vgt.f32 v26, $0.0e+00;
	v54 =	vnsel vm13, $0x9, v50;
	vm15 =	vlt.f32 v30, $1.000000950e+01  }
0x159: {  	vm13 =	vlt.f32 v17, $1.000000950e+01;
	v14 =	vshll.u32 v54, $0x4;
	vm11 =	vlt.s32 v38, $0x9  }
0x15a: {  	v42 =	vld [tilespmem:s17+$0x14030];
	v17 =	vsel vm13, v59, v2;
	v14 =	vor.u32 v0, v14;
	v38 =	vnsel vm11, $0x9, v38  }
0x15b: {  	vm12 =	vgt.f32 v41, $0.0e+00;
	[tilespmem:v34+s25+$0x0] =	vst.idx.add.f32.msk vm3, v3;
	v14 =	vsel vm15, v14, v2;
	v47 =	vshll.u32 v38, $0x4  }
0x15c: {  	vm8 =	vlt.f32 v36, $1.000000950e+01;
	[tilespmem:v46+s25+$0x0] =	vst.idx.add.f32.msk vm3, v11;
	v57 =	vadd.s32 $0xB0, v14;
	v49 =	vor.u32 v0, v47  }
0x15d: {  	vm10 =	vlt.f32 v35, $1.000000950e+01;
	v9 =	vshll.u32 v61, $0x4;
	[tilespmem:v32+s25+$0x0] =	vst.idx.add.f32.msk vm1, v3;
	v24 =	vsel vm8, v49, v2  }
0x15e: {  	vm14 =	vlt.s32 v27, $0x9;
	v37 =	vshll.u32 v43, $0x4;
	[tilespmem:v52+s25+$0x0] =	vst.idx.add.f32.msk vm1, v8;
	v53 =	vadd.s32 $0xB0, v24  }
0x15f: {  	vm6 =	vgt.f32 v42, $0.0e+00;
	v45 =	vor.u32 v0, v37;
	v62 =	vadd.s32 $0xB0, v17;
	[tilespmem:v17+s25+$0x0] =	vst.idx.add.f32.msk vm5, v3  }
0x160: {  	v9 =	vor.u32 v0, v9;
	v27 =	vnsel vm14, $0x9, v27;
	v35 =	vsel vm10, v45, v2;
	[tilespmem:v14+s25+$0x0] =	vst.idx.add.f32.msk vm0, v3  }
0x161: {  	vm14 =	vgt.f32 v22, $0.0e+00;
	vm15 =	vlt.f32 v21, $1.000000950e+01;
	v55 =	vadd.s32 $0xB0, v35;
	[tilespmem:v57+s25+$0x0] =	vst.idx.add.f32.msk vm0, v6  }
0x162: {  	v7 =	vmul.f32 v12, v7;
	v56 =	vshll.u32 v27, $0x4;
	v6 =	vsel vm15, v9, v2;
	[tilespmem:v24+s25+$0x0] =	vst.idx.add.f32.msk vm12, v3  }
0x163: {  	v58 =	vor.u32 v0, v56;
	v9 =	vadd.s32 $0xB0, v6;
	[tilespmem:v53+s25+$0x0] =	vst.idx.add.f32.msk vm12, v51;
	vm12 =	vlt.f32 v19, $1.000000950e+01  }
0x164: {  	s31 =	sadd.s32 $0x1, s31;
	[tilespmem:v62+s25+$0x0] =	vst.idx.add.f32.msk vm5, v7;
	v60 =	vsel vm12, v58, v2  }
0x165: {  	p0 =	sne.s32 s31, $0x9;
	[tilespmem:v35+s25+$0x0] =	vst.idx.add.f32.msk vm6, v3;
	v63 =	vadd.s32 $0xB0, v60  }
.Ltmp2:
0x166: {  	v5 =	vmul.f32 v5, v13;
	[tilespmem:v55+s25+$0x0] =	vst.idx.add.f32.msk vm6, v20;
	(pc) =	sbr.rel @p0 .LBB2_2-.Ltmp2, $4  }
0x167: {  	[tilespmem:v6+s25+$0x0] =	vst.idx.add.f32.msk vm14, v3  }
0x168: {  	v10 =	vmul.f32 v15, v10;
	[tilespmem:v9+s25+$0x0] =	vst.idx.add.f32.msk vm14, v5  }
0x169: {  	[tilespmem:v60+s25+$0x0] =	vst.idx.add.f32.msk vm4, v3  }
0x16a: {  	[tilespmem:v63+s25+$0x0] =	vst.idx.add.f32.msk vm4, v10  }
0x16b: {  	s0 =	simm.s32 $0x0  }
0x16c: {  	[tilespmem:s21], [sflag:$0x2] =	stream.linear.gather [hbm4b:s12+s0], $0x4000, $0x38;
	[tilespmem:$0x18200] =	vst v63  }
0x16d: {  	_ = 	snop  }
0x16e: {  	[tilespmem:s22], [sflag:$0x2] =	stream.linear.gather [hbm4b:s13+s0], $0x4000, $0x38;
	[tilespmem:$0x18200] =	vst v63  }
0x16f: {  	_ = 	snop  }
0x170: {  	[tilespmem:s23], [sflag:$0x2] =	stream.linear.gather [hbm4b:s14+s0], $0x4000, $0x38;
	[tilespmem:$0x18200] =	vst v63  }
0x171: {  	_ =	swait.ge [sflag:s24], $0x4000  }
0x172: {  	[sflag:s24] =	ssyncset.done $0x0  }
0x173: {  	[sflag:s24] =	ssyncadd.s32 $0xFFFFC000  }
0x174: {  	_ =	swait.ge [sflag:s24], $0x4000  }
0x175: {  	[sflag:s24] =	ssyncset.done $0x0  }
0x176: {  	s3 =	simm.s32 $0x0;
	[sflag:s24] =	ssyncadd.s32 $0xFFFFC000  }
0x177: {  	s3 =	sand.u32 $0x2000, s3;
	s5 =	sand.u32 $0x1C00, s0;
	_ =	swait.ge [sflag:s24], $0x4000  }
0x178: {  	s3 =	sor.u32 s3, s5;
	s0 =	sand.u32 $0x380, s0;
	[sflag:s24] =	ssyncset.done $0x0  }
0x179: {  	s5 =	sor.u32 s0, s3;
	[sflag:s24] =	ssyncadd.s32 $0xFFFFC000  }
0x17a: {  	v12 =	vld [tilespmem:s5+$0x4040]  }
0x17b: {  	v6 =	vld [tilespmem:s5+$0x0]  }
0x17c: {  	v5 =	vld [tilespmem:s5+$0x70]  }
0x17d: {  	v7 =	vld [tilespmem:s5+$0x4070]  }
0x17e: {  	v9 =	vld [tilespmem:s5+$0x50]  }
0x17f: {  	v8 =	vld [tilespmem:s5+$0x4000]  }
0x180: {  	v10 =	vld [tilespmem:s5+$0x4050]  }
0x181: {  	s0 =	simm.s32 $0x80;
	s3 =	simm.s32 $0x400;
	v11 =	vld [tilespmem:s5+$0x60]  }
0x182: {  	s28 =	simm.s32 $0x10;
	s7 =	sand.u32 $0x2000, s0;
	s17 =	sand.u32 $0x1C00, s3;
	v21 =	vld [tilespmem:s5+$0x20]  }
0x183: {  	s31 =	sand.u32 $0x380, s28;
	s7 =	sor.u32 s7, s17;
	v20 =	vld [tilespmem:s5+$0x4060];
	v13 =	vmul.f32 v5, v4  }
0x184: {  	s17 =	sor.u32 s31, s7;
	v15 =	vld [tilespmem:s5+$0x40];
	v14 =	vmul.f32 $1.000000000e+01, v7;
	v17 =	vmul.f32 v7, v5  }
0x185: {  	v53 =	vld [tilespmem:s17+$0x30];
	v5 =	vmul.f32 v9, v4;
	v7 =	vmul.f32 $1.000000000e+01, v8  }
0x186: {  	v18 =	vmul.f32 $1.000000000e+01, v12;
	v19 =	vmul.f32 $1.000000000e+01, v10  }
0x187: {  	v16 =	vld [tilespmem:s5+$0x30];
	v22 =	vmul.f32 v11, v4;
	v29 =	vmul.f32 v21, v4  }
0x188: {  	v27 =	vld [tilespmem:s5+$0x4020];
	v38 =	vmul.f32 v8, v6;
	v42 =	vmul.f32 v20, v11  }
0x189: {  	v13 =	vsub.f32 v13, v14;
	v14 =	vmul.f32 v6, v4;
	v5 =	vsub.f32 v5, v19  }
0x18a: {  	v58 =	vmul.f32 v53, v4;
	v19 =	vmul.f32 v15, v4  }
0x18b: {  	v8 =	vld [tilespmem:s17+$0x0];
	v13 =	vand.u32 $0x7FFFFFFF, v13;
	v7 =	vsub.f32 v14, v7;
	v26 =	vand.u32 $0x7FFFFFFF, v5  }
0x18c: {  	v14 =	vld [tilespmem:s5+$0x8050];
	v5 =	vmul.f32 v16, v4;
	v18 =	vsub.f32 v19, v18;
	v19 =	vmul.f32 $1.000000000e+01, v20  }
0x18d: {  	v23 =	vld [tilespmem:s5+$0x8000];
	v20 =	vmul.f32 v27, v21;
	vm0 =	vlt.f32 v13, $1.000000950e+01;
	v13 =	vtrunc.f32 v13  }
0x18e: {  	v24 =	vld [tilespmem:s5+$0x4030];
	v28 =	vtrunc.f32 v26;
	v13 =	vcvt.f32.s32 v13  }
0x18f: {  	v31 =	vld [tilespmem:s5+$0x8060];
	vm10 =	vlt.f32 v26, $1.000000950e+01;
	v7 =	vand.u32 $0x7FFFFFFF, v7;
	v28 =	vcvt.f32.s32 v28  }
0x190: {  	v51 =	vmul.f32 v8, v4;
	v25 =	vtrunc.f32 v7;
	vm1 =	vlt.s32 v13, $0x9  }
0x191: {  	vm2 =	vlt.s32 v28, $0x9;
	vm3 =	vgt.f32 v14, $0.0e+00;
	v14 =	vsub.f32 v22, v19  }
0x192: {  	v22 =	vcvt.f32.s32 v25;
	v13 =	vnsel vm1, $0x9, v13;
	vm1 =	vgt.f32 v23, $0.0e+00  }
0x193: {  	v23 =	vand.u32 $0x7FFFFFFF, v18;
	v18 =	vmul.f32 $1.000000000e+01, v24;
	v24 =	vmul.f32 v24, v16  }
0x194: {  	v28 =	vnsel vm2, $0x9, v28;
	vm2 =	vgt.f32 v31, $0.0e+00;
	v30 =	vtrunc.f32 v23  }
0x195: {  	v34 =	vld [tilespmem:s5+$0x8010];
	v13 =	vshll.u32 v13, $0x4;
	vm3 =	vmmov vm3;
	vm8 =	vlt.f32 v23, $1.000000950e+01  }
0x196: {  	v19 =	vld [tilespmem:s5+$0x8070];
	v26 =	vshll.u32 v28, $0x4;
	v32 =	vand.u32 $0x7FFFFFFF, v14;
	v14 =	vmul.f32 $1.000000000e+01, v27  }
0x197: {  	v25 =	vld [tilespmem:s5+$0x10];
	v5 =	vsub.f32 v5, v18;
	v18 =	vcvt.f32.s32 v30;
	v13 =	vor.u32 v0, v13  }
0x198: {  	v30 =	vld [tilespmem:s5+$0x4010];
	vm6 =	vlt.s32 v22, $0x9;
	v27 =	vmul.f32 v10, v9;
	v26 =	vor.u32 v0, v26  }
0x199: {  	v16 =	vtrunc.f32 v32;
	v22 =	vnsel vm6, $0x9, v22;
	v13 =	vsel vm0, v13, v2  }
0x19a: {  	v39 =	vld [tilespmem:s17+$0x4070];
	vm0 =	vlt.f32 v7, $1.000000950e+01;
	vm6 =	vgt.f32 v34, $0.0e+00;
	vm15 =	vlt.f32 v32, $1.000000950e+01  }
0x19b: {  	v62 =	vld [tilespmem:s17+$0x8070];
	v26 =	vsel vm10, v26, v2;
	v14 =	vsub.f32 v29, v14;
	vm4 =	vlt.s32 v18, $0x9  }
0x19c: {  	v31 =	vld [tilespmem:s5+$0x8020];
	v33 =	vand.u32 $0x7FFFFFFF, v5;
	vm5 =	vgt.f32 v19, $0.0e+00;
	v19 =	vmul.f32 v25, v4  }
0x19d: {  	v7 =	vld [tilespmem:s5+$0x8030];
	v5 =	vshll.u32 v22, $0x4;
	v22 =	vtrunc.f32 v33;
	v35 =	vmul.f32 $1.000000000e+01, v30  }
0x19e: {  	v9 =	vld [tilespmem:s17+$0x4020];
	v36 =	vadd.s32 $0xB0, v13;
	v16 =	vcvt.f32.s32 v16;
	v22 =	vcvt.f32.s32 v22  }
0x19f: {  	v29 =	vld [tilespmem:s5+$0x8040];
	v5 =	vor.u32 v0, v5;
	v18 =	vnsel vm4, $0x9, v18;
	v19 =	vsub.f32 v19, v35  }
0x1a0: {  	v37 =	vsel vm0, v5, v2;
	v5 =	vld [tilespmem:s17+$0x4040];
	v18 =	vshll.u32 v18, $0x4;
	vm0 =	vlt.s32 v22, $0x9  }
0x1a1: {  	v25 =	vmul.f32 v30, v25;
	v30 =	vld [tilespmem:s17+$0x8050];
	v22 =	vnsel vm0, $0x9, v22;
	v19 =	vand.u32 $0x7FFFFFFF, v19  }
0x1a2: {  	vm9 =	vgt.f32 v7, $0.0e+00;
	v6 =	vshll.u32 v22, $0x4;
	[tilespmem:v13+s25+$0x0] =	vst.idx.add.f32.msk vm5, v3;
	v13 =	vtrunc.f32 v19  }
0x1a3: {  	v7 =	vld [tilespmem:s17+$0x50];
	vm0 =	vlt.f32 v33, $1.000000950e+01;
	v6 =	vor.u32 v0, v6;
	v13 =	vcvt.f32.s32 v13  }
0x1a4: {  	v50 =	vadd.s32 $0xB0, v37;
	[tilespmem:v26+s25+$0x0] =	vst.idx.add.f32.msk vm3, v3;
	v33 =	vsel vm0, v6, v2;
	vm0 =	vlt.s32 v16, $0x9  }
0x1a5: {  	v41 =	vnsel vm0, $0x9, v16;
	v16 =	vmul.f32 v12, v15;
	v12 =	vld [tilespmem:s17+$0x4050];
	vm0 =	vlt.s32 v13, $0x9  }
0x1a6: {  	v18 =	vor.u32 v0, v18;
	v6 =	vld [tilespmem:s17+$0x20];
	v10 =	vnsel vm0, $0x9, v13;
	v13 =	vand.u32 $0x7FFFFFFF, v14  }
0x1a7: {  	[tilespmem:v37+s25+$0x0] =	vst.idx.add.f32.msk vm1, v3;
	v54 =	vshll.u32 v41, $0x4;
	v10 =	vshll.u32 v10, $0x4;
	v11 =	vtrunc.f32 v13  }
0x1a8: {  	[tilespmem:v36+s25+$0x0] =	vst.idx.add.f32.msk vm5, v17;
	vm0 =	vlt.f32 v19, $1.000000950e+01;
	v14 =	vor.u32 v0, v10;
	v19 =	vcvt.f32.s32 v11  }
0x1a9: {  	v22 =	vld [tilespmem:s17+$0x70];
	v23 =	vmul.f32 v7, v4;
	v55 =	vor.u32 v0, v54;
	v21 =	vsel vm0, v14, v2  }
0x1aa: {  	vm11 =	vlt.f32 v13, $1.000000950e+01;
	[tilespmem:v33+s25+$0x0] =	vst.idx.add.f32.msk vm9, v3;
	v52 =	vmul.f32 $1.000000000e+01, v12;
	vm7 =	vlt.s32 v19, $0x9  }
0x1ab: {  	v59 =	vmul.f32 v6, v4;
	v14 =	vld [tilespmem:s17+$0x4000];
	v15 =	vadd.s32 $0xB0, v21;
	v19 =	vnsel vm7, $0x9, v19  }
0x1ac: {  	v10 =	vld [tilespmem:s17+$0x60];
	vm0 =	vgt.f32 v29, $0.0e+00;
	v17 =	vsub.f32 v23, v52;
	v13 =	vshll.u32 v19, $0x4  }
0x1ad: {  	v29 =	vld [tilespmem:s17+$0x4030];
	v23 =	vsel vm15, v55, v2;
	vm7 =	vgt.f32 v31, $0.0e+00;
	v13 =	vor.u32 v0, v13  }
0x1ae: {  	v11 =	vmul.f32 v39, v22;
	v31 =	vmul.f32 $1.000000000e+01, v5;
	[tilespmem:v21+s25+$0x0] =	vst.idx.add.f32.msk vm6, v3;
	v21 =	vsel vm11, v13, v2  }
0x1af: {  	v19 =	vmul.f32 v22, v4;
	v22 =	vmul.f32 $1.000000000e+01, v39;
	v17 =	vand.u32 $0x7FFFFFFF, v17;
	v13 =	vld [tilespmem:s17+$0x40]  }
0x1b0: {  	v40 =	vadd.s32 $0xB0, v33;
	v60 =	vtrunc.f32 v17;
	v28 =	vmul.f32 $1.000000000e+01, v14;
	[tilespmem:v15+s25+$0x0] =	vst.idx.add.f32.msk vm6, v25  }
0x1b1: {  	v19 =	vsub.f32 v19, v22;
	v61 =	vcvt.f32.s32 v60;
	v25 =	vadd.s32 $0xB0, v21;
	v15 =	vld [tilespmem:s17+$0x4060]  }
0x1b2: {  	v56 =	vadd.s32 $0xB0, v23;
	v22 =	vmul.f32 v10, v4;
	[tilespmem:v23+s25+$0x0] =	vst.idx.add.f32.msk vm2, v3;
	v23 =	vmul.f32 $1.000000000e+01, v29  }
0x1b3: {  	v19 =	vand.u32 $0x7FFFFFFF, v19;
	v28 =	vsub.f32 v51, v28;
	vm4 =	vlt.s32 v61, $0x9;
	[tilespmem:v21+s25+$0x0] =	vst.idx.add.f32.msk vm7, v3  }
0x1b4: {  	vm6 =	vlt.f32 v19, $1.000000950e+01;
	v19 =	vtrunc.f32 v19;
	v35 =	vsub.f32 v58, v23;
	v21 =	vld [tilespmem:s17+$0x8000]  }
0x1b5: {  	[tilespmem:v40+s25+$0x0] =	vst.idx.add.f32.msk vm9, v24;
	v19 =	vcvt.f32.s32 v19;
	v24 =	vand.u32 $0x7FFFFFFF, v28;
	v28 =	vmul.f32 v13, v4  }
0x1b6: {  	v23 =	vmul.f32 $1.000000000e+01, v9;
	v57 =	vtrunc.f32 v24;
	[tilespmem:v25+s25+$0x0] =	vst.idx.add.f32.msk vm7, v20;
	v20 =	vadd.s32 $0xB0, v26  }
0x1b7: {  	[tilespmem:v50+s25+$0x0] =	vst.idx.add.f32.msk vm1, v38;
	vm1 =	vlt.s32 v19, $0x9;
	v28 =	vsub.f32 v28, v31;
	v31 =	vmul.f32 $1.000000000e+01, v15  }
0x1b8: {  	v33 =	vld [tilespmem:s17+$0x8060];
	vm7 =	vgt.f32 v30, $0.0e+00;
	v32 =	vcvt.f32.s32 v57;
	v30 =	vnsel vm1, $0x9, v19  }
0x1b9: {  	v22 =	vsub.f32 v22, v31;
	vm1 =	vgt.f32 v21, $0.0e+00;
	v21 =	vand.u32 $0x7FFFFFFF, v28;
	v28 =	vld [tilespmem:s17+$0x10]  }
0x1ba: {  	[tilespmem:v56+s25+$0x0] =	vst.idx.add.f32.msk vm2, v42;
	vm5 =	vlt.s32 v32, $0x9;
	v31 =	vsel vm8, v18, v2;
	v63 =	vtrunc.f32 v21  }
0x1bb: {  	v19 =	vand.u32 $0x7FFFFFFF, v22;
	v22 =	vshll.u32 v30, $0x4;
	[tilespmem:v20+s25+$0x0] =	vst.idx.add.f32.msk vm3, v27;
	v20 =	vmul.f32 v29, v53  }
0x1bc: {  	v25 =	vld [tilespmem:s17+$0x4010];
	v29 =	vadd.s32 $0xB0, v31;
	v30 =	vsub.f32 v59, v23;
	v18 =	vcvt.f32.s32 v63  }
0x1bd: {  	v26 =	vld [tilespmem:s17+$0x8020];
	vm3 =	vgt.f32 v62, $0.0e+00;
	v23 =	vnsel vm4, $0x9, v61;
	v34 =	vor.u32 v0, v22  }
0x1be: {  	v22 =	vld [tilespmem:s17+$0x8040];
	v27 =	vtrunc.f32 v19;
	vm2 =	vlt.s32 v18, $0x9;
	v36 =	vmul.f32 v28, v4  }
.LBB2_8:
0x1bf: {  	v32 =	vnsel vm5, $0x9, v32  }
0x1c0: {  	s0 =	sadd.s32 $0x80, s0;
	v35 =	vand.u32 $0x7FFFFFFF, v35;
	vm4 =	vgt.f32 v33, $0.0e+00;
	s28 =	sadd.s32 $0x10, s28;
	s3 =	sadd.s32 $0x400, s3;
	[tilespmem:v31+s25+$0x0] =	vst.idx.add.f32.msk vm0, v3;
	vm5 =	vmmov vm7  }
0x1c1: {  	v34 =	vsel vm6, v34, v2;
	s5 =	sand.u32 $0x2000, s0;
	s7 =	sand.u32 $0x1C00, s3;
	p0 =	slt.u32 s0, $0x3F80;
	v31 =	vshll.u32 v32, $0x4;
	v32 =	vld [tilespmem:s17+$0x8010];
	v33 =	vtrunc.f32 v35  }
0x1c2: {  	v37 =	vmul.f32 $1.000000000e+01, v25;
	v38 =	vadd.s32 $0xB0, v34;
	s5 =	sor.u32 s5, s7;
	s7 =	sand.u32 $0x380, s28;
	v33 =	vcvt.f32.s32 v33;
	[tilespmem:v29+s25+$0x0] =	vst.idx.add.f32.msk vm0, v16  }
0x1c3: {  	vm0 =	vlt.f32 v24, $1.000000950e+01;
	v16 =	vor.u32 v0, v31;
	v24 =	vmul.f32 v25, v28;
	v25 =	vld [tilespmem:s17+$0x8030];
	s17 =	sor.u32 s7, s5  }
0x1c4: {  	v29 =	vsub.f32 v36, v37;
	v16 =	vsel vm0, v16, v2;
	v28 =	vld [tilespmem:s17+$0x8050];
	vm0 =	vlt.s32 v33, $0x9  }
0x1c5: {  	v27 =	vcvt.f32.s32 v27;
	v36 =	vadd.s32 $0xB0, v16;
	v31 =	vld [tilespmem:s17+$0x4040];
	v33 =	vnsel vm0, $0x9, v33  }
0x1c6: {  	v37 =	vmul.f32 v14, v8;
	v14 =	vand.u32 $0x7FFFFFFF, v29;
	v29 =	vshll.u32 v33, $0x4;
	[tilespmem:v34+s25+$0x0] =	vst.idx.add.f32.msk vm3, v3  }
0x1c7: {  	vm0 =	vlt.f32 v35, $1.000000950e+01;
	v33 =	vtrunc.f32 v14;
	v8 =	vld [tilespmem:s17+$0x0];
	v29 =	vor.u32 v0, v29  }
0x1c8: {  	v33 =	vcvt.f32.s32 v33;
	v34 =	vld [tilespmem:s17+$0x70];
	v35 =	vsel vm0, v29, v2;
	vm0 =	vlt.s32 v27, $0x9  }
0x1c9: {  	v39 =	vld [tilespmem:s17+$0x4070];
	v40 =	vadd.s32 $0xB0, v35;
	v41 =	vnsel vm0, $0x9, v27;
	v27 =	vmul.f32 v15, v10  }
0x1ca: {  	v42 =	vmul.f32 v9, v6;
	v29 =	vmul.f32 v12, v7;
	vm0 =	vlt.s32 v33, $0x9;
	v6 =	vld [tilespmem:s17+$0x20]  }
0x1cb: {  	vm6 =	vgt.f32 v32, $0.0e+00;
	v15 =	vand.u32 $0x7FFFFFFF, v30;
	v7 =	vnsel vm0, $0x9, v33;
	[tilespmem:v16+s25+$0x0] =	vst.idx.add.f32.msk vm1, v3  }
0x1cc: {  	vm9 =	vgt.f32 v25, $0.0e+00;
	v12 =	vtrunc.f32 v15;
	v10 =	vshll.u32 v7, $0x4;
	v9 =	vld [tilespmem:s17+$0x4020]  }
0x1cd: {  	vm0 =	vlt.f32 v14, $1.000000950e+01;
	v12 =	vcvt.f32.s32 v12;
	v14 =	vor.u32 v0, v10;
	v7 =	vld [tilespmem:s17+$0x50]  }
0x1ce: {  	v16 =	vmul.f32 v5, v13;
	v5 =	vmovc v31;
	v30 =	vsel vm0, v14, v2;
	v10 =	vld [tilespmem:s17+$0x60];
	v25 =	vmul.f32 v39, v34  }
0x1cf: {  	vm7 =	vlt.s32 v12, $0x9;
	vm0 =	vgt.f32 v22, $0.0e+00;
	v31 =	vadd.s32 $0xB0, v30;
	v14 =	vld [tilespmem:s17+$0x4000]  }
0x1d0: {  	vm8 =	vlt.f32 v21, $1.000000950e+01;
	v13 =	vnsel vm7, $0x9, v12;
	vm7 =	vgt.f32 v26, $0.0e+00;
	v22 =	vld [tilespmem:s17+$0x4030]  }
0x1d1: {  	vm10 =	vlt.f32 v17, $1.000000950e+01;
	vm11 =	vlt.f32 v15, $1.000000950e+01;
	v13 =	vshll.u32 v13, $0x4;
	v12 =	vld [tilespmem:s17+$0x4050]  }
0x1d2: {  	v15 =	vmul.f32 v34, v4;
	v17 =	vmul.f32 $1.000000000e+01, v39;
	v13 =	vor.u32 v0, v13;
	[tilespmem:v35+s25+$0x0] =	vst.idx.add.f32.msk vm9, v3  }
0x1d3: {  	v23 =	vshll.u32 v23, $0x4;
	v26 =	vsel vm11, v13, v2;
	v21 =	vmul.f32 v7, v4;
	[tilespmem:v30+s25+$0x0] =	vst.idx.add.f32.msk vm6, v3  }
0x1d4: {  	v32 =	vmul.f32 $1.000000000e+01, v5;
	v17 =	vsub.f32 v15, v17;
	v30 =	vmul.f32 $1.000000000e+01, v14;
	v13 =	vld [tilespmem:s17+$0x40]  }
0x1d5: {  	v23 =	vor.u32 v0, v23;
	v33 =	vmul.f32 v10, v4;
	[tilespmem:v31+s25+$0x0] =	vst.idx.add.f32.msk vm6, v24;
	v31 =	vadd.s32 $0xB0, v26  }
0x1d6: {  	v17 =	vand.u32 $0x7FFFFFFF, v17;
	v24 =	vmul.f32 v8, v4;
	v34 =	vmul.f32 $1.000000000e+01, v12;
	v15 =	vld [tilespmem:s17+$0x4060]  }
0x1d7: {  	v35 =	vshll.u32 v41, $0x4;
	vm6 =	vlt.f32 v17, $1.000000950e+01;
	v17 =	vtrunc.f32 v17;
	v39 =	vld [tilespmem:s17+$0x30]  }
0x1d8: {  	vm11 =	vlt.f32 v19, $1.000000950e+01;
	v19 =	vor.u32 v0, v35;
	v24 =	vsub.f32 v24, v30;
	[tilespmem:v38+s25+$0x0] =	vst.idx.add.f32.msk vm3, v11  }
0x1d9: {  	v19 =	vsel vm11, v19, v2;
	v30 =	vcvt.f32.s32 v17;
	v21 =	vsub.f32 v21, v34;
	[tilespmem:v40+s25+$0x0] =	vst.idx.add.f32.msk vm9, v20  }
0x1da: {  	v11 =	vmovc v25;
	v24 =	vand.u32 $0x7FFFFFFF, v24;
	v20 =	vmul.f32 v13, v4;
	[tilespmem:v36+s25+$0x0] =	vst.idx.add.f32.msk vm1, v37;
	v36 =	vadd.s32 $0xB0, v19  }
0x1db: {  	v18 =	vnsel vm2, $0x9, v18;
	v34 =	vtrunc.f32 v24;
	v17 =	vand.u32 $0x7FFFFFFF, v21;
	[tilespmem:v26+s25+$0x0] =	vst.idx.add.f32.msk vm7, v3  }
0x1dc: {  	v23 =	vsel vm10, v23, v2;
	v20 =	vsub.f32 v20, v32;
	v21 =	vld [tilespmem:s17+$0x8000];
	v26 =	vmul.f32 v39, v4  }
0x1dd: {  	v38 =	vadd.s32 $0xB0, v23;
	v37 =	vmul.f32 v6, v4;
	v32 =	vmul.f32 $1.000000000e+01, v15;
	[tilespmem:v31+s25+$0x0] =	vst.idx.add.f32.msk vm7, v42  }
0x1de: {  	v18 =	vshll.u32 v18, $0x4;
	vm1 =	vlt.s32 v30, $0x9;
	v31 =	vtrunc.f32 v17;
	v25 =	vld [tilespmem:s17+$0x4010]  }
0x1df: {  	vm7 =	vgt.f32 v28, $0.0e+00;
	v40 =	vcvt.f32.s32 v31;
	v31 =	vsub.f32 v33, v32;
	v41 =	vld [tilespmem:s17+$0x8070]  }
0x1e0: {  	v18 =	vor.u32 v0, v18;
	v30 =	vnsel vm1, $0x9, v30;
	v32 =	vcvt.f32.s32 v34;
	[tilespmem:v19+s25+$0x0] =	vst.idx.add.f32.msk vm4, v3  }
0x1e1: {  	v34 =	vmul.f32 $1.000000000e+01, v22;
	vm1 =	vgt.f32 v21, $0.0e+00;
	v21 =	vand.u32 $0x7FFFFFFF, v20;
	v33 =	vld [tilespmem:s17+$0x8060]  }
0x1e2: {  	vm9 =	vlt.s32 v40, $0x9;
	v19 =	vand.u32 $0x7FFFFFFF, v31;
	v28 =	vld [tilespmem:s17+$0x10];
	v20 =	vtrunc.f32 v21  }
.Ltmp3:
0x1e3: {  	v35 =	vsub.f32 v26, v34;
	v26 =	vshll.u32 v30, $0x4;
	v31 =	vsel vm8, v18, v2;
	[tilespmem:v23+s25+$0x0] =	vst.idx.add.f32.msk vm5, v3;
	(pc) =	sbr.rel @p0 .LBB2_8-.Ltmp3, $4  }
0x1e4: {  	v34 =	vor.u32 v0, v26;
	v23 =	vmul.f32 $1.000000000e+01, v9;
	v18 =	vcvt.f32.s32 v20;
	[tilespmem:v38+s25+$0x0] =	vst.idx.add.f32.msk vm5, v29  }
0x1e5: {  	v20 =	vmul.f32 v22, v39;
	vm5 =	vlt.s32 v32, $0x9;
	v29 =	vadd.s32 $0xB0, v31;
	[tilespmem:v36+s25+$0x0] =	vst.idx.add.f32.msk vm4, v27  }
0x1e6: {  	vm3 =	vgt.f32 v41, $0.0e+00;
	v30 =	vsub.f32 v37, v23;
	v27 =	vtrunc.f32 v19;
	v22 =	vld [tilespmem:s17+$0x8040]  }
0x1e7: {  	vm2 =	vlt.s32 v18, $0x9;
	v23 =	vnsel vm9, $0x9, v40;
	v36 =	vmul.f32 v28, v4;
	v26 =	vld [tilespmem:s17+$0x8020]  }
0x1e8: {  	v37 =	vmul.f32 $1.000000000e+01, v25  }
0x1e9: {  	v35 =	vand.u32 $0x7FFFFFFF, v35;
	v32 =	vnsel vm5, $0x9, v32;
	vm4 =	vgt.f32 v33, $0.0e+00  }
0x1ea: {  	vm5 =	vmmov vm7;
	v34 =	vsel vm6, v34, v2;
	v36 =	vsub.f32 v36, v37  }
0x1eb: {  	v30 =	vand.u32 $0x7FFFFFFF, v30;
	v25 =	vmul.f32 v25, v28;
	v38 =	vtrunc.f32 v35  }
0x1ec: {  	v27 =	vcvt.f32.s32 v27;
	v38 =	vcvt.f32.s32 v38;
	v36 =	vand.u32 $0x7FFFFFFF, v36  }
0x1ed: {  	v32 =	vshll.u32 v32, $0x4;
	v56 =	vadd.s32 $0xB0, v34;
	v40 =	vtrunc.f32 v36  }
0x1ee: {  	v55 =	vld [tilespmem:s17+$0x8010];
	vm7 =	vlt.f32 v35, $1.000000950e+01;
	vm6 =	vlt.s32 v38, $0x9;
	v57 =	vcvt.f32.s32 v40  }
0x1ef: {  	v32 =	vor.u32 v0, v32;
	v38 =	vnsel vm6, $0x9, v38;
	vm6 =	vlt.f32 v24, $1.000000950e+01  }
0x1f0: {  	v39 =	vld [tilespmem:s17+$0x8030];
	v60 =	vtrunc.f32 v30;
	v32 =	vsel vm6, v32, v2;
	vm6 =	vlt.s32 v57, $0x9  }
0x1f1: {  	v35 =	vcvt.f32.s32 v60;
	v24 =	vshll.u32 v38, $0x4;
	v58 =	vnsel vm6, $0x9, v57  }
0x1f2: {  	vm8 =	vlt.f32 v36, $1.000000950e+01;
	v24 =	vor.u32 v0, v24;
	v59 =	vshll.u32 v58, $0x4  }
0x1f3: {  	[tilespmem:v31+s25+$0x0] =	vst.idx.add.f32.msk vm0, v3;
	v24 =	vsel vm7, v24, v2;
	vm7 =	vgt.f32 v55, $0.0e+00;
	v33 =	vor.u32 v0, v59  }
0x1f4: {  	v8 =	vmul.f32 v14, v8;
	[tilespmem:v29+s25+$0x0] =	vst.idx.add.f32.msk vm0, v16;
	vm0 =	vlt.s32 v35, $0x9;
	v28 =	vsel vm8, v33, v2  }
0x1f5: {  	v14 =	vnsel vm0, $0x9, v35;
	vm6 =	vgt.f32 v39, $0.0e+00;
	v29 =	vadd.s32 $0xB0, v28  }
0x1f6: {  	v23 =	vshll.u32 v23, $0x4;
	[tilespmem:v34+s25+$0x0] =	vst.idx.add.f32.msk vm3, v3;
	vm0 =	vgt.f32 v26, $0.0e+00;
	v14 =	vshll.u32 v14, $0x4  }
0x1f7: {  	[tilespmem:v56+s25+$0x0] =	vst.idx.add.f32.msk vm3, v11;
	v16 =	vadd.s32 $0xB0, v32;
	v14 =	vor.u32 v0, v14;
	vm8 =	vlt.s32 v27, $0x9  }
0x1f8: {  	v31 =	vadd.s32 $0xB0, v24;
	[tilespmem:v32+s25+$0x0] =	vst.idx.add.f32.msk vm1, v3;
	v27 =	vnsel vm8, $0x9, v27;
	vm8 =	vlt.f32 v30, $1.000000950e+01  }
0x1f9: {  	v6 =	vmul.f32 v9, v6;
	v9 =	vnsel vm2, $0x9, v18;
	v14 =	vsel vm8, v14, v2;
	[tilespmem:v28+s25+$0x0] =	vst.idx.add.f32.msk vm7, v3  }
0x1fa: {  	vm8 =	vlt.f32 v17, $1.000000950e+01;
	v17 =	vor.u32 v0, v23;
	[tilespmem:v29+s25+$0x0] =	vst.idx.add.f32.msk vm7, v25;
	v25 =	vadd.s32 $0xB0, v14  }
0x1fb: {  	v9 =	vshll.u32 v9, $0x4;
	[tilespmem:v24+s25+$0x0] =	vst.idx.add.f32.msk vm6, v3;
	v24 =	vshll.u32 v27, $0x4;
	v17 =	vsel vm8, v17, v2  }
0x1fc: {  	[tilespmem:v16+s25+$0x0] =	vst.idx.add.f32.msk vm1, v8;
	v8 =	vadd.s32 $0xB0, v17;
	vm7 =	vlt.f32 v19, $1.000000950e+01;
	v19 =	vor.u32 v0, v24  }
0x1fd: {  	v9 =	vor.u32 v0, v9;
	[tilespmem:v31+s25+$0x0] =	vst.idx.add.f32.msk vm6, v20;
	v11 =	vsel vm7, v19, v2  }
0x1fe: {  	vm2 =	vgt.f32 v22, $0.0e+00;
	vm1 =	vlt.f32 v21, $1.000000950e+01;
	[tilespmem:v14+s25+$0x0] =	vst.idx.add.f32.msk vm0, v3;
	v16 =	vadd.s32 $0xB0, v11  }
0x1ff: {  	v7 =	vmul.f32 v12, v7;
	[tilespmem:v25+s25+$0x0] =	vst.idx.add.f32.msk vm0, v6;
	v6 =	vsel vm1, v9, v2  }
0x200: {  	[tilespmem:v17+s25+$0x0] =	vst.idx.add.f32.msk vm5, v3;
	v9 =	vadd.s32 $0xB0, v6  }
0x201: {  	v10 =	vmul.f32 v15, v10;
	[tilespmem:v8+s25+$0x0] =	vst.idx.add.f32.msk vm5, v7  }
0x202: {  	[tilespmem:v11+s25+$0x0] =	vst.idx.add.f32.msk vm4, v3  }
0x203: {  	v5 =	vmul.f32 v5, v13;
	[tilespmem:v16+s25+$0x0] =	vst.idx.add.f32.msk vm4, v10  }
0x204: {  	[tilespmem:v6+s25+$0x0] =	vst.idx.add.f32.msk vm2, v3  }
0x205: {  	[tilespmem:v9+s25+$0x0] =	vst.idx.add.f32.msk vm2, v5  }
0x206: {  	_ =	swait.ge [sflag:s26], $0x4000  }
0x207: {  	[sflag:s26] =	ssyncset.done $0x0  }
0x208: {  	[sflag:s26] =	ssyncadd.s32 $0xFFFFC000  }
0x209: {  	_ =	swait.ge [sflag:s26], $0x4000  }
0x20a: {  	[sflag:s26] =	ssyncset.done $0x0  }
0x20b: {  	s0 =	simm.s32 $0x0;
	s3 =	simm.s32 $0x0;
	[sflag:s26] =	ssyncadd.s32 $0xFFFFC000  }
0x20c: {  	s3 =	sand.u32 $0x2000, s3;
	s5 =	sand.u32 $0x1C00, s0;
	_ =	swait.ge [sflag:s26], $0x4000  }
0x20d: {  	s0 =	sand.u32 $0x380, s0;
	s3 =	sor.u32 s3, s5;
	[sflag:s26] =	ssyncset.done $0x0  }
0x20e: {  	s5 =	sor.u32 s0, s3;
	[sflag:s26] =	ssyncadd.s32 $0xFFFFC000  }
0x20f: {  	v12 =	vld [tilespmem:s5+$0x10040]  }
0x210: {  	v6 =	vld [tilespmem:s5+$0xC000]  }
0x211: {  	v5 =	vld [tilespmem:s5+$0xC070]  }
0x212: {  	v7 =	vld [tilespmem:s5+$0x10070]  }
0x213: {  	v9 =	vld [tilespmem:s5+$0xC050]  }
0x214: {  	v8 =	vld [tilespmem:s5+$0x10000]  }
0x215: {  	v10 =	vld [tilespmem:s5+$0x10050]  }
0x216: {  	s0 =	simm.s32 $0x80;
	s3 =	simm.s32 $0x400;
	v11 =	vld [tilespmem:s5+$0xC060]  }
0x217: {  	s28 =	simm.s32 $0x10;
	s7 =	sand.u32 $0x2000, s0;
	s29 =	sand.u32 $0x1C00, s3;
	v21 =	vld [tilespmem:s5+$0xC020]  }
0x218: {  	s31 =	sand.u32 $0x380, s28;
	s7 =	sor.u32 s7, s29;
	v20 =	vld [tilespmem:s5+$0x10060];
	v13 =	vmul.f32 v5, v4  }
0x219: {  	s17 =	sor.u32 s31, s7;
	v15 =	vld [tilespmem:s5+$0xC040];
	v14 =	vmul.f32 $1.000000000e+01, v7;
	v17 =	vmul.f32 v7, v5  }
0x21a: {  	v53 =	vld [tilespmem:s17+$0xC030];
	v5 =	vmul.f32 v9, v4;
	v7 =	vmul.f32 $1.000000000e+01, v8  }
0x21b: {  	v18 =	vmul.f32 $1.000000000e+01, v12;
	v19 =	vmul.f32 $1.000000000e+01, v10  }
0x21c: {  	v16 =	vld [tilespmem:s5+$0xC030];
	v22 =	vmul.f32 v11, v4;
	v29 =	vmul.f32 v21, v4  }
0x21d: {  	v27 =	vld [tilespmem:s5+$0x10020];
	v48 =	vmul.f32 v8, v6;
	v42 =	vmul.f32 v20, v11  }
0x21e: {  	v13 =	vsub.f32 v13, v14;
	v14 =	vmul.f32 v6, v4;
	v5 =	vsub.f32 v5, v19  }
0x21f: {  	v58 =	vmul.f32 v53, v4;
	v19 =	vmul.f32 v15, v4  }
0x220: {  	v8 =	vld [tilespmem:s17+$0xC000];
	v13 =	vand.u32 $0x7FFFFFFF, v13;
	v7 =	vsub.f32 v14, v7;
	v26 =	vand.u32 $0x7FFFFFFF, v5  }
0x221: {  	v14 =	vld [tilespmem:s5+$0x14050];
	v5 =	vmul.f32 v16, v4;
	v18 =	vsub.f32 v19, v18;
	v19 =	vmul.f32 $1.000000000e+01, v20  }
0x222: {  	v23 =	vld [tilespmem:s5+$0x14000];
	v20 =	vmul.f32 v27, v21;
	vm0 =	vlt.f32 v13, $1.000000950e+01;
	v13 =	vtrunc.f32 v13  }
0x223: {  	v24 =	vld [tilespmem:s5+$0x10030];
	v28 =	vtrunc.f32 v26;
	v13 =	vcvt.f32.s32 v13  }
0x224: {  	v31 =	vld [tilespmem:s5+$0x14060];
	vm10 =	vlt.f32 v26, $1.000000950e+01;
	v7 =	vand.u32 $0x7FFFFFFF, v7;
	v28 =	vcvt.f32.s32 v28  }
0x225: {  	v51 =	vmul.f32 v8, v4;
	v25 =	vtrunc.f32 v7;
	vm1 =	vlt.s32 v13, $0x9  }
0x226: {  	vm2 =	vlt.s32 v28, $0x9;
	vm3 =	vgt.f32 v14, $0.0e+00;
	v14 =	vsub.f32 v22, v19  }
0x227: {  	v22 =	vcvt.f32.s32 v25;
	v13 =	vnsel vm1, $0x9, v13;
	vm1 =	vgt.f32 v23, $0.0e+00  }
0x228: {  	v23 =	vand.u32 $0x7FFFFFFF, v18;
	v18 =	vmul.f32 $1.000000000e+01, v24;
	v24 =	vmul.f32 v24, v16  }
0x229: {  	v28 =	vnsel vm2, $0x9, v28;
	vm2 =	vgt.f32 v31, $0.0e+00;
	v30 =	vtrunc.f32 v23  }
0x22a: {  	v63 =	vld [tilespmem:s5+$0x14010];
	v13 =	vshll.u32 v13, $0x4;
	vm3 =	vmmov vm3;
	vm8 =	vlt.f32 v23, $1.000000950e+01  }
0x22b: {  	v19 =	vld [tilespmem:s5+$0x14070];
	v26 =	vshll.u32 v28, $0x4;
	v61 =	vand.u32 $0x7FFFFFFF, v14;
	v14 =	vmul.f32 $1.000000000e+01, v27  }
0x22c: {  	v25 =	vld [tilespmem:s5+$0xC010];
	v5 =	vsub.f32 v5, v18;
	v18 =	vcvt.f32.s32 v30;
	v13 =	vor.u32 v0, v13  }
0x22d: {  	v30 =	vld [tilespmem:s5+$0x10010];
	vm6 =	vlt.s32 v22, $0x9;
	v27 =	vmul.f32 v10, v9;
	v26 =	vor.u32 v0, v26  }
0x22e: {  	v16 =	vtrunc.f32 v61;
	v22 =	vnsel vm6, $0x9, v22;
	v13 =	vsel vm0, v13, v2  }
0x22f: {  	v49 =	vld [tilespmem:s17+$0x10070];
	vm0 =	vlt.f32 v7, $1.000000950e+01;
	vm6 =	vgt.f32 v63, $0.0e+00;
	vm15 =	vlt.f32 v61, $1.000000950e+01  }
0x230: {  	v31 =	vld [tilespmem:s5+$0x14020];
	v26 =	vsel vm10, v26, v2;
	v14 =	vsub.f32 v29, v14;
	vm4 =	vlt.s32 v18, $0x9  }
0x231: {  	v7 =	vld [tilespmem:s5+$0x14030];
	v62 =	vand.u32 $0x7FFFFFFF, v5;
	vm5 =	vgt.f32 v19, $0.0e+00;
	v19 =	vmul.f32 v25, v4  }
0x232: {  	v9 =	vld [tilespmem:s17+$0x10020];
	v5 =	vshll.u32 v22, $0x4;
	v22 =	vtrunc.f32 v62;
	v44 =	vmul.f32 $1.000000000e+01, v30  }
0x233: {  	v29 =	vld [tilespmem:s5+$0x14040];
	v45 =	vadd.s32 $0xB0, v13;
	v5 =	vor.u32 v0, v5;
	v22 =	vcvt.f32.s32 v22  }
0x234: {  	v16 =	vcvt.f32.s32 v16;
	v46 =	vsel vm0, v5, v2;
	v5 =	vld [tilespmem:s17+$0x10040];
	v19 =	vsub.f32 v19, v44  }
0x235: {  	v18 =	vnsel vm4, $0x9, v18;
	v25 =	vmul.f32 v30, v25;
	v30 =	vld [tilespmem:s17+$0x14050];
	vm0 =	vlt.s32 v22, $0x9  }
0x236: {  	vm9 =	vgt.f32 v7, $0.0e+00;
	v7 =	vld [tilespmem:s17+$0xC050];
	v22 =	vnsel vm0, $0x9, v22;
	v19 =	vand.u32 $0x7FFFFFFF, v19  }
0x237: {  	v18 =	vshll.u32 v18, $0x4;
	v6 =	vshll.u32 v22, $0x4;
	[tilespmem:v13+s25+$0x0] =	vst.idx.add.f32.msk vm5, v3;
	v13 =	vtrunc.f32 v19  }
0x238: {  	[tilespmem:v26+s25+$0x0] =	vst.idx.add.f32.msk vm3, v3;
	vm0 =	vlt.f32 v62, $1.000000950e+01;
	v6 =	vor.u32 v0, v6;
	v13 =	vcvt.f32.s32 v13  }
0x239: {  	v47 =	vadd.s32 $0xB0, v46;
	v62 =	vld [tilespmem:s17+$0x14070];
	v33 =	vsel vm0, v6, v2;
	vm0 =	vlt.s32 v16, $0x9  }
0x23a: {  	v41 =	vnsel vm0, $0x9, v16;
	v16 =	vmul.f32 v12, v15;
	v12 =	vld [tilespmem:s17+$0x10050];
	vm0 =	vlt.s32 v13, $0x9  }
0x23b: {  	v18 =	vor.u32 v0, v18;
	v6 =	vld [tilespmem:s17+$0xC020];
	v10 =	vnsel vm0, $0x9, v13;
	v13 =	vand.u32 $0x7FFFFFFF, v14  }
0x23c: {  	[tilespmem:v46+s25+$0x0] =	vst.idx.add.f32.msk vm1, v3;
	v54 =	vshll.u32 v41, $0x4;
	v10 =	vshll.u32 v10, $0x4;
	v11 =	vtrunc.f32 v13  }
0x23d: {  	[tilespmem:v45+s25+$0x0] =	vst.idx.add.f32.msk vm5, v17;
	vm0 =	vlt.f32 v19, $1.000000950e+01;
	v14 =	vor.u32 v0, v10;
	v19 =	vcvt.f32.s32 v11  }
0x23e: {  	v22 =	vld [tilespmem:s17+$0xC070];
	v23 =	vmul.f32 v7, v4;
	v55 =	vor.u32 v0, v54;
	v21 =	vsel vm0, v14, v2  }
0x23f: {  	vm11 =	vlt.f32 v13, $1.000000950e+01;
	[tilespmem:v33+s25+$0x0] =	vst.idx.add.f32.msk vm9, v3;
	v52 =	vmul.f32 $1.000000000e+01, v12;
	vm7 =	vlt.s32 v19, $0x9  }
0x240: {  	v59 =	vmul.f32 v6, v4;
	v14 =	vld [tilespmem:s17+$0x10000];
	v15 =	vadd.s32 $0xB0, v21;
	v19 =	vnsel vm7, $0x9, v19  }
0x241: {  	v10 =	vld [tilespmem:s17+$0xC060];
	vm0 =	vgt.f32 v29, $0.0e+00;
	v17 =	vsub.f32 v23, v52;
	v13 =	vshll.u32 v19, $0x4  }
0x242: {  	v29 =	vld [tilespmem:s17+$0x10030];
	v23 =	vsel vm15, v55, v2;
	vm7 =	vgt.f32 v31, $0.0e+00;
	v13 =	vor.u32 v0, v13  }
0x243: {  	v11 =	vmul.f32 v49, v22;
	v31 =	vmul.f32 $1.000000000e+01, v5;
	[tilespmem:v21+s25+$0x0] =	vst.idx.add.f32.msk vm6, v3;
	v21 =	vsel vm11, v13, v2  }
0x244: {  	v19 =	vmul.f32 v22, v4;
	v22 =	vmul.f32 $1.000000000e+01, v49;
	v17 =	vand.u32 $0x7FFFFFFF, v17;
	v13 =	vld [tilespmem:s17+$0xC040]  }
0x245: {  	v50 =	vadd.s32 $0xB0, v33;
	v60 =	vtrunc.f32 v17;
	v28 =	vmul.f32 $1.000000000e+01, v14;
	[tilespmem:v15+s25+$0x0] =	vst.idx.add.f32.msk vm6, v25  }
0x246: {  	v19 =	vsub.f32 v19, v22;
	v61 =	vcvt.f32.s32 v60;
	v25 =	vadd.s32 $0xB0, v21;
	v15 =	vld [tilespmem:s17+$0x10060]  }
0x247: {  	v56 =	vadd.s32 $0xB0, v23;
	v22 =	vmul.f32 v10, v4;
	[tilespmem:v23+s25+$0x0] =	vst.idx.add.f32.msk vm2, v3;
	v23 =	vmul.f32 $1.000000000e+01, v29  }
0x248: {  	v19 =	vand.u32 $0x7FFFFFFF, v19;
	v28 =	vsub.f32 v51, v28;
	vm4 =	vlt.s32 v61, $0x9;
	[tilespmem:v21+s25+$0x0] =	vst.idx.add.f32.msk vm7, v3  }
0x249: {  	vm6 =	vlt.f32 v19, $1.000000950e+01;
	v19 =	vtrunc.f32 v19;
	v35 =	vsub.f32 v58, v23;
	v21 =	vld [tilespmem:s17+$0x14000]  }
0x24a: {  	[tilespmem:v50+s25+$0x0] =	vst.idx.add.f32.msk vm9, v24;
	v19 =	vcvt.f32.s32 v19;
	v24 =	vand.u32 $0x7FFFFFFF, v28;
	v28 =	vmul.f32 v13, v4  }
0x24b: {  	v23 =	vmul.f32 $1.000000000e+01, v9;
	v57 =	vtrunc.f32 v24;
	[tilespmem:v25+s25+$0x0] =	vst.idx.add.f32.msk vm7, v20;
	v20 =	vadd.s32 $0xB0, v26  }
0x24c: {  	[tilespmem:v47+s25+$0x0] =	vst.idx.add.f32.msk vm1, v48;
	vm1 =	vlt.s32 v19, $0x9;
	v28 =	vsub.f32 v28, v31;
	v31 =	vmul.f32 $1.000000000e+01, v15  }
0x24d: {  	v33 =	vld [tilespmem:s17+$0x14060];
	vm7 =	vgt.f32 v30, $0.0e+00;
	v32 =	vcvt.f32.s32 v57;
	v30 =	vnsel vm1, $0x9, v19  }
0x24e: {  	v22 =	vsub.f32 v22, v31;
	vm1 =	vgt.f32 v21, $0.0e+00;
	v21 =	vand.u32 $0x7FFFFFFF, v28;
	v28 =	vld [tilespmem:s17+$0xC010]  }
0x24f: {  	[tilespmem:v56+s25+$0x0] =	vst.idx.add.f32.msk vm2, v42;
	vm5 =	vlt.s32 v32, $0x9;
	v31 =	vsel vm8, v18, v2;
	v63 =	vtrunc.f32 v21  }
0x250: {  	v19 =	vand.u32 $0x7FFFFFFF, v22;
	v22 =	vshll.u32 v30, $0x4;
	[tilespmem:v20+s25+$0x0] =	vst.idx.add.f32.msk vm3, v27;
	v20 =	vmul.f32 v29, v53  }
0x251: {  	v25 =	vld [tilespmem:s17+$0x10010];
	v29 =	vadd.s32 $0xB0, v31;
	v30 =	vsub.f32 v59, v23;
	v18 =	vcvt.f32.s32 v63  }
0x252: {  	v26 =	vld [tilespmem:s17+$0x14020];
	vm3 =	vgt.f32 v62, $0.0e+00;
	v23 =	vnsel vm4, $0x9, v61;
	v34 =	vor.u32 v0, v22  }
0x253: {  	v22 =	vld [tilespmem:s17+$0x14040];
	v27 =	vtrunc.f32 v19;
	vm2 =	vlt.s32 v18, $0x9;
	v36 =	vmul.f32 v28, v4  }
.LBB2_10:
0x254: {  	v32 =	vnsel vm5, $0x9, v32  }
0x255: {  	s0 =	sadd.s32 $0x80, s0;
	v35 =	vand.u32 $0x7FFFFFFF, v35;
	vm4 =	vgt.f32 v33, $0.0e+00;
	s28 =	sadd.s32 $0x10, s28;
	s3 =	sadd.s32 $0x400, s3;
	[tilespmem:v31+s25+$0x0] =	vst.idx.add.f32.msk vm0, v3;
	vm5 =	vmmov vm7  }
0x256: {  	v34 =	vsel vm6, v34, v2;
	s5 =	sand.u32 $0x2000, s0;
	s7 =	sand.u32 $0x1C00, s3;
	p0 =	slt.u32 s0, $0x3F80;
	v31 =	vshll.u32 v32, $0x4;
	v32 =	vld [tilespmem:s17+$0x14010];
	v33 =	vtrunc.f32 v35  }
0x257: {  	v37 =	vmul.f32 $1.000000000e+01, v25;
	v38 =	vadd.s32 $0xB0, v34;
	s5 =	sor.u32 s5, s7;
	s7 =	sand.u32 $0x380, s28;
	v33 =	vcvt.f32.s32 v33;
	[tilespmem:v29+s25+$0x0] =	vst.idx.add.f32.msk vm0, v16  }
0x258: {  	vm0 =	vlt.f32 v24, $1.000000950e+01;
	v16 =	vor.u32 v0, v31;
	v24 =	vmul.f32 v25, v28;
	v25 =	vld [tilespmem:s17+$0x14030];
	s17 =	sor.u32 s7, s5  }
0x259: {  	v29 =	vsub.f32 v36, v37;
	v16 =	vsel vm0, v16, v2;
	v28 =	vld [tilespmem:s17+$0x14050];
	vm0 =	vlt.s32 v33, $0x9  }
0x25a: {  	v27 =	vcvt.f32.s32 v27;
	v36 =	vadd.s32 $0xB0, v16;
	v31 =	vld [tilespmem:s17+$0x10040];
	v33 =	vnsel vm0, $0x9, v33  }
0x25b: {  	v37 =	vmul.f32 v14, v8;
	v14 =	vand.u32 $0x7FFFFFFF, v29;
	v29 =	vshll.u32 v33, $0x4;
	[tilespmem:v34+s25+$0x0] =	vst.idx.add.f32.msk vm3, v3  }
0x25c: {  	vm0 =	vlt.f32 v35, $1.000000950e+01;
	v33 =	vtrunc.f32 v14;
	v8 =	vld [tilespmem:s17+$0xC000];
	v29 =	vor.u32 v0, v29  }
0x25d: {  	v33 =	vcvt.f32.s32 v33;
	v34 =	vld [tilespmem:s17+$0xC070];
	v35 =	vsel vm0, v29, v2;
	vm0 =	vlt.s32 v27, $0x9  }
0x25e: {  	v39 =	vld [tilespmem:s17+$0x10070];
	v40 =	vadd.s32 $0xB0, v35;
	v41 =	vnsel vm0, $0x9, v27;
	v27 =	vmul.f32 v15, v10  }
0x25f: {  	v42 =	vmul.f32 v9, v6;
	v29 =	vmul.f32 v12, v7;
	vm0 =	vlt.s32 v33, $0x9;
	v6 =	vld [tilespmem:s17+$0xC020]  }
0x260: {  	vm6 =	vgt.f32 v32, $0.0e+00;
	v15 =	vand.u32 $0x7FFFFFFF, v30;
	v7 =	vnsel vm0, $0x9, v33;
	[tilespmem:v16+s25+$0x0] =	vst.idx.add.f32.msk vm1, v3  }
0x261: {  	vm9 =	vgt.f32 v25, $0.0e+00;
	v12 =	vtrunc.f32 v15;
	v10 =	vshll.u32 v7, $0x4;
	v9 =	vld [tilespmem:s17+$0x10020]  }
0x262: {  	vm0 =	vlt.f32 v14, $1.000000950e+01;
	v12 =	vcvt.f32.s32 v12;
	v14 =	vor.u32 v0, v10;
	v7 =	vld [tilespmem:s17+$0xC050]  }
0x263: {  	v16 =	vmul.f32 v5, v13;
	v5 =	vmovc v31;
	v30 =	vsel vm0, v14, v2;
	v10 =	vld [tilespmem:s17+$0xC060];
	v25 =	vmul.f32 v39, v34  }
0x264: {  	vm7 =	vlt.s32 v12, $0x9;
	vm0 =	vgt.f32 v22, $0.0e+00;
	v31 =	vadd.s32 $0xB0, v30;
	v14 =	vld [tilespmem:s17+$0x10000]  }
0x265: {  	vm8 =	vlt.f32 v21, $1.000000950e+01;
	v13 =	vnsel vm7, $0x9, v12;
	vm7 =	vgt.f32 v26, $0.0e+00;
	v22 =	vld [tilespmem:s17+$0x10030]  }
0x266: {  	vm10 =	vlt.f32 v17, $1.000000950e+01;
	vm11 =	vlt.f32 v15, $1.000000950e+01;
	v13 =	vshll.u32 v13, $0x4;
	v12 =	vld [tilespmem:s17+$0x10050]  }
0x267: {  	v15 =	vmul.f32 v34, v4;
	v17 =	vmul.f32 $1.000000000e+01, v39;
	v13 =	vor.u32 v0, v13;
	[tilespmem:v35+s25+$0x0] =	vst.idx.add.f32.msk vm9, v3  }
0x268: {  	v23 =	vshll.u32 v23, $0x4;
	v26 =	vsel vm11, v13, v2;
	v21 =	vmul.f32 v7, v4;
	[tilespmem:v30+s25+$0x0] =	vst.idx.add.f32.msk vm6, v3  }
0x269: {  	v32 =	vmul.f32 $1.000000000e+01, v5;
	v17 =	vsub.f32 v15, v17;
	v30 =	vmul.f32 $1.000000000e+01, v14;
	v13 =	vld [tilespmem:s17+$0xC040]  }
0x26a: {  	v23 =	vor.u32 v0, v23;
	v33 =	vmul.f32 v10, v4;
	[tilespmem:v31+s25+$0x0] =	vst.idx.add.f32.msk vm6, v24;
	v31 =	vadd.s32 $0xB0, v26  }
0x26b: {  	v17 =	vand.u32 $0x7FFFFFFF, v17;
	v24 =	vmul.f32 v8, v4;
	v34 =	vmul.f32 $1.000000000e+01, v12;
	v15 =	vld [tilespmem:s17+$0x10060]  }
0x26c: {  	v35 =	vshll.u32 v41, $0x4;
	vm6 =	vlt.f32 v17, $1.000000950e+01;
	v17 =	vtrunc.f32 v17;
	v39 =	vld [tilespmem:s17+$0xC030]  }
0x26d: {  	vm11 =	vlt.f32 v19, $1.000000950e+01;
	v19 =	vor.u32 v0, v35;
	v24 =	vsub.f32 v24, v30;
	[tilespmem:v38+s25+$0x0] =	vst.idx.add.f32.msk vm3, v11  }
0x26e: {  	v19 =	vsel vm11, v19, v2;
	v30 =	vcvt.f32.s32 v17;
	v21 =	vsub.f32 v21, v34;
	[tilespmem:v40+s25+$0x0] =	vst.idx.add.f32.msk vm9, v20  }
0x26f: {  	v11 =	vmovc v25;
	v24 =	vand.u32 $0x7FFFFFFF, v24;
	v20 =	vmul.f32 v13, v4;
	[tilespmem:v36+s25+$0x0] =	vst.idx.add.f32.msk vm1, v37;
	v36 =	vadd.s32 $0xB0, v19  }
0x270: {  	v18 =	vnsel vm2, $0x9, v18;
	v34 =	vtrunc.f32 v24;
	v17 =	vand.u32 $0x7FFFFFFF, v21;
	[tilespmem:v26+s25+$0x0] =	vst.idx.add.f32.msk vm7, v3  }
0x271: {  	v23 =	vsel vm10, v23, v2;
	v20 =	vsub.f32 v20, v32;
	v21 =	vld [tilespmem:s17+$0x14000];
	v26 =	vmul.f32 v39, v4  }
0x272: {  	v38 =	vadd.s32 $0xB0, v23;
	v37 =	vmul.f32 v6, v4;
	v32 =	vmul.f32 $1.000000000e+01, v15;
	[tilespmem:v31+s25+$0x0] =	vst.idx.add.f32.msk vm7, v42  }
0x273: {  	v18 =	vshll.u32 v18, $0x4;
	vm1 =	vlt.s32 v30, $0x9;
	v31 =	vtrunc.f32 v17;
	v25 =	vld [tilespmem:s17+$0x10010]  }
0x274: {  	vm7 =	vgt.f32 v28, $0.0e+00;
	v40 =	vcvt.f32.s32 v31;
	v31 =	vsub.f32 v33, v32;
	v41 =	vld [tilespmem:s17+$0x14070]  }
0x275: {  	v18 =	vor.u32 v0, v18;
	v30 =	vnsel vm1, $0x9, v30;
	v32 =	vcvt.f32.s32 v34;
	[tilespmem:v19+s25+$0x0] =	vst.idx.add.f32.msk vm4, v3  }
0x276: {  	v34 =	vmul.f32 $1.000000000e+01, v22;
	vm1 =	vgt.f32 v21, $0.0e+00;
	v21 =	vand.u32 $0x7FFFFFFF, v20;
	v33 =	vld [tilespmem:s17+$0x14060]  }
0x277: {  	vm9 =	vlt.s32 v40, $0x9;
	v19 =	vand.u32 $0x7FFFFFFF, v31;
	v28 =	vld [tilespmem:s17+$0xC010];
	v20 =	vtrunc.f32 v21  }
.Ltmp4:
0x278: {  	v35 =	vsub.f32 v26, v34;
	v26 =	vshll.u32 v30, $0x4;
	v31 =	vsel vm8, v18, v2;
	[tilespmem:v23+s25+$0x0] =	vst.idx.add.f32.msk vm5, v3;
	(pc) =	sbr.rel @p0 .LBB2_10-.Ltmp4, $4  }
0x279: {  	v34 =	vor.u32 v0, v26;
	v23 =	vmul.f32 $1.000000000e+01, v9;
	v18 =	vcvt.f32.s32 v20;
	[tilespmem:v38+s25+$0x0] =	vst.idx.add.f32.msk vm5, v29  }
0x27a: {  	v20 =	vmul.f32 v22, v39;
	vm5 =	vlt.s32 v32, $0x9;
	v29 =	vadd.s32 $0xB0, v31;
	[tilespmem:v36+s25+$0x0] =	vst.idx.add.f32.msk vm4, v27  }
0x27b: {  	vm3 =	vgt.f32 v41, $0.0e+00;
	v30 =	vsub.f32 v37, v23;
	v27 =	vtrunc.f32 v19;
	v22 =	vld [tilespmem:s17+$0x14040]  }
0x27c: {  	vm2 =	vlt.s32 v18, $0x9;
	v23 =	vnsel vm9, $0x9, v40;
	v36 =	vmul.f32 v28, v4;
	v26 =	vld [tilespmem:s17+$0x14020]  }
0x27d: {  	v4 =	vand.u32 $0x7FFFFFFF, v35;
	v62 =	vmul.f32 $1.000000000e+01, v25  }
0x27e: {  	v32 =	vnsel vm5, $0x9, v32;
	vm4 =	vgt.f32 v33, $0.0e+00;
	vm5 =	vmmov vm7  }
0x27f: {  	v34 =	vsel vm6, v34, v2;
	vm9 =	vlt.f32 v24, $1.000000950e+01;
	v48 =	vmul.f32 v25, v28  }
0x280: {  	v30 =	vand.u32 $0x7FFFFFFF, v30;
	v27 =	vcvt.f32.s32 v27;
	v8 =	vmul.f32 v14, v8  }
0x281: {  	v53 =	vshll.u32 v23, $0x4;
	v37 =	vtrunc.f32 v4;
	v35 =	vsub.f32 v36, v62  }
0x282: {  	v40 =	vld [tilespmem:s17+$0x14030];
	v58 =	vnsel vm2, $0x9, v18;
	v32 =	vshll.u32 v32, $0x4;
	v37 =	vcvt.f32.s32 v37  }
0x283: {  	vm10 =	vlt.f32 v4, $1.000000950e+01;
	v43 =	vadd.s32 $0xB0, v34;
	v35 =	vand.u32 $0x7FFFFFFF, v35  }
0x284: {  	v63 =	vld [tilespmem:s17+$0x14010];
	v45 =	vtrunc.f32 v30;
	vm15 =	vlt.s32 v37, $0x9;
	v42 =	vtrunc.f32 v35  }
0x285: {  	v32 =	vor.u32 v0, v32;
	v41 =	vnsel vm15, $0x9, v37;
	v37 =	vcvt.f32.s32 v42  }
0x286: {  	v47 =	vcvt.f32.s32 v45;
	v32 =	vsel vm9, v32, v2;
	v36 =	vshll.u32 v41, $0x4  }
0x287: {  	vm6 =	vgt.f32 v40, $0.0e+00;
	v4 =	vor.u32 v0, v36;
	vm11 =	vlt.s32 v37, $0x9  }
0x288: {  	v49 =	vadd.s32 $0xB0, v32;
	v4 =	vsel vm10, v4, v2;
	v37 =	vnsel vm11, $0x9, v37  }
0x289: {  	[tilespmem:v31+s25+$0x0] =	vst.idx.add.f32.msk vm0, v3;
	vm13 =	vlt.s32 v47, $0x9;
	vm12 =	vgt.f32 v63, $0.0e+00;
	v44 =	vshll.u32 v37, $0x4  }
0x28a: {  	[tilespmem:v29+s25+$0x0] =	vst.idx.add.f32.msk vm0, v16;
	vm8 =	vlt.f32 v35, $1.000000950e+01;
	v51 =	vnsel vm13, $0x9, v47;
	v46 =	vor.u32 v0, v44  }
0x28b: {  	vm0 =	vgt.f32 v26, $0.0e+00;
	[tilespmem:v34+s25+$0x0] =	vst.idx.add.f32.msk vm3, v3;
	v14 =	vshll.u32 v51, $0x4;
	v24 =	vsel vm8, v46, v2  }
0x28c: {  	vm15 =	vlt.f32 v30, $1.000000950e+01;
	[tilespmem:v43+s25+$0x0] =	vst.idx.add.f32.msk vm3, v11;
	v14 =	vor.u32 v0, v14;
	v50 =	vadd.s32 $0xB0, v24  }
0x28d: {  	vm14 =	vlt.s32 v27, $0x9;
	v52 =	vadd.s32 $0xB0, v4;
	[tilespmem:v4+s25+$0x0] =	vst.idx.add.f32.msk vm6, v3;
	v4 =	vsel vm15, v14, v2  }
0x28e: {  	v6 =	vmul.f32 v9, v6;
	v9 =	vshll.u32 v58, $0x4;
	v27 =	vnsel vm14, $0x9, v27;
	[tilespmem:v32+s25+$0x0] =	vst.idx.add.f32.msk vm1, v3  }
0x28f: {  	vm13 =	vlt.f32 v17, $1.000000950e+01;
	[tilespmem:v49+s25+$0x0] =	vst.idx.add.f32.msk vm1, v8;
	v14 =	vor.u32 v0, v53;
	v55 =	vadd.s32 $0xB0, v4  }
0x290: {  	vm14 =	vgt.f32 v22, $0.0e+00;
	v54 =	vshll.u32 v27, $0x4;
	v14 =	vsel vm13, v14, v2;
	[tilespmem:v24+s25+$0x0] =	vst.idx.add.f32.msk vm12, v3  }
0x291: {  	v56 =	vor.u32 v0, v54;
	v59 =	vadd.s32 $0xB0, v14;
	[tilespmem:v50+s25+$0x0] =	vst.idx.add.f32.msk vm12, v48;
	vm12 =	vlt.f32 v19, $1.000000950e+01  }
0x292: {  	vm15 =	vlt.f32 v21, $1.000000950e+01;
	[tilespmem:v4+s25+$0x0] =	vst.idx.add.f32.msk vm0, v3;
	v4 =	vor.u32 v0, v9;
	v57 =	vsel vm12, v56, v2  }
0x293: {  	[tilespmem:v52+s25+$0x0] =	vst.idx.add.f32.msk vm6, v20;
	v4 =	vsel vm15, v4, v2  }
0x294: {  	v61 =	vmul.f32 v12, v7;
	[tilespmem:v55+s25+$0x0] =	vst.idx.add.f32.msk vm0, v6;
	v60 =	vadd.s32 $0xB0, v57  }
0x295: {  	[tilespmem:v14+s25+$0x0] =	vst.idx.add.f32.msk vm5, v3;
	v62 =	vadd.s32 $0xB0, v4  }
0x296: {  	[tilespmem:v59+s25+$0x0] =	vst.idx.add.f32.msk vm5, v61  }
0x297: {  	v63 =	vmul.f32 v15, v10;
	[tilespmem:v57+s25+$0x0] =	vst.idx.add.f32.msk vm4, v3  }
0x298: {  	v5 =	vmul.f32 v5, v13;
	s30 =	sadd.s32 $0x1, s30;
	[tilespmem:v4+s25+$0x0] =	vst.idx.add.f32.msk vm14, v3  }
0x299: {  	p0 =	sne.s32 s30, s16;
	[tilespmem:v60+s25+$0x0] =	vst.idx.add.f32.msk vm4, v63  }
.Ltmp5:
0x29a: {  	s0 =	simm.s32 $0x80;
	s3 =	simm.s32 $0x400;
	[tilespmem:v62+s25+$0x0] =	vst.idx.add.f32.msk vm14, v5;
	(pc) =	sbr.rel @p0 .LBB2_1-.Ltmp5, $4  }
0x29b: {  	[hbm4b:s15+s0] =	stream.strided.scatter [tilespmem:s25], [sflag:$0x3], $0x180, s3, s0, $0x38;
	[tilespmem:$0x18200] =	vst v63  }
0x29c: {  	_ =	swait.ge [sflag:s18], $0x180  }
0x29d: {  	[sflag:s18] =	ssyncset.done $0x0  }
0x29e: {  	[sflag:s18] =	ssyncadd.s32 $0xFFFFFE80  }
0x29f: {  	_ =	sfence.sel $0x180000  }
0x2a0: {  	[bflag:$0x0] =	sbarrier.arrive $0xFFFF  }
0x2a1: {  	_ =	strace $0x9000004A  }
0x2a2: {  	s0 =	stileid.u32;
	[bflag:$0x2] =	sbarrier.arrive $0xFFFF  }
0x2a3: {  	p0 =	sne.s32 s0, $0x0;
	s0 =	rddreg [dreg:$0x4]  }
0x2a4: {  	s0 =	sadd.s32 @!p0 $0x100000, s0  }
0x2a5: {  	[sflag:s0] =	ssyncadd.tile.s32 @!p0 $0x1;
	_ =	shalt  }
.Lfunc_end2:
_tile_overlayer_lowered:
.L_overlay_start_2:
0x2a6: {  	(tag) =	ssettag $0x2  }
0x2a7: {  	s0 =	rddreg [dreg:$0x0];
	s2 =	stileid.u32  }
0x2a8: {  	s1 =	rddreg [dreg:$0x1];
	p0 =	sne.s32 s2, $0x0  }
0x2a9: {  	s3 =	rddreg [dreg:$0x2];
	[bflag:$0x3] =	sbarrier.arrive $0xFFFF;
	s2 =	simm.s32 @!p0 $0x1C03  }
0x2aa: {  	[timem:s3], [sflag:s2] =	dma.local @!p0 [hbm:s0], s1  }
0x2ab: {  	s0 =	simm.s32 @!p0 $0x3  }
0x2ac: {  	_ =	swait.ge @!p0 [sflag:s0], s1  }
0x2ad: {  	s1 =	ssub.s32 @!p0 $0x0, s1;
	[sflag:s0] =	ssyncset.done @!p0 $0x0  }
0x2ae: {  	[sflag:s0] =	ssyncadd.s32 @!p0 s1  }
0x2af: {  	[bflag:$0x3] =	sbarrier.arrive $0xFFFF  }
0x2b0: {  	_ =	shalt  }

</sc_bundles>
